<compile_context>
chip_gen: v7x
topology: tpu7x:2x2x1
jax: 0.10.2.dev20260603
libtpu: 0.0.44.dev20260713+nightly
codegen_flags: <defaults>
</compile_context>

<pallas_src>
import dataclasses
import functools

import jax
import jax.numpy as jnp
from jax import lax
from jax.experimental import pallas as pl
from jax.experimental.pallas import tpu as pltpu
from jax.experimental.pallas import tpu_sc as plsc

N = 10000
E = 320000
F = 128
H1 = 256
H2 = 128
C = 40

NP = 10240
NC, NS = 2, 16
NW = NC * NS
EPW = E // NW
EBLK = 80
NBLK = EPW // EBLK
NODES_PER_TILE = NP // NS

_mesh = plsc.VectorSubcoreMesh(core_axis_name="c", subcore_axis_name="s")
_SC_PARAMS = pltpu.CompilerParams()
if "needs_layout_passes" in pltpu.CompilerParams.__dataclass_fields__:
    _SC_PARAMS = dataclasses.replace(_SC_PARAMS, needs_layout_passes=False)
_HIGH = jax.lax.Precision.HIGHEST


def _dot(a, b):
    return jax.lax.dot_general(a, b, (((1,), (0,)), ((), ())),
                               precision=_HIGH,
                               preferred_element_type=jnp.float32)



def _mm1_body(x_ref, wl_ref, wr_ref, xla_ref, xlb_ref, xr_ref):
    xv = x_ref[...]
    xl = _dot(xv, wl_ref[...])
    xla_ref[...] = xl[:, :128]
    xlb_ref[...] = xl[:, 128:]
    xr_ref[...] = _dot(xv, wr_ref[...])


def _tc_mm1(x, Wl1, Wr1):
    blk = 400
    grid = (N // blk,)
    return pl.pallas_call(
        _mm1_body,
        grid=grid,
        in_specs=[
            pl.BlockSpec((blk, F), lambda i: (i, 0)),
            pl.BlockSpec((F, H1), lambda i: (0, 0)),
            pl.BlockSpec((F, H1), lambda i: (0, 0)),
        ],
        out_specs=[
            pl.BlockSpec((blk, 128), lambda i: (i, 0)),
            pl.BlockSpec((blk, 128), lambda i: (i, 0)),
            pl.BlockSpec((blk, H1), lambda i: (i, 0)),
        ],
        out_shape=[
            jax.ShapeDtypeStruct((N, 128), jnp.float32),
            jax.ShapeDtypeStruct((N, 128), jnp.float32),
            jax.ShapeDtypeStruct((N, H1), jnp.float32),
        ],
    )(x, Wl1, Wr1)


def _mid_body(a_ref, b_ref, d_ref, b1_ref, wl2_ref, wr2_ref, xl2_ref, xr2_ref):
    acc_a = a_ref[0] + a_ref[1]
    acc_b = b_ref[0] + b_ref[1]
    rden = 1.0 / (d_ref[0] + d_ref[1] + 1e-16)
    b1v = b1_ref[...]
    ha = jnp.maximum(acc_a * rden + b1v[:, :128], 0.0)
    hb = jnp.maximum(acc_b * rden + b1v[:, 128:], 0.0)
    wl2 = wl2_ref[...]
    wr2 = wr2_ref[...]
    xl2_ref[...] = _dot(ha, wl2[:128, :]) + _dot(hb, wl2[128:, :])
    xr2_ref[...] = _dot(ha, wr2[:128, :]) + _dot(hb, wr2[128:, :])


def _tc_mid(acc_a, acc_b, den_rep, b1r, Wl2, Wr2):
    blk = 512
    grid = (NP // blk,)
    return pl.pallas_call(
        _mid_body,
        grid=grid,
        in_specs=[
            pl.BlockSpec((2, blk, 128), lambda i: (0, i, 0)),
            pl.BlockSpec((2, blk, 128), lambda i: (0, i, 0)),
            pl.BlockSpec((2, blk, 128), lambda i: (0, i, 0)),
            pl.BlockSpec((1, H1), lambda i: (0, 0)),
            pl.BlockSpec((H1, H2), lambda i: (0, 0)),
            pl.BlockSpec((H1, H2), lambda i: (0, 0)),
        ],
        out_specs=[
            pl.BlockSpec((blk, 128), lambda i: (i, 0)),
            pl.BlockSpec((blk, 128), lambda i: (i, 0)),
        ],
        out_shape=[
            jax.ShapeDtypeStruct((NP, 128), jnp.float32),
            jax.ShapeDtypeStruct((NP, 128), jnp.float32),
        ],
    )(acc_a, acc_b, den_rep, b1r, Wl2, Wr2)


def _fin_body(a_ref, d_ref, b2_ref, wc_ref, bc_ref, out_ref):
    acc = a_ref[0] + a_ref[1]
    rden = 1.0 / (d_ref[0] + d_ref[1] + 1e-16)
    h2 = jnp.maximum(acc * rden + b2_ref[...], 0.0)
    out_ref[...] = _dot(h2, wc_ref[...]) + bc_ref[...]


def _tc_final(acc2, den2_rep, b2r, WcP, bcP):
    blk = 512
    grid = (NP // blk,)
    return pl.pallas_call(
        _fin_body,
        grid=grid,
        in_specs=[
            pl.BlockSpec((2, blk, 128), lambda i: (0, i, 0)),
            pl.BlockSpec((2, blk, 128), lambda i: (0, i, 0)),
            pl.BlockSpec((1, 128), lambda i: (0, 0)),
            pl.BlockSpec((128, 128), lambda i: (0, 0)),
            pl.BlockSpec((1, 128), lambda i: (0, 0)),
        ],
        out_specs=pl.BlockSpec((blk, 128), lambda i: (i, 0)),
        out_shape=jax.ShapeDtypeStruct((NP, 128), jnp.float32),
    )(acc2, den2_rep, b2r, WcP, bcP)



def _zero_vmem_2d(ref, rows):
    @pl.loop(0, rows)
    def _(r):
        for c in range(ref.shape[1] // 16):
            ref[r, pl.ds(16 * c, 16)] = jnp.zeros((16,), jnp.float32)


def _zero_vmem_1d(ref, n):
    @pl.loop(0, n // 16)
    def _(i):
        ref[pl.ds(16 * i, 16)] = jnp.zeros((16,), jnp.float32)


def _edge_scores(nch, left_of, right_of, att_chunks, scr_v, ex_v):

    @pl.loop(0, EBLK // 16)
    def _(g):
        @pl.loop(0, 16)
        def _(e2):
            ee = 16 * g + e2
            acc = jnp.zeros((16,), jnp.float32)
            for c in range(nch):
                lref, lc = left_of(c)
                lv = lref[ee, pl.ds(16 * lc, 16)]
                rref, rc = right_of(c)
                rv = rref[ee, pl.ds(16 * rc, 16)]
                m = lv + rv
                m = jnp.maximum(m, 0.2 * m)
                acc = acc + att_chunks[c] * m
            scr_v[pl.ds(16 * e2, 16)] = acc

        ev = jnp.zeros((16,), jnp.float32)
        lanes = jnp.arange(16, dtype=jnp.int32) * 16
        for c in range(16):
            ev = ev + plsc.load_gather(scr_v, [lanes + c])
        ex_v[pl.ds(16 * g, 16)] = jnp.exp(ev)


def _scale_rows(buf, ex_v):
    @pl.loop(0, EBLK)
    def _(ee):
        idx = jnp.broadcast_to(ee, (16,)).astype(jnp.int32)
        exb = plsc.load_gather(ex_v, [idx])
        for c in range(buf.shape[1] // 16):
            buf[ee, pl.ds(16 * c, 16)] = buf[ee, pl.ds(16 * c, 16)] * exb


def _write_stripe(sp_ref, out_ref, core, s, bounce):
    @pl.loop(0, NODES_PER_TILE // 80)
    def _(i):
        r0 = NODES_PER_TILE * s + 80 * i
        pltpu.sync_copy(sp_ref.at[pl.ds(r0, 80)], bounce)
        pltpu.sync_copy(bounce, out_ref.at[core, pl.ds(r0, 80)])


def _write_den_stripe(den_sp, out_ref, core, s, zden, bounce):
    pltpu.sync_copy(den_sp.at[pl.ds(NODES_PER_TILE * s, NODES_PER_TILE)], zden)

    @pl.loop(0, NODES_PER_TILE // 80)
    def _(i):
        @pl.loop(0, 80)
        def _(r):
            idx = jnp.broadcast_to(80 * i + r, (16,)).astype(jnp.int32)
            dv = plsc.load_gather(zden, [idx])
            for c in range(8):
                bounce[r, pl.ds(16 * c, 16)] = dv
        pltpu.sync_copy(bounce, out_ref.at[core, pl.ds(NODES_PER_TILE * s + 80 * i, 80)])



def _sc_pass1_l1(xla, xlb, xr, src, dst, att):

    @functools.partial(
        pl.kernel,
        mesh=_mesh,
        compiler_params=_SC_PARAMS,
        out_type=[
            jax.ShapeDtypeStruct((E,), jnp.float32),
            jax.ShapeDtypeStruct((NC, NP, 128), jnp.float32),
            jax.ShapeDtypeStruct((NC, NP, 128), jnp.float32),
        ],
        scratch_types=[
            pltpu.VMEM((EBLK,), jnp.int32),
            pltpu.VMEM((EBLK,), jnp.int32),
            pltpu.VMEM((EBLK, 128), jnp.float32),
            pltpu.VMEM((EBLK, 128), jnp.float32),
            pltpu.VMEM((EBLK, H1), jnp.float32),
            pltpu.VMEM((EBLK,), jnp.float32),
            pltpu.VMEM((256,), jnp.float32),
            pltpu.VMEM((H1,), jnp.float32),
            pltpu.VMEM((NODES_PER_TILE,), jnp.float32),
            pltpu.VMEM_SHARED((NP, 128), jnp.float32),
            pltpu.VMEM_SHARED((NP,), jnp.float32),
        ],
    )
    def k(xla_h, xlb_h, xr_h, src_h, dst_h, att_h,
          ex_h, acc_h, den_h,
          isrc, idst, bufA, bufB, bufR, ex_v, scr_v, att_v, zden,
          acc_sp, den_sp):
        core = lax.axis_index("c")
        s = lax.axis_index("s")
        w = core * NS + s

        pltpu.sync_copy(att_h, att_v)
        att_chunks = [att_v[pl.ds(16 * c, 16)] for c in range(H1 // 16)]

        _zero_vmem_2d(bufA, EBLK)
        _zero_vmem_1d(zden, NODES_PER_TILE)

        @pl.loop(0, NODES_PER_TILE // 80)
        def _(i):
            pltpu.sync_copy(bufA, acc_sp.at[pl.ds(NODES_PER_TILE * s + 80 * i, 80)])
        pltpu.sync_copy(zden, den_sp.at[pl.ds(NODES_PER_TILE * s, NODES_PER_TILE)])
        plsc.subcore_barrier()

        def left_of(c):
            return (bufA, c) if c < 8 else (bufB, c - 8)

        def right_of(c):
            return (bufR, c)

        @pl.loop(0, NBLK)
        def _(b):
            base = w * EPW + EBLK * b
            pltpu.sync_copy(src_h.at[pl.ds(base, EBLK)], isrc)
            pltpu.sync_copy(dst_h.at[pl.ds(base, EBLK)], idst)
            pltpu.sync_copy(xla_h.at[isrc], bufA)
            pltpu.sync_copy(xlb_h.at[isrc], bufB)
            pltpu.sync_copy(xr_h.at[idst], bufR)

            _edge_scores(H1 // 16, left_of, right_of, att_chunks, scr_v, ex_v)

            pltpu.sync_copy(ex_v, ex_h.at[pl.ds(base, EBLK)])
            pltpu.sync_copy(ex_v, den_sp.at[idst], add=True)
            _scale_rows(bufA, ex_v)
            pltpu.sync_copy(bufA, acc_sp.at[idst], add=True)

        plsc.subcore_barrier()
        _write_stripe(acc_sp, acc_h, core, s, bufA)
        _write_den_stripe(den_sp, den_h, core, s, zden, bufA)

    return k(xla, xlb, xr, src, dst, att)


def _sc_pass2_l1(xlb, ex, src, dst):

    @functools.partial(
        pl.kernel,
        mesh=_mesh,
        compiler_params=_SC_PARAMS,
        out_type=jax.ShapeDtypeStruct((NC, NP, 128), jnp.float32),
        scratch_types=[
            pltpu.VMEM((EBLK,), jnp.int32),
            pltpu.VMEM((EBLK,), jnp.int32),
            pltpu.VMEM((EBLK, 128), jnp.float32),
            pltpu.VMEM((EBLK,), jnp.float32),
            pltpu.VMEM_SHARED((NP, 128), jnp.float32),
        ],
    )
    def k(xlb_h, ex_h, src_h, dst_h, acc_h,
          isrc, idst, bufA, ex_v, acc_sp):
        core = lax.axis_index("c")
        s = lax.axis_index("s")
        w = core * NS + s

        _zero_vmem_2d(bufA, EBLK)

        @pl.loop(0, NODES_PER_TILE // 80)
        def _(i):
            pltpu.sync_copy(bufA, acc_sp.at[pl.ds(NODES_PER_TILE * s + 80 * i, 80)])
        plsc.subcore_barrier()

        @pl.loop(0, NBLK)
        def _(b):
            base = w * EPW + EBLK * b
            pltpu.sync_copy(src_h.at[pl.ds(base, EBLK)], isrc)
            pltpu.sync_copy(dst_h.at[pl.ds(base, EBLK)], idst)
            pltpu.sync_copy(xlb_h.at[isrc], bufA)
            pltpu.sync_copy(ex_h.at[pl.ds(base, EBLK)], ex_v)
            _scale_rows(bufA, ex_v)
            pltpu.sync_copy(bufA, acc_sp.at[idst], add=True)

        plsc.subcore_barrier()
        _write_stripe(acc_sp, acc_h, core, s, bufA)

    return k(xlb, ex, src, dst)


def _sc_pass_l2(xl2, xr2, src, dst, att):

    @functools.partial(
        pl.kernel,
        mesh=_mesh,
        compiler_params=_SC_PARAMS,
        out_type=[
            jax.ShapeDtypeStruct((NC, NP, 128), jnp.float32),
            jax.ShapeDtypeStruct((NC, NP, 128), jnp.float32),
        ],
        scratch_types=[
            pltpu.VMEM((EBLK,), jnp.int32),
            pltpu.VMEM((EBLK,), jnp.int32),
            pltpu.VMEM((EBLK, 128), jnp.float32),
            pltpu.VMEM((EBLK, 128), jnp.float32),
            pltpu.VMEM((EBLK,), jnp.float32),
            pltpu.VMEM((256,), jnp.float32),
            pltpu.VMEM((H2,), jnp.float32),
            pltpu.VMEM((NODES_PER_TILE,), jnp.float32),
            pltpu.VMEM_SHARED((NP, 128), jnp.float32),
            pltpu.VMEM_SHARED((NP,), jnp.float32),
        ],
    )
    def k(xl2_h, xr2_h, src_h, dst_h, att_h,
          acc_h, den_h,
          isrc, idst, bufA, bufR, ex_v, scr_v, att_v, zden,
          acc_sp, den_sp):
        core = lax.axis_index("c")
        s = lax.axis_index("s")
        w = core * NS + s

        pltpu.sync_copy(att_h, att_v)
        att_chunks = [att_v[pl.ds(16 * c, 16)] for c in range(H2 // 16)]

        _zero_vmem_2d(bufA, EBLK)
        _zero_vmem_1d(zden, NODES_PER_TILE)

        @pl.loop(0, NODES_PER_TILE // 80)
        def _(i):
            pltpu.sync_copy(bufA, acc_sp.at[pl.ds(NODES_PER_TILE * s + 80 * i, 80)])
        pltpu.sync_copy(zden, den_sp.at[pl.ds(NODES_PER_TILE * s, NODES_PER_TILE)])
        plsc.subcore_barrier()

        def left_of(c):
            return (bufA, c)

        def right_of(c):
            return (bufR, c)

        @pl.loop(0, NBLK)
        def _(b):
            base = w * EPW + EBLK * b
            pltpu.sync_copy(src_h.at[pl.ds(base, EBLK)], isrc)
            pltpu.sync_copy(dst_h.at[pl.ds(base, EBLK)], idst)
            pltpu.sync_copy(xl2_h.at[isrc], bufA)
            pltpu.sync_copy(xr2_h.at[idst], bufR)

            _edge_scores(H2 // 16, left_of, right_of, att_chunks, scr_v, ex_v)

            pltpu.sync_copy(ex_v, den_sp.at[idst], add=True)
            _scale_rows(bufA, ex_v)
            pltpu.sync_copy(bufA, acc_sp.at[idst], add=True)

        plsc.subcore_barrier()
        _write_stripe(acc_sp, acc_h, core, s, bufA)
        _write_den_stripe(den_sp, den_h, core, s, zden, bufA)

    return k(xl2, xr2, src, dst, att)



def kernel(x, edge_index, Wl1, Wr1, att1, b1, Wl2, Wr2, att2, b2, Wc, bc):
    src = edge_index[0].astype(jnp.int32)
    dst = edge_index[1].astype(jnp.int32)

    xla, xlb, xr1 = _tc_mm1(x, Wl1, Wr1)

    ex1, acc1a, den1_rep = _sc_pass1_l1(xla, xlb, xr1, src, dst, att1)
    acc1b = _sc_pass2_l1(xlb, ex1, src, dst)

    xl2, xr2 = _tc_mid(acc1a, acc1b, den1_rep,
                       b1.reshape(1, H1), Wl2, Wr2)

    acc2, den2_rep = _sc_pass_l2(xl2, xr2, src, dst, att2)

    WcP = jnp.pad(Wc, ((0, 0), (0, 128 - C)))
    bcP = jnp.pad(bc, (0, 128 - C)).reshape(1, 128)
    outP = _tc_final(acc2, den2_rep, b2.reshape(1, H2), WcP, bcP)
    return outP[:N, :C]

# --- scband reference (transcript-rebuilt; emitter-appended) ---
"""Pipeline reference for scband-two-gatcn-87720412053583 (READ-ONLY COPY).

The authoritative reference and input builder live on the scoring server;
editing this copy changes nothing except your own understanding.
"""

import jax, jax.numpy as jnp
import numpy as np

N = 10000
E = 320000
F = 128
H1 = 256
H2 = 128
C = 40


def setup_inputs(seed: int = 0) -> dict:
    key = jax.random.key(seed)
    ks = jax.random.split(key, 12)
    inp = {}
    inp["x"] = jax.random.normal(ks[0], (N, F), dtype=jnp.float32)
    inp["edge_index"] = jax.random.randint(ks[1], (2, E), 0, N)
    inp["Wl1"] = jax.random.normal(ks[2], (F, H1), dtype=jnp.float32) * (1.0 / np.sqrt(F))
    inp["Wr1"] = jax.random.normal(ks[3], (F, H1), dtype=jnp.float32) * (1.0 / np.sqrt(F))
    inp["att1"] = jax.random.normal(ks[4], (H1,), dtype=jnp.float32) * (1.0 / np.sqrt(H1))
    inp["b1"] = jnp.zeros((H1,), dtype=jnp.float32)
    inp["Wl2"] = jax.random.normal(ks[5], (H1, H2), dtype=jnp.float32) * (1.0 / np.sqrt(H1))
    inp["Wr2"] = jax.random.normal(ks[6], (H1, H2), dtype=jnp.float32) * (1.0 / np.sqrt(H1))
    inp["att2"] = jax.random.normal(ks[7], (H2,), dtype=jnp.float32) * (1.0 / np.sqrt(H2))
    inp["b2"] = jnp.zeros((H2,), dtype=jnp.float32)
    inp["Wc"] = jax.random.normal(ks[8], (H2, C), dtype=jnp.float32) * (1.0 / np.sqrt(H2))
    inp["bc"] = jnp.zeros((C,), dtype=jnp.float32)
    return inp


def _gatv2(x, src, dst, Wl, Wr, att, b, n):
    # GATv2Conv (PyG semantics, heads=1): e_ij = att^T LeakyReLU(Wl x_j + Wr x_i)
    xl = x @ Wl  # source-side transform
    xr = x @ Wr  # target-side transform
    m = xl[src] + xr[dst]  # [E, out]
    m_act = jnp.where(m > 0, m, 0.2 * m)  # LeakyReLU(negative_slope=0.2)
    e = m_act @ att  # [E]
    emax = jax.ops.segment_max(e, dst, num_segments=n)
    emax = jnp.where(jnp.isfinite(emax), emax, 0.0)
    ex = jnp.exp(e - emax[dst])
    denom = jax.ops.segment_sum(ex, dst, num_segments=n)
    alpha = ex / (denom[dst] + 1e-16)
    out = jax.ops.segment_sum(alpha[:, None] * xl[src], dst, num_segments=n)
    return out + b


def reference(x, edge_index, Wl1, Wr1, att1, b1, Wl2, Wr2, att2, b2, Wc, bc):
    src = edge_index[0]
    dst = edge_index[1]
    h = jax.nn.relu(_gatv2(x, src, dst, Wl1, Wr1, att1, b1, N))
    h = jax.nn.relu(_gatv2(h, src, dst, Wl2, Wr2, att2, b2, N))
    return h @ Wc + bc

if __name__ == "__main__":
    import jax
    _d = setup_inputs()
    print(jax.jit(kernel)(*tuple(_d.values())))

</pallas_src>

<mosaic_0001>
#map = affine_map<(d0, d1) -> (0, 0)>
#map1 = affine_map<(d0, d1) -> (0)>
#map2 = affine_map<(d0, d1) -> (0, 0, 0)>
module attributes {stable_mosaic.version = 14 : i64} {
  func.func @k(%arg0: i32, %arg1: i32, %arg2: memref<10000x128xf32, #tpu.memory_space<hbm>>, %arg3: memref<320000xf32, #tpu.memory_space<hbm>>, %arg4: memref<320000xi32, #tpu.memory_space<hbm>>, %arg5: memref<320000xi32, #tpu.memory_space<hbm>>, %arg6: memref<2x10240x128xf32, #tpu.memory_space<hbm>>, %arg7: memref<80xi32, #tpu.memory_space<vmem>>, %arg8: memref<80xi32, #tpu.memory_space<vmem>>, %arg9: memref<80x128xf32, #tpu.memory_space<vmem>>, %arg10: memref<80xf32, #tpu.memory_space<vmem>>, %arg11: memref<10240x128xf32, #tpu.memory_space<vmem_shared>>) attributes {dimension_semantics = [#tpu.dimension_semantics<core_parallel>, #tpu.dimension_semantics<subcore_parallel>], iteration_bounds = array<i64: 2, 16>, scalar_prefetch = 0 : i64, scratch_operands = 5 : i64, tpu.core_type = #tpu.core_type<sc_vector_subcore>, window_params = [{transform_indices = #map}, {transform_indices = #map1}, {transform_indices = #map1}, {transform_indices = #map1}, {transform_indices = #map2}]} {
    %mul3A = arith.constant 16 : i32
    %mul3A_0 = arith.muli %arg0, %mul3A : i32
    %add3A = arith.addi %mul3A_0, %arg1 : i32
    %scan3A = arith.constant 0 : i32
    %scan3A_1 = arith.constant 80 : i32
    %scan3A_2 = arith.addi %scan3A, %scan3A_1 : i32
    %scan3A_3 = arith.constant 1 : i32
    scf.for %scan3A_21 = %scan3A to %scan3A_2 step %scan3A_3  : i32 {
      %mul3A_22 = arith.constant 1 : i32
      %mul3A_23 = arith.muli %scan3A_21, %mul3A_22 : i32
      %add3A_24 = arith.constant 0 : i32
      %add3A_25 = arith.addi %add3A_24, %mul3A_23 : i32
      %broadcast_in_dim3A = arith.constant 0.000000e+00 : f32
      %broadcast_in_dim3A_26 = vector.broadcast %broadcast_in_dim3A : f32 to vector<16xf32>
      %swap3A = arith.index_cast %add3A_25 : i32 to index
      %swap3A_27 = arith.constant 0 : index
      %swap3A_28 = tpu.vector_load %arg9[%swap3A, %swap3A_27] {strides = array<i32>} : memref<80x128xf32, #tpu.memory_space<vmem>>, vector<16xf32>,
      tpu.vector_store %arg9[%swap3A, %swap3A_27], %broadcast_in_dim3A_26 {strides = array<i32>} : memref<80x128xf32, #tpu.memory_space<vmem>>, vector<16xf32>,
      %broadcast_in_dim3A_29 = arith.constant 0.000000e+00 : f32
      %broadcast_in_dim3A_30 = vector.broadcast %broadcast_in_dim3A_29 : f32 to vector<16xf32>
      %swap3A_31 = arith.index_cast %add3A_25 : i32 to index
      %swap3A_32 = arith.constant 16 : index
      %swap3A_33 = tpu.vector_load %arg9[%swap3A_31, %swap3A_32] {strides = array<i32>} : memref<80x128xf32, #tpu.memory_space<vmem>>, vector<16xf32>,
      tpu.vector_store %arg9[%swap3A_31, %swap3A_32], %broadcast_in_dim3A_30 {strides = array<i32>} : memref<80x128xf32, #tpu.memory_space<vmem>>, vector<16xf32>,
      %broadcast_in_dim3A_34 = arith.constant 0.000000e+00 : f32
      %broadcast_in_dim3A_35 = vector.broadcast %broadcast_in_dim3A_34 : f32 to vector<16xf32>
      %swap3A_36 = arith.index_cast %add3A_25 : i32 to index
      %swap3A_37 = arith.constant 32 : index
      %swap3A_38 = tpu.vector_load %arg9[%swap3A_36, %swap3A_37] {strides = array<i32>} : memref<80x128xf32, #tpu.memory_space<vmem>>, vector<16xf32>,
      tpu.vector_store %arg9[%swap3A_36, %swap3A_37], %broadcast_in_dim3A_35 {strides = array<i32>} : memref<80x128xf32, #tpu.memory_space<vmem>>, vector<16xf32>,
      %broadcast_in_dim3A_39 = arith.constant 0.000000e+00 : f32
      %broadcast_in_dim3A_40 = vector.broadcast %broadcast_in_dim3A_39 : f32 to vector<16xf32>
      %swap3A_41 = arith.index_cast %add3A_25 : i32 to index
      %swap3A_42 = arith.constant 48 : index
      %swap3A_43 = tpu.vector_load %arg9[%swap3A_41, %swap3A_42] {strides = array<i32>} : memref<80x128xf32, #tpu.memory_space<vmem>>, vector<16xf32>,
      tpu.vector_store %arg9[%swap3A_41, %swap3A_42], %broadcast_in_dim3A_40 {strides = array<i32>} : memref<80x128xf32, #tpu.memory_space<vmem>>, vector<16xf32>,
      %broadcast_in_dim3A_44 = arith.constant 0.000000e+00 : f32
      %broadcast_in_dim3A_45 = vector.broadcast %broadcast_in_dim3A_44 : f32 to vector<16xf32>
      %swap3A_46 = arith.index_cast %add3A_25 : i32 to index
      %swap3A_47 = arith.constant 64 : index
      %swap3A_48 = tpu.vector_load %arg9[%swap3A_46, %swap3A_47] {strides = array<i32>} : memref<80x128xf32, #tpu.memory_space<vmem>>, vector<16xf32>,
      tpu.vector_store %arg9[%swap3A_46, %swap3A_47], %broadcast_in_dim3A_45 {strides = array<i32>} : memref<80x128xf32, #tpu.memory_space<vmem>>, vector<16xf32>,
      %broadcast_in_dim3A_49 = arith.constant 0.000000e+00 : f32
      %broadcast_in_dim3A_50 = vector.broadcast %broadcast_in_dim3A_49 : f32 to vector<16xf32>
      %swap3A_51 = arith.index_cast %add3A_25 : i32 to index
      %swap3A_52 = arith.constant 80 : index
      %swap3A_53 = tpu.vector_load %arg9[%swap3A_51, %swap3A_52] {strides = array<i32>} : memref<80x128xf32, #tpu.memory_space<vmem>>, vector<16xf32>,
      tpu.vector_store %arg9[%swap3A_51, %swap3A_52], %broadcast_in_dim3A_50 {strides = array<i32>} : memref<80x128xf32, #tpu.memory_space<vmem>>, vector<16xf32>,
      %broadcast_in_dim3A_54 = arith.constant 0.000000e+00 : f32
      %broadcast_in_dim3A_55 = vector.broadcast %broadcast_in_dim3A_54 : f32 to vector<16xf32>
      %swap3A_56 = arith.index_cast %add3A_25 : i32 to index
      %swap3A_57 = arith.constant 96 : index
      %swap3A_58 = tpu.vector_load %arg9[%swap3A_56, %swap3A_57] {strides = array<i32>} : memref<80x128xf32, #tpu.memory_space<vmem>>, vector<16xf32>,
      tpu.vector_store %arg9[%swap3A_56, %swap3A_57], %broadcast_in_dim3A_55 {strides = array<i32>} : memref<80x128xf32, #tpu.memory_space<vmem>>, vector<16xf32>,
      %broadcast_in_dim3A_59 = arith.constant 0.000000e+00 : f32
      %broadcast_in_dim3A_60 = vector.broadcast %broadcast_in_dim3A_59 : f32 to vector<16xf32>
      %swap3A_61 = arith.index_cast %add3A_25 : i32 to index
      %swap3A_62 = arith.constant 112 : index
      %swap3A_63 = tpu.vector_load %arg9[%swap3A_61, %swap3A_62] {strides = array<i32>} : memref<80x128xf32, #tpu.memory_space<vmem>>, vector<16xf32>,
      tpu.vector_store %arg9[%swap3A_61, %swap3A_62], %broadcast_in_dim3A_60 {strides = array<i32>} : memref<80x128xf32, #tpu.memory_space<vmem>>, vector<16xf32>,
    }
    %scan3A_4 = arith.constant 80 : i32
    %scan3A_5 = arith.constant 0 : i32
    %scan3A_6 = arith.constant 8 : i32
    %scan3A_7 = arith.addi %scan3A_5, %scan3A_6 : i32
    %scan3A_8 = arith.constant 1 : i32
    scf.for %scan3A_21 = %scan3A_5 to %scan3A_7 step %scan3A_8  : i32 {
      %mul3A_22 = arith.constant 1 : i32
      %mul3A_23 = arith.muli %scan3A_21, %mul3A_22 : i32
      %add3A_24 = arith.constant 0 : i32
      %add3A_25 = arith.addi %add3A_24, %mul3A_23 : i32
      %mul3A_26 = arith.constant 640 : i32
      %mul3A_27 = arith.muli %mul3A_26, %arg1 : i32
      %mul3A_28 = arith.constant 80 : i32
      %mul3A_29 = arith.muli %mul3A_28, %add3A_25 : i32
      %add3A_30 = arith.addi %mul3A_27, %mul3A_29 : i32
      "tpu.region"() ({
        %run_scoped3A = tpu.sem_alloc : memref<!tpu.dma_semaphore, #tpu.memory_space<semaphore_mem>>
        %dma_start3A = arith.constant 0 : i32
        %dma_start3A_31 = tpu.memref_slice %arg11[%add3A_30, %dma_start3A] : memref<10240x128xf32, #tpu.memory_space<vmem_shared>> -> memref<80x128xf32, #tpu.memory_space<vmem_shared>>
        %dma_start3A_32 = arith.constant 0 : i32
        %dma_start3A_33 = tpu.memref_slice %arg11[%add3A_30, %dma_start3A_32] : memref<10240x128xf32, #tpu.memory_space<vmem_shared>> -> memref<80x128xf32, #tpu.memory_space<vmem_shared>>
        tpu.enqueue_dma source(%arg9 : memref<80x128xf32, #tpu.memory_space<vmem>>) target(%dma_start3A_33 : memref<80x128xf32, #tpu.memory_space<vmem_shared>>) target_semaphore(%run_scoped3A : memref<!tpu.dma_semaphore, #tpu.memory_space<semaphore_mem>>)
        %dma_wait3A = arith.constant 0 : i32
        %dma_wait3A_34 = tpu.memref_slice %arg11[%add3A_30, %dma_wait3A] : memref<10240x128xf32, #tpu.memory_space<vmem_shared>> -> memref<80x128xf32, #tpu.memory_space<vmem_shared>>
        %dma_wait3A_35 = arith.constant 0 : i32
        %dma_wait3A_36 = tpu.memref_slice %arg11[%add3A_30, %dma_wait3A_35] : memref<10240x128xf32, #tpu.memory_space<vmem_shared>> -> memref<80x128xf32, #tpu.memory_space<vmem_shared>>
        tpu.wait_dma2 semaphore(%run_scoped3A : memref<!tpu.dma_semaphore, #tpu.memory_space<semaphore_mem>>) src(%arg9 : memref<80x128xf32, #tpu.memory_space<vmem>>) dst(%dma_wait3A_36 : memref<80x128xf32, #tpu.memory_space<vmem_shared>>)
        tpu.yield
      }) : () -> ()
    }
    %scan3A_9 = arith.constant 8 : i32
    %barrier3A = arith.constant 0 : index
    tpu.barrier barrier_id(%barrier3A)
    %scan3A_10 = arith.constant 0 : i32
    %scan3A_11 = arith.constant 125 : i32
    %scan3A_12 = arith.addi %scan3A_10, %scan3A_11 : i32
    %scan3A_13 = arith.constant 1 : i32
    scf.for %scan3A_21 = %scan3A_10 to %scan3A_12 step %scan3A_13  : i32 {
      %mul3A_22 = arith.constant 1 : i32
      %mul3A_23 = arith.muli %scan3A_21, %mul3A_22 : i32
      %add3A_24 = arith.constant 0 : i32
      %add3A_25 = arith.addi %add3A_24, %mul3A_23 : i32
      %mul3A_26 = arith.constant 10000 : i32
      %mul3A_27 = arith.muli %add3A, %mul3A_26 : i32
      %mul3A_28 = arith.constant 80 : i32
      %mul3A_29 = arith.muli %mul3A_28, %add3A_25 : i32
      %add3A_30 = arith.addi %mul3A_27, %mul3A_29 : i32
      "tpu.region"() ({
        %run_scoped3A = tpu.sem_alloc : memref<!tpu.dma_semaphore, #tpu.memory_space<semaphore_mem>>
        %dma_start3A = tpu.memref_slice %arg4[%add3A_30] : memref<320000xi32, #tpu.memory_space<hbm>> -> memref<80xi32, #tpu.memory_space<hbm>>
        %dma_start3A_36 = tpu.memref_slice %arg4[%add3A_30] : memref<320000xi32, #tpu.memory_space<hbm>> -> memref<80xi32, #tpu.memory_space<hbm>>
        tpu.enqueue_dma source(%dma_start3A_36 : memref<80xi32, #tpu.memory_space<hbm>>) target(%arg7 : memref<80xi32, #tpu.memory_space<vmem>>) target_semaphore(%run_scoped3A : memref<!tpu.dma_semaphore, #tpu.memory_space<semaphore_mem>>)
        %dma_wait3A = tpu.memref_slice %arg4[%add3A_30] : memref<320000xi32, #tpu.memory_space<hbm>> -> memref<80xi32, #tpu.memory_space<hbm>>
        %dma_wait3A_37 = tpu.memref_slice %arg4[%add3A_30] : memref<320000xi32, #tpu.memory_space<hbm>> -> memref<80xi32, #tpu.memory_space<hbm>>
        tpu.wait_dma2 semaphore(%run_scoped3A : memref<!tpu.dma_semaphore, #tpu.memory_space<semaphore_mem>>) src(%dma_wait3A_37 : memref<80xi32, #tpu.memory_space<hbm>>) dst(%arg7 : memref<80xi32, #tpu.memory_space<vmem>>)
        tpu.yield
      }) : () -> ()
      "tpu.region"() ({
        %run_scoped3A = tpu.sem_alloc : memref<!tpu.dma_semaphore, #tpu.memory_space<semaphore_mem>>
        %dma_start3A = tpu.memref_slice %arg5[%add3A_30] : memref<320000xi32, #tpu.memory_space<hbm>> -> memref<80xi32, #tpu.memory_space<hbm>>
        %dma_start3A_36 = tpu.memref_slice %arg5[%add3A_30] : memref<320000xi32, #tpu.memory_space<hbm>> -> memref<80xi32, #tpu.memory_space<hbm>>
        tpu.enqueue_dma source(%dma_start3A_36 : memref<80xi32, #tpu.memory_space<hbm>>) target(%arg8 : memref<80xi32, #tpu.memory_space<vmem>>) target_semaphore(%run_scoped3A : memref<!tpu.dma_semaphore, #tpu.memory_space<semaphore_mem>>)
        %dma_wait3A = tpu.memref_slice %arg5[%add3A_30] : memref<320000xi32, #tpu.memory_space<hbm>> -> memref<80xi32, #tpu.memory_space<hbm>>
        %dma_wait3A_37 = tpu.memref_slice %arg5[%add3A_30] : memref<320000xi32, #tpu.memory_space<hbm>> -> memref<80xi32, #tpu.memory_space<hbm>>
        tpu.wait_dma2 semaphore(%run_scoped3A : memref<!tpu.dma_semaphore, #tpu.memory_space<semaphore_mem>>) src(%dma_wait3A_37 : memref<80xi32, #tpu.memory_space<hbm>>) dst(%arg8 : memref<80xi32, #tpu.memory_space<vmem>>)
        tpu.yield
      }) : () -> ()
      "tpu.region"() ({
        %run_scoped3A = tpu.sem_alloc : memref<!tpu.dma_semaphore, #tpu.memory_space<semaphore_mem>>
        %dma_start3A = arith.constant 0 : i32
        %dma_start3A_36 = arith.constant 0 : i32
        %dma_start3A_37 = tpu.memref_slice %arg2[%dma_start3A, %dma_start3A_36] : memref<10000x128xf32, #tpu.memory_space<hbm>> -> memref<10000x128xf32, #tpu.memory_space<hbm>>
        tpu.enqueue_indirect_dma source(%dma_start3A_37 : memref<10000x128xf32, #tpu.memory_space<hbm>>) target(%arg9 : memref<80x128xf32, #tpu.memory_space<vmem>>) offsets(%arg7 : memref<80xi32, #tpu.memory_space<vmem>>) semaphore(%run_scoped3A : memref<!tpu.dma_semaphore, #tpu.memory_space<semaphore_mem>>)
        %dma_wait3A = arith.constant 0 : i32
        %dma_wait3A_38 = arith.constant 0 : i32
        %dma_wait3A_39 = tpu.memref_slice %arg2[%dma_wait3A, %dma_wait3A_38] : memref<10000x128xf32, #tpu.memory_space<hbm>> -> memref<10000x128xf32, #tpu.memory_space<hbm>>
        tpu.wait_indirect_dma semaphore(%run_scoped3A : memref<!tpu.dma_semaphore, #tpu.memory_space<semaphore_mem>>) src(%dma_wait3A_39 : memref<10000x128xf32, #tpu.memory_space<hbm>>) dst(%arg9 : memref<80x128xf32, #tpu.memory_space<vmem>>)
        tpu.yield
      }) : () -> ()
      "tpu.region"() ({
        %run_scoped3A = tpu.sem_alloc : memref<!tpu.dma_semaphore, #tpu.memory_space<semaphore_mem>>
        %dma_start3A = tpu.memref_slice %arg3[%add3A_30] : memref<320000xf32, #tpu.memory_space<hbm>> -> memref<80xf32, #tpu.memory_space<hbm>>
        %dma_start3A_36 = tpu.memref_slice %arg3[%add3A_30] : memref<320000xf32, #tpu.memory_space<hbm>> -> memref<80xf32, #tpu.memory_space<hbm>>
        tpu.enqueue_dma source(%dma_start3A_36 : memref<80xf32, #tpu.memory_space<hbm>>) target(%arg10 : memref<80xf32, #tpu.memory_space<vmem>>) target_semaphore(%run_scoped3A : memref<!tpu.dma_semaphore, #tpu.memory_space<semaphore_mem>>)
        %dma_wait3A = tpu.memref_slice %arg3[%add3A_30] : memref<320000xf32, #tpu.memory_space<hbm>> -> memref<80xf32, #tpu.memory_space<hbm>>
        %dma_wait3A_37 = tpu.memref_slice %arg3[%add3A_30] : memref<320000xf32, #tpu.memory_space<hbm>> -> memref<80xf32, #tpu.memory_space<hbm>>
        tpu.wait_dma2 semaphore(%run_scoped3A : memref<!tpu.dma_semaphore, #tpu.memory_space<semaphore_mem>>) src(%dma_wait3A_37 : memref<80xf32, #tpu.memory_space<hbm>>) dst(%arg10 : memref<80xf32, #tpu.memory_space<vmem>>)
        tpu.yield
      }) : () -> ()
      %scan3A_31 = arith.constant 0 : i32
      %scan3A_32 = arith.constant 80 : i32
      %scan3A_33 = arith.addi %scan3A_31, %scan3A_32 : i32
      %scan3A_34 = arith.constant 1 : i32
      scf.for %scan3A_36 = %scan3A_31 to %scan3A_33 step %scan3A_34  : i32 {
        %mul3A_37 = arith.constant 1 : i32
        %mul3A_38 = arith.muli %scan3A_36, %mul3A_37 : i32
        %add3A_39 = arith.constant 0 : i32
        %add3A_40 = arith.addi %add3A_39, %mul3A_38 : i32
        %broadcast_in_dim3A = vector.broadcast %add3A_40 : i32 to vector<16xi32>
        %gather3A = tpu.vector_load_idx %arg10[%broadcast_in_dim3A] : memref<80xf32, #tpu.memory_space<vmem>>[vector<16xi32>], vector<16xf32>,
        %get3A = arith.index_cast %add3A_40 : i32 to index
        %get3A_41 = arith.constant 0 : index
        %get3A_42 = tpu.vector_load %arg9[%get3A, %get3A_41] {strides = array<i32>} : memref<80x128xf32, #tpu.memory_space<vmem>>, vector<16xf32>,
        %mul3A_43 = arith.mulf %get3A_42, %gather3A : vector<16xf32>
        %swap3A = arith.index_cast %add3A_40 : i32 to index
        %swap3A_44 = arith.constant 0 : index
        %swap3A_45 = tpu.vector_load %arg9[%swap3A, %swap3A_44] {strides = array<i32>} : memref<80x128xf32, #tpu.memory_space<vmem>>, vector<16xf32>,
        tpu.vector_store %arg9[%swap3A, %swap3A_44], %mul3A_43 {strides = array<i32>} : memref<80x128xf32, #tpu.memory_space<vmem>>, vector<16xf32>,
        %get3A_46 = arith.index_cast %add3A_40 : i32 to index
        %get3A_47 = arith.constant 16 : index
        %get3A_48 = tpu.vector_load %arg9[%get3A_46, %get3A_47] {strides = array<i32>} : memref<80x128xf32, #tpu.memory_space<vmem>>, vector<16xf32>,
        %mul3A_49 = arith.mulf %get3A_48, %gather3A : vector<16xf32>
        %swap3A_50 = arith.index_cast %add3A_40 : i32 to index
        %swap3A_51 = arith.constant 16 : index
        %swap3A_52 = tpu.vector_load %arg9[%swap3A_50, %swap3A_51] {strides = array<i32>} : memref<80x128xf32, #tpu.memory_space<vmem>>, vector<16xf32>,
        tpu.vector_store %arg9[%swap3A_50, %swap3A_51], %mul3A_49 {strides = array<i32>} : memref<80x128xf32, #tpu.memory_space<vmem>>, vector<16xf32>,
        %get3A_53 = arith.index_cast %add3A_40 : i32 to index
        %get3A_54 = arith.constant 32 : index
        %get3A_55 = tpu.vector_load %arg9[%get3A_53, %get3A_54] {strides = array<i32>} : memref<80x128xf32, #tpu.memory_space<vmem>>, vector<16xf32>,
        %mul3A_56 = arith.mulf %get3A_55, %gather3A : vector<16xf32>
        %swap3A_57 = arith.index_cast %add3A_40 : i32 to index
        %swap3A_58 = arith.constant 32 : index
        %swap3A_59 = tpu.vector_load %arg9[%swap3A_57, %swap3A_58] {strides = array<i32>} : memref<80x128xf32, #tpu.memory_space<vmem>>, vector<16xf32>,
        tpu.vector_store %arg9[%swap3A_57, %swap3A_58], %mul3A_56 {strides = array<i32>} : memref<80x128xf32, #tpu.memory_space<vmem>>, vector<16xf32>,
        %get3A_60 = arith.index_cast %add3A_40 : i32 to index
        %get3A_61 = arith.constant 48 : index
        %get3A_62 = tpu.vector_load %arg9[%get3A_60, %get3A_61] {strides = array<i32>} : memref<80x128xf32, #tpu.memory_space<vmem>>, vector<16xf32>,
        %mul3A_63 = arith.mulf %get3A_62, %gather3A : vector<16xf32>
        %swap3A_64 = arith.index_cast %add3A_40 : i32 to index
        %swap3A_65 = arith.constant 48 : index
        %swap3A_66 = tpu.vector_load %arg9[%swap3A_64, %swap3A_65] {strides = array<i32>} : memref<80x128xf32, #tpu.memory_space<vmem>>, vector<16xf32>,
        tpu.vector_store %arg9[%swap3A_64, %swap3A_65], %mul3A_63 {strides = array<i32>} : memref<80x128xf32, #tpu.memory_space<vmem>>, vector<16xf32>,
        %get3A_67 = arith.index_cast %add3A_40 : i32 to index
        %get3A_68 = arith.constant 64 : index
        %get3A_69 = tpu.vector_load %arg9[%get3A_67, %get3A_68] {strides = array<i32>} : memref<80x128xf32, #tpu.memory_space<vmem>>, vector<16xf32>,
        %mul3A_70 = arith.mulf %get3A_69, %gather3A : vector<16xf32>
        %swap3A_71 = arith.index_cast %add3A_40 : i32 to index
        %swap3A_72 = arith.constant 64 : index
        %swap3A_73 = tpu.vector_load %arg9[%swap3A_71, %swap3A_72] {strides = array<i32>} : memref<80x128xf32, #tpu.memory_space<vmem>>, vector<16xf32>,
        tpu.vector_store %arg9[%swap3A_71, %swap3A_72], %mul3A_70 {strides = array<i32>} : memref<80x128xf32, #tpu.memory_space<vmem>>, vector<16xf32>,
        %get3A_74 = arith.index_cast %add3A_40 : i32 to index
        %get3A_75 = arith.constant 80 : index
        %get3A_76 = tpu.vector_load %arg9[%get3A_74, %get3A_75] {strides = array<i32>} : memref<80x128xf32, #tpu.memory_space<vmem>>, vector<16xf32>,
        %mul3A_77 = arith.mulf %get3A_76, %gather3A : vector<16xf32>
        %swap3A_78 = arith.index_cast %add3A_40 : i32 to index
        %swap3A_79 = arith.constant 80 : index
        %swap3A_80 = tpu.vector_load %arg9[%swap3A_78, %swap3A_79] {strides = array<i32>} : memref<80x128xf32, #tpu.memory_space<vmem>>, vector<16xf32>,
        tpu.vector_store %arg9[%swap3A_78, %swap3A_79], %mul3A_77 {strides = array<i32>} : memref<80x128xf32, #tpu.memory_space<vmem>>, vector<16xf32>,
        %get3A_81 = arith.index_cast %add3A_40 : i32 to index
        %get3A_82 = arith.constant 96 : index
        %get3A_83 = tpu.vector_load %arg9[%get3A_81, %get3A_82] {strides = array<i32>} : memref<80x128xf32, #tpu.memory_space<vmem>>, vector<16xf32>,
        %mul3A_84 = arith.mulf %get3A_83, %gather3A : vector<16xf32>
        %swap3A_85 = arith.index_cast %add3A_40 : i32 to index
        %swap3A_86 = arith.constant 96 : index
        %swap3A_87 = tpu.vector_load %arg9[%swap3A_85, %swap3A_86] {strides = array<i32>} : memref<80x128xf32, #tpu.memory_space<vmem>>, vector<16xf32>,
        tpu.vector_store %arg9[%swap3A_85, %swap3A_86], %mul3A_84 {strides = array<i32>} : memref<80x128xf32, #tpu.memory_space<vmem>>, vector<16xf32>,
        %get3A_88 = arith.index_cast %add3A_40 : i32 to index
        %get3A_89 = arith.constant 112 : index
        %get3A_90 = tpu.vector_load %arg9[%get3A_88, %get3A_89] {strides = array<i32>} : memref<80x128xf32, #tpu.memory_space<vmem>>, vector<16xf32>,
        %mul3A_91 = arith.mulf %get3A_90, %gather3A : vector<16xf32>
        %swap3A_92 = arith.index_cast %add3A_40 : i32 to index
        %swap3A_93 = arith.constant 112 : index
        %swap3A_94 = tpu.vector_load %arg9[%swap3A_92, %swap3A_93] {strides = array<i32>} : memref<80x128xf32, #tpu.memory_space<vmem>>, vector<16xf32>,
        tpu.vector_store %arg9[%swap3A_92, %swap3A_93], %mul3A_91 {strides = array<i32>} : memref<80x128xf32, #tpu.memory_space<vmem>>, vector<16xf32>,
      }
      %scan3A_35 = arith.constant 80 : i32
      "tpu.region"() ({
        %run_scoped3A = tpu.sem_alloc : memref<!tpu.dma_semaphore, #tpu.memory_space<semaphore_mem>>
        %dma_start3A = arith.constant 0 : i32
        %dma_start3A_36 = arith.constant 0 : i32
        %dma_start3A_37 = tpu.memref_slice %arg11[%dma_start3A, %dma_start3A_36] : memref<10240x128xf32, #tpu.memory_space<vmem_shared>> -> memref<10240x128xf32, #tpu.memory_space<vmem_shared>>
        tpu.enqueue_indirect_dma source(%arg9 : memref<80x128xf32, #tpu.memory_space<vmem>>) target(%dma_start3A_37 : memref<10240x128xf32, #tpu.memory_space<vmem_shared>>) offsets(%arg8 : memref<80xi32, #tpu.memory_space<vmem>>) semaphore(%run_scoped3A : memref<!tpu.dma_semaphore, #tpu.memory_space<semaphore_mem>>) {add = true}
        %dma_wait3A = arith.constant 0 : i32
        %dma_wait3A_38 = arith.constant 0 : i32
        %dma_wait3A_39 = tpu.memref_slice %arg11[%dma_wait3A, %dma_wait3A_38] : memref<10240x128xf32, #tpu.memory_space<vmem_shared>> -> memref<10240x128xf32, #tpu.memory_space<vmem_shared>>
        tpu.wait_indirect_dma semaphore(%run_scoped3A : memref<!tpu.dma_semaphore, #tpu.memory_space<semaphore_mem>>) src(%arg9 : memref<80x128xf32, #tpu.memory_space<vmem>>) dst(%dma_wait3A_39 : memref<10240x128xf32, #tpu.memory_space<vmem_shared>>)
        tpu.yield
      }) : () -> ()
    }
    %scan3A_14 = arith.constant 125 : i32
    %barrier3A_15 = arith.constant 0 : index
    tpu.barrier barrier_id(%barrier3A_15)
    %scan3A_16 = arith.constant 0 : i32
    %scan3A_17 = arith.constant 8 : i32
    %scan3A_18 = arith.addi %scan3A_16, %scan3A_17 : i32
    %scan3A_19 = arith.constant 1 : i32
    scf.for %scan3A_21 = %scan3A_16 to %scan3A_18 step %scan3A_19  : i32 {
      %mul3A_22 = arith.constant 1 : i32
      %mul3A_23 = arith.muli %scan3A_21, %mul3A_22 : i32
      %add3A_24 = arith.constant 0 : i32
      %add3A_25 = arith.addi %add3A_24, %mul3A_23 : i32
      %mul3A_26 = arith.constant 640 : i32
      %mul3A_27 = arith.muli %mul3A_26, %arg1 : i32
      %mul3A_28 = arith.constant 80 : i32
      %mul3A_29 = arith.muli %mul3A_28, %add3A_25 : i32
      %add3A_30 = arith.addi %mul3A_27, %mul3A_29 : i32
      "tpu.region"() ({
        %run_scoped3A = tpu.sem_alloc : memref<!tpu.dma_semaphore, #tpu.memory_space<semaphore_mem>>
        %dma_start3A = arith.constant 0 : i32
        %dma_start3A_31 = tpu.memref_slice %arg11[%add3A_30, %dma_start3A] : memref<10240x128xf32, #tpu.memory_space<vmem_shared>> -> memref<80x128xf32, #tpu.memory_space<vmem_shared>>
        %dma_start3A_32 = arith.constant 0 : i32
        %dma_start3A_33 = tpu.memref_slice %arg11[%add3A_30, %dma_start3A_32] : memref<10240x128xf32, #tpu.memory_space<vmem_shared>> -> memref<80x128xf32, #tpu.memory_space<vmem_shared>>
        tpu.enqueue_dma source(%dma_start3A_33 : memref<80x128xf32, #tpu.memory_space<vmem_shared>>) target(%arg9 : memref<80x128xf32, #tpu.memory_space<vmem>>) target_semaphore(%run_scoped3A : memref<!tpu.dma_semaphore, #tpu.memory_space<semaphore_mem>>)
        %dma_wait3A = arith.constant 0 : i32
        %dma_wait3A_34 = tpu.memref_slice %arg11[%add3A_30, %dma_wait3A] : memref<10240x128xf32, #tpu.memory_space<vmem_shared>> -> memref<80x128xf32, #tpu.memory_space<vmem_shared>>
        %dma_wait3A_35 = arith.constant 0 : i32
        %dma_wait3A_36 = tpu.memref_slice %arg11[%add3A_30, %dma_wait3A_35] : memref<10240x128xf32, #tpu.memory_space<vmem_shared>> -> memref<80x128xf32, #tpu.memory_space<vmem_shared>>
        tpu.wait_dma2 semaphore(%run_scoped3A : memref<!tpu.dma_semaphore, #tpu.memory_space<semaphore_mem>>) src(%dma_wait3A_36 : memref<80x128xf32, #tpu.memory_space<vmem_shared>>) dst(%arg9 : memref<80x128xf32, #tpu.memory_space<vmem>>)
        tpu.yield
      }) : () -> ()
      "tpu.region"() ({
        %run_scoped3A = tpu.sem_alloc : memref<!tpu.dma_semaphore, #tpu.memory_space<semaphore_mem>>
        %dma_start3A = arith.constant 0 : i32
        %dma_start3A_31 = tpu.memref_slice %arg6[%arg0, %add3A_30, %dma_start3A] : memref<2x10240x128xf32, #tpu.memory_space<hbm>> -> memref<1x80x128xf32, #tpu.memory_space<hbm>>
        %dma_start3A_32 = tpu.memref_squeeze %dma_start3A_31 : memref<1x80x128xf32, #tpu.memory_space<hbm>> -> memref<80x128xf32, #tpu.memory_space<hbm>>
        %dma_start3A_33 = arith.constant 0 : i32
        %dma_start3A_34 = tpu.memref_slice %arg6[%arg0, %add3A_30, %dma_start3A_33] : memref<2x10240x128xf32, #tpu.memory_space<hbm>> -> memref<1x80x128xf32, #tpu.memory_space<hbm>>
        %dma_start3A_35 = tpu.memref_squeeze %dma_start3A_34 : memref<1x80x128xf32, #tpu.memory_space<hbm>> -> memref<80x128xf32, #tpu.memory_space<hbm>>
        tpu.enqueue_dma source(%arg9 : memref<80x128xf32, #tpu.memory_space<vmem>>) target(%dma_start3A_35 : memref<80x128xf32, #tpu.memory_space<hbm>>) target_semaphore(%run_scoped3A : memref<!tpu.dma_semaphore, #tpu.memory_space<semaphore_mem>>)
        %dma_wait3A = arith.constant 0 : i32
        %dma_wait3A_36 = tpu.memref_slice %arg6[%arg0, %add3A_30, %dma_wait3A] : memref<2x10240x128xf32, #tpu.memory_space<hbm>> -> memref<1x80x128xf32, #tpu.memory_space<hbm>>
        %dma_wait3A_37 = tpu.memref_squeeze %dma_wait3A_36 : memref<1x80x128xf32, #tpu.memory_space<hbm>> -> memref<80x128xf32, #tpu.memory_space<hbm>>
        %dma_wait3A_38 = arith.constant 0 : i32
        %dma_wait3A_39 = tpu.memref_slice %arg6[%arg0, %add3A_30, %dma_wait3A_38] : memref<2x10240x128xf32, #tpu.memory_space<hbm>> -> memref<1x80x128xf32, #tpu.memory_space<hbm>>
        %dma_wait3A_40 = tpu.memref_squeeze %dma_wait3A_39 : memref<1x80x128xf32, #tpu.memory_space<hbm>> -> memref<80x128xf32, #tpu.memory_space<hbm>>
        tpu.wait_dma2 semaphore(%run_scoped3A : memref<!tpu.dma_semaphore, #tpu.memory_space<semaphore_mem>>) src(%arg9 : memref<80x128xf32, #tpu.memory_space<vmem>>) dst(%dma_wait3A_40 : memref<80x128xf32, #tpu.memory_space<hbm>>)
        tpu.yield
      }) : () -> ()
    }
    %scan3A_20 = arith.constant 8 : i32
    return
  }
}

#map = affine_map<(d0, d1) -> (0, 0)>
#map1 = affine_map<(d0, d1) -> (0)>
#map2 = affine_map<(d0, d1) -> (0, 0, 0)>
module attributes {stable_mosaic.version = 14 : i64} {
  func.func @k(%arg0: i32, %arg1: i32, %arg2: memref<10000x128xf32, #tpu.memory_space<hbm>>, %arg3: memref<10000x128xf32, #tpu.memory_space<hbm>>, %arg4: memref<10000x256xf32, #tpu.memory_space<hbm>>, %arg5: memref<320000xi32, #tpu.memory_space<hbm>>, %arg6: memref<320000xi32, #tpu.memory_space<hbm>>, %arg7: memref<256xf32, #tpu.memory_space<hbm>>, %arg8: memref<320000xf32, #tpu.memory_space<hbm>>, %arg9: memref<2x10240x128xf32, #tpu.memory_space<hbm>>, %arg10: memref<2x10240x128xf32, #tpu.memory_space<hbm>>, %arg11: memref<80xi32, #tpu.memory_space<vmem>>, %arg12: memref<80xi32, #tpu.memory_space<vmem>>, %arg13: memref<80x128xf32, #tpu.memory_space<vmem>>, %arg14: memref<80x128xf32, #tpu.memory_space<vmem>>, %arg15: memref<80x256xf32, #tpu.memory_space<vmem>>, %arg16: memref<80xf32, #tpu.memory_space<vmem>>, %arg17: memref<256xf32, #tpu.memory_space<vmem>>, %arg18: memref<256xf32, #tpu.memory_space<vmem>>, %arg19: memref<640xf32, #tpu.memory_space<vmem>>, %arg20: memref<10240x128xf32, #tpu.memory_space<vmem_shared>>, %arg21: memref<10240xf32, #tpu.memory_space<vmem_shared>>) attributes {dimension_semantics = [#tpu.dimension_semantics<core_parallel>, #tpu.dimension_semantics<subcore_parallel>], iteration_bounds = array<i64: 2, 16>, scalar_prefetch = 0 : i64, scratch_operands = 11 : i64, tpu.core_type = #tpu.core_type<sc_vector_subcore>, window_params = [{transform_indices = #map}, {transform_indices = #map}, {transform_indices = #map}, {transform_indices = #map1}, {transform_indices = #map1}, {transform_indices = #map1}, {transform_indices = #map1}, {transform_indices = #map2}, {transform_indices = #map2}]} {
    %mul3A = arith.constant 16 : i32
    %mul3A_0 = arith.muli %arg0, %mul3A : i32
    %add3A = arith.addi %mul3A_0, %arg1 : i32
    "tpu.region"() ({
      %run_scoped3A = tpu.sem_alloc : memref<!tpu.dma_semaphore, #tpu.memory_space<semaphore_mem>>
      tpu.enqueue_dma source(%arg7 : memref<256xf32, #tpu.memory_space<hbm>>) target(%arg18 : memref<256xf32, #tpu.memory_space<vmem>>) target_semaphore(%run_scoped3A : memref<!tpu.dma_semaphore, #tpu.memory_space<semaphore_mem>>)
      tpu.wait_dma2 semaphore(%run_scoped3A : memref<!tpu.dma_semaphore, #tpu.memory_space<semaphore_mem>>) src(%arg7 : memref<256xf32, #tpu.memory_space<hbm>>) dst(%arg18 : memref<256xf32, #tpu.memory_space<vmem>>)
      tpu.yield
    }) : () -> ()
    %get3A = arith.constant 0 : index
    %get3A_1 = tpu.vector_load %arg18[%get3A] {strides = array<i32>} : memref<256xf32, #tpu.memory_space<vmem>>, vector<16xf32>,
    %get3A_2 = arith.constant 16 : index
    %get3A_3 = tpu.vector_load %arg18[%get3A_2] {strides = array<i32>} : memref<256xf32, #tpu.memory_space<vmem>>, vector<16xf32>,
    %get3A_4 = arith.constant 32 : index
    %get3A_5 = tpu.vector_load %arg18[%get3A_4] {strides = array<i32>} : memref<256xf32, #tpu.memory_space<vmem>>, vector<16xf32>,
    %get3A_6 = arith.constant 48 : index
    %get3A_7 = tpu.vector_load %arg18[%get3A_6] {strides = array<i32>} : memref<256xf32, #tpu.memory_space<vmem>>, vector<16xf32>,
    %get3A_8 = arith.constant 64 : index
    %get3A_9 = tpu.vector_load %arg18[%get3A_8] {strides = array<i32>} : memref<256xf32, #tpu.memory_space<vmem>>, vector<16xf32>,
    %get3A_10 = arith.constant 80 : index
    %get3A_11 = tpu.vector_load %arg18[%get3A_10] {strides = array<i32>} : memref<256xf32, #tpu.memory_space<vmem>>, vector<16xf32>,
    %get3A_12 = arith.constant 96 : index
    %get3A_13 = tpu.vector_load %arg18[%get3A_12] {strides = array<i32>} : memref<256xf32, #tpu.memory_space<vmem>>, vector<16xf32>,
    %get3A_14 = arith.constant 112 : index
    %get3A_15 = tpu.vector_load %arg18[%get3A_14] {strides = array<i32>} : memref<256xf32, #tpu.memory_space<vmem>>, vector<16xf32>,
    %get3A_16 = arith.constant 128 : index
    %get3A_17 = tpu.vector_load %arg18[%get3A_16] {strides = array<i32>} : memref<256xf32, #tpu.memory_space<vmem>>, vector<16xf32>,
    %get3A_18 = arith.constant 144 : index
    %get3A_19 = tpu.vector_load %arg18[%get3A_18] {strides = array<i32>} : memref<256xf32, #tpu.memory_space<vmem>>, vector<16xf32>,
    %get3A_20 = arith.constant 160 : index
    %get3A_21 = tpu.vector_load %arg18[%get3A_20] {strides = array<i32>} : memref<256xf32, #tpu.memory_space<vmem>>, vector<16xf32>,
    %get3A_22 = arith.constant 176 : index
    %get3A_23 = tpu.vector_load %arg18[%get3A_22] {strides = array<i32>} : memref<256xf32, #tpu.memory_space<vmem>>, vector<16xf32>,
    %get3A_24 = arith.constant 192 : index
    %get3A_25 = tpu.vector_load %arg18[%get3A_24] {strides = array<i32>} : memref<256xf32, #tpu.memory_space<vmem>>, vector<16xf32>,
    %get3A_26 = arith.constant 208 : index
    %get3A_27 = tpu.vector_load %arg18[%get3A_26] {strides = array<i32>} : memref<256xf32, #tpu.memory_space<vmem>>, vector<16xf32>,
    %get3A_28 = arith.constant 224 : index
    %get3A_29 = tpu.vector_load %arg18[%get3A_28] {strides = array<i32>} : memref<256xf32, #tpu.memory_space<vmem>>, vector<16xf32>,
    %get3A_30 = arith.constant 240 : index
    %get3A_31 = tpu.vector_load %arg18[%get3A_30] {strides = array<i32>} : memref<256xf32, #tpu.memory_space<vmem>>, vector<16xf32>,
    %scan3A = arith.constant 0 : i32
    %scan3A_32 = arith.constant 80 : i32
    %scan3A_33 = arith.addi %scan3A, %scan3A_32 : i32
    %scan3A_34 = arith.constant 1 : i32
    scf.for %scan3A_66 = %scan3A to %scan3A_33 step %scan3A_34  : i32 {
      %mul3A_67 = arith.constant 1 : i32
      %mul3A_68 = arith.muli %scan3A_66, %mul3A_67 : i32
      %add3A_69 = arith.constant 0 : i32
      %add3A_70 = arith.addi %add3A_69, %mul3A_68 : i32
      %broadcast_in_dim3A = arith.constant 0.000000e+00 : f32
      %broadcast_in_dim3A_71 = vector.broadcast %broadcast_in_dim3A : f32 to vector<16xf32>
      %swap3A = arith.index_cast %add3A_70 : i32 to index
      %swap3A_72 = arith.constant 0 : index
      %swap3A_73 = tpu.vector_load %arg13[%swap3A, %swap3A_72] {strides = array<i32>} : memref<80x128xf32, #tpu.memory_space<vmem>>, vector<16xf32>,
      tpu.vector_store %arg13[%swap3A, %swap3A_72], %broadcast_in_dim3A_71 {strides = array<i32>} : memref<80x128xf32, #tpu.memory_space<vmem>>, vector<16xf32>,
      %broadcast_in_dim3A_74 = arith.constant 0.000000e+00 : f32
      %broadcast_in_dim3A_75 = vector.broadcast %broadcast_in_dim3A_74 : f32 to vector<16xf32>
      %swap3A_76 = arith.index_cast %add3A_70 : i32 to index
      %swap3A_77 = arith.constant 16 : index
      %swap3A_78 = tpu.vector_load %arg13[%swap3A_76, %swap3A_77] {strides = array<i32>} : memref<80x128xf32, #tpu.memory_space<vmem>>, vector<16xf32>,
      tpu.vector_store %arg13[%swap3A_76, %swap3A_77], %broadcast_in_dim3A_75 {strides = array<i32>} : memref<80x128xf32, #tpu.memory_space<vmem>>, vector<16xf32>,
      %broadcast_in_dim3A_79 = arith.constant 0.000000e+00 : f32
      %broadcast_in_dim3A_80 = vector.broadcast %broadcast_in_dim3A_79 : f32 to vector<16xf32>
      %swap3A_81 = arith.index_cast %add3A_70 : i32 to index
      %swap3A_82 = arith.constant 32 : index
      %swap3A_83 = tpu.vector_load %arg13[%swap3A_81, %swap3A_82] {strides = array<i32>} : memref<80x128xf32, #tpu.memory_space<vmem>>, vector<16xf32>,
      tpu.vector_store %arg13[%swap3A_81, %swap3A_82], %broadcast_in_dim3A_80 {strides = array<i32>} : memref<80x128xf32, #tpu.memory_space<vmem>>, vector<16xf32>,
      %broadcast_in_dim3A_84 = arith.constant 0.000000e+00 : f32
      %broadcast_in_dim3A_85 = vector.broadcast %broadcast_in_dim3A_84 : f32 to vector<16xf32>
      %swap3A_86 = arith.index_cast %add3A_70 : i32 to index
      %swap3A_87 = arith.constant 48 : index
      %swap3A_88 = tpu.vector_load %arg13[%swap3A_86, %swap3A_87] {strides = array<i32>} : memref<80x128xf32, #tpu.memory_space<vmem>>, vector<16xf32>,
      tpu.vector_store %arg13[%swap3A_86, %swap3A_87], %broadcast_in_dim3A_85 {strides = array<i32>} : memref<80x128xf32, #tpu.memory_space<vmem>>, vector<16xf32>,
      %broadcast_in_dim3A_89 = arith.constant 0.000000e+00 : f32
      %broadcast_in_dim3A_90 = vector.broadcast %broadcast_in_dim3A_89 : f32 to vector<16xf32>
      %swap3A_91 = arith.index_cast %add3A_70 : i32 to index
      %swap3A_92 = arith.constant 64 : index
      %swap3A_93 = tpu.vector_load %arg13[%swap3A_91, %swap3A_92] {strides = array<i32>} : memref<80x128xf32, #tpu.memory_space<vmem>>, vector<16xf32>,
      tpu.vector_store %arg13[%swap3A_91, %swap3A_92], %broadcast_in_dim3A_90 {strides = array<i32>} : memref<80x128xf32, #tpu.memory_space<vmem>>, vector<16xf32>,
      %broadcast_in_dim3A_94 = arith.constant 0.000000e+00 : f32
      %broadcast_in_dim3A_95 = vector.broadcast %broadcast_in_dim3A_94 : f32 to vector<16xf32>
      %swap3A_96 = arith.index_cast %add3A_70 : i32 to index
      %swap3A_97 = arith.constant 80 : index
      %swap3A_98 = tpu.vector_load %arg13[%swap3A_96, %swap3A_97] {strides = array<i32>} : memref<80x128xf32, #tpu.memory_space<vmem>>, vector<16xf32>,
      tpu.vector_store %arg13[%swap3A_96, %swap3A_97], %broadcast_in_dim3A_95 {strides = array<i32>} : memref<80x128xf32, #tpu.memory_space<vmem>>, vector<16xf32>,
      %broadcast_in_dim3A_99 = arith.constant 0.000000e+00 : f32
      %broadcast_in_dim3A_100 = vector.broadcast %broadcast_in_dim3A_99 : f32 to vector<16xf32>
      %swap3A_101 = arith.index_cast %add3A_70 : i32 to index
      %swap3A_102 = arith.constant 96 : index
      %swap3A_103 = tpu.vector_load %arg13[%swap3A_101, %swap3A_102] {strides = array<i32>} : memref<80x128xf32, #tpu.memory_space<vmem>>, vector<16xf32>,
      tpu.vector_store %arg13[%swap3A_101, %swap3A_102], %broadcast_in_dim3A_100 {strides = array<i32>} : memref<80x128xf32, #tpu.memory_space<vmem>>, vector<16xf32>,
      %broadcast_in_dim3A_104 = arith.constant 0.000000e+00 : f32
      %broadcast_in_dim3A_105 = vector.broadcast %broadcast_in_dim3A_104 : f32 to vector<16xf32>
      %swap3A_106 = arith.index_cast %add3A_70 : i32 to index
      %swap3A_107 = arith.constant 112 : index
      %swap3A_108 = tpu.vector_load %arg13[%swap3A_106, %swap3A_107] {strides = array<i32>} : memref<80x128xf32, #tpu.memory_space<vmem>>, vector<16xf32>,
      tpu.vector_store %arg13[%swap3A_106, %swap3A_107], %broadcast_in_dim3A_105 {strides = array<i32>} : memref<80x128xf32, #tpu.memory_space<vmem>>, vector<16xf32>,
    }
    %scan3A_35 = arith.constant 80 : i32
    %scan3A_36 = arith.constant 0 : i32
    %scan3A_37 = arith.constant 40 : i32
    %scan3A_38 = arith.addi %scan3A_36, %scan3A_37 : i32
    %scan3A_39 = arith.constant 1 : i32
    scf.for %scan3A_66 = %scan3A_36 to %scan3A_38 step %scan3A_39  : i32 {
      %mul3A_67 = arith.constant 1 : i32
      %mul3A_68 = arith.muli %scan3A_66, %mul3A_67 : i32
      %add3A_69 = arith.constant 0 : i32
      %add3A_70 = arith.addi %add3A_69, %mul3A_68 : i32
      %broadcast_in_dim3A = arith.constant 0.000000e+00 : f32
      %broadcast_in_dim3A_71 = vector.broadcast %broadcast_in_dim3A : f32 to vector<16xf32>
      %mul3A_72 = arith.constant 16 : i32
      %mul3A_73 = arith.muli %mul3A_72, %add3A_70 : i32
      %swap3A = arith.index_cast %mul3A_73 : i32 to index
      %swap3A_74 = tpu.vector_load %arg19[%swap3A] {strides = array<i32>} : memref<640xf32, #tpu.memory_space<vmem>>, vector<16xf32>,
      tpu.vector_store %arg19[%swap3A], %broadcast_in_dim3A_71 {strides = array<i32>} : memref<640xf32, #tpu.memory_space<vmem>>, vector<16xf32>,
    }
    %scan3A_40 = arith.constant 40 : i32
    %scan3A_41 = arith.constant 0 : i32
    %scan3A_42 = arith.constant 8 : i32
    %scan3A_43 = arith.addi %scan3A_41, %scan3A_42 : i32
    %scan3A_44 = arith.constant 1 : i32
    scf.for %scan3A_66 = %scan3A_41 to %scan3A_43 step %scan3A_44  : i32 {
      %mul3A_67 = arith.constant 1 : i32
      %mul3A_68 = arith.muli %scan3A_66, %mul3A_67 : i32
      %add3A_69 = arith.constant 0 : i32
      %add3A_70 = arith.addi %add3A_69, %mul3A_68 : i32
      %mul3A_71 = arith.constant 640 : i32
      %mul3A_72 = arith.muli %mul3A_71, %arg1 : i32
      %mul3A_73 = arith.constant 80 : i32
      %mul3A_74 = arith.muli %mul3A_73, %add3A_70 : i32
      %add3A_75 = arith.addi %mul3A_72, %mul3A_74 : i32
      "tpu.region"() ({
        %run_scoped3A = tpu.sem_alloc : memref<!tpu.dma_semaphore, #tpu.memory_space<semaphore_mem>>
        %dma_start3A = arith.constant 0 : i32
        %dma_start3A_76 = tpu.memref_slice %arg20[%add3A_75, %dma_start3A] : memref<10240x128xf32, #tpu.memory_space<vmem_shared>> -> memref<80x128xf32, #tpu.memory_space<vmem_shared>>
        %dma_start3A_77 = arith.constant 0 : i32
        %dma_start3A_78 = tpu.memref_slice %arg20[%add3A_75, %dma_start3A_77] : memref<10240x128xf32, #tpu.memory_space<vmem_shared>> -> memref<80x128xf32, #tpu.memory_space<vmem_shared>>
        tpu.enqueue_dma source(%arg13 : memref<80x128xf32, #tpu.memory_space<vmem>>) target(%dma_start3A_78 : memref<80x128xf32, #tpu.memory_space<vmem_shared>>) target_semaphore(%run_scoped3A : memref<!tpu.dma_semaphore, #tpu.memory_space<semaphore_mem>>)
        %dma_wait3A = arith.constant 0 : i32
        %dma_wait3A_79 = tpu.memref_slice %arg20[%add3A_75, %dma_wait3A] : memref<10240x128xf32, #tpu.memory_space<vmem_shared>> -> memref<80x128xf32, #tpu.memory_space<vmem_shared>>
        %dma_wait3A_80 = arith.constant 0 : i32
        %dma_wait3A_81 = tpu.memref_slice %arg20[%add3A_75, %dma_wait3A_80] : memref<10240x128xf32, #tpu.memory_space<vmem_shared>> -> memref<80x128xf32, #tpu.memory_space<vmem_shared>>
        tpu.wait_dma2 semaphore(%run_scoped3A : memref<!tpu.dma_semaphore, #tpu.memory_space<semaphore_mem>>) src(%arg13 : memref<80x128xf32, #tpu.memory_space<vmem>>) dst(%dma_wait3A_81 : memref<80x128xf32, #tpu.memory_space<vmem_shared>>)
        tpu.yield
      }) : () -> ()
    }
    %scan3A_45 = arith.constant 8 : i32
    %mul3A_46 = arith.constant 640 : i32
    %mul3A_47 = arith.muli %mul3A_46, %arg1 : i32
    "tpu.region"() ({
      %run_scoped3A = tpu.sem_alloc : memref<!tpu.dma_semaphore, #tpu.memory_space<semaphore_mem>>
      %dma_start3A = tpu.memref_slice %arg21[%mul3A_47] : memref<10240xf32, #tpu.memory_space<vmem_shared>> -> memref<640xf32, #tpu.memory_space<vmem_shared>>
      %dma_start3A_66 = tpu.memref_slice %arg21[%mul3A_47] : memref<10240xf32, #tpu.memory_space<vmem_shared>> -> memref<640xf32, #tpu.memory_space<vmem_shared>>
      tpu.enqueue_dma source(%arg19 : memref<640xf32, #tpu.memory_space<vmem>>) target(%dma_start3A_66 : memref<640xf32, #tpu.memory_space<vmem_shared>>) target_semaphore(%run_scoped3A : memref<!tpu.dma_semaphore, #tpu.memory_space<semaphore_mem>>)
      %dma_wait3A = tpu.memref_slice %arg21[%mul3A_47] : memref<10240xf32, #tpu.memory_space<vmem_shared>> -> memref<640xf32, #tpu.memory_space<vmem_shared>>
      %dma_wait3A_67 = tpu.memref_slice %arg21[%mul3A_47] : memref<10240xf32, #tpu.memory_space<vmem_shared>> -> memref<640xf32, #tpu.memory_space<vmem_shared>>
      tpu.wait_dma2 semaphore(%run_scoped3A : memref<!tpu.dma_semaphore, #tpu.memory_space<semaphore_mem>>) src(%arg19 : memref<640xf32, #tpu.memory_space<vmem>>) dst(%dma_wait3A_67 : memref<640xf32, #tpu.memory_space<vmem_shared>>)
      tpu.yield
    }) : () -> ()
    %barrier3A = arith.constant 0 : index
    tpu.barrier barrier_id(%barrier3A)
    %scan3A_48 = arith.constant 0 : i32
    %scan3A_49 = arith.constant 125 : i32
    %scan3A_50 = arith.addi %scan3A_48, %scan3A_49 : i32
    %scan3A_51 = arith.constant 1 : i32
    scf.for %scan3A_66 = %scan3A_48 to %scan3A_50 step %scan3A_51  : i32 {
      %mul3A_67 = arith.constant 1 : i32
      %mul3A_68 = arith.muli %scan3A_66, %mul3A_67 : i32
      %add3A_69 = arith.constant 0 : i32
      %add3A_70 = arith.addi %add3A_69, %mul3A_68 : i32
      %mul3A_71 = arith.constant 10000 : i32
      %mul3A_72 = arith.muli %add3A, %mul3A_71 : i32
      %mul3A_73 = arith.constant 80 : i32
      %mul3A_74 = arith.muli %mul3A_73, %add3A_70 : i32
      %add3A_75 = arith.addi %mul3A_72, %mul3A_74 : i32
      "tpu.region"() ({
        %run_scoped3A = tpu.sem_alloc : memref<!tpu.dma_semaphore, #tpu.memory_space<semaphore_mem>>
        %dma_start3A = tpu.memref_slice %arg5[%add3A_75] : memref<320000xi32, #tpu.memory_space<hbm>> -> memref<80xi32, #tpu.memory_space<hbm>>
        %dma_start3A_86 = tpu.memref_slice %arg5[%add3A_75] : memref<320000xi32, #tpu.memory_space<hbm>> -> memref<80xi32, #tpu.memory_space<hbm>>
        tpu.enqueue_dma source(%dma_start3A_86 : memref<80xi32, #tpu.memory_space<hbm>>) target(%arg11 : memref<80xi32, #tpu.memory_space<vmem>>) target_semaphore(%run_scoped3A : memref<!tpu.dma_semaphore, #tpu.memory_space<semaphore_mem>>)
        %dma_wait3A = tpu.memref_slice %arg5[%add3A_75] : memref<320000xi32, #tpu.memory_space<hbm>> -> memref<80xi32, #tpu.memory_space<hbm>>
        %dma_wait3A_87 = tpu.memref_slice %arg5[%add3A_75] : memref<320000xi32, #tpu.memory_space<hbm>> -> memref<80xi32, #tpu.memory_space<hbm>>
        tpu.wait_dma2 semaphore(%run_scoped3A : memref<!tpu.dma_semaphore, #tpu.memory_space<semaphore_mem>>) src(%dma_wait3A_87 : memref<80xi32, #tpu.memory_space<hbm>>) dst(%arg11 : memref<80xi32, #tpu.memory_space<vmem>>)
        tpu.yield
      }) : () -> ()
      "tpu.region"() ({
        %run_scoped3A = tpu.sem_alloc : memref<!tpu.dma_semaphore, #tpu.memory_space<semaphore_mem>>
        %dma_start3A = tpu.memref_slice %arg6[%add3A_75] : memref<320000xi32, #tpu.memory_space<hbm>> -> memref<80xi32, #tpu.memory_space<hbm>>
        %dma_start3A_86 = tpu.memref_slice %arg6[%add3A_75] : memref<320000xi32, #tpu.memory_space<hbm>> -> memref<80xi32, #tpu.memory_space<hbm>>
        tpu.enqueue_dma source(%dma_start3A_86 : memref<80xi32, #tpu.memory_space<hbm>>) target(%arg12 : memref<80xi32, #tpu.memory_space<vmem>>) target_semaphore(%run_scoped3A : memref<!tpu.dma_semaphore, #tpu.memory_space<semaphore_mem>>)
        %dma_wait3A = tpu.memref_slice %arg6[%add3A_75] : memref<320000xi32, #tpu.memory_space<hbm>> -> memref<80xi32, #tpu.memory_space<hbm>>
        %dma_wait3A_87 = tpu.memref_slice %arg6[%add3A_75] : memref<320000xi32, #tpu.memory_space<hbm>> -> memref<80xi32, #tpu.memory_space<hbm>>
        tpu.wait_dma2 semaphore(%run_scoped3A : memref<!tpu.dma_semaphore, #tpu.memory_space<semaphore_mem>>) src(%dma_wait3A_87 : memref<80xi32, #tpu.memory_space<hbm>>) dst(%arg12 : memref<80xi32, #tpu.memory_space<vmem>>)
        tpu.yield
      }) : () -> ()
      "tpu.region"() ({
        %run_scoped3A = tpu.sem_alloc : memref<!tpu.dma_semaphore, #tpu.memory_space<semaphore_mem>>
        %dma_start3A = arith.constant 0 : i32
        %dma_start3A_86 = arith.constant 0 : i32
        %dma_start3A_87 = tpu.memref_slice %arg2[%dma_start3A, %dma_start3A_86] : memref<10000x128xf32, #tpu.memory_space<hbm>> -> memref<10000x128xf32, #tpu.memory_space<hbm>>
        tpu.enqueue_indirect_dma source(%dma_start3A_87 : memref<10000x128xf32, #tpu.memory_space<hbm>>) target(%arg13 : memref<80x128xf32, #tpu.memory_space<vmem>>) offsets(%arg11 : memref<80xi32, #tpu.memory_space<vmem>>) semaphore(%run_scoped3A : memref<!tpu.dma_semaphore, #tpu.memory_space<semaphore_mem>>)
        %dma_wait3A = arith.constant 0 : i32
        %dma_wait3A_88 = arith.constant 0 : i32
        %dma_wait3A_89 = tpu.memref_slice %arg2[%dma_wait3A, %dma_wait3A_88] : memref<10000x128xf32, #tpu.memory_space<hbm>> -> memref<10000x128xf32, #tpu.memory_space<hbm>>
        tpu.wait_indirect_dma semaphore(%run_scoped3A : memref<!tpu.dma_semaphore, #tpu.memory_space<semaphore_mem>>) src(%dma_wait3A_89 : memref<10000x128xf32, #tpu.memory_space<hbm>>) dst(%arg13 : memref<80x128xf32, #tpu.memory_space<vmem>>)
        tpu.yield
      }) : () -> ()
      "tpu.region"() ({
        %run_scoped3A = tpu.sem_alloc : memref<!tpu.dma_semaphore, #tpu.memory_space<semaphore_mem>>
        %dma_start3A = arith.constant 0 : i32
        %dma_start3A_86 = arith.constant 0 : i32
        %dma_start3A_87 = tpu.memref_slice %arg3[%dma_start3A, %dma_start3A_86] : memref<10000x128xf32, #tpu.memory_space<hbm>> -> memref<10000x128xf32, #tpu.memory_space<hbm>>
        tpu.enqueue_indirect_dma source(%dma_start3A_87 : memref<10000x128xf32, #tpu.memory_space<hbm>>) target(%arg14 : memref<80x128xf32, #tpu.memory_space<vmem>>) offsets(%arg11 : memref<80xi32, #tpu.memory_space<vmem>>) semaphore(%run_scoped3A : memref<!tpu.dma_semaphore, #tpu.memory_space<semaphore_mem>>)
        %dma_wait3A = arith.constant 0 : i32
        %dma_wait3A_88 = arith.constant 0 : i32
        %dma_wait3A_89 = tpu.memref_slice %arg3[%dma_wait3A, %dma_wait3A_88] : memref<10000x128xf32, #tpu.memory_space<hbm>> -> memref<10000x128xf32, #tpu.memory_space<hbm>>
        tpu.wait_indirect_dma semaphore(%run_scoped3A : memref<!tpu.dma_semaphore, #tpu.memory_space<semaphore_mem>>) src(%dma_wait3A_89 : memref<10000x128xf32, #tpu.memory_space<hbm>>) dst(%arg14 : memref<80x128xf32, #tpu.memory_space<vmem>>)
        tpu.yield
      }) : () -> ()
      "tpu.region"() ({
        %run_scoped3A = tpu.sem_alloc : memref<!tpu.dma_semaphore, #tpu.memory_space<semaphore_mem>>
        %dma_start3A = arith.constant 0 : i32
        %dma_start3A_86 = arith.constant 0 : i32
        %dma_start3A_87 = tpu.memref_slice %arg4[%dma_start3A, %dma_start3A_86] : memref<10000x256xf32, #tpu.memory_space<hbm>> -> memref<10000x256xf32, #tpu.memory_space<hbm>>
        tpu.enqueue_indirect_dma source(%dma_start3A_87 : memref<10000x256xf32, #tpu.memory_space<hbm>>) target(%arg15 : memref<80x256xf32, #tpu.memory_space<vmem>>) offsets(%arg12 : memref<80xi32, #tpu.memory_space<vmem>>) semaphore(%run_scoped3A : memref<!tpu.dma_semaphore, #tpu.memory_space<semaphore_mem>>)
        %dma_wait3A = arith.constant 0 : i32
        %dma_wait3A_88 = arith.constant 0 : i32
        %dma_wait3A_89 = tpu.memref_slice %arg4[%dma_wait3A, %dma_wait3A_88] : memref<10000x256xf32, #tpu.memory_space<hbm>> -> memref<10000x256xf32, #tpu.memory_space<hbm>>
        tpu.wait_indirect_dma semaphore(%run_scoped3A : memref<!tpu.dma_semaphore, #tpu.memory_space<semaphore_mem>>) src(%dma_wait3A_89 : memref<10000x256xf32, #tpu.memory_space<hbm>>) dst(%arg15 : memref<80x256xf32, #tpu.memory_space<vmem>>)
        tpu.yield
      }) : () -> ()
      %scan3A_76 = arith.constant 0 : i32
      %scan3A_77 = arith.constant 5 : i32
      %scan3A_78 = arith.addi %scan3A_76, %scan3A_77 : i32
      %scan3A_79 = arith.constant 1 : i32
      scf.for %scan3A_86 = %scan3A_76 to %scan3A_78 step %scan3A_79  : i32 {
        %mul3A_87 = arith.constant 1 : i32
        %mul3A_88 = arith.muli %scan3A_86, %mul3A_87 : i32
        %add3A_89 = arith.constant 0 : i32
        %add3A_90 = arith.addi %add3A_89, %mul3A_88 : i32
        %scan3A_91 = arith.constant 0 : i32
        %scan3A_92 = arith.constant 16 : i32
        %scan3A_93 = arith.addi %scan3A_91, %scan3A_92 : i32
        %scan3A_94 = arith.constant 1 : i32
        scf.for %scan3A_182 = %scan3A_91 to %scan3A_93 step %scan3A_94  : i32 {
          %mul3A_183 = arith.constant 1 : i32
          %mul3A_184 = arith.muli %scan3A_182, %mul3A_183 : i32
          %add3A_185 = arith.constant 0 : i32
          %add3A_186 = arith.addi %add3A_185, %mul3A_184 : i32
          %mul3A_187 = arith.constant 16 : i32
          %mul3A_188 = arith.muli %mul3A_187, %add3A_90 : i32
          %add3A_189 = arith.addi %mul3A_188, %add3A_186 : i32
          %broadcast_in_dim3A_190 = arith.constant 0.000000e+00 : f32
          %broadcast_in_dim3A_191 = vector.broadcast %broadcast_in_dim3A_190 : f32 to vector<16xf32>
          %get3A_192 = arith.index_cast %add3A_189 : i32 to index
          %get3A_193 = arith.constant 0 : index
          %get3A_194 = tpu.vector_load %arg13[%get3A_192, %get3A_193] {strides = array<i32>} : memref<80x128xf32, #tpu.memory_space<vmem>>, vector<16xf32>,
          %get3A_195 = arith.index_cast %add3A_189 : i32 to index
          %get3A_196 = arith.constant 0 : index
          %get3A_197 = tpu.vector_load %arg15[%get3A_195, %get3A_196] {strides = array<i32>} : memref<80x256xf32, #tpu.memory_space<vmem>>, vector<16xf32>,
          %add3A_198 = arith.addf %get3A_194, %get3A_197 : vector<16xf32>
          %mul3A_199 = arith.constant 2.000000e-01 : f32
          %mul3A_200 = vector.broadcast %mul3A_199 : f32 to vector<16xf32>
          %mul3A_201 = arith.mulf %mul3A_200, %add3A_198 : vector<16xf32>
          %max3A = arith.maximumf %add3A_198, %mul3A_201 : vector<16xf32>
          %mul3A_202 = arith.mulf %get3A_1, %max3A : vector<16xf32>
          %add3A_203 = arith.addf %broadcast_in_dim3A_191, %mul3A_202 : vector<16xf32>
          %get3A_204 = arith.index_cast %add3A_189 : i32 to index
          %get3A_205 = arith.constant 16 : index
          %get3A_206 = tpu.vector_load %arg13[%get3A_204, %get3A_205] {strides = array<i32>} : memref<80x128xf32, #tpu.memory_space<vmem>>, vector<16xf32>,
          %get3A_207 = arith.index_cast %add3A_189 : i32 to index
          %get3A_208 = arith.constant 16 : index
          %get3A_209 = tpu.vector_load %arg15[%get3A_207, %get3A_208] {strides = array<i32>} : memref<80x256xf32, #tpu.memory_space<vmem>>, vector<16xf32>,
          %add3A_210 = arith.addf %get3A_206, %get3A_209 : vector<16xf32>
          %mul3A_211 = arith.constant 2.000000e-01 : f32
          %mul3A_212 = vector.broadcast %mul3A_211 : f32 to vector<16xf32>
          %mul3A_213 = arith.mulf %mul3A_212, %add3A_210 : vector<16xf32>
          %max3A_214 = arith.maximumf %add3A_210, %mul3A_213 : vector<16xf32>
          %mul3A_215 = arith.mulf %get3A_3, %max3A_214 : vector<16xf32>
          %add3A_216 = arith.addf %add3A_203, %mul3A_215 : vector<16xf32>
          %get3A_217 = arith.index_cast %add3A_189 : i32 to index
          %get3A_218 = arith.constant 32 : index
          %get3A_219 = tpu.vector_load %arg13[%get3A_217, %get3A_218] {strides = array<i32>} : memref<80x128xf32, #tpu.memory_space<vmem>>, vector<16xf32>,
          %get3A_220 = arith.index_cast %add3A_189 : i32 to index
          %get3A_221 = arith.constant 32 : index
          %get3A_222 = tpu.vector_load %arg15[%get3A_220, %get3A_221] {strides = array<i32>} : memref<80x256xf32, #tpu.memory_space<vmem>>, vector<16xf32>,
          %add3A_223 = arith.addf %get3A_219, %get3A_222 : vector<16xf32>
          %mul3A_224 = arith.constant 2.000000e-01 : f32
          %mul3A_225 = vector.broadcast %mul3A_224 : f32 to vector<16xf32>
          %mul3A_226 = arith.mulf %mul3A_225, %add3A_223 : vector<16xf32>
          %max3A_227 = arith.maximumf %add3A_223, %mul3A_226 : vector<16xf32>
          %mul3A_228 = arith.mulf %get3A_5, %max3A_227 : vector<16xf32>
          %add3A_229 = arith.addf %add3A_216, %mul3A_228 : vector<16xf32>
          %get3A_230 = arith.index_cast %add3A_189 : i32 to index
          %get3A_231 = arith.constant 48 : index
          %get3A_232 = tpu.vector_load %arg13[%get3A_230, %get3A_231] {strides = array<i32>} : memref<80x128xf32, #tpu.memory_space<vmem>>, vector<16xf32>,
          %get3A_233 = arith.index_cast %add3A_189 : i32 to index
          %get3A_234 = arith.constant 48 : index
          %get3A_235 = tpu.vector_load %arg15[%get3A_233, %get3A_234] {strides = array<i32>} : memref<80x256xf32, #tpu.memory_space<vmem>>, vector<16xf32>,
          %add3A_236 = arith.addf %get3A_232, %get3A_235 : vector<16xf32>
          %mul3A_237 = arith.constant 2.000000e-01 : f32
          %mul3A_238 = vector.broadcast %mul3A_237 : f32 to vector<16xf32>
          %mul3A_239 = arith.mulf %mul3A_238, %add3A_236 : vector<16xf32>
          %max3A_240 = arith.maximumf %add3A_236, %mul3A_239 : vector<16xf32>
          %mul3A_241 = arith.mulf %get3A_7, %max3A_240 : vector<16xf32>
          %add3A_242 = arith.addf %add3A_229, %mul3A_241 : vector<16xf32>
          %get3A_243 = arith.index_cast %add3A_189 : i32 to index
          %get3A_244 = arith.constant 64 : index
          %get3A_245 = tpu.vector_load %arg13[%get3A_243, %get3A_244] {strides = array<i32>} : memref<80x128xf32, #tpu.memory_space<vmem>>, vector<16xf32>,
          %get3A_246 = arith.index_cast %add3A_189 : i32 to index
          %get3A_247 = arith.constant 64 : index
          %get3A_248 = tpu.vector_load %arg15[%get3A_246, %get3A_247] {strides = array<i32>} : memref<80x256xf32, #tpu.memory_space<vmem>>, vector<16xf32>,
          %add3A_249 = arith.addf %get3A_245, %get3A_248 : vector<16xf32>
          %mul3A_250 = arith.constant 2.000000e-01 : f32
          %mul3A_251 = vector.broadcast %mul3A_250 : f32 to vector<16xf32>
          %mul3A_252 = arith.mulf %mul3A_251, %add3A_249 : vector<16xf32>
          %max3A_253 = arith.maximumf %add3A_249, %mul3A_252 : vector<16xf32>
          %mul3A_254 = arith.mulf %get3A_9, %max3A_253 : vector<16xf32>
          %add3A_255 = arith.addf %add3A_242, %mul3A_254 : vector<16xf32>
          %get3A_256 = arith.index_cast %add3A_189 : i32 to index
          %get3A_257 = arith.constant 80 : index
          %get3A_258 = tpu.vector_load %arg13[%get3A_256, %get3A_257] {strides = array<i32>} : memref<80x128xf32, #tpu.memory_space<vmem>>, vector<16xf32>,
          %get3A_259 = arith.index_cast %add3A_189 : i32 to index
          %get3A_260 = arith.constant 80 : index
          %get3A_261 = tpu.vector_load %arg15[%get3A_259, %get3A_260] {strides = array<i32>} : memref<80x256xf32, #tpu.memory_space<vmem>>, vector<16xf32>,
          %add3A_262 = arith.addf %get3A_258, %get3A_261 : vector<16xf32>
          %mul3A_263 = arith.constant 2.000000e-01 : f32
          %mul3A_264 = vector.broadcast %mul3A_263 : f32 to vector<16xf32>
          %mul3A_265 = arith.mulf %mul3A_264, %add3A_262 : vector<16xf32>
          %max3A_266 = arith.maximumf %add3A_262, %mul3A_265 : vector<16xf32>
          %mul3A_267 = arith.mulf %get3A_11, %max3A_266 : vector<16xf32>
          %add3A_268 = arith.addf %add3A_255, %mul3A_267 : vector<16xf32>
          %get3A_269 = arith.index_cast %add3A_189 : i32 to index
          %get3A_270 = arith.constant 96 : index
          %get3A_271 = tpu.vector_load %arg13[%get3A_269, %get3A_270] {strides = array<i32>} : memref<80x128xf32, #tpu.memory_space<vmem>>, vector<16xf32>,
          %get3A_272 = arith.index_cast %add3A_189 : i32 to index
          %get3A_273 = arith.constant 96 : index
          %get3A_274 = tpu.vector_load %arg15[%get3A_272, %get3A_273] {strides = array<i32>} : memref<80x256xf32, #tpu.memory_space<vmem>>, vector<16xf32>,
          %add3A_275 = arith.addf %get3A_271, %get3A_274 : vector<16xf32>
          %mul3A_276 = arith.constant 2.000000e-01 : f32
          %mul3A_277 = vector.broadcast %mul3A_276 : f32 to vector<16xf32>
          %mul3A_278 = arith.mulf %mul3A_277, %add3A_275 : vector<16xf32>
          %max3A_279 = arith.maximumf %add3A_275, %mul3A_278 : vector<16xf32>
          %mul3A_280 = arith.mulf %get3A_13, %max3A_279 : vector<16xf32>
          %add3A_281 = arith.addf %add3A_268, %mul3A_280 : vector<16xf32>
          %get3A_282 = arith.index_cast %add3A_189 : i32 to index
          %get3A_283 = arith.constant 112 : index
          %get3A_284 = tpu.vector_load %arg13[%get3A_282, %get3A_283] {strides = array<i32>} : memref<80x128xf32, #tpu.memory_space<vmem>>, vector<16xf32>,
          %get3A_285 = arith.index_cast %add3A_189 : i32 to index
          %get3A_286 = arith.constant 112 : index
          %get3A_287 = tpu.vector_load %arg15[%get3A_285, %get3A_286] {strides = array<i32>} : memref<80x256xf32, #tpu.memory_space<vmem>>, vector<16xf32>,
          %add3A_288 = arith.addf %get3A_284, %get3A_287 : vector<16xf32>
          %mul3A_289 = arith.constant 2.000000e-01 : f32
          %mul3A_290 = vector.broadcast %mul3A_289 : f32 to vector<16xf32>
          %mul3A_291 = arith.mulf %mul3A_290, %add3A_288 : vector<16xf32>
          %max3A_292 = arith.maximumf %add3A_288, %mul3A_291 : vector<16xf32>
          %mul3A_293 = arith.mulf %get3A_15, %max3A_292 : vector<16xf32>
          %add3A_294 = arith.addf %add3A_281, %mul3A_293 : vector<16xf32>
          %get3A_295 = arith.index_cast %add3A_189 : i32 to index
          %get3A_296 = arith.constant 0 : index
          %get3A_297 = tpu.vector_load %arg14[%get3A_295, %get3A_296] {strides = array<i32>} : memref<80x128xf32, #tpu.memory_space<vmem>>, vector<16xf32>,
          %get3A_298 = arith.index_cast %add3A_189 : i32 to index
          %get3A_299 = arith.constant 128 : index
          %get3A_300 = tpu.vector_load %arg15[%get3A_298, %get3A_299] {strides = array<i32>} : memref<80x256xf32, #tpu.memory_space<vmem>>, vector<16xf32>,
          %add3A_301 = arith.addf %get3A_297, %get3A_300 : vector<16xf32>
          %mul3A_302 = arith.constant 2.000000e-01 : f32
          %mul3A_303 = vector.broadcast %mul3A_302 : f32 to vector<16xf32>
          %mul3A_304 = arith.mulf %mul3A_303, %add3A_301 : vector<16xf32>
          %max3A_305 = arith.maximumf %add3A_301, %mul3A_304 : vector<16xf32>
          %mul3A_306 = arith.mulf %get3A_17, %max3A_305 : vector<16xf32>
          %add3A_307 = arith.addf %add3A_294, %mul3A_306 : vector<16xf32>
          %get3A_308 = arith.index_cast %add3A_189 : i32 to index
          %get3A_309 = arith.constant 16 : index
          %get3A_310 = tpu.vector_load %arg14[%get3A_308, %get3A_309] {strides = array<i32>} : memref<80x128xf32, #tpu.memory_space<vmem>>, vector<16xf32>,
          %get3A_311 = arith.index_cast %add3A_189 : i32 to index
          %get3A_312 = arith.constant 144 : index
          %get3A_313 = tpu.vector_load %arg15[%get3A_311, %get3A_312] {strides = array<i32>} : memref<80x256xf32, #tpu.memory_space<vmem>>, vector<16xf32>,
          %add3A_314 = arith.addf %get3A_310, %get3A_313 : vector<16xf32>
          %mul3A_315 = arith.constant 2.000000e-01 : f32
          %mul3A_316 = vector.broadcast %mul3A_315 : f32 to vector<16xf32>
          %mul3A_317 = arith.mulf %mul3A_316, %add3A_314 : vector<16xf32>
          %max3A_318 = arith.maximumf %add3A_314, %mul3A_317 : vector<16xf32>
          %mul3A_319 = arith.mulf %get3A_19, %max3A_318 : vector<16xf32>
          %add3A_320 = arith.addf %add3A_307, %mul3A_319 : vector<16xf32>
          %get3A_321 = arith.index_cast %add3A_189 : i32 to index
          %get3A_322 = arith.constant 32 : index
          %get3A_323 = tpu.vector_load %arg14[%get3A_321, %get3A_322] {strides = array<i32>} : memref<80x128xf32, #tpu.memory_space<vmem>>, vector<16xf32>,
          %get3A_324 = arith.index_cast %add3A_189 : i32 to index
          %get3A_325 = arith.constant 160 : index
          %get3A_326 = tpu.vector_load %arg15[%get3A_324, %get3A_325] {strides = array<i32>} : memref<80x256xf32, #tpu.memory_space<vmem>>, vector<16xf32>,
          %add3A_327 = arith.addf %get3A_323, %get3A_326 : vector<16xf32>
          %mul3A_328 = arith.constant 2.000000e-01 : f32
          %mul3A_329 = vector.broadcast %mul3A_328 : f32 to vector<16xf32>
          %mul3A_330 = arith.mulf %mul3A_329, %add3A_327 : vector<16xf32>
          %max3A_331 = arith.maximumf %add3A_327, %mul3A_330 : vector<16xf32>
          %mul3A_332 = arith.mulf %get3A_21, %max3A_331 : vector<16xf32>
          %add3A_333 = arith.addf %add3A_320, %mul3A_332 : vector<16xf32>
          %get3A_334 = arith.index_cast %add3A_189 : i32 to index
          %get3A_335 = arith.constant 48 : index
          %get3A_336 = tpu.vector_load %arg14[%get3A_334, %get3A_335] {strides = array<i32>} : memref<80x128xf32, #tpu.memory_space<vmem>>, vector<16xf32>,
          %get3A_337 = arith.index_cast %add3A_189 : i32 to index
          %get3A_338 = arith.constant 176 : index
          %get3A_339 = tpu.vector_load %arg15[%get3A_337, %get3A_338] {strides = array<i32>} : memref<80x256xf32, #tpu.memory_space<vmem>>, vector<16xf32>,
          %add3A_340 = arith.addf %get3A_336, %get3A_339 : vector<16xf32>
          %mul3A_341 = arith.constant 2.000000e-01 : f32
          %mul3A_342 = vector.broadcast %mul3A_341 : f32 to vector<16xf32>
          %mul3A_343 = arith.mulf %mul3A_342, %add3A_340 : vector<16xf32>
          %max3A_344 = arith.maximumf %add3A_340, %mul3A_343 : vector<16xf32>
          %mul3A_345 = arith.mulf %get3A_23, %max3A_344 : vector<16xf32>
          %add3A_346 = arith.addf %add3A_333, %mul3A_345 : vector<16xf32>
          %get3A_347 = arith.index_cast %add3A_189 : i32 to index
          %get3A_348 = arith.constant 64 : index
          %get3A_349 = tpu.vector_load %arg14[%get3A_347, %get3A_348] {strides = array<i32>} : memref<80x128xf32, #tpu.memory_space<vmem>>, vector<16xf32>,
          %get3A_350 = arith.index_cast %add3A_189 : i32 to index
          %get3A_351 = arith.constant 192 : index
          %get3A_352 = tpu.vector_load %arg15[%get3A_350, %get3A_351] {strides = array<i32>} : memref<80x256xf32, #tpu.memory_space<vmem>>, vector<16xf32>,
          %add3A_353 = arith.addf %get3A_349, %get3A_352 : vector<16xf32>
          %mul3A_354 = arith.constant 2.000000e-01 : f32
          %mul3A_355 = vector.broadcast %mul3A_354 : f32 to vector<16xf32>
          %mul3A_356 = arith.mulf %mul3A_355, %add3A_353 : vector<16xf32>
          %max3A_357 = arith.maximumf %add3A_353, %mul3A_356 : vector<16xf32>
          %mul3A_358 = arith.mulf %get3A_25, %max3A_357 : vector<16xf32>
          %add3A_359 = arith.addf %add3A_346, %mul3A_358 : vector<16xf32>
          %get3A_360 = arith.index_cast %add3A_189 : i32 to index
          %get3A_361 = arith.constant 80 : index
          %get3A_362 = tpu.vector_load %arg14[%get3A_360, %get3A_361] {strides = array<i32>} : memref<80x128xf32, #tpu.memory_space<vmem>>, vector<16xf32>,
          %get3A_363 = arith.index_cast %add3A_189 : i32 to index
          %get3A_364 = arith.constant 208 : index
          %get3A_365 = tpu.vector_load %arg15[%get3A_363, %get3A_364] {strides = array<i32>} : memref<80x256xf32, #tpu.memory_space<vmem>>, vector<16xf32>,
          %add3A_366 = arith.addf %get3A_362, %get3A_365 : vector<16xf32>
          %mul3A_367 = arith.constant 2.000000e-01 : f32
          %mul3A_368 = vector.broadcast %mul3A_367 : f32 to vector<16xf32>
          %mul3A_369 = arith.mulf %mul3A_368, %add3A_366 : vector<16xf32>
          %max3A_370 = arith.maximumf %add3A_366, %mul3A_369 : vector<16xf32>
          %mul3A_371 = arith.mulf %get3A_27, %max3A_370 : vector<16xf32>
          %add3A_372 = arith.addf %add3A_359, %mul3A_371 : vector<16xf32>
          %get3A_373 = arith.index_cast %add3A_189 : i32 to index
          %get3A_374 = arith.constant 96 : index
          %get3A_375 = tpu.vector_load %arg14[%get3A_373, %get3A_374] {strides = array<i32>} : memref<80x128xf32, #tpu.memory_space<vmem>>, vector<16xf32>,
          %get3A_376 = arith.index_cast %add3A_189 : i32 to index
          %get3A_377 = arith.constant 224 : index
          %get3A_378 = tpu.vector_load %arg15[%get3A_376, %get3A_377] {strides = array<i32>} : memref<80x256xf32, #tpu.memory_space<vmem>>, vector<16xf32>,
          %add3A_379 = arith.addf %get3A_375, %get3A_378 : vector<16xf32>
          %mul3A_380 = arith.constant 2.000000e-01 : f32
          %mul3A_381 = vector.broadcast %mul3A_380 : f32 to vector<16xf32>
          %mul3A_382 = arith.mulf %mul3A_381, %add3A_379 : vector<16xf32>
          %max3A_383 = arith.maximumf %add3A_379, %mul3A_382 : vector<16xf32>
          %mul3A_384 = arith.mulf %get3A_29, %max3A_383 : vector<16xf32>
          %add3A_385 = arith.addf %add3A_372, %mul3A_384 : vector<16xf32>
          %get3A_386 = arith.index_cast %add3A_189 : i32 to index
          %get3A_387 = arith.constant 112 : index
          %get3A_388 = tpu.vector_load %arg14[%get3A_386, %get3A_387] {strides = array<i32>} : memref<80x128xf32, #tpu.memory_space<vmem>>, vector<16xf32>,
          %get3A_389 = arith.index_cast %add3A_189 : i32 to index
          %get3A_390 = arith.constant 240 : index
          %get3A_391 = tpu.vector_load %arg15[%get3A_389, %get3A_390] {strides = array<i32>} : memref<80x256xf32, #tpu.memory_space<vmem>>, vector<16xf32>,
          %add3A_392 = arith.addf %get3A_388, %get3A_391 : vector<16xf32>
          %mul3A_393 = arith.constant 2.000000e-01 : f32
          %mul3A_394 = vector.broadcast %mul3A_393 : f32 to vector<16xf32>
          %mul3A_395 = arith.mulf %mul3A_394, %add3A_392 : vector<16xf32>
          %max3A_396 = arith.maximumf %add3A_392, %mul3A_395 : vector<16xf32>
          %mul3A_397 = arith.mulf %get3A_31, %max3A_396 : vector<16xf32>
          %add3A_398 = arith.addf %add3A_385, %mul3A_397 : vector<16xf32>
          %mul3A_399 = arith.constant 16 : i32
          %mul3A_400 = arith.muli %mul3A_399, %add3A_186 : i32
          %swap3A_401 = arith.index_cast %mul3A_400 : i32 to index
          %swap3A_402 = tpu.vector_load %arg17[%swap3A_401] {strides = array<i32>} : memref<256xf32, #tpu.memory_space<vmem>>, vector<16xf32>,
          tpu.vector_store %arg17[%swap3A_401], %add3A_398 {strides = array<i32>} : memref<256xf32, #tpu.memory_space<vmem>>, vector<16xf32>,
        }
        %scan3A_95 = arith.constant 16 : i32
        %broadcast_in_dim3A = arith.constant 0.000000e+00 : f32
        %broadcast_in_dim3A_96 = vector.broadcast %broadcast_in_dim3A : f32 to vector<16xf32>
        %iota3A = tpu.iota {dimensions = array<i32: 0>} : vector<16xi32>
        %mul3A_97 = arith.constant 16 : i32
        %mul3A_98 = vector.broadcast %mul3A_97 : i32 to vector<16xi32>
        %mul3A_99 = arith.muli %iota3A, %mul3A_98 : vector<16xi32>
        %add3A_100 = arith.constant 0 : i32
        %add3A_101 = vector.broadcast %add3A_100 : i32 to vector<16xi32>
        %add3A_102 = arith.addi %mul3A_99, %add3A_101 : vector<16xi32>
        %gather3A = tpu.vector_load_idx %arg17[%add3A_102] : memref<256xf32, #tpu.memory_space<vmem>>[vector<16xi32>], vector<16xf32>,
        %add3A_103 = arith.addf %broadcast_in_dim3A_96, %gather3A : vector<16xf32>
        %add3A_104 = arith.constant 1 : i32
        %add3A_105 = vector.broadcast %add3A_104 : i32 to vector<16xi32>
        %add3A_106 = arith.addi %mul3A_99, %add3A_105 : vector<16xi32>
        %gather3A_107 = tpu.vector_load_idx %arg17[%add3A_106] : memref<256xf32, #tpu.memory_space<vmem>>[vector<16xi32>], vector<16xf32>,
        %add3A_108 = arith.addf %add3A_103, %gather3A_107 : vector<16xf32>
        %add3A_109 = arith.constant 2 : i32
        %add3A_110 = vector.broadcast %add3A_109 : i32 to vector<16xi32>
        %add3A_111 = arith.addi %mul3A_99, %add3A_110 : vector<16xi32>
        %gather3A_112 = tpu.vector_load_idx %arg17[%add3A_111] : memref<256xf32, #tpu.memory_space<vmem>>[vector<16xi32>], vector<16xf32>,
        %add3A_113 = arith.addf %add3A_108, %gather3A_112 : vector<16xf32>
        %add3A_114 = arith.constant 3 : i32
        %add3A_115 = vector.broadcast %add3A_114 : i32 to vector<16xi32>
        %add3A_116 = arith.addi %mul3A_99, %add3A_115 : vector<16xi32>
        %gather3A_117 = tpu.vector_load_idx %arg17[%add3A_116] : memref<256xf32, #tpu.memory_space<vmem>>[vector<16xi32>], vector<16xf32>,
        %add3A_118 = arith.addf %add3A_113, %gather3A_117 : vector<16xf32>
        %add3A_119 = arith.constant 4 : i32
        %add3A_120 = vector.broadcast %add3A_119 : i32 to vector<16xi32>
        %add3A_121 = arith.addi %mul3A_99, %add3A_120 : vector<16xi32>
        %gather3A_122 = tpu.vector_load_idx %arg17[%add3A_121] : memref<256xf32, #tpu.memory_space<vmem>>[vector<16xi32>], vector<16xf32>,
        %add3A_123 = arith.addf %add3A_118, %gather3A_122 : vector<16xf32>
        %add3A_124 = arith.constant 5 : i32
        %add3A_125 = vector.broadcast %add3A_124 : i32 to vector<16xi32>
        %add3A_126 = arith.addi %mul3A_99, %add3A_125 : vector<16xi32>
        %gather3A_127 = tpu.vector_load_idx %arg17[%add3A_126] : memref<256xf32, #tpu.memory_space<vmem>>[vector<16xi32>], vector<16xf32>,
        %add3A_128 = arith.addf %add3A_123, %gather3A_127 : vector<16xf32>
        %add3A_129 = arith.constant 6 : i32
        %add3A_130 = vector.broadcast %add3A_129 : i32 to vector<16xi32>
        %add3A_131 = arith.addi %mul3A_99, %add3A_130 : vector<16xi32>
        %gather3A_132 = tpu.vector_load_idx %arg17[%add3A_131] : memref<256xf32, #tpu.memory_space<vmem>>[vector<16xi32>], vector<16xf32>,
        %add3A_133 = arith.addf %add3A_128, %gather3A_132 : vector<16xf32>
        %add3A_134 = arith.constant 7 : i32
        %add3A_135 = vector.broadcast %add3A_134 : i32 to vector<16xi32>
        %add3A_136 = arith.addi %mul3A_99, %add3A_135 : vector<16xi32>
        %gather3A_137 = tpu.vector_load_idx %arg17[%add3A_136] : memref<256xf32, #tpu.memory_space<vmem>>[vector<16xi32>], vector<16xf32>,
        %add3A_138 = arith.addf %add3A_133, %gather3A_137 : vector<16xf32>
        %add3A_139 = arith.constant 8 : i32
        %add3A_140 = vector.broadcast %add3A_139 : i32 to vector<16xi32>
        %add3A_141 = arith.addi %mul3A_99, %add3A_140 : vector<16xi32>
        %gather3A_142 = tpu.vector_load_idx %arg17[%add3A_141] : memref<256xf32, #tpu.memory_space<vmem>>[vector<16xi32>], vector<16xf32>,
        %add3A_143 = arith.addf %add3A_138, %gather3A_142 : vector<16xf32>
        %add3A_144 = arith.constant 9 : i32
        %add3A_145 = vector.broadcast %add3A_144 : i32 to vector<16xi32>
        %add3A_146 = arith.addi %mul3A_99, %add3A_145 : vector<16xi32>
        %gather3A_147 = tpu.vector_load_idx %arg17[%add3A_146] : memref<256xf32, #tpu.memory_space<vmem>>[vector<16xi32>], vector<16xf32>,
        %add3A_148 = arith.addf %add3A_143, %gather3A_147 : vector<16xf32>
        %add3A_149 = arith.constant 10 : i32
        %add3A_150 = vector.broadcast %add3A_149 : i32 to vector<16xi32>
        %add3A_151 = arith.addi %mul3A_99, %add3A_150 : vector<16xi32>
        %gather3A_152 = tpu.vector_load_idx %arg17[%add3A_151] : memref<256xf32, #tpu.memory_space<vmem>>[vector<16xi32>], vector<16xf32>,
        %add3A_153 = arith.addf %add3A_148, %gather3A_152 : vector<16xf32>
        %add3A_154 = arith.constant 11 : i32
        %add3A_155 = vector.broadcast %add3A_154 : i32 to vector<16xi32>
        %add3A_156 = arith.addi %mul3A_99, %add3A_155 : vector<16xi32>
        %gather3A_157 = tpu.vector_load_idx %arg17[%add3A_156] : memref<256xf32, #tpu.memory_space<vmem>>[vector<16xi32>], vector<16xf32>,
        %add3A_158 = arith.addf %add3A_153, %gather3A_157 : vector<16xf32>
        %add3A_159 = arith.constant 12 : i32
        %add3A_160 = vector.broadcast %add3A_159 : i32 to vector<16xi32>
        %add3A_161 = arith.addi %mul3A_99, %add3A_160 : vector<16xi32>
        %gather3A_162 = tpu.vector_load_idx %arg17[%add3A_161] : memref<256xf32, #tpu.memory_space<vmem>>[vector<16xi32>], vector<16xf32>,
        %add3A_163 = arith.addf %add3A_158, %gather3A_162 : vector<16xf32>
        %add3A_164 = arith.constant 13 : i32
        %add3A_165 = vector.broadcast %add3A_164 : i32 to vector<16xi32>
        %add3A_166 = arith.addi %mul3A_99, %add3A_165 : vector<16xi32>
        %gather3A_167 = tpu.vector_load_idx %arg17[%add3A_166] : memref<256xf32, #tpu.memory_space<vmem>>[vector<16xi32>], vector<16xf32>,
        %add3A_168 = arith.addf %add3A_163, %gather3A_167 : vector<16xf32>
        %add3A_169 = arith.constant 14 : i32
        %add3A_170 = vector.broadcast %add3A_169 : i32 to vector<16xi32>
        %add3A_171 = arith.addi %mul3A_99, %add3A_170 : vector<16xi32>
        %gather3A_172 = tpu.vector_load_idx %arg17[%add3A_171] : memref<256xf32, #tpu.memory_space<vmem>>[vector<16xi32>], vector<16xf32>,
        %add3A_173 = arith.addf %add3A_168, %gather3A_172 : vector<16xf32>
        %add3A_174 = arith.constant 15 : i32
        %add3A_175 = vector.broadcast %add3A_174 : i32 to vector<16xi32>
        %add3A_176 = arith.addi %mul3A_99, %add3A_175 : vector<16xi32>
        %gather3A_177 = tpu.vector_load_idx %arg17[%add3A_176] : memref<256xf32, #tpu.memory_space<vmem>>[vector<16xi32>], vector<16xf32>,
        %add3A_178 = arith.addf %add3A_173, %gather3A_177 : vector<16xf32>
        %exp3A = math.exp %add3A_178 : vector<16xf32>
        %mul3A_179 = arith.constant 16 : i32
        %mul3A_180 = arith.muli %mul3A_179, %add3A_90 : i32
        %swap3A = arith.index_cast %mul3A_180 : i32 to index
        %swap3A_181 = tpu.vector_load %arg16[%swap3A] {strides = array<i32>} : memref<80xf32, #tpu.memory_space<vmem>>, vector<16xf32>,
        tpu.vector_store %arg16[%swap3A], %exp3A {strides = array<i32>} : memref<80xf32, #tpu.memory_space<vmem>>, vector<16xf32>,
      }
      %scan3A_80 = arith.constant 5 : i32
      "tpu.region"() ({
        %run_scoped3A = tpu.sem_alloc : memref<!tpu.dma_semaphore, #tpu.memory_space<semaphore_mem>>
        %dma_start3A = tpu.memref_slice %arg8[%add3A_75] : memref<320000xf32, #tpu.memory_space<hbm>> -> memref<80xf32, #tpu.memory_space<hbm>>
        %dma_start3A_86 = tpu.memref_slice %arg8[%add3A_75] : memref<320000xf32, #tpu.memory_space<hbm>> -> memref<80xf32, #tpu.memory_space<hbm>>
        tpu.enqueue_dma source(%arg16 : memref<80xf32, #tpu.memory_space<vmem>>) target(%dma_start3A_86 : memref<80xf32, #tpu.memory_space<hbm>>) target_semaphore(%run_scoped3A : memref<!tpu.dma_semaphore, #tpu.memory_space<semaphore_mem>>)
        %dma_wait3A = tpu.memref_slice %arg8[%add3A_75] : memref<320000xf32, #tpu.memory_space<hbm>> -> memref<80xf32, #tpu.memory_space<hbm>>
        %dma_wait3A_87 = tpu.memref_slice %arg8[%add3A_75] : memref<320000xf32, #tpu.memory_space<hbm>> -> memref<80xf32, #tpu.memory_space<hbm>>
        tpu.wait_dma2 semaphore(%run_scoped3A : memref<!tpu.dma_semaphore, #tpu.memory_space<semaphore_mem>>) src(%arg16 : memref<80xf32, #tpu.memory_space<vmem>>) dst(%dma_wait3A_87 : memref<80xf32, #tpu.memory_space<hbm>>)
        tpu.yield
      }) : () -> ()
      "tpu.region"() ({
        %run_scoped3A = tpu.sem_alloc : memref<!tpu.dma_semaphore, #tpu.memory_space<semaphore_mem>>
        %dma_start3A = arith.constant 0 : i32
        %dma_start3A_86 = tpu.memref_slice %arg21[%dma_start3A] : memref<10240xf32, #tpu.memory_space<vmem_shared>> -> memref<10240xf32, #tpu.memory_space<vmem_shared>>
        tpu.enqueue_indirect_dma source(%arg16 : memref<80xf32, #tpu.memory_space<vmem>>) target(%dma_start3A_86 : memref<10240xf32, #tpu.memory_space<vmem_shared>>) offsets(%arg12 : memref<80xi32, #tpu.memory_space<vmem>>) semaphore(%run_scoped3A : memref<!tpu.dma_semaphore, #tpu.memory_space<semaphore_mem>>) {add = true}
        %dma_wait3A = arith.constant 0 : i32
        %dma_wait3A_87 = tpu.memref_slice %arg21[%dma_wait3A] : memref<10240xf32, #tpu.memory_space<vmem_shared>> -> memref<10240xf32, #tpu.memory_space<vmem_shared>>
        tpu.wait_indirect_dma semaphore(%run_scoped3A : memref<!tpu.dma_semaphore, #tpu.memory_space<semaphore_mem>>) src(%arg16 : memref<80xf32, #tpu.memory_space<vmem>>) dst(%dma_wait3A_87 : memref<10240xf32, #tpu.memory_space<vmem_shared>>)
        tpu.yield
      }) : () -> ()
      %scan3A_81 = arith.constant 0 : i32
      %scan3A_82 = arith.constant 80 : i32
      %scan3A_83 = arith.addi %scan3A_81, %scan3A_82 : i32
      %scan3A_84 = arith.constant 1 : i32
      scf.for %scan3A_86 = %scan3A_81 to %scan3A_83 step %scan3A_84  : i32 {
        %mul3A_87 = arith.constant 1 : i32
        %mul3A_88 = arith.muli %scan3A_86, %mul3A_87 : i32
        %add3A_89 = arith.constant 0 : i32
        %add3A_90 = arith.addi %add3A_89, %mul3A_88 : i32
        %broadcast_in_dim3A = vector.broadcast %add3A_90 : i32 to vector<16xi32>
        %gather3A = tpu.vector_load_idx %arg16[%broadcast_in_dim3A] : memref<80xf32, #tpu.memory_space<vmem>>[vector<16xi32>], vector<16xf32>,
        %get3A_91 = arith.index_cast %add3A_90 : i32 to index
        %get3A_92 = arith.constant 0 : index
        %get3A_93 = tpu.vector_load %arg13[%get3A_91, %get3A_92] {strides = array<i32>} : memref<80x128xf32, #tpu.memory_space<vmem>>, vector<16xf32>,
        %mul3A_94 = arith.mulf %get3A_93, %gather3A : vector<16xf32>
        %swap3A = arith.index_cast %add3A_90 : i32 to index
        %swap3A_95 = arith.constant 0 : index
        %swap3A_96 = tpu.vector_load %arg13[%swap3A, %swap3A_95] {strides = array<i32>} : memref<80x128xf32, #tpu.memory_space<vmem>>, vector<16xf32>,
        tpu.vector_store %arg13[%swap3A, %swap3A_95], %mul3A_94 {strides = array<i32>} : memref<80x128xf32, #tpu.memory_space<vmem>>, vector<16xf32>,
        %get3A_97 = arith.index_cast %add3A_90 : i32 to index
        %get3A_98 = arith.constant 16 : index
        %get3A_99 = tpu.vector_load %arg13[%get3A_97, %get3A_98] {strides = array<i32>} : memref<80x128xf32, #tpu.memory_space<vmem>>, vector<16xf32>,
        %mul3A_100 = arith.mulf %get3A_99, %gather3A : vector<16xf32>
        %swap3A_101 = arith.index_cast %add3A_90 : i32 to index
        %swap3A_102 = arith.constant 16 : index
        %swap3A_103 = tpu.vector_load %arg13[%swap3A_101, %swap3A_102] {strides = array<i32>} : memref<80x128xf32, #tpu.memory_space<vmem>>, vector<16xf32>,
        tpu.vector_store %arg13[%swap3A_101, %swap3A_102], %mul3A_100 {strides = array<i32>} : memref<80x128xf32, #tpu.memory_space<vmem>>, vector<16xf32>,
        %get3A_104 = arith.index_cast %add3A_90 : i32 to index
        %get3A_105 = arith.constant 32 : index
        %get3A_106 = tpu.vector_load %arg13[%get3A_104, %get3A_105] {strides = array<i32>} : memref<80x128xf32, #tpu.memory_space<vmem>>, vector<16xf32>,
        %mul3A_107 = arith.mulf %get3A_106, %gather3A : vector<16xf32>
        %swap3A_108 = arith.index_cast %add3A_90 : i32 to index
        %swap3A_109 = arith.constant 32 : index
        %swap3A_110 = tpu.vector_load %arg13[%swap3A_108, %swap3A_109] {strides = array<i32>} : memref<80x128xf32, #tpu.memory_space<vmem>>, vector<16xf32>,
        tpu.vector_store %arg13[%swap3A_108, %swap3A_109], %mul3A_107 {strides = array<i32>} : memref<80x128xf32, #tpu.memory_space<vmem>>, vector<16xf32>,
        %get3A_111 = arith.index_cast %add3A_90 : i32 to index
        %get3A_112 = arith.constant 48 : index
        %get3A_113 = tpu.vector_load %arg13[%get3A_111, %get3A_112] {strides = array<i32>} : memref<80x128xf32, #tpu.memory_space<vmem>>, vector<16xf32>,
        %mul3A_114 = arith.mulf %get3A_113, %gather3A : vector<16xf32>
        %swap3A_115 = arith.index_cast %add3A_90 : i32 to index
        %swap3A_116 = arith.constant 48 : index
        %swap3A_117 = tpu.vector_load %arg13[%swap3A_115, %swap3A_116] {strides = array<i32>} : memref<80x128xf32, #tpu.memory_space<vmem>>, vector<16xf32>,
        tpu.vector_store %arg13[%swap3A_115, %swap3A_116], %mul3A_114 {strides = array<i32>} : memref<80x128xf32, #tpu.memory_space<vmem>>, vector<16xf32>,
        %get3A_118 = arith.index_cast %add3A_90 : i32 to index
        %get3A_119 = arith.constant 64 : index
        %get3A_120 = tpu.vector_load %arg13[%get3A_118, %get3A_119] {strides = array<i32>} : memref<80x128xf32, #tpu.memory_space<vmem>>, vector<16xf32>,
        %mul3A_121 = arith.mulf %get3A_120, %gather3A : vector<16xf32>
        %swap3A_122 = arith.index_cast %add3A_90 : i32 to index
        %swap3A_123 = arith.constant 64 : index
        %swap3A_124 = tpu.vector_load %arg13[%swap3A_122, %swap3A_123] {strides = array<i32>} : memref<80x128xf32, #tpu.memory_space<vmem>>, vector<16xf32>,
        tpu.vector_store %arg13[%swap3A_122, %swap3A_123], %mul3A_121 {strides = array<i32>} : memref<80x128xf32, #tpu.memory_space<vmem>>, vector<16xf32>,
        %get3A_125 = arith.index_cast %add3A_90 : i32 to index
        %get3A_126 = arith.constant 80 : index
        %get3A_127 = tpu.vector_load %arg13[%get3A_125, %get3A_126] {strides = array<i32>} : memref<80x128xf32, #tpu.memory_space<vmem>>, vector<16xf32>,
        %mul3A_128 = arith.mulf %get3A_127, %gather3A : vector<16xf32>
        %swap3A_129 = arith.index_cast %add3A_90 : i32 to index
        %swap3A_130 = arith.constant 80 : index
        %swap3A_131 = tpu.vector_load %arg13[%swap3A_129, %swap3A_130] {strides = array<i32>} : memref<80x128xf32, #tpu.memory_space<vmem>>, vector<16xf32>,
        tpu.vector_store %arg13[%swap3A_129, %swap3A_130], %mul3A_128 {strides = array<i32>} : memref<80x128xf32, #tpu.memory_space<vmem>>, vector<16xf32>,
        %get3A_132 = arith.index_cast %add3A_90 : i32 to index
        %get3A_133 = arith.constant 96 : index
        %get3A_134 = tpu.vector_load %arg13[%get3A_132, %get3A_133] {strides = array<i32>} : memref<80x128xf32, #tpu.memory_space<vmem>>, vector<16xf32>,
        %mul3A_135 = arith.mulf %get3A_134, %gather3A : vector<16xf32>
        %swap3A_136 = arith.index_cast %add3A_90 : i32 to index
        %swap3A_137 = arith.constant 96 : index
        %swap3A_138 = tpu.vector_load %arg13[%swap3A_136, %swap3A_137] {strides = array<i32>} : memref<80x128xf32, #tpu.memory_space<vmem>>, vector<16xf32>,
        tpu.vector_store %arg13[%swap3A_136, %swap3A_137], %mul3A_135 {strides = array<i32>} : memref<80x128xf32, #tpu.memory_space<vmem>>, vector<16xf32>,
        %get3A_139 = arith.index_cast %add3A_90 : i32 to index
        %get3A_140 = arith.constant 112 : index
        %get3A_141 = tpu.vector_load %arg13[%get3A_139, %get3A_140] {strides = array<i32>} : memref<80x128xf32, #tpu.memory_space<vmem>>, vector<16xf32>,
        %mul3A_142 = arith.mulf %get3A_141, %gather3A : vector<16xf32>
        %swap3A_143 = arith.index_cast %add3A_90 : i32 to index
        %swap3A_144 = arith.constant 112 : index
        %swap3A_145 = tpu.vector_load %arg13[%swap3A_143, %swap3A_144] {strides = array<i32>} : memref<80x128xf32, #tpu.memory_space<vmem>>, vector<16xf32>,
        tpu.vector_store %arg13[%swap3A_143, %swap3A_144], %mul3A_142 {strides = array<i32>} : memref<80x128xf32, #tpu.memory_space<vmem>>, vector<16xf32>,
      }
      %scan3A_85 = arith.constant 80 : i32
      "tpu.region"() ({
        %run_scoped3A = tpu.sem_alloc : memref<!tpu.dma_semaphore, #tpu.memory_space<semaphore_mem>>
        %dma_start3A = arith.constant 0 : i32
        %dma_start3A_86 = arith.constant 0 : i32
        %dma_start3A_87 = tpu.memref_slice %arg20[%dma_start3A, %dma_start3A_86] : memref<10240x128xf32, #tpu.memory_space<vmem_shared>> -> memref<10240x128xf32, #tpu.memory_space<vmem_shared>>
        tpu.enqueue_indirect_dma source(%arg13 : memref<80x128xf32, #tpu.memory_space<vmem>>) target(%dma_start3A_87 : memref<10240x128xf32, #tpu.memory_space<vmem_shared>>) offsets(%arg12 : memref<80xi32, #tpu.memory_space<vmem>>) semaphore(%run_scoped3A : memref<!tpu.dma_semaphore, #tpu.memory_space<semaphore_mem>>) {add = true}
        %dma_wait3A = arith.constant 0 : i32
        %dma_wait3A_88 = arith.constant 0 : i32
        %dma_wait3A_89 = tpu.memref_slice %arg20[%dma_wait3A, %dma_wait3A_88] : memref<10240x128xf32, #tpu.memory_space<vmem_shared>> -> memref<10240x128xf32, #tpu.memory_space<vmem_shared>>
        tpu.wait_indirect_dma semaphore(%run_scoped3A : memref<!tpu.dma_semaphore, #tpu.memory_space<semaphore_mem>>) src(%arg13 : memref<80x128xf32, #tpu.memory_space<vmem>>) dst(%dma_wait3A_89 : memref<10240x128xf32, #tpu.memory_space<vmem_shared>>)
        tpu.yield
      }) : () -> ()
    }
    %scan3A_52 = arith.constant 125 : i32
    %barrier3A_53 = arith.constant 0 : index
    tpu.barrier barrier_id(%barrier3A_53)
    %scan3A_54 = arith.constant 0 : i32
    %scan3A_55 = arith.constant 8 : i32
    %scan3A_56 = arith.addi %scan3A_54, %scan3A_55 : i32
    %scan3A_57 = arith.constant 1 : i32
    scf.for %scan3A_66 = %scan3A_54 to %scan3A_56 step %scan3A_57  : i32 {
      %mul3A_67 = arith.constant 1 : i32
      %mul3A_68 = arith.muli %scan3A_66, %mul3A_67 : i32
      %add3A_69 = arith.constant 0 : i32
      %add3A_70 = arith.addi %add3A_69, %mul3A_68 : i32
      %mul3A_71 = arith.constant 640 : i32
      %mul3A_72 = arith.muli %mul3A_71, %arg1 : i32
      %mul3A_73 = arith.constant 80 : i32
      %mul3A_74 = arith.muli %mul3A_73, %add3A_70 : i32
      %add3A_75 = arith.addi %mul3A_72, %mul3A_74 : i32
      "tpu.region"() ({
        %run_scoped3A = tpu.sem_alloc : memref<!tpu.dma_semaphore, #tpu.memory_space<semaphore_mem>>
        %dma_start3A = arith.constant 0 : i32
        %dma_start3A_76 = tpu.memref_slice %arg20[%add3A_75, %dma_start3A] : memref<10240x128xf32, #tpu.memory_space<vmem_shared>> -> memref<80x128xf32, #tpu.memory_space<vmem_shared>>
        %dma_start3A_77 = arith.constant 0 : i32
        %dma_start3A_78 = tpu.memref_slice %arg20[%add3A_75, %dma_start3A_77] : memref<10240x128xf32, #tpu.memory_space<vmem_shared>> -> memref<80x128xf32, #tpu.memory_space<vmem_shared>>
        tpu.enqueue_dma source(%dma_start3A_78 : memref<80x128xf32, #tpu.memory_space<vmem_shared>>) target(%arg13 : memref<80x128xf32, #tpu.memory_space<vmem>>) target_semaphore(%run_scoped3A : memref<!tpu.dma_semaphore, #tpu.memory_space<semaphore_mem>>)
        %dma_wait3A = arith.constant 0 : i32
        %dma_wait3A_79 = tpu.memref_slice %arg20[%add3A_75, %dma_wait3A] : memref<10240x128xf32, #tpu.memory_space<vmem_shared>> -> memref<80x128xf32, #tpu.memory_space<vmem_shared>>
        %dma_wait3A_80 = arith.constant 0 : i32
        %dma_wait3A_81 = tpu.memref_slice %arg20[%add3A_75, %dma_wait3A_80] : memref<10240x128xf32, #tpu.memory_space<vmem_shared>> -> memref<80x128xf32, #tpu.memory_space<vmem_shared>>
        tpu.wait_dma2 semaphore(%run_scoped3A : memref<!tpu.dma_semaphore, #tpu.memory_space<semaphore_mem>>) src(%dma_wait3A_81 : memref<80x128xf32, #tpu.memory_space<vmem_shared>>) dst(%arg13 : memref<80x128xf32, #tpu.memory_space<vmem>>)
        tpu.yield
      }) : () -> ()
      "tpu.region"() ({
        %run_scoped3A = tpu.sem_alloc : memref<!tpu.dma_semaphore, #tpu.memory_space<semaphore_mem>>
        %dma_start3A = arith.constant 0 : i32
        %dma_start3A_76 = tpu.memref_slice %arg9[%arg0, %add3A_75, %dma_start3A] : memref<2x10240x128xf32, #tpu.memory_space<hbm>> -> memref<1x80x128xf32, #tpu.memory_space<hbm>>
        %dma_start3A_77 = tpu.memref_squeeze %dma_start3A_76 : memref<1x80x128xf32, #tpu.memory_space<hbm>> -> memref<80x128xf32, #tpu.memory_space<hbm>>
        %dma_start3A_78 = arith.constant 0 : i32
        %dma_start3A_79 = tpu.memref_slice %arg9[%arg0, %add3A_75, %dma_start3A_78] : memref<2x10240x128xf32, #tpu.memory_space<hbm>> -> memref<1x80x128xf32, #tpu.memory_space<hbm>>
        %dma_start3A_80 = tpu.memref_squeeze %dma_start3A_79 : memref<1x80x128xf32, #tpu.memory_space<hbm>> -> memref<80x128xf32, #tpu.memory_space<hbm>>
        tpu.enqueue_dma source(%arg13 : memref<80x128xf32, #tpu.memory_space<vmem>>) target(%dma_start3A_80 : memref<80x128xf32, #tpu.memory_space<hbm>>) target_semaphore(%run_scoped3A : memref<!tpu.dma_semaphore, #tpu.memory_space<semaphore_mem>>)
        %dma_wait3A = arith.constant 0 : i32
        %dma_wait3A_81 = tpu.memref_slice %arg9[%arg0, %add3A_75, %dma_wait3A] : memref<2x10240x128xf32, #tpu.memory_space<hbm>> -> memref<1x80x128xf32, #tpu.memory_space<hbm>>
        %dma_wait3A_82 = tpu.memref_squeeze %dma_wait3A_81 : memref<1x80x128xf32, #tpu.memory_space<hbm>> -> memref<80x128xf32, #tpu.memory_space<hbm>>
        %dma_wait3A_83 = arith.constant 0 : i32
        %dma_wait3A_84 = tpu.memref_slice %arg9[%arg0, %add3A_75, %dma_wait3A_83] : memref<2x10240x128xf32, #tpu.memory_space<hbm>> -> memref<1x80x128xf32, #tpu.memory_space<hbm>>
        %dma_wait3A_85 = tpu.memref_squeeze %dma_wait3A_84 : memref<1x80x128xf32, #tpu.memory_space<hbm>> -> memref<80x128xf32, #tpu.memory_space<hbm>>
        tpu.wait_dma2 semaphore(%run_scoped3A : memref<!tpu.dma_semaphore, #tpu.memory_space<semaphore_mem>>) src(%arg13 : memref<80x128xf32, #tpu.memory_space<vmem>>) dst(%dma_wait3A_85 : memref<80x128xf32, #tpu.memory_space<hbm>>)
        tpu.yield
      }) : () -> ()
    }
    %scan3A_58 = arith.constant 8 : i32
    %mul3A_59 = arith.constant 640 : i32
    %mul3A_60 = arith.muli %mul3A_59, %arg1 : i32
    "tpu.region"() ({
      %run_scoped3A = tpu.sem_alloc : memref<!tpu.dma_semaphore, #tpu.memory_space<semaphore_mem>>
      %dma_start3A = tpu.memref_slice %arg21[%mul3A_60] : memref<10240xf32, #tpu.memory_space<vmem_shared>> -> memref<640xf32, #tpu.memory_space<vmem_shared>>
      %dma_start3A_66 = tpu.memref_slice %arg21[%mul3A_60] : memref<10240xf32, #tpu.memory_space<vmem_shared>> -> memref<640xf32, #tpu.memory_space<vmem_shared>>
      tpu.enqueue_dma source(%dma_start3A_66 : memref<640xf32, #tpu.memory_space<vmem_shared>>) target(%arg19 : memref<640xf32, #tpu.memory_space<vmem>>) target_semaphore(%run_scoped3A : memref<!tpu.dma_semaphore, #tpu.memory_space<semaphore_mem>>)
      %dma_wait3A = tpu.memref_slice %arg21[%mul3A_60] : memref<10240xf32, #tpu.memory_space<vmem_shared>> -> memref<640xf32, #tpu.memory_space<vmem_shared>>
      %dma_wait3A_67 = tpu.memref_slice %arg21[%mul3A_60] : memref<10240xf32, #tpu.memory_space<vmem_shared>> -> memref<640xf32, #tpu.memory_space<vmem_shared>>
      tpu.wait_dma2 semaphore(%run_scoped3A : memref<!tpu.dma_semaphore, #tpu.memory_space<semaphore_mem>>) src(%dma_wait3A_67 : memref<640xf32, #tpu.memory_space<vmem_shared>>) dst(%arg19 : memref<640xf32, #tpu.memory_space<vmem>>)
      tpu.yield
    }) : () -> ()
    %scan3A_61 = arith.constant 0 : i32
    %scan3A_62 = arith.constant 8 : i32
    %scan3A_63 = arith.addi %scan3A_61, %scan3A_62 : i32
    %scan3A_64 = arith.constant 1 : i32
    scf.for %scan3A_66 = %scan3A_61 to %scan3A_63 step %scan3A_64  : i32 {
      %mul3A_67 = arith.constant 1 : i32
      %mul3A_68 = arith.muli %scan3A_66, %mul3A_67 : i32
      %add3A_69 = arith.constant 0 : i32
      %add3A_70 = arith.addi %add3A_69, %mul3A_68 : i32
      %scan3A_71 = arith.constant 0 : i32
      %scan3A_72 = arith.constant 80 : i32
      %scan3A_73 = arith.addi %scan3A_71, %scan3A_72 : i32
      %scan3A_74 = arith.constant 1 : i32
      scf.for %scan3A_81 = %scan3A_71 to %scan3A_73 step %scan3A_74  : i32 {
        %mul3A_82 = arith.constant 1 : i32
        %mul3A_83 = arith.muli %scan3A_81, %mul3A_82 : i32
        %add3A_84 = arith.constant 0 : i32
        %add3A_85 = arith.addi %add3A_84, %mul3A_83 : i32
        %mul3A_86 = arith.constant 80 : i32
        %mul3A_87 = arith.muli %mul3A_86, %add3A_70 : i32
        %add3A_88 = arith.addi %mul3A_87, %add3A_85 : i32
        %broadcast_in_dim3A = vector.broadcast %add3A_88 : i32 to vector<16xi32>
        %gather3A = tpu.vector_load_idx %arg19[%broadcast_in_dim3A] : memref<640xf32, #tpu.memory_space<vmem>>[vector<16xi32>], vector<16xf32>,
        %swap3A = arith.index_cast %add3A_85 : i32 to index
        %swap3A_89 = arith.constant 0 : index
        %swap3A_90 = tpu.vector_load %arg13[%swap3A, %swap3A_89] {strides = array<i32>} : memref<80x128xf32, #tpu.memory_space<vmem>>, vector<16xf32>,
        tpu.vector_store %arg13[%swap3A, %swap3A_89], %gather3A {strides = array<i32>} : memref<80x128xf32, #tpu.memory_space<vmem>>, vector<16xf32>,
        %swap3A_91 = arith.index_cast %add3A_85 : i32 to index
        %swap3A_92 = arith.constant 16 : index
        %swap3A_93 = tpu.vector_load %arg13[%swap3A_91, %swap3A_92] {strides = array<i32>} : memref<80x128xf32, #tpu.memory_space<vmem>>, vector<16xf32>,
        tpu.vector_store %arg13[%swap3A_91, %swap3A_92], %gather3A {strides = array<i32>} : memref<80x128xf32, #tpu.memory_space<vmem>>, vector<16xf32>,
        %swap3A_94 = arith.index_cast %add3A_85 : i32 to index
        %swap3A_95 = arith.constant 32 : index
        %swap3A_96 = tpu.vector_load %arg13[%swap3A_94, %swap3A_95] {strides = array<i32>} : memref<80x128xf32, #tpu.memory_space<vmem>>, vector<16xf32>,
        tpu.vector_store %arg13[%swap3A_94, %swap3A_95], %gather3A {strides = array<i32>} : memref<80x128xf32, #tpu.memory_space<vmem>>, vector<16xf32>,
        %swap3A_97 = arith.index_cast %add3A_85 : i32 to index
        %swap3A_98 = arith.constant 48 : index
        %swap3A_99 = tpu.vector_load %arg13[%swap3A_97, %swap3A_98] {strides = array<i32>} : memref<80x128xf32, #tpu.memory_space<vmem>>, vector<16xf32>,
        tpu.vector_store %arg13[%swap3A_97, %swap3A_98], %gather3A {strides = array<i32>} : memref<80x128xf32, #tpu.memory_space<vmem>>, vector<16xf32>,
        %swap3A_100 = arith.index_cast %add3A_85 : i32 to index
        %swap3A_101 = arith.constant 64 : index
        %swap3A_102 = tpu.vector_load %arg13[%swap3A_100, %swap3A_101] {strides = array<i32>} : memref<80x128xf32, #tpu.memory_space<vmem>>, vector<16xf32>,
        tpu.vector_store %arg13[%swap3A_100, %swap3A_101], %gather3A {strides = array<i32>} : memref<80x128xf32, #tpu.memory_space<vmem>>, vector<16xf32>,
        %swap3A_103 = arith.index_cast %add3A_85 : i32 to index
        %swap3A_104 = arith.constant 80 : index
        %swap3A_105 = tpu.vector_load %arg13[%swap3A_103, %swap3A_104] {strides = array<i32>} : memref<80x128xf32, #tpu.memory_space<vmem>>, vector<16xf32>,
        tpu.vector_store %arg13[%swap3A_103, %swap3A_104], %gather3A {strides = array<i32>} : memref<80x128xf32, #tpu.memory_space<vmem>>, vector<16xf32>,
        %swap3A_106 = arith.index_cast %add3A_85 : i32 to index
        %swap3A_107 = arith.constant 96 : index
        %swap3A_108 = tpu.vector_load %arg13[%swap3A_106, %swap3A_107] {strides = array<i32>} : memref<80x128xf32, #tpu.memory_space<vmem>>, vector<16xf32>,
        tpu.vector_store %arg13[%swap3A_106, %swap3A_107], %gather3A {strides = array<i32>} : memref<80x128xf32, #tpu.memory_space<vmem>>, vector<16xf32>,
        %swap3A_109 = arith.index_cast %add3A_85 : i32 to index
        %swap3A_110 = arith.constant 112 : index
        %swap3A_111 = tpu.vector_load %arg13[%swap3A_109, %swap3A_110] {strides = array<i32>} : memref<80x128xf32, #tpu.memory_space<vmem>>, vector<16xf32>,
        tpu.vector_store %arg13[%swap3A_109, %swap3A_110], %gather3A {strides = array<i32>} : memref<80x128xf32, #tpu.memory_space<vmem>>, vector<16xf32>,
      }
      %scan3A_75 = arith.constant 80 : i32
      %mul3A_76 = arith.constant 640 : i32
      %mul3A_77 = arith.muli %mul3A_76, %arg1 : i32
      %mul3A_78 = arith.constant 80 : i32
      %mul3A_79 = arith.muli %mul3A_78, %add3A_70 : i32
      %add3A_80 = arith.addi %mul3A_77, %mul3A_79 : i32
      "tpu.region"() ({
        %run_scoped3A = tpu.sem_alloc : memref<!tpu.dma_semaphore, #tpu.memory_space<semaphore_mem>>
        %dma_start3A = arith.constant 0 : i32
        %dma_start3A_81 = tpu.memref_slice %arg10[%arg0, %add3A_80, %dma_start3A] : memref<2x10240x128xf32, #tpu.memory_space<hbm>> -> memref<1x80x128xf32, #tpu.memory_space<hbm>>
        %dma_start3A_82 = tpu.memref_squeeze %dma_start3A_81 : memref<1x80x128xf32, #tpu.memory_space<hbm>> -> memref<80x128xf32, #tpu.memory_space<hbm>>
        %dma_start3A_83 = arith.constant 0 : i32
        %dma_start3A_84 = tpu.memref_slice %arg10[%arg0, %add3A_80, %dma_start3A_83] : memref<2x10240x128xf32, #tpu.memory_space<hbm>> -> memref<1x80x128xf32, #tpu.memory_space<hbm>>
        %dma_start3A_85 = tpu.memref_squeeze %dma_start3A_84 : memref<1x80x128xf32, #tpu.memory_space<hbm>> -> memref<80x128xf32, #tpu.memory_space<hbm>>
        tpu.enqueue_dma source(%arg13 : memref<80x128xf32, #tpu.memory_space<vmem>>) target(%dma_start3A_85 : memref<80x128xf32, #tpu.memory_space<hbm>>) target_semaphore(%run_scoped3A : memref<!tpu.dma_semaphore, #tpu.memory_space<semaphore_mem>>)
        %dma_wait3A = arith.constant 0 : i32
        %dma_wait3A_86 = tpu.memref_slice %arg10[%arg0, %add3A_80, %dma_wait3A] : memref<2x10240x128xf32, #tpu.memory_space<hbm>> -> memref<1x80x128xf32, #tpu.memory_space<hbm>>
        %dma_wait3A_87 = tpu.memref_squeeze %dma_wait3A_86 : memref<1x80x128xf32, #tpu.memory_space<hbm>> -> memref<80x128xf32, #tpu.memory_space<hbm>>
        %dma_wait3A_88 = arith.constant 0 : i32
        %dma_wait3A_89 = tpu.memref_slice %arg10[%arg0, %add3A_80, %dma_wait3A_88] : memref<2x10240x128xf32, #tpu.memory_space<hbm>> -> memref<1x80x128xf32, #tpu.memory_space<hbm>>
        %dma_wait3A_90 = tpu.memref_squeeze %dma_wait3A_89 : memref<1x80x128xf32, #tpu.memory_space<hbm>> -> memref<80x128xf32, #tpu.memory_space<hbm>>
        tpu.wait_dma2 semaphore(%run_scoped3A : memref<!tpu.dma_semaphore, #tpu.memory_space<semaphore_mem>>) src(%arg13 : memref<80x128xf32, #tpu.memory_space<vmem>>) dst(%dma_wait3A_90 : memref<80x128xf32, #tpu.memory_space<hbm>>)
        tpu.yield
      }) : () -> ()
    }
    %scan3A_65 = arith.constant 8 : i32
    return
  }
}

#map = affine_map<(d0, d1) -> (0, 0)>
#map1 = affine_map<(d0, d1) -> (0)>
#map2 = affine_map<(d0, d1) -> (0, 0, 0)>
module attributes {stable_mosaic.version = 14 : i64} {
  func.func @k(%arg0: i32, %arg1: i32, %arg2: memref<10240x128xf32, #tpu.memory_space<hbm>>, %arg3: memref<10240x128xf32, #tpu.memory_space<hbm>>, %arg4: memref<320000xi32, #tpu.memory_space<hbm>>, %arg5: memref<320000xi32, #tpu.memory_space<hbm>>, %arg6: memref<128xf32, #tpu.memory_space<hbm>>, %arg7: memref<2x10240x128xf32, #tpu.memory_space<hbm>>, %arg8: memref<2x10240x128xf32, #tpu.memory_space<hbm>>, %arg9: memref<80xi32, #tpu.memory_space<vmem>>, %arg10: memref<80xi32, #tpu.memory_space<vmem>>, %arg11: memref<80x128xf32, #tpu.memory_space<vmem>>, %arg12: memref<80x128xf32, #tpu.memory_space<vmem>>, %arg13: memref<80xf32, #tpu.memory_space<vmem>>, %arg14: memref<256xf32, #tpu.memory_space<vmem>>, %arg15: memref<128xf32, #tpu.memory_space<vmem>>, %arg16: memref<640xf32, #tpu.memory_space<vmem>>, %arg17: memref<10240x128xf32, #tpu.memory_space<vmem_shared>>, %arg18: memref<10240xf32, #tpu.memory_space<vmem_shared>>) attributes {dimension_semantics = [#tpu.dimension_semantics<core_parallel>, #tpu.dimension_semantics<subcore_parallel>], iteration_bounds = array<i64: 2, 16>, scalar_prefetch = 0 : i64, scratch_operands = 10 : i64, tpu.core_type = #tpu.core_type<sc_vector_subcore>, window_params = [{transform_indices = #map}, {transform_indices = #map}, {transform_indices = #map1}, {transform_indices = #map1}, {transform_indices = #map1}, {transform_indices = #map2}, {transform_indices = #map2}]} {
    %mul3A = arith.constant 16 : i32
    %mul3A_0 = arith.muli %arg0, %mul3A : i32
    %add3A = arith.addi %mul3A_0, %arg1 : i32
    "tpu.region"() ({
      %run_scoped3A = tpu.sem_alloc : memref<!tpu.dma_semaphore, #tpu.memory_space<semaphore_mem>>
      tpu.enqueue_dma source(%arg6 : memref<128xf32, #tpu.memory_space<hbm>>) target(%arg15 : memref<128xf32, #tpu.memory_space<vmem>>) target_semaphore(%run_scoped3A : memref<!tpu.dma_semaphore, #tpu.memory_space<semaphore_mem>>)
      tpu.wait_dma2 semaphore(%run_scoped3A : memref<!tpu.dma_semaphore, #tpu.memory_space<semaphore_mem>>) src(%arg6 : memref<128xf32, #tpu.memory_space<hbm>>) dst(%arg15 : memref<128xf32, #tpu.memory_space<vmem>>)
      tpu.yield
    }) : () -> ()
    %get3A = arith.constant 0 : index
    %get3A_1 = tpu.vector_load %arg15[%get3A] {strides = array<i32>} : memref<128xf32, #tpu.memory_space<vmem>>, vector<16xf32>,
    %get3A_2 = arith.constant 16 : index
    %get3A_3 = tpu.vector_load %arg15[%get3A_2] {strides = array<i32>} : memref<128xf32, #tpu.memory_space<vmem>>, vector<16xf32>,
    %get3A_4 = arith.constant 32 : index
    %get3A_5 = tpu.vector_load %arg15[%get3A_4] {strides = array<i32>} : memref<128xf32, #tpu.memory_space<vmem>>, vector<16xf32>,
    %get3A_6 = arith.constant 48 : index
    %get3A_7 = tpu.vector_load %arg15[%get3A_6] {strides = array<i32>} : memref<128xf32, #tpu.memory_space<vmem>>, vector<16xf32>,
    %get3A_8 = arith.constant 64 : index
    %get3A_9 = tpu.vector_load %arg15[%get3A_8] {strides = array<i32>} : memref<128xf32, #tpu.memory_space<vmem>>, vector<16xf32>,
    %get3A_10 = arith.constant 80 : index
    %get3A_11 = tpu.vector_load %arg15[%get3A_10] {strides = array<i32>} : memref<128xf32, #tpu.memory_space<vmem>>, vector<16xf32>,
    %get3A_12 = arith.constant 96 : index
    %get3A_13 = tpu.vector_load %arg15[%get3A_12] {strides = array<i32>} : memref<128xf32, #tpu.memory_space<vmem>>, vector<16xf32>,
    %get3A_14 = arith.constant 112 : index
    %get3A_15 = tpu.vector_load %arg15[%get3A_14] {strides = array<i32>} : memref<128xf32, #tpu.memory_space<vmem>>, vector<16xf32>,
    %scan3A = arith.constant 0 : i32
    %scan3A_16 = arith.constant 80 : i32
    %scan3A_17 = arith.addi %scan3A, %scan3A_16 : i32
    %scan3A_18 = arith.constant 1 : i32
    scf.for %scan3A_50 = %scan3A to %scan3A_17 step %scan3A_18  : i32 {
      %mul3A_51 = arith.constant 1 : i32
      %mul3A_52 = arith.muli %scan3A_50, %mul3A_51 : i32
      %add3A_53 = arith.constant 0 : i32
      %add3A_54 = arith.addi %add3A_53, %mul3A_52 : i32
      %broadcast_in_dim3A = arith.constant 0.000000e+00 : f32
      %broadcast_in_dim3A_55 = vector.broadcast %broadcast_in_dim3A : f32 to vector<16xf32>
      %swap3A = arith.index_cast %add3A_54 : i32 to index
      %swap3A_56 = arith.constant 0 : index
      %swap3A_57 = tpu.vector_load %arg11[%swap3A, %swap3A_56] {strides = array<i32>} : memref<80x128xf32, #tpu.memory_space<vmem>>, vector<16xf32>,
      tpu.vector_store %arg11[%swap3A, %swap3A_56], %broadcast_in_dim3A_55 {strides = array<i32>} : memref<80x128xf32, #tpu.memory_space<vmem>>, vector<16xf32>,
      %broadcast_in_dim3A_58 = arith.constant 0.000000e+00 : f32
      %broadcast_in_dim3A_59 = vector.broadcast %broadcast_in_dim3A_58 : f32 to vector<16xf32>
      %swap3A_60 = arith.index_cast %add3A_54 : i32 to index
      %swap3A_61 = arith.constant 16 : index
      %swap3A_62 = tpu.vector_load %arg11[%swap3A_60, %swap3A_61] {strides = array<i32>} : memref<80x128xf32, #tpu.memory_space<vmem>>, vector<16xf32>,
      tpu.vector_store %arg11[%swap3A_60, %swap3A_61], %broadcast_in_dim3A_59 {strides = array<i32>} : memref<80x128xf32, #tpu.memory_space<vmem>>, vector<16xf32>,
      %broadcast_in_dim3A_63 = arith.constant 0.000000e+00 : f32
      %broadcast_in_dim3A_64 = vector.broadcast %broadcast_in_dim3A_63 : f32 to vector<16xf32>
      %swap3A_65 = arith.index_cast %add3A_54 : i32 to index
      %swap3A_66 = arith.constant 32 : index
      %swap3A_67 = tpu.vector_load %arg11[%swap3A_65, %swap3A_66] {strides = array<i32>} : memref<80x128xf32, #tpu.memory_space<vmem>>, vector<16xf32>,
      tpu.vector_store %arg11[%swap3A_65, %swap3A_66], %broadcast_in_dim3A_64 {strides = array<i32>} : memref<80x128xf32, #tpu.memory_space<vmem>>, vector<16xf32>,
      %broadcast_in_dim3A_68 = arith.constant 0.000000e+00 : f32
      %broadcast_in_dim3A_69 = vector.broadcast %broadcast_in_dim3A_68 : f32 to vector<16xf32>
      %swap3A_70 = arith.index_cast %add3A_54 : i32 to index
      %swap3A_71 = arith.constant 48 : index
      %swap3A_72 = tpu.vector_load %arg11[%swap3A_70, %swap3A_71] {strides = array<i32>} : memref<80x128xf32, #tpu.memory_space<vmem>>, vector<16xf32>,
      tpu.vector_store %arg11[%swap3A_70, %swap3A_71], %broadcast_in_dim3A_69 {strides = array<i32>} : memref<80x128xf32, #tpu.memory_space<vmem>>, vector<16xf32>,
      %broadcast_in_dim3A_73 = arith.constant 0.000000e+00 : f32
      %broadcast_in_dim3A_74 = vector.broadcast %broadcast_in_dim3A_73 : f32 to vector<16xf32>
      %swap3A_75 = arith.index_cast %add3A_54 : i32 to index
      %swap3A_76 = arith.constant 64 : index
      %swap3A_77 = tpu.vector_load %arg11[%swap3A_75, %swap3A_76] {strides = array<i32>} : memref<80x128xf32, #tpu.memory_space<vmem>>, vector<16xf32>,
      tpu.vector_store %arg11[%swap3A_75, %swap3A_76], %broadcast_in_dim3A_74 {strides = array<i32>} : memref<80x128xf32, #tpu.memory_space<vmem>>, vector<16xf32>,
      %broadcast_in_dim3A_78 = arith.constant 0.000000e+00 : f32
      %broadcast_in_dim3A_79 = vector.broadcast %broadcast_in_dim3A_78 : f32 to vector<16xf32>
      %swap3A_80 = arith.index_cast %add3A_54 : i32 to index
      %swap3A_81 = arith.constant 80 : index
      %swap3A_82 = tpu.vector_load %arg11[%swap3A_80, %swap3A_81] {strides = array<i32>} : memref<80x128xf32, #tpu.memory_space<vmem>>, vector<16xf32>,
      tpu.vector_store %arg11[%swap3A_80, %swap3A_81], %broadcast_in_dim3A_79 {strides = array<i32>} : memref<80x128xf32, #tpu.memory_space<vmem>>, vector<16xf32>,
      %broadcast_in_dim3A_83 = arith.constant 0.000000e+00 : f32
      %broadcast_in_dim3A_84 = vector.broadcast %broadcast_in_dim3A_83 : f32 to vector<16xf32>
      %swap3A_85 = arith.index_cast %add3A_54 : i32 to index
      %swap3A_86 = arith.constant 96 : index
      %swap3A_87 = tpu.vector_load %arg11[%swap3A_85, %swap3A_86] {strides = array<i32>} : memref<80x128xf32, #tpu.memory_space<vmem>>, vector<16xf32>,
      tpu.vector_store %arg11[%swap3A_85, %swap3A_86], %broadcast_in_dim3A_84 {strides = array<i32>} : memref<80x128xf32, #tpu.memory_space<vmem>>, vector<16xf32>,
      %broadcast_in_dim3A_88 = arith.constant 0.000000e+00 : f32
      %broadcast_in_dim3A_89 = vector.broadcast %broadcast_in_dim3A_88 : f32 to vector<16xf32>
      %swap3A_90 = arith.index_cast %add3A_54 : i32 to index
      %swap3A_91 = arith.constant 112 : index
      %swap3A_92 = tpu.vector_load %arg11[%swap3A_90, %swap3A_91] {strides = array<i32>} : memref<80x128xf32, #tpu.memory_space<vmem>>, vector<16xf32>,
      tpu.vector_store %arg11[%swap3A_90, %swap3A_91], %broadcast_in_dim3A_89 {strides = array<i32>} : memref<80x128xf32, #tpu.memory_space<vmem>>, vector<16xf32>,
    }
    %scan3A_19 = arith.constant 80 : i32
    %scan3A_20 = arith.constant 0 : i32
    %scan3A_21 = arith.constant 40 : i32
    %scan3A_22 = arith.addi %scan3A_20, %scan3A_21 : i32
    %scan3A_23 = arith.constant 1 : i32
    scf.for %scan3A_50 = %scan3A_20 to %scan3A_22 step %scan3A_23  : i32 {
      %mul3A_51 = arith.constant 1 : i32
      %mul3A_52 = arith.muli %scan3A_50, %mul3A_51 : i32
      %add3A_53 = arith.constant 0 : i32
      %add3A_54 = arith.addi %add3A_53, %mul3A_52 : i32
      %broadcast_in_dim3A = arith.constant 0.000000e+00 : f32
      %broadcast_in_dim3A_55 = vector.broadcast %broadcast_in_dim3A : f32 to vector<16xf32>
      %mul3A_56 = arith.constant 16 : i32
      %mul3A_57 = arith.muli %mul3A_56, %add3A_54 : i32
      %swap3A = arith.index_cast %mul3A_57 : i32 to index
      %swap3A_58 = tpu.vector_load %arg16[%swap3A] {strides = array<i32>} : memref<640xf32, #tpu.memory_space<vmem>>, vector<16xf32>,
      tpu.vector_store %arg16[%swap3A], %broadcast_in_dim3A_55 {strides = array<i32>} : memref<640xf32, #tpu.memory_space<vmem>>, vector<16xf32>,
    }
    %scan3A_24 = arith.constant 40 : i32
    %scan3A_25 = arith.constant 0 : i32
    %scan3A_26 = arith.constant 8 : i32
    %scan3A_27 = arith.addi %scan3A_25, %scan3A_26 : i32
    %scan3A_28 = arith.constant 1 : i32
    scf.for %scan3A_50 = %scan3A_25 to %scan3A_27 step %scan3A_28  : i32 {
      %mul3A_51 = arith.constant 1 : i32
      %mul3A_52 = arith.muli %scan3A_50, %mul3A_51 : i32
      %add3A_53 = arith.constant 0 : i32
      %add3A_54 = arith.addi %add3A_53, %mul3A_52 : i32
      %mul3A_55 = arith.constant 640 : i32
      %mul3A_56 = arith.muli %mul3A_55, %arg1 : i32
      %mul3A_57 = arith.constant 80 : i32
      %mul3A_58 = arith.muli %mul3A_57, %add3A_54 : i32
      %add3A_59 = arith.addi %mul3A_56, %mul3A_58 : i32
      "tpu.region"() ({
        %run_scoped3A = tpu.sem_alloc : memref<!tpu.dma_semaphore, #tpu.memory_space<semaphore_mem>>
        %dma_start3A = arith.constant 0 : i32
        %dma_start3A_60 = tpu.memref_slice %arg17[%add3A_59, %dma_start3A] : memref<10240x128xf32, #tpu.memory_space<vmem_shared>> -> memref<80x128xf32, #tpu.memory_space<vmem_shared>>
        %dma_start3A_61 = arith.constant 0 : i32
        %dma_start3A_62 = tpu.memref_slice %arg17[%add3A_59, %dma_start3A_61] : memref<10240x128xf32, #tpu.memory_space<vmem_shared>> -> memref<80x128xf32, #tpu.memory_space<vmem_shared>>
        tpu.enqueue_dma source(%arg11 : memref<80x128xf32, #tpu.memory_space<vmem>>) target(%dma_start3A_62 : memref<80x128xf32, #tpu.memory_space<vmem_shared>>) target_semaphore(%run_scoped3A : memref<!tpu.dma_semaphore, #tpu.memory_space<semaphore_mem>>)
        %dma_wait3A = arith.constant 0 : i32
        %dma_wait3A_63 = tpu.memref_slice %arg17[%add3A_59, %dma_wait3A] : memref<10240x128xf32, #tpu.memory_space<vmem_shared>> -> memref<80x128xf32, #tpu.memory_space<vmem_shared>>
        %dma_wait3A_64 = arith.constant 0 : i32
        %dma_wait3A_65 = tpu.memref_slice %arg17[%add3A_59, %dma_wait3A_64] : memref<10240x128xf32, #tpu.memory_space<vmem_shared>> -> memref<80x128xf32, #tpu.memory_space<vmem_shared>>
        tpu.wait_dma2 semaphore(%run_scoped3A : memref<!tpu.dma_semaphore, #tpu.memory_space<semaphore_mem>>) src(%arg11 : memref<80x128xf32, #tpu.memory_space<vmem>>) dst(%dma_wait3A_65 : memref<80x128xf32, #tpu.memory_space<vmem_shared>>)
        tpu.yield
      }) : () -> ()
    }
    %scan3A_29 = arith.constant 8 : i32
    %mul3A_30 = arith.constant 640 : i32
    %mul3A_31 = arith.muli %mul3A_30, %arg1 : i32
    "tpu.region"() ({
      %run_scoped3A = tpu.sem_alloc : memref<!tpu.dma_semaphore, #tpu.memory_space<semaphore_mem>>
      %dma_start3A = tpu.memref_slice %arg18[%mul3A_31] : memref<10240xf32, #tpu.memory_space<vmem_shared>> -> memref<640xf32, #tpu.memory_space<vmem_shared>>
      %dma_start3A_50 = tpu.memref_slice %arg18[%mul3A_31] : memref<10240xf32, #tpu.memory_space<vmem_shared>> -> memref<640xf32, #tpu.memory_space<vmem_shared>>
      tpu.enqueue_dma source(%arg16 : memref<640xf32, #tpu.memory_space<vmem>>) target(%dma_start3A_50 : memref<640xf32, #tpu.memory_space<vmem_shared>>) target_semaphore(%run_scoped3A : memref<!tpu.dma_semaphore, #tpu.memory_space<semaphore_mem>>)
      %dma_wait3A = tpu.memref_slice %arg18[%mul3A_31] : memref<10240xf32, #tpu.memory_space<vmem_shared>> -> memref<640xf32, #tpu.memory_space<vmem_shared>>
      %dma_wait3A_51 = tpu.memref_slice %arg18[%mul3A_31] : memref<10240xf32, #tpu.memory_space<vmem_shared>> -> memref<640xf32, #tpu.memory_space<vmem_shared>>
      tpu.wait_dma2 semaphore(%run_scoped3A : memref<!tpu.dma_semaphore, #tpu.memory_space<semaphore_mem>>) src(%arg16 : memref<640xf32, #tpu.memory_space<vmem>>) dst(%dma_wait3A_51 : memref<640xf32, #tpu.memory_space<vmem_shared>>)
      tpu.yield
    }) : () -> ()
    %barrier3A = arith.constant 0 : index
    tpu.barrier barrier_id(%barrier3A)
    %scan3A_32 = arith.constant 0 : i32
    %scan3A_33 = arith.constant 125 : i32
    %scan3A_34 = arith.addi %scan3A_32, %scan3A_33 : i32
    %scan3A_35 = arith.constant 1 : i32
    scf.for %scan3A_50 = %scan3A_32 to %scan3A_34 step %scan3A_35  : i32 {
      %mul3A_51 = arith.constant 1 : i32
      %mul3A_52 = arith.muli %scan3A_50, %mul3A_51 : i32
      %add3A_53 = arith.constant 0 : i32
      %add3A_54 = arith.addi %add3A_53, %mul3A_52 : i32
      %mul3A_55 = arith.constant 10000 : i32
      %mul3A_56 = arith.muli %add3A, %mul3A_55 : i32
      %mul3A_57 = arith.constant 80 : i32
      %mul3A_58 = arith.muli %mul3A_57, %add3A_54 : i32
      %add3A_59 = arith.addi %mul3A_56, %mul3A_58 : i32
      "tpu.region"() ({
        %run_scoped3A = tpu.sem_alloc : memref<!tpu.dma_semaphore, #tpu.memory_space<semaphore_mem>>
        %dma_start3A = tpu.memref_slice %arg4[%add3A_59] : memref<320000xi32, #tpu.memory_space<hbm>> -> memref<80xi32, #tpu.memory_space<hbm>>
        %dma_start3A_70 = tpu.memref_slice %arg4[%add3A_59] : memref<320000xi32, #tpu.memory_space<hbm>> -> memref<80xi32, #tpu.memory_space<hbm>>
        tpu.enqueue_dma source(%dma_start3A_70 : memref<80xi32, #tpu.memory_space<hbm>>) target(%arg9 : memref<80xi32, #tpu.memory_space<vmem>>) target_semaphore(%run_scoped3A : memref<!tpu.dma_semaphore, #tpu.memory_space<semaphore_mem>>)
        %dma_wait3A = tpu.memref_slice %arg4[%add3A_59] : memref<320000xi32, #tpu.memory_space<hbm>> -> memref<80xi32, #tpu.memory_space<hbm>>
        %dma_wait3A_71 = tpu.memref_slice %arg4[%add3A_59] : memref<320000xi32, #tpu.memory_space<hbm>> -> memref<80xi32, #tpu.memory_space<hbm>>
        tpu.wait_dma2 semaphore(%run_scoped3A : memref<!tpu.dma_semaphore, #tpu.memory_space<semaphore_mem>>) src(%dma_wait3A_71 : memref<80xi32, #tpu.memory_space<hbm>>) dst(%arg9 : memref<80xi32, #tpu.memory_space<vmem>>)
        tpu.yield
      }) : () -> ()
      "tpu.region"() ({
        %run_scoped3A = tpu.sem_alloc : memref<!tpu.dma_semaphore, #tpu.memory_space<semaphore_mem>>
        %dma_start3A = tpu.memref_slice %arg5[%add3A_59] : memref<320000xi32, #tpu.memory_space<hbm>> -> memref<80xi32, #tpu.memory_space<hbm>>
        %dma_start3A_70 = tpu.memref_slice %arg5[%add3A_59] : memref<320000xi32, #tpu.memory_space<hbm>> -> memref<80xi32, #tpu.memory_space<hbm>>
        tpu.enqueue_dma source(%dma_start3A_70 : memref<80xi32, #tpu.memory_space<hbm>>) target(%arg10 : memref<80xi32, #tpu.memory_space<vmem>>) target_semaphore(%run_scoped3A : memref<!tpu.dma_semaphore, #tpu.memory_space<semaphore_mem>>)
        %dma_wait3A = tpu.memref_slice %arg5[%add3A_59] : memref<320000xi32, #tpu.memory_space<hbm>> -> memref<80xi32, #tpu.memory_space<hbm>>
        %dma_wait3A_71 = tpu.memref_slice %arg5[%add3A_59] : memref<320000xi32, #tpu.memory_space<hbm>> -> memref<80xi32, #tpu.memory_space<hbm>>
        tpu.wait_dma2 semaphore(%run_scoped3A : memref<!tpu.dma_semaphore, #tpu.memory_space<semaphore_mem>>) src(%dma_wait3A_71 : memref<80xi32, #tpu.memory_space<hbm>>) dst(%arg10 : memref<80xi32, #tpu.memory_space<vmem>>)
        tpu.yield
      }) : () -> ()
      "tpu.region"() ({
        %run_scoped3A = tpu.sem_alloc : memref<!tpu.dma_semaphore, #tpu.memory_space<semaphore_mem>>
        %dma_start3A = arith.constant 0 : i32
        %dma_start3A_70 = arith.constant 0 : i32
        %dma_start3A_71 = tpu.memref_slice %arg2[%dma_start3A, %dma_start3A_70] : memref<10240x128xf32, #tpu.memory_space<hbm>> -> memref<10240x128xf32, #tpu.memory_space<hbm>>
        tpu.enqueue_indirect_dma source(%dma_start3A_71 : memref<10240x128xf32, #tpu.memory_space<hbm>>) target(%arg11 : memref<80x128xf32, #tpu.memory_space<vmem>>) offsets(%arg9 : memref<80xi32, #tpu.memory_space<vmem>>) semaphore(%run_scoped3A : memref<!tpu.dma_semaphore, #tpu.memory_space<semaphore_mem>>)
        %dma_wait3A = arith.constant 0 : i32
        %dma_wait3A_72 = arith.constant 0 : i32
        %dma_wait3A_73 = tpu.memref_slice %arg2[%dma_wait3A, %dma_wait3A_72] : memref<10240x128xf32, #tpu.memory_space<hbm>> -> memref<10240x128xf32, #tpu.memory_space<hbm>>
        tpu.wait_indirect_dma semaphore(%run_scoped3A : memref<!tpu.dma_semaphore, #tpu.memory_space<semaphore_mem>>) src(%dma_wait3A_73 : memref<10240x128xf32, #tpu.memory_space<hbm>>) dst(%arg11 : memref<80x128xf32, #tpu.memory_space<vmem>>)
        tpu.yield
      }) : () -> ()
      "tpu.region"() ({
        %run_scoped3A = tpu.sem_alloc : memref<!tpu.dma_semaphore, #tpu.memory_space<semaphore_mem>>
        %dma_start3A = arith.constant 0 : i32
        %dma_start3A_70 = arith.constant 0 : i32
        %dma_start3A_71 = tpu.memref_slice %arg3[%dma_start3A, %dma_start3A_70] : memref<10240x128xf32, #tpu.memory_space<hbm>> -> memref<10240x128xf32, #tpu.memory_space<hbm>>
        tpu.enqueue_indirect_dma source(%dma_start3A_71 : memref<10240x128xf32, #tpu.memory_space<hbm>>) target(%arg12 : memref<80x128xf32, #tpu.memory_space<vmem>>) offsets(%arg10 : memref<80xi32, #tpu.memory_space<vmem>>) semaphore(%run_scoped3A : memref<!tpu.dma_semaphore, #tpu.memory_space<semaphore_mem>>)
        %dma_wait3A = arith.constant 0 : i32
        %dma_wait3A_72 = arith.constant 0 : i32
        %dma_wait3A_73 = tpu.memref_slice %arg3[%dma_wait3A, %dma_wait3A_72] : memref<10240x128xf32, #tpu.memory_space<hbm>> -> memref<10240x128xf32, #tpu.memory_space<hbm>>
        tpu.wait_indirect_dma semaphore(%run_scoped3A : memref<!tpu.dma_semaphore, #tpu.memory_space<semaphore_mem>>) src(%dma_wait3A_73 : memref<10240x128xf32, #tpu.memory_space<hbm>>) dst(%arg12 : memref<80x128xf32, #tpu.memory_space<vmem>>)
        tpu.yield
      }) : () -> ()
      %scan3A_60 = arith.constant 0 : i32
      %scan3A_61 = arith.constant 5 : i32
      %scan3A_62 = arith.addi %scan3A_60, %scan3A_61 : i32
      %scan3A_63 = arith.constant 1 : i32
      scf.for %scan3A_70 = %scan3A_60 to %scan3A_62 step %scan3A_63  : i32 {
        %mul3A_71 = arith.constant 1 : i32
        %mul3A_72 = arith.muli %scan3A_70, %mul3A_71 : i32
        %add3A_73 = arith.constant 0 : i32
        %add3A_74 = arith.addi %add3A_73, %mul3A_72 : i32
        %scan3A_75 = arith.constant 0 : i32
        %scan3A_76 = arith.constant 16 : i32
        %scan3A_77 = arith.addi %scan3A_75, %scan3A_76 : i32
        %scan3A_78 = arith.constant 1 : i32
        scf.for %scan3A_166 = %scan3A_75 to %scan3A_77 step %scan3A_78  : i32 {
          %mul3A_167 = arith.constant 1 : i32
          %mul3A_168 = arith.muli %scan3A_166, %mul3A_167 : i32
          %add3A_169 = arith.constant 0 : i32
          %add3A_170 = arith.addi %add3A_169, %mul3A_168 : i32
          %mul3A_171 = arith.constant 16 : i32
          %mul3A_172 = arith.muli %mul3A_171, %add3A_74 : i32
          %add3A_173 = arith.addi %mul3A_172, %add3A_170 : i32
          %broadcast_in_dim3A_174 = arith.constant 0.000000e+00 : f32
          %broadcast_in_dim3A_175 = vector.broadcast %broadcast_in_dim3A_174 : f32 to vector<16xf32>
          %get3A_176 = arith.index_cast %add3A_173 : i32 to index
          %get3A_177 = arith.constant 0 : index
          %get3A_178 = tpu.vector_load %arg11[%get3A_176, %get3A_177] {strides = array<i32>} : memref<80x128xf32, #tpu.memory_space<vmem>>, vector<16xf32>,
          %get3A_179 = arith.index_cast %add3A_173 : i32 to index
          %get3A_180 = arith.constant 0 : index
          %get3A_181 = tpu.vector_load %arg12[%get3A_179, %get3A_180] {strides = array<i32>} : memref<80x128xf32, #tpu.memory_space<vmem>>, vector<16xf32>,
          %add3A_182 = arith.addf %get3A_178, %get3A_181 : vector<16xf32>
          %mul3A_183 = arith.constant 2.000000e-01 : f32
          %mul3A_184 = vector.broadcast %mul3A_183 : f32 to vector<16xf32>
          %mul3A_185 = arith.mulf %mul3A_184, %add3A_182 : vector<16xf32>
          %max3A = arith.maximumf %add3A_182, %mul3A_185 : vector<16xf32>
          %mul3A_186 = arith.mulf %get3A_1, %max3A : vector<16xf32>
          %add3A_187 = arith.addf %broadcast_in_dim3A_175, %mul3A_186 : vector<16xf32>
          %get3A_188 = arith.index_cast %add3A_173 : i32 to index
          %get3A_189 = arith.constant 16 : index
          %get3A_190 = tpu.vector_load %arg11[%get3A_188, %get3A_189] {strides = array<i32>} : memref<80x128xf32, #tpu.memory_space<vmem>>, vector<16xf32>,
          %get3A_191 = arith.index_cast %add3A_173 : i32 to index
          %get3A_192 = arith.constant 16 : index
          %get3A_193 = tpu.vector_load %arg12[%get3A_191, %get3A_192] {strides = array<i32>} : memref<80x128xf32, #tpu.memory_space<vmem>>, vector<16xf32>,
          %add3A_194 = arith.addf %get3A_190, %get3A_193 : vector<16xf32>
          %mul3A_195 = arith.constant 2.000000e-01 : f32
          %mul3A_196 = vector.broadcast %mul3A_195 : f32 to vector<16xf32>
          %mul3A_197 = arith.mulf %mul3A_196, %add3A_194 : vector<16xf32>
          %max3A_198 = arith.maximumf %add3A_194, %mul3A_197 : vector<16xf32>
          %mul3A_199 = arith.mulf %get3A_3, %max3A_198 : vector<16xf32>
          %add3A_200 = arith.addf %add3A_187, %mul3A_199 : vector<16xf32>
          %get3A_201 = arith.index_cast %add3A_173 : i32 to index
          %get3A_202 = arith.constant 32 : index
          %get3A_203 = tpu.vector_load %arg11[%get3A_201, %get3A_202] {strides = array<i32>} : memref<80x128xf32, #tpu.memory_space<vmem>>, vector<16xf32>,
          %get3A_204 = arith.index_cast %add3A_173 : i32 to index
          %get3A_205 = arith.constant 32 : index
          %get3A_206 = tpu.vector_load %arg12[%get3A_204, %get3A_205] {strides = array<i32>} : memref<80x128xf32, #tpu.memory_space<vmem>>, vector<16xf32>,
          %add3A_207 = arith.addf %get3A_203, %get3A_206 : vector<16xf32>
          %mul3A_208 = arith.constant 2.000000e-01 : f32
          %mul3A_209 = vector.broadcast %mul3A_208 : f32 to vector<16xf32>
          %mul3A_210 = arith.mulf %mul3A_209, %add3A_207 : vector<16xf32>
          %max3A_211 = arith.maximumf %add3A_207, %mul3A_210 : vector<16xf32>
          %mul3A_212 = arith.mulf %get3A_5, %max3A_211 : vector<16xf32>
          %add3A_213 = arith.addf %add3A_200, %mul3A_212 : vector<16xf32>
          %get3A_214 = arith.index_cast %add3A_173 : i32 to index
          %get3A_215 = arith.constant 48 : index
          %get3A_216 = tpu.vector_load %arg11[%get3A_214, %get3A_215] {strides = array<i32>} : memref<80x128xf32, #tpu.memory_space<vmem>>, vector<16xf32>,
          %get3A_217 = arith.index_cast %add3A_173 : i32 to index
          %get3A_218 = arith.constant 48 : index
          %get3A_219 = tpu.vector_load %arg12[%get3A_217, %get3A_218] {strides = array<i32>} : memref<80x128xf32, #tpu.memory_space<vmem>>, vector<16xf32>,
          %add3A_220 = arith.addf %get3A_216, %get3A_219 : vector<16xf32>
          %mul3A_221 = arith.constant 2.000000e-01 : f32
          %mul3A_222 = vector.broadcast %mul3A_221 : f32 to vector<16xf32>
          %mul3A_223 = arith.mulf %mul3A_222, %add3A_220 : vector<16xf32>
          %max3A_224 = arith.maximumf %add3A_220, %mul3A_223 : vector<16xf32>
          %mul3A_225 = arith.mulf %get3A_7, %max3A_224 : vector<16xf32>
          %add3A_226 = arith.addf %add3A_213, %mul3A_225 : vector<16xf32>
          %get3A_227 = arith.index_cast %add3A_173 : i32 to index
          %get3A_228 = arith.constant 64 : index
          %get3A_229 = tpu.vector_load %arg11[%get3A_227, %get3A_228] {strides = array<i32>} : memref<80x128xf32, #tpu.memory_space<vmem>>, vector<16xf32>,
          %get3A_230 = arith.index_cast %add3A_173 : i32 to index
          %get3A_231 = arith.constant 64 : index
          %get3A_232 = tpu.vector_load %arg12[%get3A_230, %get3A_231] {strides = array<i32>} : memref<80x128xf32, #tpu.memory_space<vmem>>, vector<16xf32>,
          %add3A_233 = arith.addf %get3A_229, %get3A_232 : vector<16xf32>
          %mul3A_234 = arith.constant 2.000000e-01 : f32
          %mul3A_235 = vector.broadcast %mul3A_234 : f32 to vector<16xf32>
          %mul3A_236 = arith.mulf %mul3A_235, %add3A_233 : vector<16xf32>
          %max3A_237 = arith.maximumf %add3A_233, %mul3A_236 : vector<16xf32>
          %mul3A_238 = arith.mulf %get3A_9, %max3A_237 : vector<16xf32>
          %add3A_239 = arith.addf %add3A_226, %mul3A_238 : vector<16xf32>
          %get3A_240 = arith.index_cast %add3A_173 : i32 to index
          %get3A_241 = arith.constant 80 : index
          %get3A_242 = tpu.vector_load %arg11[%get3A_240, %get3A_241] {strides = array<i32>} : memref<80x128xf32, #tpu.memory_space<vmem>>, vector<16xf32>,
          %get3A_243 = arith.index_cast %add3A_173 : i32 to index
          %get3A_244 = arith.constant 80 : index
          %get3A_245 = tpu.vector_load %arg12[%get3A_243, %get3A_244] {strides = array<i32>} : memref<80x128xf32, #tpu.memory_space<vmem>>, vector<16xf32>,
          %add3A_246 = arith.addf %get3A_242, %get3A_245 : vector<16xf32>
          %mul3A_247 = arith.constant 2.000000e-01 : f32
          %mul3A_248 = vector.broadcast %mul3A_247 : f32 to vector<16xf32>
          %mul3A_249 = arith.mulf %mul3A_248, %add3A_246 : vector<16xf32>
          %max3A_250 = arith.maximumf %add3A_246, %mul3A_249 : vector<16xf32>
          %mul3A_251 = arith.mulf %get3A_11, %max3A_250 : vector<16xf32>
          %add3A_252 = arith.addf %add3A_239, %mul3A_251 : vector<16xf32>
          %get3A_253 = arith.index_cast %add3A_173 : i32 to index
          %get3A_254 = arith.constant 96 : index
          %get3A_255 = tpu.vector_load %arg11[%get3A_253, %get3A_254] {strides = array<i32>} : memref<80x128xf32, #tpu.memory_space<vmem>>, vector<16xf32>,
          %get3A_256 = arith.index_cast %add3A_173 : i32 to index
          %get3A_257 = arith.constant 96 : index
          %get3A_258 = tpu.vector_load %arg12[%get3A_256, %get3A_257] {strides = array<i32>} : memref<80x128xf32, #tpu.memory_space<vmem>>, vector<16xf32>,
          %add3A_259 = arith.addf %get3A_255, %get3A_258 : vector<16xf32>
          %mul3A_260 = arith.constant 2.000000e-01 : f32
          %mul3A_261 = vector.broadcast %mul3A_260 : f32 to vector<16xf32>
          %mul3A_262 = arith.mulf %mul3A_261, %add3A_259 : vector<16xf32>
          %max3A_263 = arith.maximumf %add3A_259, %mul3A_262 : vector<16xf32>
          %mul3A_264 = arith.mulf %get3A_13, %max3A_263 : vector<16xf32>
          %add3A_265 = arith.addf %add3A_252, %mul3A_264 : vector<16xf32>
          %get3A_266 = arith.index_cast %add3A_173 : i32 to index
          %get3A_267 = arith.constant 112 : index
          %get3A_268 = tpu.vector_load %arg11[%get3A_266, %get3A_267] {strides = array<i32>} : memref<80x128xf32, #tpu.memory_space<vmem>>, vector<16xf32>,
          %get3A_269 = arith.index_cast %add3A_173 : i32 to index
          %get3A_270 = arith.constant 112 : index
          %get3A_271 = tpu.vector_load %arg12[%get3A_269, %get3A_270] {strides = array<i32>} : memref<80x128xf32, #tpu.memory_space<vmem>>, vector<16xf32>,
          %add3A_272 = arith.addf %get3A_268, %get3A_271 : vector<16xf32>
          %mul3A_273 = arith.constant 2.000000e-01 : f32
          %mul3A_274 = vector.broadcast %mul3A_273 : f32 to vector<16xf32>
          %mul3A_275 = arith.mulf %mul3A_274, %add3A_272 : vector<16xf32>
          %max3A_276 = arith.maximumf %add3A_272, %mul3A_275 : vector<16xf32>
          %mul3A_277 = arith.mulf %get3A_15, %max3A_276 : vector<16xf32>
          %add3A_278 = arith.addf %add3A_265, %mul3A_277 : vector<16xf32>
          %mul3A_279 = arith.constant 16 : i32
          %mul3A_280 = arith.muli %mul3A_279, %add3A_170 : i32
          %swap3A_281 = arith.index_cast %mul3A_280 : i32 to index
          %swap3A_282 = tpu.vector_load %arg14[%swap3A_281] {strides = array<i32>} : memref<256xf32, #tpu.memory_space<vmem>>, vector<16xf32>,
          tpu.vector_store %arg14[%swap3A_281], %add3A_278 {strides = array<i32>} : memref<256xf32, #tpu.memory_space<vmem>>, vector<16xf32>,
        }
        %scan3A_79 = arith.constant 16 : i32
        %broadcast_in_dim3A = arith.constant 0.000000e+00 : f32
        %broadcast_in_dim3A_80 = vector.broadcast %broadcast_in_dim3A : f32 to vector<16xf32>
        %iota3A = tpu.iota {dimensions = array<i32: 0>} : vector<16xi32>
        %mul3A_81 = arith.constant 16 : i32
        %mul3A_82 = vector.broadcast %mul3A_81 : i32 to vector<16xi32>
        %mul3A_83 = arith.muli %iota3A, %mul3A_82 : vector<16xi32>
        %add3A_84 = arith.constant 0 : i32
        %add3A_85 = vector.broadcast %add3A_84 : i32 to vector<16xi32>
        %add3A_86 = arith.addi %mul3A_83, %add3A_85 : vector<16xi32>
        %gather3A = tpu.vector_load_idx %arg14[%add3A_86] : memref<256xf32, #tpu.memory_space<vmem>>[vector<16xi32>], vector<16xf32>,
        %add3A_87 = arith.addf %broadcast_in_dim3A_80, %gather3A : vector<16xf32>
        %add3A_88 = arith.constant 1 : i32
        %add3A_89 = vector.broadcast %add3A_88 : i32 to vector<16xi32>
        %add3A_90 = arith.addi %mul3A_83, %add3A_89 : vector<16xi32>
        %gather3A_91 = tpu.vector_load_idx %arg14[%add3A_90] : memref<256xf32, #tpu.memory_space<vmem>>[vector<16xi32>], vector<16xf32>,
        %add3A_92 = arith.addf %add3A_87, %gather3A_91 : vector<16xf32>
        %add3A_93 = arith.constant 2 : i32
        %add3A_94 = vector.broadcast %add3A_93 : i32 to vector<16xi32>
        %add3A_95 = arith.addi %mul3A_83, %add3A_94 : vector<16xi32>
        %gather3A_96 = tpu.vector_load_idx %arg14[%add3A_95] : memref<256xf32, #tpu.memory_space<vmem>>[vector<16xi32>], vector<16xf32>,
        %add3A_97 = arith.addf %add3A_92, %gather3A_96 : vector<16xf32>
        %add3A_98 = arith.constant 3 : i32
        %add3A_99 = vector.broadcast %add3A_98 : i32 to vector<16xi32>
        %add3A_100 = arith.addi %mul3A_83, %add3A_99 : vector<16xi32>
        %gather3A_101 = tpu.vector_load_idx %arg14[%add3A_100] : memref<256xf32, #tpu.memory_space<vmem>>[vector<16xi32>], vector<16xf32>,
        %add3A_102 = arith.addf %add3A_97, %gather3A_101 : vector<16xf32>
        %add3A_103 = arith.constant 4 : i32
        %add3A_104 = vector.broadcast %add3A_103 : i32 to vector<16xi32>
        %add3A_105 = arith.addi %mul3A_83, %add3A_104 : vector<16xi32>
        %gather3A_106 = tpu.vector_load_idx %arg14[%add3A_105] : memref<256xf32, #tpu.memory_space<vmem>>[vector<16xi32>], vector<16xf32>,
        %add3A_107 = arith.addf %add3A_102, %gather3A_106 : vector<16xf32>
        %add3A_108 = arith.constant 5 : i32
        %add3A_109 = vector.broadcast %add3A_108 : i32 to vector<16xi32>
        %add3A_110 = arith.addi %mul3A_83, %add3A_109 : vector<16xi32>
        %gather3A_111 = tpu.vector_load_idx %arg14[%add3A_110] : memref<256xf32, #tpu.memory_space<vmem>>[vector<16xi32>], vector<16xf32>,
        %add3A_112 = arith.addf %add3A_107, %gather3A_111 : vector<16xf32>
        %add3A_113 = arith.constant 6 : i32
        %add3A_114 = vector.broadcast %add3A_113 : i32 to vector<16xi32>
        %add3A_115 = arith.addi %mul3A_83, %add3A_114 : vector<16xi32>
        %gather3A_116 = tpu.vector_load_idx %arg14[%add3A_115] : memref<256xf32, #tpu.memory_space<vmem>>[vector<16xi32>], vector<16xf32>,
        %add3A_117 = arith.addf %add3A_112, %gather3A_116 : vector<16xf32>
        %add3A_118 = arith.constant 7 : i32
        %add3A_119 = vector.broadcast %add3A_118 : i32 to vector<16xi32>
        %add3A_120 = arith.addi %mul3A_83, %add3A_119 : vector<16xi32>
        %gather3A_121 = tpu.vector_load_idx %arg14[%add3A_120] : memref<256xf32, #tpu.memory_space<vmem>>[vector<16xi32>], vector<16xf32>,
        %add3A_122 = arith.addf %add3A_117, %gather3A_121 : vector<16xf32>
        %add3A_123 = arith.constant 8 : i32
        %add3A_124 = vector.broadcast %add3A_123 : i32 to vector<16xi32>
        %add3A_125 = arith.addi %mul3A_83, %add3A_124 : vector<16xi32>
        %gather3A_126 = tpu.vector_load_idx %arg14[%add3A_125] : memref<256xf32, #tpu.memory_space<vmem>>[vector<16xi32>], vector<16xf32>,
        %add3A_127 = arith.addf %add3A_122, %gather3A_126 : vector<16xf32>
        %add3A_128 = arith.constant 9 : i32
        %add3A_129 = vector.broadcast %add3A_128 : i32 to vector<16xi32>
        %add3A_130 = arith.addi %mul3A_83, %add3A_129 : vector<16xi32>
        %gather3A_131 = tpu.vector_load_idx %arg14[%add3A_130] : memref<256xf32, #tpu.memory_space<vmem>>[vector<16xi32>], vector<16xf32>,
        %add3A_132 = arith.addf %add3A_127, %gather3A_131 : vector<16xf32>
        %add3A_133 = arith.constant 10 : i32
        %add3A_134 = vector.broadcast %add3A_133 : i32 to vector<16xi32>
        %add3A_135 = arith.addi %mul3A_83, %add3A_134 : vector<16xi32>
        %gather3A_136 = tpu.vector_load_idx %arg14[%add3A_135] : memref<256xf32, #tpu.memory_space<vmem>>[vector<16xi32>], vector<16xf32>,
        %add3A_137 = arith.addf %add3A_132, %gather3A_136 : vector<16xf32>
        %add3A_138 = arith.constant 11 : i32
        %add3A_139 = vector.broadcast %add3A_138 : i32 to vector<16xi32>
        %add3A_140 = arith.addi %mul3A_83, %add3A_139 : vector<16xi32>
        %gather3A_141 = tpu.vector_load_idx %arg14[%add3A_140] : memref<256xf32, #tpu.memory_space<vmem>>[vector<16xi32>], vector<16xf32>,
        %add3A_142 = arith.addf %add3A_137, %gather3A_141 : vector<16xf32>
        %add3A_143 = arith.constant 12 : i32
        %add3A_144 = vector.broadcast %add3A_143 : i32 to vector<16xi32>
        %add3A_145 = arith.addi %mul3A_83, %add3A_144 : vector<16xi32>
        %gather3A_146 = tpu.vector_load_idx %arg14[%add3A_145] : memref<256xf32, #tpu.memory_space<vmem>>[vector<16xi32>], vector<16xf32>,
        %add3A_147 = arith.addf %add3A_142, %gather3A_146 : vector<16xf32>
        %add3A_148 = arith.constant 13 : i32
        %add3A_149 = vector.broadcast %add3A_148 : i32 to vector<16xi32>
        %add3A_150 = arith.addi %mul3A_83, %add3A_149 : vector<16xi32>
        %gather3A_151 = tpu.vector_load_idx %arg14[%add3A_150] : memref<256xf32, #tpu.memory_space<vmem>>[vector<16xi32>], vector<16xf32>,
        %add3A_152 = arith.addf %add3A_147, %gather3A_151 : vector<16xf32>
        %add3A_153 = arith.constant 14 : i32
        %add3A_154 = vector.broadcast %add3A_153 : i32 to vector<16xi32>
        %add3A_155 = arith.addi %mul3A_83, %add3A_154 : vector<16xi32>
        %gather3A_156 = tpu.vector_load_idx %arg14[%add3A_155] : memref<256xf32, #tpu.memory_space<vmem>>[vector<16xi32>], vector<16xf32>,
        %add3A_157 = arith.addf %add3A_152, %gather3A_156 : vector<16xf32>
        %add3A_158 = arith.constant 15 : i32
        %add3A_159 = vector.broadcast %add3A_158 : i32 to vector<16xi32>
        %add3A_160 = arith.addi %mul3A_83, %add3A_159 : vector<16xi32>
        %gather3A_161 = tpu.vector_load_idx %arg14[%add3A_160] : memref<256xf32, #tpu.memory_space<vmem>>[vector<16xi32>], vector<16xf32>,
        %add3A_162 = arith.addf %add3A_157, %gather3A_161 : vector<16xf32>
        %exp3A = math.exp %add3A_162 : vector<16xf32>
        %mul3A_163 = arith.constant 16 : i32
        %mul3A_164 = arith.muli %mul3A_163, %add3A_74 : i32
        %swap3A = arith.index_cast %mul3A_164 : i32 to index
        %swap3A_165 = tpu.vector_load %arg13[%swap3A] {strides = array<i32>} : memref<80xf32, #tpu.memory_space<vmem>>, vector<16xf32>,
        tpu.vector_store %arg13[%swap3A], %exp3A {strides = array<i32>} : memref<80xf32, #tpu.memory_space<vmem>>, vector<16xf32>,
      }
      %scan3A_64 = arith.constant 5 : i32
      "tpu.region"() ({
        %run_scoped3A = tpu.sem_alloc : memref<!tpu.dma_semaphore, #tpu.memory_space<semaphore_mem>>
        %dma_start3A = arith.constant 0 : i32
        %dma_start3A_70 = tpu.memref_slice %arg18[%dma_start3A] : memref<10240xf32, #tpu.memory_space<vmem_shared>> -> memref<10240xf32, #tpu.memory_space<vmem_shared>>
        tpu.enqueue_indirect_dma source(%arg13 : memref<80xf32, #tpu.memory_space<vmem>>) target(%dma_start3A_70 : memref<10240xf32, #tpu.memory_space<vmem_shared>>) offsets(%arg10 : memref<80xi32, #tpu.memory_space<vmem>>) semaphore(%run_scoped3A : memref<!tpu.dma_semaphore, #tpu.memory_space<semaphore_mem>>) {add = true}
        %dma_wait3A = arith.constant 0 : i32
        %dma_wait3A_71 = tpu.memref_slice %arg18[%dma_wait3A] : memref<10240xf32, #tpu.memory_space<vmem_shared>> -> memref<10240xf32, #tpu.memory_space<vmem_shared>>
        tpu.wait_indirect_dma semaphore(%run_scoped3A : memref<!tpu.dma_semaphore, #tpu.memory_space<semaphore_mem>>) src(%arg13 : memref<80xf32, #tpu.memory_space<vmem>>) dst(%dma_wait3A_71 : memref<10240xf32, #tpu.memory_space<vmem_shared>>)
        tpu.yield
      }) : () -> ()
      %scan3A_65 = arith.constant 0 : i32
      %scan3A_66 = arith.constant 80 : i32
      %scan3A_67 = arith.addi %scan3A_65, %scan3A_66 : i32
      %scan3A_68 = arith.constant 1 : i32
      scf.for %scan3A_70 = %scan3A_65 to %scan3A_67 step %scan3A_68  : i32 {
        %mul3A_71 = arith.constant 1 : i32
        %mul3A_72 = arith.muli %scan3A_70, %mul3A_71 : i32
        %add3A_73 = arith.constant 0 : i32
        %add3A_74 = arith.addi %add3A_73, %mul3A_72 : i32
        %broadcast_in_dim3A = vector.broadcast %add3A_74 : i32 to vector<16xi32>
        %gather3A = tpu.vector_load_idx %arg13[%broadcast_in_dim3A] : memref<80xf32, #tpu.memory_space<vmem>>[vector<16xi32>], vector<16xf32>,
        %get3A_75 = arith.index_cast %add3A_74 : i32 to index
        %get3A_76 = arith.constant 0 : index
        %get3A_77 = tpu.vector_load %arg11[%get3A_75, %get3A_76] {strides = array<i32>} : memref<80x128xf32, #tpu.memory_space<vmem>>, vector<16xf32>,
        %mul3A_78 = arith.mulf %get3A_77, %gather3A : vector<16xf32>
        %swap3A = arith.index_cast %add3A_74 : i32 to index
        %swap3A_79 = arith.constant 0 : index
        %swap3A_80 = tpu.vector_load %arg11[%swap3A, %swap3A_79] {strides = array<i32>} : memref<80x128xf32, #tpu.memory_space<vmem>>, vector<16xf32>,
        tpu.vector_store %arg11[%swap3A, %swap3A_79], %mul3A_78 {strides = array<i32>} : memref<80x128xf32, #tpu.memory_space<vmem>>, vector<16xf32>,
        %get3A_81 = arith.index_cast %add3A_74 : i32 to index
        %get3A_82 = arith.constant 16 : index
        %get3A_83 = tpu.vector_load %arg11[%get3A_81, %get3A_82] {strides = array<i32>} : memref<80x128xf32, #tpu.memory_space<vmem>>, vector<16xf32>,
        %mul3A_84 = arith.mulf %get3A_83, %gather3A : vector<16xf32>
        %swap3A_85 = arith.index_cast %add3A_74 : i32 to index
        %swap3A_86 = arith.constant 16 : index
        %swap3A_87 = tpu.vector_load %arg11[%swap3A_85, %swap3A_86] {strides = array<i32>} : memref<80x128xf32, #tpu.memory_space<vmem>>, vector<16xf32>,
        tpu.vector_store %arg11[%swap3A_85, %swap3A_86], %mul3A_84 {strides = array<i32>} : memref<80x128xf32, #tpu.memory_space<vmem>>, vector<16xf32>,
        %get3A_88 = arith.index_cast %add3A_74 : i32 to index
        %get3A_89 = arith.constant 32 : index
        %get3A_90 = tpu.vector_load %arg11[%get3A_88, %get3A_89] {strides = array<i32>} : memref<80x128xf32, #tpu.memory_space<vmem>>, vector<16xf32>,
        %mul3A_91 = arith.mulf %get3A_90, %gather3A : vector<16xf32>
        %swap3A_92 = arith.index_cast %add3A_74 : i32 to index
        %swap3A_93 = arith.constant 32 : index
        %swap3A_94 = tpu.vector_load %arg11[%swap3A_92, %swap3A_93] {strides = array<i32>} : memref<80x128xf32, #tpu.memory_space<vmem>>, vector<16xf32>,
        tpu.vector_store %arg11[%swap3A_92, %swap3A_93], %mul3A_91 {strides = array<i32>} : memref<80x128xf32, #tpu.memory_space<vmem>>, vector<16xf32>,
        %get3A_95 = arith.index_cast %add3A_74 : i32 to index
        %get3A_96 = arith.constant 48 : index
        %get3A_97 = tpu.vector_load %arg11[%get3A_95, %get3A_96] {strides = array<i32>} : memref<80x128xf32, #tpu.memory_space<vmem>>, vector<16xf32>,
        %mul3A_98 = arith.mulf %get3A_97, %gather3A : vector<16xf32>
        %swap3A_99 = arith.index_cast %add3A_74 : i32 to index
        %swap3A_100 = arith.constant 48 : index
        %swap3A_101 = tpu.vector_load %arg11[%swap3A_99, %swap3A_100] {strides = array<i32>} : memref<80x128xf32, #tpu.memory_space<vmem>>, vector<16xf32>,
        tpu.vector_store %arg11[%swap3A_99, %swap3A_100], %mul3A_98 {strides = array<i32>} : memref<80x128xf32, #tpu.memory_space<vmem>>, vector<16xf32>,
        %get3A_102 = arith.index_cast %add3A_74 : i32 to index
        %get3A_103 = arith.constant 64 : index
        %get3A_104 = tpu.vector_load %arg11[%get3A_102, %get3A_103] {strides = array<i32>} : memref<80x128xf32, #tpu.memory_space<vmem>>, vector<16xf32>,
        %mul3A_105 = arith.mulf %get3A_104, %gather3A : vector<16xf32>
        %swap3A_106 = arith.index_cast %add3A_74 : i32 to index
        %swap3A_107 = arith.constant 64 : index
        %swap3A_108 = tpu.vector_load %arg11[%swap3A_106, %swap3A_107] {strides = array<i32>} : memref<80x128xf32, #tpu.memory_space<vmem>>, vector<16xf32>,
        tpu.vector_store %arg11[%swap3A_106, %swap3A_107], %mul3A_105 {strides = array<i32>} : memref<80x128xf32, #tpu.memory_space<vmem>>, vector<16xf32>,
        %get3A_109 = arith.index_cast %add3A_74 : i32 to index
        %get3A_110 = arith.constant 80 : index
        %get3A_111 = tpu.vector_load %arg11[%get3A_109, %get3A_110] {strides = array<i32>} : memref<80x128xf32, #tpu.memory_space<vmem>>, vector<16xf32>,
        %mul3A_112 = arith.mulf %get3A_111, %gather3A : vector<16xf32>
        %swap3A_113 = arith.index_cast %add3A_74 : i32 to index
        %swap3A_114 = arith.constant 80 : index
        %swap3A_115 = tpu.vector_load %arg11[%swap3A_113, %swap3A_114] {strides = array<i32>} : memref<80x128xf32, #tpu.memory_space<vmem>>, vector<16xf32>,
        tpu.vector_store %arg11[%swap3A_113, %swap3A_114], %mul3A_112 {strides = array<i32>} : memref<80x128xf32, #tpu.memory_space<vmem>>, vector<16xf32>,
        %get3A_116 = arith.index_cast %add3A_74 : i32 to index
        %get3A_117 = arith.constant 96 : index
        %get3A_118 = tpu.vector_load %arg11[%get3A_116, %get3A_117] {strides = array<i32>} : memref<80x128xf32, #tpu.memory_space<vmem>>, vector<16xf32>,
        %mul3A_119 = arith.mulf %get3A_118, %gather3A : vector<16xf32>
        %swap3A_120 = arith.index_cast %add3A_74 : i32 to index
        %swap3A_121 = arith.constant 96 : index
        %swap3A_122 = tpu.vector_load %arg11[%swap3A_120, %swap3A_121] {strides = array<i32>} : memref<80x128xf32, #tpu.memory_space<vmem>>, vector<16xf32>,
        tpu.vector_store %arg11[%swap3A_120, %swap3A_121], %mul3A_119 {strides = array<i32>} : memref<80x128xf32, #tpu.memory_space<vmem>>, vector<16xf32>,
        %get3A_123 = arith.index_cast %add3A_74 : i32 to index
        %get3A_124 = arith.constant 112 : index
        %get3A_125 = tpu.vector_load %arg11[%get3A_123, %get3A_124] {strides = array<i32>} : memref<80x128xf32, #tpu.memory_space<vmem>>, vector<16xf32>,
        %mul3A_126 = arith.mulf %get3A_125, %gather3A : vector<16xf32>
        %swap3A_127 = arith.index_cast %add3A_74 : i32 to index
        %swap3A_128 = arith.constant 112 : index
        %swap3A_129 = tpu.vector_load %arg11[%swap3A_127, %swap3A_128] {strides = array<i32>} : memref<80x128xf32, #tpu.memory_space<vmem>>, vector<16xf32>,
        tpu.vector_store %arg11[%swap3A_127, %swap3A_128], %mul3A_126 {strides = array<i32>} : memref<80x128xf32, #tpu.memory_space<vmem>>, vector<16xf32>,
      }
      %scan3A_69 = arith.constant 80 : i32
      "tpu.region"() ({
        %run_scoped3A = tpu.sem_alloc : memref<!tpu.dma_semaphore, #tpu.memory_space<semaphore_mem>>
        %dma_start3A = arith.constant 0 : i32
        %dma_start3A_70 = arith.constant 0 : i32
        %dma_start3A_71 = tpu.memref_slice %arg17[%dma_start3A, %dma_start3A_70] : memref<10240x128xf32, #tpu.memory_space<vmem_shared>> -> memref<10240x128xf32, #tpu.memory_space<vmem_shared>>
        tpu.enqueue_indirect_dma source(%arg11 : memref<80x128xf32, #tpu.memory_space<vmem>>) target(%dma_start3A_71 : memref<10240x128xf32, #tpu.memory_space<vmem_shared>>) offsets(%arg10 : memref<80xi32, #tpu.memory_space<vmem>>) semaphore(%run_scoped3A : memref<!tpu.dma_semaphore, #tpu.memory_space<semaphore_mem>>) {add = true}
        %dma_wait3A = arith.constant 0 : i32
        %dma_wait3A_72 = arith.constant 0 : i32
        %dma_wait3A_73 = tpu.memref_slice %arg17[%dma_wait3A, %dma_wait3A_72] : memref<10240x128xf32, #tpu.memory_space<vmem_shared>> -> memref<10240x128xf32, #tpu.memory_space<vmem_shared>>
        tpu.wait_indirect_dma semaphore(%run_scoped3A : memref<!tpu.dma_semaphore, #tpu.memory_space<semaphore_mem>>) src(%arg11 : memref<80x128xf32, #tpu.memory_space<vmem>>) dst(%dma_wait3A_73 : memref<10240x128xf32, #tpu.memory_space<vmem_shared>>)
        tpu.yield
      }) : () -> ()
    }
    %scan3A_36 = arith.constant 125 : i32
    %barrier3A_37 = arith.constant 0 : index
    tpu.barrier barrier_id(%barrier3A_37)
    %scan3A_38 = arith.constant 0 : i32
    %scan3A_39 = arith.constant 8 : i32
    %scan3A_40 = arith.addi %scan3A_38, %scan3A_39 : i32
    %scan3A_41 = arith.constant 1 : i32
    scf.for %scan3A_50 = %scan3A_38 to %scan3A_40 step %scan3A_41  : i32 {
      %mul3A_51 = arith.constant 1 : i32
      %mul3A_52 = arith.muli %scan3A_50, %mul3A_51 : i32
      %add3A_53 = arith.constant 0 : i32
      %add3A_54 = arith.addi %add3A_53, %mul3A_52 : i32
      %mul3A_55 = arith.constant 640 : i32
      %mul3A_56 = arith.muli %mul3A_55, %arg1 : i32
      %mul3A_57 = arith.constant 80 : i32
      %mul3A_58 = arith.muli %mul3A_57, %add3A_54 : i32
      %add3A_59 = arith.addi %mul3A_56, %mul3A_58 : i32
      "tpu.region"() ({
        %run_scoped3A = tpu.sem_alloc : memref<!tpu.dma_semaphore, #tpu.memory_space<semaphore_mem>>
        %dma_start3A = arith.constant 0 : i32
        %dma_start3A_60 = tpu.memref_slice %arg17[%add3A_59, %dma_start3A] : memref<10240x128xf32, #tpu.memory_space<vmem_shared>> -> memref<80x128xf32, #tpu.memory_space<vmem_shared>>
        %dma_start3A_61 = arith.constant 0 : i32
        %dma_start3A_62 = tpu.memref_slice %arg17[%add3A_59, %dma_start3A_61] : memref<10240x128xf32, #tpu.memory_space<vmem_shared>> -> memref<80x128xf32, #tpu.memory_space<vmem_shared>>
        tpu.enqueue_dma source(%dma_start3A_62 : memref<80x128xf32, #tpu.memory_space<vmem_shared>>) target(%arg11 : memref<80x128xf32, #tpu.memory_space<vmem>>) target_semaphore(%run_scoped3A : memref<!tpu.dma_semaphore, #tpu.memory_space<semaphore_mem>>)
        %dma_wait3A = arith.constant 0 : i32
        %dma_wait3A_63 = tpu.memref_slice %arg17[%add3A_59, %dma_wait3A] : memref<10240x128xf32, #tpu.memory_space<vmem_shared>> -> memref<80x128xf32, #tpu.memory_space<vmem_shared>>
        %dma_wait3A_64 = arith.constant 0 : i32
        %dma_wait3A_65 = tpu.memref_slice %arg17[%add3A_59, %dma_wait3A_64] : memref<10240x128xf32, #tpu.memory_space<vmem_shared>> -> memref<80x128xf32, #tpu.memory_space<vmem_shared>>
        tpu.wait_dma2 semaphore(%run_scoped3A : memref<!tpu.dma_semaphore, #tpu.memory_space<semaphore_mem>>) src(%dma_wait3A_65 : memref<80x128xf32, #tpu.memory_space<vmem_shared>>) dst(%arg11 : memref<80x128xf32, #tpu.memory_space<vmem>>)
        tpu.yield
      }) : () -> ()
      "tpu.region"() ({
        %run_scoped3A = tpu.sem_alloc : memref<!tpu.dma_semaphore, #tpu.memory_space<semaphore_mem>>
        %dma_start3A = arith.constant 0 : i32
        %dma_start3A_60 = tpu.memref_slice %arg7[%arg0, %add3A_59, %dma_start3A] : memref<2x10240x128xf32, #tpu.memory_space<hbm>> -> memref<1x80x128xf32, #tpu.memory_space<hbm>>
        %dma_start3A_61 = tpu.memref_squeeze %dma_start3A_60 : memref<1x80x128xf32, #tpu.memory_space<hbm>> -> memref<80x128xf32, #tpu.memory_space<hbm>>
        %dma_start3A_62 = arith.constant 0 : i32
        %dma_start3A_63 = tpu.memref_slice %arg7[%arg0, %add3A_59, %dma_start3A_62] : memref<2x10240x128xf32, #tpu.memory_space<hbm>> -> memref<1x80x128xf32, #tpu.memory_space<hbm>>
        %dma_start3A_64 = tpu.memref_squeeze %dma_start3A_63 : memref<1x80x128xf32, #tpu.memory_space<hbm>> -> memref<80x128xf32, #tpu.memory_space<hbm>>
        tpu.enqueue_dma source(%arg11 : memref<80x128xf32, #tpu.memory_space<vmem>>) target(%dma_start3A_64 : memref<80x128xf32, #tpu.memory_space<hbm>>) target_semaphore(%run_scoped3A : memref<!tpu.dma_semaphore, #tpu.memory_space<semaphore_mem>>)
        %dma_wait3A = arith.constant 0 : i32
        %dma_wait3A_65 = tpu.memref_slice %arg7[%arg0, %add3A_59, %dma_wait3A] : memref<2x10240x128xf32, #tpu.memory_space<hbm>> -> memref<1x80x128xf32, #tpu.memory_space<hbm>>
        %dma_wait3A_66 = tpu.memref_squeeze %dma_wait3A_65 : memref<1x80x128xf32, #tpu.memory_space<hbm>> -> memref<80x128xf32, #tpu.memory_space<hbm>>
        %dma_wait3A_67 = arith.constant 0 : i32
        %dma_wait3A_68 = tpu.memref_slice %arg7[%arg0, %add3A_59, %dma_wait3A_67] : memref<2x10240x128xf32, #tpu.memory_space<hbm>> -> memref<1x80x128xf32, #tpu.memory_space<hbm>>
        %dma_wait3A_69 = tpu.memref_squeeze %dma_wait3A_68 : memref<1x80x128xf32, #tpu.memory_space<hbm>> -> memref<80x128xf32, #tpu.memory_space<hbm>>
        tpu.wait_dma2 semaphore(%run_scoped3A : memref<!tpu.dma_semaphore, #tpu.memory_space<semaphore_mem>>) src(%arg11 : memref<80x128xf32, #tpu.memory_space<vmem>>) dst(%dma_wait3A_69 : memref<80x128xf32, #tpu.memory_space<hbm>>)
        tpu.yield
      }) : () -> ()
    }
    %scan3A_42 = arith.constant 8 : i32
    %mul3A_43 = arith.constant 640 : i32
    %mul3A_44 = arith.muli %mul3A_43, %arg1 : i32
    "tpu.region"() ({
      %run_scoped3A = tpu.sem_alloc : memref<!tpu.dma_semaphore, #tpu.memory_space<semaphore_mem>>
      %dma_start3A = tpu.memref_slice %arg18[%mul3A_44] : memref<10240xf32, #tpu.memory_space<vmem_shared>> -> memref<640xf32, #tpu.memory_space<vmem_shared>>
      %dma_start3A_50 = tpu.memref_slice %arg18[%mul3A_44] : memref<10240xf32, #tpu.memory_space<vmem_shared>> -> memref<640xf32, #tpu.memory_space<vmem_shared>>
      tpu.enqueue_dma source(%dma_start3A_50 : memref<640xf32, #tpu.memory_space<vmem_shared>>) target(%arg16 : memref<640xf32, #tpu.memory_space<vmem>>) target_semaphore(%run_scoped3A : memref<!tpu.dma_semaphore, #tpu.memory_space<semaphore_mem>>)
      %dma_wait3A = tpu.memref_slice %arg18[%mul3A_44] : memref<10240xf32, #tpu.memory_space<vmem_shared>> -> memref<640xf32, #tpu.memory_space<vmem_shared>>
      %dma_wait3A_51 = tpu.memref_slice %arg18[%mul3A_44] : memref<10240xf32, #tpu.memory_space<vmem_shared>> -> memref<640xf32, #tpu.memory_space<vmem_shared>>
      tpu.wait_dma2 semaphore(%run_scoped3A : memref<!tpu.dma_semaphore, #tpu.memory_space<semaphore_mem>>) src(%dma_wait3A_51 : memref<640xf32, #tpu.memory_space<vmem_shared>>) dst(%arg16 : memref<640xf32, #tpu.memory_space<vmem>>)
      tpu.yield
    }) : () -> ()
    %scan3A_45 = arith.constant 0 : i32
    %scan3A_46 = arith.constant 8 : i32
    %scan3A_47 = arith.addi %scan3A_45, %scan3A_46 : i32
    %scan3A_48 = arith.constant 1 : i32
    scf.for %scan3A_50 = %scan3A_45 to %scan3A_47 step %scan3A_48  : i32 {
      %mul3A_51 = arith.constant 1 : i32
      %mul3A_52 = arith.muli %scan3A_50, %mul3A_51 : i32
      %add3A_53 = arith.constant 0 : i32
      %add3A_54 = arith.addi %add3A_53, %mul3A_52 : i32
      %scan3A_55 = arith.constant 0 : i32
      %scan3A_56 = arith.constant 80 : i32
      %scan3A_57 = arith.addi %scan3A_55, %scan3A_56 : i32
      %scan3A_58 = arith.constant 1 : i32
      scf.for %scan3A_65 = %scan3A_55 to %scan3A_57 step %scan3A_58  : i32 {
        %mul3A_66 = arith.constant 1 : i32
        %mul3A_67 = arith.muli %scan3A_65, %mul3A_66 : i32
        %add3A_68 = arith.constant 0 : i32
        %add3A_69 = arith.addi %add3A_68, %mul3A_67 : i32
        %mul3A_70 = arith.constant 80 : i32
        %mul3A_71 = arith.muli %mul3A_70, %add3A_54 : i32
        %add3A_72 = arith.addi %mul3A_71, %add3A_69 : i32
        %broadcast_in_dim3A = vector.broadcast %add3A_72 : i32 to vector<16xi32>
        %gather3A = tpu.vector_load_idx %arg16[%broadcast_in_dim3A] : memref<640xf32, #tpu.memory_space<vmem>>[vector<16xi32>], vector<16xf32>,
        %swap3A = arith.index_cast %add3A_69 : i32 to index
        %swap3A_73 = arith.constant 0 : index
        %swap3A_74 = tpu.vector_load %arg11[%swap3A, %swap3A_73] {strides = array<i32>} : memref<80x128xf32, #tpu.memory_space<vmem>>, vector<16xf32>,
        tpu.vector_store %arg11[%swap3A, %swap3A_73], %gather3A {strides = array<i32>} : memref<80x128xf32, #tpu.memory_space<vmem>>, vector<16xf32>,
        %swap3A_75 = arith.index_cast %add3A_69 : i32 to index
        %swap3A_76 = arith.constant 16 : index
        %swap3A_77 = tpu.vector_load %arg11[%swap3A_75, %swap3A_76] {strides = array<i32>} : memref<80x128xf32, #tpu.memory_space<vmem>>, vector<16xf32>,
        tpu.vector_store %arg11[%swap3A_75, %swap3A_76], %gather3A {strides = array<i32>} : memref<80x128xf32, #tpu.memory_space<vmem>>, vector<16xf32>,
        %swap3A_78 = arith.index_cast %add3A_69 : i32 to index
        %swap3A_79 = arith.constant 32 : index
        %swap3A_80 = tpu.vector_load %arg11[%swap3A_78, %swap3A_79] {strides = array<i32>} : memref<80x128xf32, #tpu.memory_space<vmem>>, vector<16xf32>,
        tpu.vector_store %arg11[%swap3A_78, %swap3A_79], %gather3A {strides = array<i32>} : memref<80x128xf32, #tpu.memory_space<vmem>>, vector<16xf32>,
        %swap3A_81 = arith.index_cast %add3A_69 : i32 to index
        %swap3A_82 = arith.constant 48 : index
        %swap3A_83 = tpu.vector_load %arg11[%swap3A_81, %swap3A_82] {strides = array<i32>} : memref<80x128xf32, #tpu.memory_space<vmem>>, vector<16xf32>,
        tpu.vector_store %arg11[%swap3A_81, %swap3A_82], %gather3A {strides = array<i32>} : memref<80x128xf32, #tpu.memory_space<vmem>>, vector<16xf32>,
        %swap3A_84 = arith.index_cast %add3A_69 : i32 to index
        %swap3A_85 = arith.constant 64 : index
        %swap3A_86 = tpu.vector_load %arg11[%swap3A_84, %swap3A_85] {strides = array<i32>} : memref<80x128xf32, #tpu.memory_space<vmem>>, vector<16xf32>,
        tpu.vector_store %arg11[%swap3A_84, %swap3A_85], %gather3A {strides = array<i32>} : memref<80x128xf32, #tpu.memory_space<vmem>>, vector<16xf32>,
        %swap3A_87 = arith.index_cast %add3A_69 : i32 to index
        %swap3A_88 = arith.constant 80 : index
        %swap3A_89 = tpu.vector_load %arg11[%swap3A_87, %swap3A_88] {strides = array<i32>} : memref<80x128xf32, #tpu.memory_space<vmem>>, vector<16xf32>,
        tpu.vector_store %arg11[%swap3A_87, %swap3A_88], %gather3A {strides = array<i32>} : memref<80x128xf32, #tpu.memory_space<vmem>>, vector<16xf32>,
        %swap3A_90 = arith.index_cast %add3A_69 : i32 to index
        %swap3A_91 = arith.constant 96 : index
        %swap3A_92 = tpu.vector_load %arg11[%swap3A_90, %swap3A_91] {strides = array<i32>} : memref<80x128xf32, #tpu.memory_space<vmem>>, vector<16xf32>,
        tpu.vector_store %arg11[%swap3A_90, %swap3A_91], %gather3A {strides = array<i32>} : memref<80x128xf32, #tpu.memory_space<vmem>>, vector<16xf32>,
        %swap3A_93 = arith.index_cast %add3A_69 : i32 to index
        %swap3A_94 = arith.constant 112 : index
        %swap3A_95 = tpu.vector_load %arg11[%swap3A_93, %swap3A_94] {strides = array<i32>} : memref<80x128xf32, #tpu.memory_space<vmem>>, vector<16xf32>,
        tpu.vector_store %arg11[%swap3A_93, %swap3A_94], %gather3A {strides = array<i32>} : memref<80x128xf32, #tpu.memory_space<vmem>>, vector<16xf32>,
      }
      %scan3A_59 = arith.constant 80 : i32
      %mul3A_60 = arith.constant 640 : i32
      %mul3A_61 = arith.muli %mul3A_60, %arg1 : i32
      %mul3A_62 = arith.constant 80 : i32
      %mul3A_63 = arith.muli %mul3A_62, %add3A_54 : i32
      %add3A_64 = arith.addi %mul3A_61, %mul3A_63 : i32
      "tpu.region"() ({
        %run_scoped3A = tpu.sem_alloc : memref<!tpu.dma_semaphore, #tpu.memory_space<semaphore_mem>>
        %dma_start3A = arith.constant 0 : i32
        %dma_start3A_65 = tpu.memref_slice %arg8[%arg0, %add3A_64, %dma_start3A] : memref<2x10240x128xf32, #tpu.memory_space<hbm>> -> memref<1x80x128xf32, #tpu.memory_space<hbm>>
        %dma_start3A_66 = tpu.memref_squeeze %dma_start3A_65 : memref<1x80x128xf32, #tpu.memory_space<hbm>> -> memref<80x128xf32, #tpu.memory_space<hbm>>
        %dma_start3A_67 = arith.constant 0 : i32
        %dma_start3A_68 = tpu.memref_slice %arg8[%arg0, %add3A_64, %dma_start3A_67] : memref<2x10240x128xf32, #tpu.memory_space<hbm>> -> memref<1x80x128xf32, #tpu.memory_space<hbm>>
        %dma_start3A_69 = tpu.memref_squeeze %dma_start3A_68 : memref<1x80x128xf32, #tpu.memory_space<hbm>> -> memref<80x128xf32, #tpu.memory_space<hbm>>
        tpu.enqueue_dma source(%arg11 : memref<80x128xf32, #tpu.memory_space<vmem>>) target(%dma_start3A_69 : memref<80x128xf32, #tpu.memory_space<hbm>>) target_semaphore(%run_scoped3A : memref<!tpu.dma_semaphore, #tpu.memory_space<semaphore_mem>>)
        %dma_wait3A = arith.constant 0 : i32
        %dma_wait3A_70 = tpu.memref_slice %arg8[%arg0, %add3A_64, %dma_wait3A] : memref<2x10240x128xf32, #tpu.memory_space<hbm>> -> memref<1x80x128xf32, #tpu.memory_space<hbm>>
        %dma_wait3A_71 = tpu.memref_squeeze %dma_wait3A_70 : memref<1x80x128xf32, #tpu.memory_space<hbm>> -> memref<80x128xf32, #tpu.memory_space<hbm>>
        %dma_wait3A_72 = arith.constant 0 : i32
        %dma_wait3A_73 = tpu.memref_slice %arg8[%arg0, %add3A_64, %dma_wait3A_72] : memref<2x10240x128xf32, #tpu.memory_space<hbm>> -> memref<1x80x128xf32, #tpu.memory_space<hbm>>
        %dma_wait3A_74 = tpu.memref_squeeze %dma_wait3A_73 : memref<1x80x128xf32, #tpu.memory_space<hbm>> -> memref<80x128xf32, #tpu.memory_space<hbm>>
        tpu.wait_dma2 semaphore(%run_scoped3A : memref<!tpu.dma_semaphore, #tpu.memory_space<semaphore_mem>>) src(%arg11 : memref<80x128xf32, #tpu.memory_space<vmem>>) dst(%dma_wait3A_74 : memref<80x128xf32, #tpu.memory_space<hbm>>)
        tpu.yield
      }) : () -> ()
    }
    %scan3A_49 = arith.constant 8 : i32
    return
  }
}

module attributes {stable_mosaic.version = 14 : i64} {
  func.func @_mid_body(%arg0: i32, %arg1: memref<2x512x128xf32, #tpu.memory_space<vmem>>, %arg2: memref<2x512x128xf32, #tpu.memory_space<vmem>>, %arg3: memref<2x512x128xf32, #tpu.memory_space<vmem>>, %arg4: memref<1x256xf32, #tpu.memory_space<vmem>>, %arg5: memref<256x128xf32, #tpu.memory_space<vmem>>, %arg6: memref<256x128xf32, #tpu.memory_space<vmem>>, %arg7: memref<512x128xf32, #tpu.memory_space<vmem>>, %arg8: memref<512x128xf32, #tpu.memory_space<vmem>>) attributes {dimension_semantics = [#tpu.dimension_semantics<arbitrary>], iteration_bounds = array<i64: 20>, scalar_prefetch = 0 : i64, scratch_operands = 0 : i64, tpu.core_type = #tpu.core_type<tc>, window_params = [{transform_indices = @transform_0, window_bounds = array<i64: 2, 512, 128>}, {transform_indices = @transform_1, window_bounds = array<i64: 2, 512, 128>}, {transform_indices = @transform_2, window_bounds = array<i64: 2, 512, 128>}, {pipeline_mode = #tpu.pipeline_mode<synchronous>, transform_indices = @transform_3, window_bounds = array<i64: 1, 256>}, {pipeline_mode = #tpu.pipeline_mode<synchronous>, transform_indices = @transform_4, window_bounds = array<i64: 256, 128>}, {pipeline_mode = #tpu.pipeline_mode<synchronous>, transform_indices = @transform_5, window_bounds = array<i64: 256, 128>}, {transform_indices = @transform_6, window_bounds = array<i64: 512, 128>}, {transform_indices = @transform_7, window_bounds = array<i64: 512, 128>}]} {
    %get3A = arith.constant 0 : index
    %get3A_0 = arith.constant 0 : index
    %get3A_1 = arith.constant 0 : index
    %get3A_2 = vector.load %arg1[%get3A, %get3A_0, %get3A_1] : memref<2x512x128xf32, #tpu.memory_space<vmem>>, vector<1x512x128xf32>
    %get3A_3 = vector.shape_cast %get3A_2 : vector<1x512x128xf32> to vector<512x128xf32>
    %get3A_4 = arith.constant 1 : index
    %get3A_5 = arith.constant 0 : index
    %get3A_6 = arith.constant 0 : index
    %get3A_7 = vector.load %arg1[%get3A_4, %get3A_5, %get3A_6] : memref<2x512x128xf32, #tpu.memory_space<vmem>>, vector<1x512x128xf32>
    %get3A_8 = vector.shape_cast %get3A_7 : vector<1x512x128xf32> to vector<512x128xf32>
    %add3A = arith.addf %get3A_3, %get3A_8 : vector<512x128xf32>
    %get3A_9 = arith.constant 0 : index
    %get3A_10 = arith.constant 0 : index
    %get3A_11 = arith.constant 0 : index
    %get3A_12 = vector.load %arg2[%get3A_9, %get3A_10, %get3A_11] : memref<2x512x128xf32, #tpu.memory_space<vmem>>, vector<1x512x128xf32>
    %get3A_13 = vector.shape_cast %get3A_12 : vector<1x512x128xf32> to vector<512x128xf32>
    %get3A_14 = arith.constant 1 : index
    %get3A_15 = arith.constant 0 : index
    %get3A_16 = arith.constant 0 : index
    %get3A_17 = vector.load %arg2[%get3A_14, %get3A_15, %get3A_16] : memref<2x512x128xf32, #tpu.memory_space<vmem>>, vector<1x512x128xf32>
    %get3A_18 = vector.shape_cast %get3A_17 : vector<1x512x128xf32> to vector<512x128xf32>
    %add3A_19 = arith.addf %get3A_13, %get3A_18 : vector<512x128xf32>
    %get3A_20 = arith.constant 0 : index
    %get3A_21 = arith.constant 0 : index
    %get3A_22 = arith.constant 0 : index
    %get3A_23 = vector.load %arg3[%get3A_20, %get3A_21, %get3A_22] : memref<2x512x128xf32, #tpu.memory_space<vmem>>, vector<1x512x128xf32>
    %get3A_24 = vector.shape_cast %get3A_23 : vector<1x512x128xf32> to vector<512x128xf32>
    %get3A_25 = arith.constant 1 : index
    %get3A_26 = arith.constant 0 : index
    %get3A_27 = arith.constant 0 : index
    %get3A_28 = vector.load %arg3[%get3A_25, %get3A_26, %get3A_27] : memref<2x512x128xf32, #tpu.memory_space<vmem>>, vector<1x512x128xf32>
    %get3A_29 = vector.shape_cast %get3A_28 : vector<1x512x128xf32> to vector<512x128xf32>
    %add3A_30 = arith.addf %get3A_24, %get3A_29 : vector<512x128xf32>
    %add3A_31 = arith.constant 1.000000e-16 : f32
    %add3A_32 = vector.broadcast %add3A_31 : f32 to vector<512x128xf32>
    %add3A_33 = arith.addf %add3A_30, %add3A_32 : vector<512x128xf32>
    %div3A = arith.constant 1.000000e+00 : f32
    %div3A_34 = vector.broadcast %div3A : f32 to vector<512x128xf32>
    %div3A_35 = arith.divf %div3A_34, %add3A_33 : vector<512x128xf32>
    %get3A_36 = arith.constant 0 : index
    %get3A_37 = arith.constant 0 : index
    %get3A_38 = vector.load %arg4[%get3A_36, %get3A_37] : memref<1x256xf32, #tpu.memory_space<vmem>>, vector<1x256xf32>
    %mul3A = arith.mulf %add3A, %div3A_35 : vector<512x128xf32>
    %slice3A = vector.extract_strided_slice %get3A_38 {offsets = [0, 0], sizes = [1, 128], strides = [1, 1]} : vector<1x256xf32> to vector<1x128xf32>
    %add3A_39 = vector.broadcast %slice3A : vector<1x128xf32> to vector<512x128xf32>
    %add3A_40 = arith.addf %mul3A, %add3A_39 : vector<512x128xf32>
    %max3A = arith.constant 0.000000e+00 : f32
    %max3A_41 = vector.broadcast %max3A : f32 to vector<512x128xf32>
    %max3A_42 = arith.maximumf %add3A_40, %max3A_41 : vector<512x128xf32>
    %mul3A_43 = arith.mulf %add3A_19, %div3A_35 : vector<512x128xf32>
    %slice3A_44 = vector.extract_strided_slice %get3A_38 {offsets = [0, 128], sizes = [1, 128], strides = [1, 1]} : vector<1x256xf32> to vector<1x128xf32>
    %add3A_45 = vector.broadcast %slice3A_44 : vector<1x128xf32> to vector<512x128xf32>
    %add3A_46 = arith.addf %mul3A_43, %add3A_45 : vector<512x128xf32>
    %max3A_47 = arith.constant 0.000000e+00 : f32
    %max3A_48 = vector.broadcast %max3A_47 : f32 to vector<512x128xf32>
    %max3A_49 = arith.maximumf %add3A_46, %max3A_48 : vector<512x128xf32>
    %get3A_50 = arith.constant 0 : index
    %get3A_51 = arith.constant 0 : index
    %get3A_52 = vector.load %arg5[%get3A_50, %get3A_51] : memref<256x128xf32, #tpu.memory_space<vmem>>, vector<256x128xf32>
    %get3A_53 = arith.constant 0 : index
    %get3A_54 = arith.constant 0 : index
    %get3A_55 = vector.load %arg6[%get3A_53, %get3A_54] : memref<256x128xf32, #tpu.memory_space<vmem>>, vector<256x128xf32>
    %slice3A_56 = vector.extract_strided_slice %get3A_52 {offsets = [0, 0], sizes = [128, 128], strides = [1, 1]} : vector<256x128xf32> to vector<128x128xf32>
    %dot_general3A = arith.constant dense<0.000000e+00> : vector<512x128xf32>
    %dot_general3A_57 = tpu.matmul %max3A_42, %slice3A_56, %dot_general3A {dimension_numbers = #tpu.dot_dimension_numbers<[1], [0], [0], [1], [0, 0, 1, 1], [], []>, precision = #tpu.contract_precision<fp32>, transpose_lhs_hint = false} : vector<512x128xf32>, vector<128x128xf32>, vector<512x128xf32> -> vector<512x128xf32>
    %slice3A_58 = vector.extract_strided_slice %get3A_52 {offsets = [128, 0], sizes = [128, 128], strides = [1, 1]} : vector<256x128xf32> to vector<128x128xf32>
    %dot_general3A_59 = arith.constant dense<0.000000e+00> : vector<512x128xf32>
    %dot_general3A_60 = tpu.matmul %max3A_49, %slice3A_58, %dot_general3A_59 {dimension_numbers = #tpu.dot_dimension_numbers<[1], [0], [0], [1], [0, 0, 1, 1], [], []>, precision = #tpu.contract_precision<fp32>, transpose_lhs_hint = false} : vector<512x128xf32>, vector<128x128xf32>, vector<512x128xf32> -> vector<512x128xf32>
    %add3A_61 = arith.addf %dot_general3A_57, %dot_general3A_60 : vector<512x128xf32>
    %swap3A = arith.constant 0 : index
    %swap3A_62 = arith.constant 0 : index
    %swap3A_63 = vector.load %arg7[%swap3A, %swap3A_62] : memref<512x128xf32, #tpu.memory_space<vmem>>, vector<512x128xf32>
    tpu.vector_store %arg7[%swap3A, %swap3A_62], %add3A_61 {strides = array<i32>} : memref<512x128xf32, #tpu.memory_space<vmem>>, vector<512x128xf32>,
    %slice3A_64 = vector.extract_strided_slice %get3A_55 {offsets = [0, 0], sizes = [128, 128], strides = [1, 1]} : vector<256x128xf32> to vector<128x128xf32>
    %dot_general3A_65 = arith.constant dense<0.000000e+00> : vector<512x128xf32>
    %dot_general3A_66 = tpu.matmul %max3A_42, %slice3A_64, %dot_general3A_65 {dimension_numbers = #tpu.dot_dimension_numbers<[1], [0], [0], [1], [0, 0, 1, 1], [], []>, precision = #tpu.contract_precision<fp32>, transpose_lhs_hint = false} : vector<512x128xf32>, vector<128x128xf32>, vector<512x128xf32> -> vector<512x128xf32>
    %slice3A_67 = vector.extract_strided_slice %get3A_55 {offsets = [128, 0], sizes = [128, 128], strides = [1, 1]} : vector<256x128xf32> to vector<128x128xf32>
    %dot_general3A_68 = arith.constant dense<0.000000e+00> : vector<512x128xf32>
    %dot_general3A_69 = tpu.matmul %max3A_49, %slice3A_67, %dot_general3A_68 {dimension_numbers = #tpu.dot_dimension_numbers<[1], [0], [0], [1], [0, 0, 1, 1], [], []>, precision = #tpu.contract_precision<fp32>, transpose_lhs_hint = false} : vector<512x128xf32>, vector<128x128xf32>, vector<512x128xf32> -> vector<512x128xf32>
    %add3A_70 = arith.addf %dot_general3A_66, %dot_general3A_69 : vector<512x128xf32>
    %swap3A_71 = arith.constant 0 : index
    %swap3A_72 = arith.constant 0 : index
    %swap3A_73 = vector.load %arg8[%swap3A_71, %swap3A_72] : memref<512x128xf32, #tpu.memory_space<vmem>>, vector<512x128xf32>
    tpu.vector_store %arg8[%swap3A_71, %swap3A_72], %add3A_70 {strides = array<i32>} : memref<512x128xf32, #tpu.memory_space<vmem>>, vector<512x128xf32>,
    return
  }
  func.func @transform_0(%arg0: i32) -> (i32, i32, i32) {
    %c0_i32 = arith.constant 0 : i32
    %c0_i32_0 = arith.constant 0 : i32
    %c0_i32_1 = arith.constant 0 : i32
    return %c0_i32, %arg0, %c0_i32_0 : i32, i32, i32
  }
  func.func @transform_1(%arg0: i32) -> (i32, i32, i32) {
    %c0_i32 = arith.constant 0 : i32
    %c0_i32_0 = arith.constant 0 : i32
    %c0_i32_1 = arith.constant 0 : i32
    return %c0_i32, %arg0, %c0_i32_0 : i32, i32, i32
  }
  func.func @transform_2(%arg0: i32) -> (i32, i32, i32) {
    %c0_i32 = arith.constant 0 : i32
    %c0_i32_0 = arith.constant 0 : i32
    %c0_i32_1 = arith.constant 0 : i32
    return %c0_i32, %arg0, %c0_i32_0 : i32, i32, i32
  }
  func.func @transform_3(%arg0: i32) -> (i32, i32) {
    %c0_i32 = arith.constant 0 : i32
    %c0_i32_0 = arith.constant 0 : i32
    %c0_i32_1 = arith.constant 0 : i32
    return %c0_i32, %c0_i32_0 : i32, i32
  }
  func.func @transform_4(%arg0: i32) -> (i32, i32) {
    %c0_i32 = arith.constant 0 : i32
    %c0_i32_0 = arith.constant 0 : i32
    %c0_i32_1 = arith.constant 0 : i32
    return %c0_i32, %c0_i32_0 : i32, i32
  }
  func.func @transform_5(%arg0: i32) -> (i32, i32) {
    %c0_i32 = arith.constant 0 : i32
    %c0_i32_0 = arith.constant 0 : i32
    %c0_i32_1 = arith.constant 0 : i32
    return %c0_i32, %c0_i32_0 : i32, i32
  }
  func.func @transform_6(%arg0: i32) -> (i32, i32) {
    %c0_i32 = arith.constant 0 : i32
    %c0_i32_0 = arith.constant 0 : i32
    return %arg0, %c0_i32 : i32, i32
  }
  func.func @transform_7(%arg0: i32) -> (i32, i32) {
    %c0_i32 = arith.constant 0 : i32
    %c0_i32_0 = arith.constant 0 : i32
    return %arg0, %c0_i32 : i32, i32
  }
}

module attributes {stable_mosaic.version = 14 : i64} {
  func.func @_mm1_body(%arg0: i32, %arg1: memref<400x128xf32, #tpu.memory_space<vmem>>, %arg2: memref<128x256xf32, #tpu.memory_space<vmem>>, %arg3: memref<128x256xf32, #tpu.memory_space<vmem>>, %arg4: memref<400x128xf32, #tpu.memory_space<vmem>>, %arg5: memref<400x128xf32, #tpu.memory_space<vmem>>, %arg6: memref<400x256xf32, #tpu.memory_space<vmem>>) attributes {dimension_semantics = [#tpu.dimension_semantics<arbitrary>], iteration_bounds = array<i64: 25>, scalar_prefetch = 0 : i64, scratch_operands = 0 : i64, tpu.core_type = #tpu.core_type<tc>, window_params = [{transform_indices = @transform_0, window_bounds = array<i64: 400, 128>}, {pipeline_mode = #tpu.pipeline_mode<synchronous>, transform_indices = @transform_1, window_bounds = array<i64: 128, 256>}, {pipeline_mode = #tpu.pipeline_mode<synchronous>, transform_indices = @transform_2, window_bounds = array<i64: 128, 256>}, {transform_indices = @transform_3, window_bounds = array<i64: 400, 128>}, {transform_indices = @transform_4, window_bounds = array<i64: 400, 128>}, {transform_indices = @transform_5, window_bounds = array<i64: 400, 256>}]} {
    %get3A = arith.constant 0 : index
    %get3A_0 = arith.constant 0 : index
    %get3A_1 = vector.load %arg1[%get3A, %get3A_0] : memref<400x128xf32, #tpu.memory_space<vmem>>, vector<400x128xf32>
    %get3A_2 = arith.constant 0 : index
    %get3A_3 = arith.constant 0 : index
    %get3A_4 = vector.load %arg2[%get3A_2, %get3A_3] : memref<128x256xf32, #tpu.memory_space<vmem>>, vector<128x256xf32>
    %dot_general3A = arith.constant dense<0.000000e+00> : vector<400x256xf32>
    %dot_general3A_5 = tpu.matmul %get3A_1, %get3A_4, %dot_general3A {dimension_numbers = #tpu.dot_dimension_numbers<[1], [0], [0], [1], [0, 0, 1, 1], [], []>, precision = #tpu.contract_precision<fp32>, transpose_lhs_hint = false} : vector<400x128xf32>, vector<128x256xf32>, vector<400x256xf32> -> vector<400x256xf32>
    %slice3A = vector.extract_strided_slice %dot_general3A_5 {offsets = [0, 0], sizes = [400, 128], strides = [1, 1]} : vector<400x256xf32> to vector<400x128xf32>
    %swap3A = arith.constant 0 : index
    %swap3A_6 = arith.constant 0 : index
    %swap3A_7 = vector.load %arg4[%swap3A, %swap3A_6] : memref<400x128xf32, #tpu.memory_space<vmem>>, vector<400x128xf32>
    tpu.vector_store %arg4[%swap3A, %swap3A_6], %slice3A {strides = array<i32>} : memref<400x128xf32, #tpu.memory_space<vmem>>, vector<400x128xf32>,
    %slice3A_8 = vector.extract_strided_slice %dot_general3A_5 {offsets = [0, 128], sizes = [400, 128], strides = [1, 1]} : vector<400x256xf32> to vector<400x128xf32>
    %swap3A_9 = arith.constant 0 : index
    %swap3A_10 = arith.constant 0 : index
    %swap3A_11 = vector.load %arg5[%swap3A_9, %swap3A_10] : memref<400x128xf32, #tpu.memory_space<vmem>>, vector<400x128xf32>
    tpu.vector_store %arg5[%swap3A_9, %swap3A_10], %slice3A_8 {strides = array<i32>} : memref<400x128xf32, #tpu.memory_space<vmem>>, vector<400x128xf32>,
    %get3A_12 = arith.constant 0 : index
    %get3A_13 = arith.constant 0 : index
    %get3A_14 = vector.load %arg3[%get3A_12, %get3A_13] : memref<128x256xf32, #tpu.memory_space<vmem>>, vector<128x256xf32>
    %dot_general3A_15 = arith.constant dense<0.000000e+00> : vector<400x256xf32>
    %dot_general3A_16 = tpu.matmul %get3A_1, %get3A_14, %dot_general3A_15 {dimension_numbers = #tpu.dot_dimension_numbers<[1], [0], [0], [1], [0, 0, 1, 1], [], []>, precision = #tpu.contract_precision<fp32>, transpose_lhs_hint = false} : vector<400x128xf32>, vector<128x256xf32>, vector<400x256xf32> -> vector<400x256xf32>
    %swap3A_17 = arith.constant 0 : index
    %swap3A_18 = arith.constant 0 : index
    %swap3A_19 = vector.load %arg6[%swap3A_17, %swap3A_18] : memref<400x256xf32, #tpu.memory_space<vmem>>, vector<400x256xf32>
    tpu.vector_store %arg6[%swap3A_17, %swap3A_18], %dot_general3A_16 {strides = array<i32>} : memref<400x256xf32, #tpu.memory_space<vmem>>, vector<400x256xf32>,
    return
  }
  func.func @transform_0(%arg0: i32) -> (i32, i32) {
    %c0_i32 = arith.constant 0 : i32
    %c0_i32_0 = arith.constant 0 : i32
    return %arg0, %c0_i32 : i32, i32
  }
  func.func @transform_1(%arg0: i32) -> (i32, i32) {
    %c0_i32 = arith.constant 0 : i32
    %c0_i32_0 = arith.constant 0 : i32
    %c0_i32_1 = arith.constant 0 : i32
    return %c0_i32, %c0_i32_0 : i32, i32
  }
  func.func @transform_2(%arg0: i32) -> (i32, i32) {
    %c0_i32 = arith.constant 0 : i32
    %c0_i32_0 = arith.constant 0 : i32
    %c0_i32_1 = arith.constant 0 : i32
    return %c0_i32, %c0_i32_0 : i32, i32
  }
  func.func @transform_3(%arg0: i32) -> (i32, i32) {
    %c0_i32 = arith.constant 0 : i32
    %c0_i32_0 = arith.constant 0 : i32
    return %arg0, %c0_i32 : i32, i32
  }
  func.func @transform_4(%arg0: i32) -> (i32, i32) {
    %c0_i32 = arith.constant 0 : i32
    %c0_i32_0 = arith.constant 0 : i32
    return %arg0, %c0_i32 : i32, i32
  }
  func.func @transform_5(%arg0: i32) -> (i32, i32) {
    %c0_i32 = arith.constant 0 : i32
    %c0_i32_0 = arith.constant 0 : i32
    return %arg0, %c0_i32 : i32, i32
  }
}

module attributes {stable_mosaic.version = 14 : i64} {
  func.func @_fin_body(%arg0: i32, %arg1: memref<2x512x128xf32, #tpu.memory_space<vmem>>, %arg2: memref<2x512x128xf32, #tpu.memory_space<vmem>>, %arg3: memref<1x128xf32, #tpu.memory_space<vmem>>, %arg4: memref<128x128xf32, #tpu.memory_space<vmem>>, %arg5: memref<1x128xf32, #tpu.memory_space<vmem>>, %arg6: memref<512x128xf32, #tpu.memory_space<vmem>>) attributes {dimension_semantics = [#tpu.dimension_semantics<arbitrary>], iteration_bounds = array<i64: 20>, scalar_prefetch = 0 : i64, scratch_operands = 0 : i64, tpu.core_type = #tpu.core_type<tc>, window_params = [{transform_indices = @transform_0, window_bounds = array<i64: 2, 512, 128>}, {transform_indices = @transform_1, window_bounds = array<i64: 2, 512, 128>}, {pipeline_mode = #tpu.pipeline_mode<synchronous>, transform_indices = @transform_2, window_bounds = array<i64: 1, 128>}, {pipeline_mode = #tpu.pipeline_mode<synchronous>, transform_indices = @transform_3, window_bounds = array<i64: 128, 128>}, {pipeline_mode = #tpu.pipeline_mode<synchronous>, transform_indices = @transform_4, window_bounds = array<i64: 1, 128>}, {transform_indices = @transform_5, window_bounds = array<i64: 512, 128>}]} {
    %get3A = arith.constant 0 : index
    %get3A_0 = arith.constant 0 : index
    %get3A_1 = arith.constant 0 : index
    %get3A_2 = vector.load %arg1[%get3A, %get3A_0, %get3A_1] : memref<2x512x128xf32, #tpu.memory_space<vmem>>, vector<1x512x128xf32>
    %get3A_3 = vector.shape_cast %get3A_2 : vector<1x512x128xf32> to vector<512x128xf32>
    %get3A_4 = arith.constant 1 : index
    %get3A_5 = arith.constant 0 : index
    %get3A_6 = arith.constant 0 : index
    %get3A_7 = vector.load %arg1[%get3A_4, %get3A_5, %get3A_6] : memref<2x512x128xf32, #tpu.memory_space<vmem>>, vector<1x512x128xf32>
    %get3A_8 = vector.shape_cast %get3A_7 : vector<1x512x128xf32> to vector<512x128xf32>
    %add3A = arith.addf %get3A_3, %get3A_8 : vector<512x128xf32>
    %get3A_9 = arith.constant 0 : index
    %get3A_10 = arith.constant 0 : index
    %get3A_11 = arith.constant 0 : index
    %get3A_12 = vector.load %arg2[%get3A_9, %get3A_10, %get3A_11] : memref<2x512x128xf32, #tpu.memory_space<vmem>>, vector<1x512x128xf32>
    %get3A_13 = vector.shape_cast %get3A_12 : vector<1x512x128xf32> to vector<512x128xf32>
    %get3A_14 = arith.constant 1 : index
    %get3A_15 = arith.constant 0 : index
    %get3A_16 = arith.constant 0 : index
    %get3A_17 = vector.load %arg2[%get3A_14, %get3A_15, %get3A_16] : memref<2x512x128xf32, #tpu.memory_space<vmem>>, vector<1x512x128xf32>
    %get3A_18 = vector.shape_cast %get3A_17 : vector<1x512x128xf32> to vector<512x128xf32>
    %add3A_19 = arith.addf %get3A_13, %get3A_18 : vector<512x128xf32>
    %add3A_20 = arith.constant 1.000000e-16 : f32
    %add3A_21 = vector.broadcast %add3A_20 : f32 to vector<512x128xf32>
    %add3A_22 = arith.addf %add3A_19, %add3A_21 : vector<512x128xf32>
    %div3A = arith.constant 1.000000e+00 : f32
    %div3A_23 = vector.broadcast %div3A : f32 to vector<512x128xf32>
    %div3A_24 = arith.divf %div3A_23, %add3A_22 : vector<512x128xf32>
    %mul3A = arith.mulf %add3A, %div3A_24 : vector<512x128xf32>
    %get3A_25 = arith.constant 0 : index
    %get3A_26 = arith.constant 0 : index
    %get3A_27 = vector.load %arg3[%get3A_25, %get3A_26] : memref<1x128xf32, #tpu.memory_space<vmem>>, vector<1x128xf32>
    %add3A_28 = vector.broadcast %get3A_27 : vector<1x128xf32> to vector<512x128xf32>
    %add3A_29 = arith.addf %mul3A, %add3A_28 : vector<512x128xf32>
    %max3A = arith.constant 0.000000e+00 : f32
    %max3A_30 = vector.broadcast %max3A : f32 to vector<512x128xf32>
    %max3A_31 = arith.maximumf %add3A_29, %max3A_30 : vector<512x128xf32>
    %get3A_32 = arith.constant 0 : index
    %get3A_33 = arith.constant 0 : index
    %get3A_34 = vector.load %arg4[%get3A_32, %get3A_33] : memref<128x128xf32, #tpu.memory_space<vmem>>, vector<128x128xf32>
    %dot_general3A = arith.constant dense<0.000000e+00> : vector<512x128xf32>
    %dot_general3A_35 = tpu.matmul %max3A_31, %get3A_34, %dot_general3A {dimension_numbers = #tpu.dot_dimension_numbers<[1], [0], [0], [1], [0, 0, 1, 1], [], []>, precision = #tpu.contract_precision<fp32>, transpose_lhs_hint = false} : vector<512x128xf32>, vector<128x128xf32>, vector<512x128xf32> -> vector<512x128xf32>
    %get3A_36 = arith.constant 0 : index
    %get3A_37 = arith.constant 0 : index
    %get3A_38 = vector.load %arg5[%get3A_36, %get3A_37] : memref<1x128xf32, #tpu.memory_space<vmem>>, vector<1x128xf32>
    %add3A_39 = vector.broadcast %get3A_38 : vector<1x128xf32> to vector<512x128xf32>
    %add3A_40 = arith.addf %dot_general3A_35, %add3A_39 : vector<512x128xf32>
    %swap3A = arith.constant 0 : index
    %swap3A_41 = arith.constant 0 : index
    %swap3A_42 = vector.load %arg6[%swap3A, %swap3A_41] : memref<512x128xf32, #tpu.memory_space<vmem>>, vector<512x128xf32>
    tpu.vector_store %arg6[%swap3A, %swap3A_41], %add3A_40 {strides = array<i32>} : memref<512x128xf32, #tpu.memory_space<vmem>>, vector<512x128xf32>,
    return
  }
  func.func @transform_0(%arg0: i32) -> (i32, i32, i32) {
    %c0_i32 = arith.constant 0 : i32
    %c0_i32_0 = arith.constant 0 : i32
    %c0_i32_1 = arith.constant 0 : i32
    return %c0_i32, %arg0, %c0_i32_0 : i32, i32, i32
  }
  func.func @transform_1(%arg0: i32) -> (i32, i32, i32) {
    %c0_i32 = arith.constant 0 : i32
    %c0_i32_0 = arith.constant 0 : i32
    %c0_i32_1 = arith.constant 0 : i32
    return %c0_i32, %arg0, %c0_i32_0 : i32, i32, i32
  }
  func.func @transform_2(%arg0: i32) -> (i32, i32) {
    %c0_i32 = arith.constant 0 : i32
    %c0_i32_0 = arith.constant 0 : i32
    %c0_i32_1 = arith.constant 0 : i32
    return %c0_i32, %c0_i32_0 : i32, i32
  }
  func.func @transform_3(%arg0: i32) -> (i32, i32) {
    %c0_i32 = arith.constant 0 : i32
    %c0_i32_0 = arith.constant 0 : i32
    %c0_i32_1 = arith.constant 0 : i32
    return %c0_i32, %c0_i32_0 : i32, i32
  }
  func.func @transform_4(%arg0: i32) -> (i32, i32) {
    %c0_i32 = arith.constant 0 : i32
    %c0_i32_0 = arith.constant 0 : i32
    %c0_i32_1 = arith.constant 0 : i32
    return %c0_i32, %c0_i32_0 : i32, i32
  }
  func.func @transform_5(%arg0: i32) -> (i32, i32) {
    %c0_i32 = arith.constant 0 : i32
    %c0_i32_0 = arith.constant 0 : i32
    return %arg0, %c0_i32 : i32, i32
  }
}

</mosaic_0001>

<sc_bundles>
// kernel: kernel.11.cloned.1.call-start
scs
__scs_entry_jumppad:
0x0: {  	(pc) =	sbr.rel $0x88, $3  }
0x1: {  	(tag) =	ssettag $0x0;
	lr =	simm.s32 $0x1  }
0x2: {  	[smem:$0x3F95] =	sst lr;
	_ =	strace $0xD0000000  }
0x3: {  	_ = 	snop  }
0x4: {  	_ = 	snop  }
0x5: {  	_ = 	snop  }
0x6: {  	_ = 	snop  }
0x7: {  	_ = 	snop  }
__scs_overlays_trampoline_lowered:
0x8: {  	[smem:$0x3FA4] =	sst s0  }
0x9: {  	[smem:$0x3FA5] =	sst s1  }
0xa: {  	[smem:$0x3FA6] =	sst s2  }
0xb: {  	[smem:$0x3FA7] =	sst s3  }
0xc: {  	[smem:$0x3FA8] =	sst s4  }
0xd: {  	[smem:$0x3FA9] =	sst s5  }
0xe: {  	[smem:$0x3FAA] =	sst s6  }
0xf: {  	[smem:$0x3FAB] =	sst s7  }
0x10: {  	[smem:$0x3FAC] =	sst s8  }
0x11: {  	[smem:$0x3FAD] =	sst s9;
	s0 =	simm.s32 @!p0 $0x0  }
0x12: {  	s1 =	sld [smem:$0x3F93];
	s0 =	simm.s32 @p0 $0x1  }
0x13: {  	[smem:$0x3FAE] =	sst s0;
	s0 =	simm.s32 @!p1 $0x0  }
0x14: {  	s2 =	sld [smem:$0x3F92];
	s0 =	simm.s32 @p1 $0x1  }
0x15: {  	[smem:$0x3FAF] =	sst s0;
	s0 =	simm.s32 @!p2 $0x0  }
0x16: {  	s3 =	sld [smem:$0x3FDB];
	s0 =	simm.s32 @p2 $0x1  }
0x17: {  	s4 =	simm.s32 $0x1BF5;
	[smem:$0x3FB1] =	sst s0  }
0x18: {  	s0 =	sld [smem:$0x3F94];
	_ =	swait.ge [sflag:s4], $0x0  }
0x19: {  	s7 =	sld [smem:$0x3F95]  }
0x1a: {  	s8 =	sadd.s32 $0xFFFFE003, lr  }
0x1b: {  	s9 =	sadd.s32 $0xFFFFFEF7, lr;
	s5 =	simm.s32 $0xFFFFFFFF;
	p2 =	slt.u32 s8, $0xFFFFF086  }
0x1c: {  	p1 =	slt.u32 s9, $0xF7A;
	s5 =	simm.s32 @!p2 $0x0  }
0x1d: {  	s5 =	simm.s32 @p1 $0x1;
	p0 =	seq.s32 s7, s2  }
0x1e: {  	s7 =	smul.u32 @!p0 $0xF7A, s2;
	p2 =	seq.s32 @!p0 s5, $0x0  }
0x1f: {  	s9 =	smul.u32 $0xF7A, s1;
	s8 =	simm.s32 @!p0 $0x1BF5;
	p2 =	por !p2, p0  }
0x20: {  	[sflag:s8] =	ssyncset.s32 @!p0 $0xFFFFF086;
	s6 =	sadd.s32 @!p0 s3, s7;
	s7 =	simm.s32 @!p0 $0x108  }
0x21: {  	s3 =	sadd.s32 s3, s9;
	s6 =	sadd.s32 @!p0 $0x88, s6;
	s7 =	simm.s32 @p2 $0x1082  }
0x22: {  	[simem:s7], [sflag:s8] =	dma.local @!p0 [hbm:s6], $0xF7A  }
0x23: {  	s9 =	sor.u32 $0xD0000000, s2;
	s6 =	simm.s32 $0x108;
	_ =	swait.ge @!p0 [sflag:s8], $0x0  }
0x24: {  	s3 =	sadd.s32 $0x88, s3;
	s6 =	simm.s32 @!p1 $0x1082;
	[sflag:s4] =	ssyncset.s32 $0xFFFFF086  }
0x25: {  	[simem:s6], [sflag:s4] =	dma.local [hbm:s3], $0xF7A  }
0x26: {  	[smem:$0x3F95] =	sst s1;
	(tag) =	ssettag s2;
	_ =	strace s9  }
0x27: {  	s1 =	sld [smem:$0x3FA5]  }
0x28: {  	s2 =	sld [smem:$0x3FA6]  }
0x29: {  	s4 =	sld [smem:$0x3FA8]  }
0x2a: {  	p0 =	seq.s32 s5, $0x0;
	s5 =	sld [smem:$0x3FA9]  }
0x2b: {  	s6 =	sld [smem:$0x3FAA]  }
0x2c: {  	s7 =	sld [smem:$0x3FAB]  }
0x2d: {  	s3 =	simm.s32 $0x108;
	s8 =	sld [smem:$0x3FAC]  }
0x2e: {  	s3 =	simm.s32 @!p0 $0x1082;
	s9 =	sld [smem:$0x3FAD]  }
0x2f: {  	lr =	sadd.s32 s0, s3;
	s0 =	sld [smem:$0x3FA4]  }
0x30: {  	s3 =	sld [smem:$0x3FA7]  }
0x31: {  	[smem:$0x3FB0] =	sst s10  }
0x32: {  	s10 =	sld [smem:$0x3FAE];
	_ =	sdelay $0x3  }
0x33: {  	p0 =	seq.s32 s10, $0x1;
	s10 =	sld [smem:$0x3FB0];
	_ =	sdelay $0x3  }
0x34: {  	[smem:$0x3FB0] =	sst s10  }
0x35: {  	s10 =	sld [smem:$0x3FAF];
	_ =	sdelay $0x3  }
0x36: {  	p1 =	seq.s32 s10, $0x1;
	s10 =	sld [smem:$0x3FB0];
	_ =	sdelay $0x3  }
0x37: {  	[smem:$0x3FB0] =	sst s10  }
0x38: {  	s10 =	sld [smem:$0x3FB1]  }
0x39: {  	_ = 	snop;
	(pc) =	sbr.ind lr, $3  }
0x3a: {  	_ = 	snop  }
0x3b: {  	_ = 	snop  }
0x3c: {  	p2 =	seq.s32 s10, $0x1;
	s10 =	sld [smem:$0x3FB0]  }
0x3d: {  	_ =	shalt  }
0x3e: {  	_ =	shalt  }
0x3f: {  	_ =	shalt  }
0x40: {  	_ =	shalt  }
0x41: {  	_ =	shalt  }
0x42: {  	_ =	shalt  }
0x43: {  	_ =	shalt  }
0x44: {  	_ =	shalt  }
0x45: {  	_ =	shalt  }
0x46: {  	_ =	shalt  }
0x47: {  	_ =	shalt  }
0x48: {  	_ =	shalt  }
0x49: {  	_ =	shalt  }
0x4a: {  	_ =	shalt  }
0x4b: {  	_ =	shalt  }
0x4c: {  	_ =	shalt  }
0x4d: {  	_ =	shalt  }
0x4e: {  	_ =	shalt  }
0x4f: {  	_ =	shalt  }
0x50: {  	_ =	shalt  }
0x51: {  	_ =	shalt  }
0x52: {  	_ =	shalt  }
0x53: {  	_ =	shalt  }
0x54: {  	_ =	shalt  }
0x55: {  	_ =	shalt  }
0x56: {  	_ =	shalt  }
0x57: {  	_ =	shalt  }
0x58: {  	_ =	shalt  }
0x59: {  	_ =	shalt  }
0x5a: {  	_ =	shalt  }
0x5b: {  	_ =	shalt  }
0x5c: {  	_ =	shalt  }
0x5d: {  	_ =	shalt  }
0x5e: {  	_ =	shalt  }
0x5f: {  	_ =	shalt  }
0x60: {  	_ =	shalt  }
0x61: {  	_ =	shalt  }
0x62: {  	_ =	shalt  }
0x63: {  	_ =	shalt  }
0x64: {  	_ =	shalt  }
0x65: {  	_ =	shalt  }
0x66: {  	_ =	shalt  }
0x67: {  	_ =	shalt  }
0x68: {  	_ =	shalt  }
0x69: {  	_ =	shalt  }
0x6a: {  	_ =	shalt  }
0x6b: {  	_ =	shalt  }
0x6c: {  	_ =	shalt  }
0x6d: {  	_ =	shalt  }
0x6e: {  	_ =	shalt  }
0x6f: {  	_ =	shalt  }
0x70: {  	_ =	shalt  }
0x71: {  	_ =	shalt  }
0x72: {  	_ =	shalt  }
0x73: {  	_ =	shalt  }
0x74: {  	_ =	shalt  }
0x75: {  	_ =	shalt  }
0x76: {  	_ =	shalt  }
0x77: {  	_ =	shalt  }
0x78: {  	_ =	shalt  }
0x79: {  	_ =	shalt  }
0x7a: {  	_ =	shalt  }
0x7b: {  	_ =	shalt  }
0x7c: {  	_ =	shalt  }
0x7d: {  	_ =	shalt  }
0x7e: {  	_ =	shalt  }
0x7f: {  	_ =	shalt  }
0x80: {  	_ =	shalt  }
0x81: {  	_ =	shalt  }
0x82: {  	_ =	shalt  }
0x83: {  	_ =	shalt  }
0x84: {  	_ =	shalt  }
0x85: {  	_ =	shalt  }
0x86: {  	_ =	shalt  }
0x87: {  	_ =	shalt  }
.Lfunc_end0:
.L_simem_size_0:
called_computation.1_lowered:
.L_overlay_start_0:
0x88: {  	s2 =	sld [smem:$0x3FD9]  }
0x89: {  	s3 =	sld [smem:$0x3FFE];
	_ =	sdelay $0x1  }
0x8a: {  	s1 =	srdreg.scid  }
0x8b: {  	s0 =	sand.u32 $0x1, s1  }
0x8c: {  	s17 =	sshll.u32 s0, $0xA;
	s2 =	sadd.s32 s3, s2  }
0x8d: {  	s2 =	sadd.s32 s2, s17  }
0x8e: {  	[smem:$0x3FBC] =	sst s2  }
0x8f: {  	_ = 	snop  }
0x90: {  	s2 =	sld [smem:$0x3FD0];
	(tm) =	ssettm $0x1  }
0x91: {  	s18 =	sld [smem:$0x3FFB];
	_ =	sdelay $0x3  }
0x92: {  	_ =	strace s18  }
0x93: {  	s3 =	sld [smem:$0x3FFC];
	_ =	sdelay $0x3  }
0x94: {  	_ =	strace s3  }
0x95: {  	s3 =	sld [smem:$0x3FFD];
	_ =	sdelay $0x3  }
0x96: {  	_ =	strace s3  }
0x97: {  	_ =	strace $0x8FFFFFFF  }
0x98: {  	s19 =	sld [smem:$0x3FDB];
	_ =	sdelay $0x1  }
0x99: {  	s4 =	simm.s32 $_scs_section_size  }
0x9a: {  	s5 =	simm.s32 $_size__tile_overlayer_lowered;
	s6 =	simm.s32 $_tile_overlayer_lowered  }
0x9b: {  	s22 =	simm.s32 $0x1BFF;
	s21 =	sshll.u32 s6, $0x1;
	s3 =	sadd.s32 s4, s19  }
0x9c: {  	s7 =	simm.s32 $0x0;
	s20 =	sshll.u32 s5, $0x1;
	s5 =	sadd.s32 s21, s3  }
0x9d: {  	[timem:s7], [sflag:s22] =	dma.local [hbm:s5], s20  }
0x9e: {  	_ =	swait.ge [sflag:s22], s20  }
0x9f: {  	s4 =	ssub.s32 $0x0, s20;
	[sflag:s22] =	ssyncset.done $0x0  }
0xa0: {  	[sflag:s22] =	ssyncadd.s32 s4;
	_ =	sdelay $0x1  }
0xa1: {  	s23 =	simm.s32 $0x1B8B  }
0xa2: {  	_ =	swait.ge [sflag:s23], $0x1  }
0xa3: {  	[sflag:s23] =	ssyncset.done $0x0  }
0xa4: {  	s25 =	simm.s32 $0x1B8E;
	s24 =	sld [smem:$0x3FFE];
	[sflag:s23] =	ssyncadd.s32 $0xFFFFFFFF  }
0xa5: {  	s26 =	simm.s32 $execute0_lowered;
	[smem:$0x3FD2] =	sst s25  }
0xa6: {  	s5 =	sshll.u32 s26, $0x1;
	_ =	strace $0x80000049;
	[dreg:$0x1] =	wrdreg $0xFFFFFFFF  }
0xa7: {  	s28 =	simm.s32 $_size_execute0_lowered;
	s3 =	sadd.s32 s3, s5;
	[dreg:$0x0] =	wrdreg $0x0  }
0xa8: {  	s5 =	sshll.u32 s28, $0x1;
	[dreg:$0x2] =	wrdreg s3  }
0xa9: {  	[dreg:$0x3] =	wrdreg s5  }
0xaa: {  	[dreg:$0x4] =	wrdreg $0xC0  }
0xab: {  	_ =	task [dreg:s7], $0x5FFFF  }
0xac: {  	[dreg:$0x1] =	wrdreg $0xFFFFFFFF  }
0xad: {  	[dreg:$0x0] =	wrdreg $0x60  }
0xae: {  	[dreg:$0x2] =	wrdreg s24  }
0xaf: {  	[dreg:$0x3] =	wrdreg s2  }
0xb0: {  	[dreg:$0x4] =	wrdreg $0x29800  }
0xb1: {  	[dreg:$0x5] =	wrdreg $0x9  }
0xb2: {  	_ =	task.clear_ibuf [dreg:s7], $0x6FFFF;
	_ =	strace $0x90000049  }
0xb3: {  	s29 =	simm.s32 $0x9;
	_ =	strace $0x8000004B  }
0xb4: {  	_ =	swait.ge [sflag:s29], $0x1  }
0xb5: {  	[sflag:s29] =	ssyncadd.s32 $0xFFFFFFFF  }
0xb6: {  	_ =	strace $0x9000004B  }
0xb7: {  	_ =	sfence  }
0xb8: {  	s30 =	sld [smem:$0x0];
	_ =	sdelay $0x2  }
0xb9: {  	s31 =	sshll.u32 s1, $0xD;
	s1 =	sshrl.u32 s1, $0x2  }
0xba: {  	s3 =	sand.u32 $0x4000, s31;
	s1 =	sadd.s32 s1, s30  }
0xbb: {  	s0 =	sor.u32 s3, s0;
	s1 =	sshll.u32 s1, $0x11  }
0xbc: {  	s0 =	sor.u32 s1, s0  }
0xbd: {  	s0 =	sadd.s32 $0x8F2B, s0  }
0xbe: {  	[sflag:s0] =	ssyncadd.remote.s32 $0x1  }
0xbf: {  	_ =	sfence.sel $0xFFFF  }
0xc0: {  	[dreg:$0x0] =	wrdreg $0xFFFFFFFF;
	(pc) =	sbr.abs _section_cstart, $3  }
0xc1: {  	[dreg:$0x1] =	wrdreg $0xFFFFFFFF  }
0xc2: {  	_ =	task.clear_ibuf [dreg:s7], $0x2FFFF;
	_ =	strace $0x9FFFFFFF  }
0xc3: {  	(tm) =	ssettm $0x7FFFFFFF  }
tec
execute0_lowered:
.L_overlay_start_1:
0x0: {  	(tag) =	ssettag $0x1  }
0x1: {  	s0 =	rddreg [dreg:$0x0]  }
0x2: {  	s1 =	rddreg [dreg:$0x1]  }
0x3: {  	s2 =	rddreg [dreg:$0x2];
	s3 =	simm.s32 $0x0;
	s4 =	srdreg.scid  }
0x4: {  	s15 =	stileid.u32;
	s28 =	simm.s32 $0x1;
	s29 =	simm.s32 $0x80  }
0x5: {  	s30 =	simm.s32 $0x50;
	s31 =	simm.s32 $0x2900;
	[smem:$0x7FF] =	sst s3  }
0x6: {  	s5 =	sadd.s32 $0x5B800, s0;
	s4 =	sand.u32 $0x1, s4;
	s8 =	sadd.s32 $0x153A00, s0  }
0x7: {  	s10 =	smul.u32 $0x14000, s15;
	_ =	strace $0x8000004A;
	s6 =	ssub.s32 $0x2, s4  }
0x8: {  	s7 =	smul.u32 $0x140000, s4;
	s4 =	sshll.u32 s4, $0x4;
	s9 =	sshrl.u32 s6, $0x1  }
0x9: {  	s19 =	sor.u32 $0x2800, s10;
	s20 =	sadd.s32 $0x5000, s10;
	s21 =	sadd.s32 $0x7800, s10  }
0xa: {  	s22 =	sadd.s32 $0xA000, s10;
	s23 =	sadd.s32 $0xC800, s10;
	s24 =	sadd.s32 $0xF000, s10  }
0xb: {  	s25 =	sadd.s32 $0x11800, s10;
	s4 =	sor.u32 s15, s4;
	s6 =	ssub.s32 s6, s9  }
0xc: {  	s9 =	smul.u32 $0x50000, s15;
	s11 =	sadd.s32 s7, s10;
	s12 =	sadd.s32 s7, s19  }
0xd: {  	s13 =	sadd.s32 s7, s22;
	s17 =	sadd.s32 s7, s23;
	s15 =	sadd.s32 $0x3800, s0  }
0xe: {  	s19 =	sadd.s32 s19, s2;
	s22 =	sadd.s32 s22, s2;
	s23 =	sadd.s32 s23, s2  }
0xf: {  	s11 =	sshrl.u32 s11, $0x3;
	s26 =	sshrl.u32 s12, $0x3;
	s12 =	sadd.s32 s7, s21  }
0x10: {  	s16 =	sshrl.u32 s13, $0x3;
	s21 =	sadd.s32 s21, s2;
	s18 =	sadd.s32 s8, s11  }
0x11: {  	s10 =	sadd.s32 s8, s26;
	s11 =	sadd.s32 s7, s20;
	[dreg:$0x4] =	wrdreg s18  }
0x12: {  	s26 =	sshrl.u32 s9, $0x2;
	s20 =	sadd.s32 s20, s2;
	[dreg:$0x5] =	wrdreg s10  }
0x13: {  	s10 =	sshrl.u32 s11, $0x3;
	s11 =	sshrl.u32 s12, $0x3;
	s18 =	sadd.s32 s7, s24  }
0x14: {  	s7 =	sadd.s32 s7, s25;
	s24 =	sadd.s32 s24, s2;
	s25 =	sadd.s32 s25, s2  }
0x15: {  	s10 =	sadd.s32 s8, s10;
	s14 =	sadd.s32 s8, s11;
	s11 =	sshrl.u32 s17, $0x3  }
0x16: {  	s12 =	sshrl.u32 s18, $0x3;
	s7 =	sshrl.u32 s7, $0x3;
	s17 =	sadd.s32 s26, s2  }
0x17: {  	s18 =	smax.u32 s6, $0x1;
	s26 =	simm.s32 $0x100;
	[dreg:$0x6] =	wrdreg s10  }
0x18: {  	[dreg:$0x7] =	wrdreg s14;
	s10 =	sadd.s32 s8, s16;
	s11 =	sadd.s32 s8, s11  }
0x19: {  	s12 =	sadd.s32 s8, s12;
	s13 =	sadd.s32 s8, s7;
	s14 =	sadd.s32 $0xA9C00, s0  }
0x1a: {  	v0 =	vimm.f32 $0.0e+00;
	s16 =	smul.u32 $0x2710, s4;
	s0 =	simm.s32 $0x0;
	[dreg:$0x8] =	wrdreg s10  }
.LBB2_1:
0x1b: {  	s4 =	simm.s32 $0x0;
	s6 =	simm.s32 $0x200  }
.LBB2_2:
0x1c: {  	p0 =	sne.s32 s6, $0x9E00;
	[tilespmem:s4+$0x170] =	vst v0  }
0x1d: {  	[tilespmem:s4+$0x100] =	vst v0  }
0x1e: {  	[tilespmem:s4+$0x110] =	vst v0  }
.Ltmp0:
0x1f: {  	[tilespmem:s4+$0x120] =	vst v0;
	(pc) =	sbr.rel @p0 .LBB2_2-.Ltmp0, $4  }
0x20: {  	[tilespmem:s4+$0x130] =	vst v0  }
0x21: {  	[tilespmem:s4+$0x140] =	vst v0  }
0x22: {  	[tilespmem:s4+$0x150] =	vst v0  }
0x23: {  	[tilespmem:s4+$0x160] =	vst v0;
	s4 =	sshra.s32 s6, $0x2;
	s6 =	sadd.s32 $0x200, s6  }
0x24: {  	[tilespmem:s4+$0x170] =	vst v0  }
0x25: {  	[tilespmem:s4+$0x100] =	vst v0  }
0x26: {  	[tilespmem:s4+$0x110] =	vst v0  }
0x27: {  	[tilespmem:s4+$0x120] =	vst v0  }
0x28: {  	[tilespmem:s4+$0x130] =	vst v0  }
0x29: {  	[tilespmem:s4+$0x140] =	vst v0  }
0x2a: {  	[tilespmem:s4+$0x150] =	vst v0  }
0x2b: {  	[tilespmem:s4+$0x160] =	vst v0  }
0x2c: {  	[spmem:s17] =	stream.linear.scatter [tilespmem:s26], [sflag:$0x1], $0x2800, $0x38;
	[tilespmem:$0x16980] =	vst v63  }
0x2d: {  	_ =	swait.ge [sflag:s28], $0x2800  }
0x2e: {  	[sflag:s28] =	ssyncset.done $0x0  }
0x2f: {  	[sflag:s28] =	ssyncadd.s32 $0xFFFFD800  }
0x30: {  	[spmem:s19] =	stream.linear.scatter [tilespmem:s26], [sflag:$0x1], $0x2800, $0x38;
	[tilespmem:$0x16980] =	vst v63  }
0x31: {  	_ =	swait.ge [sflag:s28], $0x2800  }
0x32: {  	[sflag:s28] =	ssyncset.done $0x0  }
0x33: {  	[sflag:s28] =	ssyncadd.s32 $0xFFFFD800  }
0x34: {  	[spmem:s20] =	stream.linear.scatter [tilespmem:s26], [sflag:$0x1], $0x2800, $0x38;
	[tilespmem:$0x16980] =	vst v63  }
0x35: {  	_ =	swait.ge [sflag:s28], $0x2800  }
0x36: {  	[sflag:s28] =	ssyncset.done $0x0  }
0x37: {  	[sflag:s28] =	ssyncadd.s32 $0xFFFFD800  }
0x38: {  	[spmem:s21] =	stream.linear.scatter [tilespmem:s26], [sflag:$0x1], $0x2800, $0x38;
	[tilespmem:$0x16980] =	vst v63  }
0x39: {  	_ =	swait.ge [sflag:s28], $0x2800  }
0x3a: {  	[sflag:s28] =	ssyncset.done $0x0  }
0x3b: {  	[sflag:s28] =	ssyncadd.s32 $0xFFFFD800  }
0x3c: {  	[spmem:s22] =	stream.linear.scatter [tilespmem:s26], [sflag:$0x1], $0x2800, $0x38;
	[tilespmem:$0x16980] =	vst v63  }
0x3d: {  	_ =	swait.ge [sflag:s28], $0x2800  }
0x3e: {  	[sflag:s28] =	ssyncset.done $0x0  }
0x3f: {  	[sflag:s28] =	ssyncadd.s32 $0xFFFFD800  }
0x40: {  	[spmem:s23] =	stream.linear.scatter [tilespmem:s26], [sflag:$0x1], $0x2800, $0x38;
	[tilespmem:$0x16980] =	vst v63  }
0x41: {  	_ =	swait.ge [sflag:s28], $0x2800  }
0x42: {  	[sflag:s28] =	ssyncset.done $0x0  }
0x43: {  	[sflag:s28] =	ssyncadd.s32 $0xFFFFD800  }
0x44: {  	[spmem:s24] =	stream.linear.scatter [tilespmem:s26], [sflag:$0x1], $0x2800, $0x38;
	[tilespmem:$0x16980] =	vst v63  }
0x45: {  	_ =	swait.ge [sflag:s28], $0x2800  }
0x46: {  	[sflag:s28] =	ssyncset.done $0x0  }
0x47: {  	[sflag:s28] =	ssyncadd.s32 $0xFFFFD800  }
0x48: {  	[spmem:s25] =	stream.linear.scatter [tilespmem:s26], [sflag:$0x1], $0x2800, $0x38;
	[tilespmem:$0x16980] =	vst v63  }
0x49: {  	_ =	swait.ge [sflag:s28], $0x2800  }
0x4a: {  	[sflag:s28] =	ssyncset.done $0x0  }
0x4b: {  	[sflag:s28] =	ssyncadd.s32 $0xFFFFD800  }
0x4c: {  	s4 =	simm.s32 $0x0;
	s6 =	simm.s32 $0x0;
	[bflag:$0x0] =	sbarrier.arrive $0xFFFF  }
.LBB2_4:
0x4d: {  	s7 =	smul.u32 $0x50, s6;
	_ =	sdelay $0x1  }
0x4e: {  	s7 =	sadd.s32 s16, s7  }
0x4f: {  	s7 =	sshrl.u32 s7, $0x3  }
0x50: {  	s8 =	sadd.s32 s15, s7  }
0x51: {  	[tilespmem:s4], [sflag:$0x1] =	stream.linear.gather [hbm4b:s8+s4], $0x50, $0x38;
	[tilespmem:$0x16980] =	vst v63  }
0x52: {  	_ =	swait.ge [sflag:s28], $0x50  }
0x53: {  	[sflag:s28] =	ssyncset.done $0x0  }
0x54: {  	s10 =	sadd.s32 s1, s7;
	[sflag:s28] =	ssyncadd.s32 $0xFFFFFFB0  }
0x55: {  	[tilespmem:s29], [sflag:$0x1] =	stream.linear.gather [hbm4b:s10+s4], $0x50, $0x38;
	[tilespmem:$0x16980] =	vst v63  }
0x56: {  	_ =	swait.ge [sflag:s28], $0x50  }
0x57: {  	[sflag:s28] =	ssyncset.done $0x0  }
0x58: {  	[sflag:s28] =	ssyncadd.s32 $0xFFFFFFB0  }
0x59: {  	[tilespmem:s26], [sflag:$0x1] =	stream.indirect.gather [hbm4b:s5+s30], $0x80, s4, s30, $0xb8;
	[tilespmem:$0x16980] =	vst v63  }
0x5a: {  	_ =	swait.ge [sflag:s28], $0x2800  }
0x5b: {  	[sflag:s28] =	ssyncset.done $0x0  }
0x5c: {  	s7 =	sadd.s32 s14, s7;
	[sflag:s28] =	ssyncadd.s32 $0xFFFFD800  }
0x5d: {  	[tilespmem:s31], [sflag:$0x1] =	stream.linear.gather [hbm4b:s7+s4], $0x50, $0x38;
	[tilespmem:$0x16980] =	vst v63  }
0x5e: {  	_ =	swait.ge [sflag:s28], $0x50  }
0x5f: {  	v1 =	vmov s4;
	[sflag:s28] =	ssyncset.done $0x0  }
0x60: {  	s7 =	simm.s32 $0x140;
	[sflag:s28] =	ssyncadd.s32 $0xFFFFFFB0  }
0x61: {  	v5 =	vld [tilespmem:s7+$0x30]  }
0x62: {  	v8 =	vld [tilespmem:s7+$0x10]  }
0x63: {  	v6 =	vld [tilespmem:s7+$0xFFFFFFC0]  }
0x64: {  	v2 =	vld.idx.msk [tilespmem:v1+s31+$0x0], $0xffff  }
0x65: {  	v10 =	vld [tilespmem:s7+$0xFFFFFFE0]  }
0x66: {  	v1 =	vld [tilespmem:s7+$0xFFFFFFF0]  }
0x67: {  	v3 =	vld [tilespmem:s7+$0x20]  }
0x68: {  	v4 =	vld [tilespmem:s7+$0xFFFFFFD0]  }
0x69: {  	v9 =	vmul.f32 v5, v2;
	v5 =	vld [tilespmem:s7+$0x0]  }
0x6a: {  	v7 =	vmul.f32 v6, v2  }
0x6b: {  	s9 =	simm.s32 $0x140;
	s8 =	simm.s32 $0x1;
	v6 =	vmul.f32 v10, v2;
	v8 =	vmul.f32 v8, v2  }
.LBB2_5:
0x6c: {  	p0 =	sne.s32 s8, $0x4F  }
0x6d: {  	v4 =	vmul.f32 v4, v2;
	v3 =	vmul.f32 v3, v2;
	[tilespmem:s7+$0x30] =	vst v9;
	s9 =	sadd.s32 $0x80, s9;
	s10 =	smov.u32 s8;
	s8 =	sadd.s32 $0x1, s8  }
0x6e: {  	[tilespmem:s7+$0xFFFFFFC0] =	vst v7;
	v7 =	vmul.f32 v1, v2;
	v2 =	vmul.f32 v5, v2  }
0x6f: {  	[tilespmem:s7+$0x10] =	vst v8  }
0x70: {  	v5 =	vmov s10;
	[tilespmem:s7+$0xFFFFFFE0] =	vst v6  }
0x71: {  	v1 =	vld [tilespmem:s9+$0xFFFFFFF0];
	[tilespmem:s7+$0xFFFFFFF0] =	vst v7  }
0x72: {  	v6 =	vld [tilespmem:s9+$0x30];
	[tilespmem:s7+$0x0] =	vst v2  }
0x73: {  	v8 =	vld [tilespmem:s9+$0x10];
	[tilespmem:s7+$0x20] =	vst v3  }
0x74: {  	v7 =	vld [tilespmem:s9+$0xFFFFFFC0];
	[tilespmem:s7+$0xFFFFFFD0] =	vst v4;
	s7 =	smov.u32 s9  }
0x75: {  	v2 =	vld.idx.msk [tilespmem:v5+s31+$0x0], $0xffff  }
0x76: {  	v10 =	vld [tilespmem:s9+$0xFFFFFFE0]  }
0x77: {  	v3 =	vld [tilespmem:s9+$0x20]  }
.Ltmp1:
0x78: {  	v4 =	vld [tilespmem:s9+$0xFFFFFFD0];
	(pc) =	sbr.rel @p0 .LBB2_5-.Ltmp1, $3  }
0x79: {  	v5 =	vld [tilespmem:s9+$0x0];
	_ =	sdelay $0x1  }
0x7a: {  	v7 =	vmul.f32 v7, v2;
	v9 =	vmul.f32 v6, v2  }
0x7b: {  	v8 =	vmul.f32 v8, v2;
	v6 =	vmul.f32 v10, v2  }
0x7c: {  	[tilespmem:s7+$0x30] =	vst v9  }
0x7d: {  	[tilespmem:s7+$0xFFFFFFC0] =	vst v7  }
0x7e: {  	v1 =	vmul.f32 v1, v2;
	[tilespmem:s7+$0x10] =	vst v8  }
0x7f: {  	v3 =	vmul.f32 v3, v2;
	[tilespmem:s7+$0xFFFFFFE0] =	vst v6  }
0x80: {  	v5 =	vmul.f32 v5, v2;
	[tilespmem:s7+$0xFFFFFFF0] =	vst v1  }
0x81: {  	s6 =	sadd.s32 $0x1, s6;
	v1 =	vmul.f32 v4, v2;
	[tilespmem:s7+$0x20] =	vst v3  }
0x82: {  	p0 =	sne.s32 s6, $0x7D;
	[tilespmem:s7+$0x0] =	vst v5  }
.Ltmp2:
0x83: {  	[tilespmem:s7+$0xFFFFFFD0] =	vst v1;
	(pc) =	sbr.rel @p0 .LBB2_4-.Ltmp2, $4  }
0x84: {  	[spmem:s2] =	stream.indirect.scatter.add.f32 [tilespmem:s26], [sflag:$0x1], $0x80, s29, s30, $0xb8;
	[tilespmem:$0x16980] =	vst v63  }
0x85: {  	_ =	swait.ge [sflag:s28], $0x2800  }
0x86: {  	[sflag:s28] =	ssyncset.done $0x0  }
0x87: {  	[sflag:s28] =	ssyncadd.s32 $0xFFFFD800  }
0x88: {  	[bflag:$0x0] =	sbarrier.arrive $0xFFFF  }
0x89: {  	[tilespmem:s26], [sflag:$0x1] =	stream.linear.gather [spmem:s17], $0x2800, $0x38;
	[tilespmem:$0x16980] =	vst v63  }
0x8a: {  	_ =	swait.ge [sflag:s28], $0x2800  }
0x8b: {  	[sflag:s28] =	ssyncset.done $0x0  }
0x8c: {  	s4 =	rddreg [dreg:$0x4];
	[sflag:s28] =	ssyncadd.s32 $0xFFFFD800  }
0x8d: {  	[hbm4b:s4+s3] =	stream.linear.scatter [tilespmem:s26], [sflag:$0x1], $0x2800, $0x38;
	[tilespmem:$0x16980] =	vst v63  }
0x8e: {  	_ =	swait.ge [sflag:s28], $0x2800  }
0x8f: {  	[sflag:s28] =	ssyncset.done $0x0  }
0x90: {  	[sflag:s28] =	ssyncadd.s32 $0xFFFFD800  }
0x91: {  	[tilespmem:s26], [sflag:$0x1] =	stream.linear.gather [spmem:s19], $0x2800, $0x38;
	[tilespmem:$0x16980] =	vst v63  }
0x92: {  	_ =	swait.ge [sflag:s28], $0x2800  }
0x93: {  	[sflag:s28] =	ssyncset.done $0x0  }
0x94: {  	s7 =	rddreg [dreg:$0x5];
	[sflag:s28] =	ssyncadd.s32 $0xFFFFD800  }
0x95: {  	[hbm4b:s7+s3] =	stream.linear.scatter [tilespmem:s26], [sflag:$0x1], $0x2800, $0x38;
	[tilespmem:$0x16980] =	vst v63  }
0x96: {  	_ =	swait.ge [sflag:s28], $0x2800  }
0x97: {  	[sflag:s28] =	ssyncset.done $0x0  }
0x98: {  	[sflag:s28] =	ssyncadd.s32 $0xFFFFD800  }
0x99: {  	[tilespmem:s26], [sflag:$0x1] =	stream.linear.gather [spmem:s20], $0x2800, $0x38;
	[tilespmem:$0x16980] =	vst v63  }
0x9a: {  	_ =	swait.ge [sflag:s28], $0x2800  }
0x9b: {  	[sflag:s28] =	ssyncset.done $0x0  }
0x9c: {  	s8 =	rddreg [dreg:$0x6];
	[sflag:s28] =	ssyncadd.s32 $0xFFFFD800  }
0x9d: {  	[hbm4b:s8+s3] =	stream.linear.scatter [tilespmem:s26], [sflag:$0x1], $0x2800, $0x38;
	[tilespmem:$0x16980] =	vst v63  }
0x9e: {  	_ =	swait.ge [sflag:s28], $0x2800  }
0x9f: {  	[sflag:s28] =	ssyncset.done $0x0  }
0xa0: {  	[sflag:s28] =	ssyncadd.s32 $0xFFFFD800  }
0xa1: {  	[tilespmem:s26], [sflag:$0x1] =	stream.linear.gather [spmem:s21], $0x2800, $0x38;
	[tilespmem:$0x16980] =	vst v63  }
0xa2: {  	_ =	swait.ge [sflag:s28], $0x2800  }
0xa3: {  	[sflag:s28] =	ssyncset.done $0x0  }
0xa4: {  	s9 =	rddreg [dreg:$0x7];
	[sflag:s28] =	ssyncadd.s32 $0xFFFFD800  }
0xa5: {  	[hbm4b:s9+s3] =	stream.linear.scatter [tilespmem:s26], [sflag:$0x1], $0x2800, $0x38;
	[tilespmem:$0x16980] =	vst v63  }
0xa6: {  	_ =	swait.ge [sflag:s28], $0x2800  }
0xa7: {  	[sflag:s28] =	ssyncset.done $0x0  }
0xa8: {  	[sflag:s28] =	ssyncadd.s32 $0xFFFFD800  }
0xa9: {  	[tilespmem:s26], [sflag:$0x1] =	stream.linear.gather [spmem:s22], $0x2800, $0x38;
	[tilespmem:$0x16980] =	vst v63  }
0xaa: {  	_ =	swait.ge [sflag:s28], $0x2800  }
0xab: {  	[sflag:s28] =	ssyncset.done $0x0  }
0xac: {  	s10 =	rddreg [dreg:$0x8];
	[sflag:s28] =	ssyncadd.s32 $0xFFFFD800  }
0xad: {  	[hbm4b:s10+s3] =	stream.linear.scatter [tilespmem:s26], [sflag:$0x1], $0x2800, $0x38;
	[tilespmem:$0x16980] =	vst v63  }
0xae: {  	_ =	swait.ge [sflag:s28], $0x2800  }
0xaf: {  	[sflag:s28] =	ssyncset.done $0x0  }
0xb0: {  	[sflag:s28] =	ssyncadd.s32 $0xFFFFD800  }
0xb1: {  	[tilespmem:s26], [sflag:$0x1] =	stream.linear.gather [spmem:s23], $0x2800, $0x38;
	[tilespmem:$0x16980] =	vst v63  }
0xb2: {  	_ =	swait.ge [sflag:s28], $0x2800  }
0xb3: {  	[sflag:s28] =	ssyncset.done $0x0  }
0xb4: {  	[sflag:s28] =	ssyncadd.s32 $0xFFFFD800  }
0xb5: {  	[hbm4b:s11+s3] =	stream.linear.scatter [tilespmem:s26], [sflag:$0x1], $0x2800, $0x38;
	[tilespmem:$0x16980] =	vst v63  }
0xb6: {  	_ =	swait.ge [sflag:s28], $0x2800  }
0xb7: {  	[sflag:s28] =	ssyncset.done $0x0  }
0xb8: {  	[sflag:s28] =	ssyncadd.s32 $0xFFFFD800  }
0xb9: {  	[tilespmem:s26], [sflag:$0x1] =	stream.linear.gather [spmem:s24], $0x2800, $0x38;
	[tilespmem:$0x16980] =	vst v63  }
0xba: {  	_ =	swait.ge [sflag:s28], $0x2800  }
0xbb: {  	[sflag:s28] =	ssyncset.done $0x0  }
0xbc: {  	[sflag:s28] =	ssyncadd.s32 $0xFFFFD800  }
0xbd: {  	[hbm4b:s12+s3] =	stream.linear.scatter [tilespmem:s26], [sflag:$0x1], $0x2800, $0x38;
	[tilespmem:$0x16980] =	vst v63  }
0xbe: {  	_ =	swait.ge [sflag:s28], $0x2800  }
0xbf: {  	[sflag:s28] =	ssyncset.done $0x0  }
0xc0: {  	[sflag:s28] =	ssyncadd.s32 $0xFFFFD800  }
0xc1: {  	[tilespmem:s26], [sflag:$0x1] =	stream.linear.gather [spmem:s25], $0x2800, $0x38;
	[tilespmem:$0x16980] =	vst v63  }
0xc2: {  	s0 =	sadd.s32 $0x1, s0;
	_ =	swait.ge [sflag:s28], $0x2800  }
0xc3: {  	p0 =	sne.s32 s0, s18;
	[sflag:s28] =	ssyncset.done $0x0  }
.Ltmp3:
0xc4: {  	[sflag:s28] =	ssyncadd.s32 $0xFFFFD800;
	(pc) =	sbr.rel @p0 .LBB2_1-.Ltmp3, $4  }
0xc5: {  	[hbm4b:s13+s3] =	stream.linear.scatter [tilespmem:s26], [sflag:$0x1], $0x2800, $0x38;
	[tilespmem:$0x16980] =	vst v63  }
0xc6: {  	_ =	swait.ge [sflag:s28], $0x2800  }
0xc7: {  	[sflag:s28] =	ssyncset.done $0x0  }
0xc8: {  	[sflag:s28] =	ssyncadd.s32 $0xFFFFD800  }
0xc9: {  	_ =	sfence.sel $0x180000  }
0xca: {  	[bflag:$0x0] =	sbarrier.arrive $0xFFFF  }
0xcb: {  	_ =	strace $0x9000004A  }
0xcc: {  	s0 =	stileid.u32;
	[bflag:$0x2] =	sbarrier.arrive $0xFFFF  }
0xcd: {  	p0 =	sne.s32 s0, $0x0;
	s0 =	rddreg [dreg:$0x3]  }
0xce: {  	s0 =	sadd.s32 @!p0 $0x100000, s0  }
0xcf: {  	[sflag:s0] =	ssyncadd.tile.s32 @!p0 $0x1;
	_ =	shalt  }
.Lfunc_end2:
_tile_overlayer_lowered:
.L_overlay_start_2:
0xd0: {  	(tag) =	ssettag $0x2  }
0xd1: {  	s0 =	rddreg [dreg:$0x0];
	s2 =	stileid.u32  }
0xd2: {  	s1 =	rddreg [dreg:$0x1];
	p0 =	sne.s32 s2, $0x0  }
0xd3: {  	s3 =	rddreg [dreg:$0x2];
	[bflag:$0x3] =	sbarrier.arrive $0xFFFF;
	s2 =	simm.s32 @!p0 $0x1C01  }
0xd4: {  	[timem:s3], [sflag:s2] =	dma.local @!p0 [hbm:s0], s1  }
0xd5: {  	s0 =	simm.s32 @!p0 $0x1  }
0xd6: {  	_ =	swait.ge @!p0 [sflag:s0], s1  }
0xd7: {  	s1 =	ssub.s32 @!p0 $0x0, s1;
	[sflag:s0] =	ssyncset.done @!p0 $0x0  }
0xd8: {  	[sflag:s0] =	ssyncadd.s32 @!p0 s1  }
0xd9: {  	[bflag:$0x3] =	sbarrier.arrive $0xFFFF  }
0xda: {  	_ =	shalt  }

// kernel: kernel.14.cloned.1.call-start
scs
__scs_entry_jumppad:
0x0: {  	(pc) =	sbr.rel $0x88, $3  }
0x1: {  	(tag) =	ssettag $0x0;
	lr =	simm.s32 $0x1  }
0x2: {  	[smem:$0x3F95] =	sst lr;
	_ =	strace $0xD0000000  }
0x3: {  	_ = 	snop  }
0x4: {  	_ = 	snop  }
0x5: {  	_ = 	snop  }
0x6: {  	_ = 	snop  }
0x7: {  	_ = 	snop  }
__scs_overlays_trampoline_lowered:
0x8: {  	[smem:$0x3FA4] =	sst s0  }
0x9: {  	[smem:$0x3FA5] =	sst s1  }
0xa: {  	[smem:$0x3FA6] =	sst s2  }
0xb: {  	[smem:$0x3FA7] =	sst s3  }
0xc: {  	[smem:$0x3FA8] =	sst s4  }
0xd: {  	[smem:$0x3FA9] =	sst s5  }
0xe: {  	[smem:$0x3FAA] =	sst s6  }
0xf: {  	[smem:$0x3FAB] =	sst s7  }
0x10: {  	[smem:$0x3FAC] =	sst s8  }
0x11: {  	[smem:$0x3FAD] =	sst s9;
	s0 =	simm.s32 @!p0 $0x0  }
0x12: {  	s1 =	sld [smem:$0x3F93];
	s0 =	simm.s32 @p0 $0x1  }
0x13: {  	[smem:$0x3FAE] =	sst s0;
	s0 =	simm.s32 @!p1 $0x0  }
0x14: {  	s2 =	sld [smem:$0x3F92];
	s0 =	simm.s32 @p1 $0x1  }
0x15: {  	[smem:$0x3FAF] =	sst s0;
	s0 =	simm.s32 @!p2 $0x0  }
0x16: {  	s3 =	sld [smem:$0x3FDB];
	s0 =	simm.s32 @p2 $0x1  }
0x17: {  	s4 =	simm.s32 $0x1BF5;
	[smem:$0x3FB1] =	sst s0  }
0x18: {  	s0 =	sld [smem:$0x3F94];
	_ =	swait.ge [sflag:s4], $0x0  }
0x19: {  	s7 =	sld [smem:$0x3F95]  }
0x1a: {  	s8 =	sadd.s32 $0xFFFFE003, lr  }
0x1b: {  	s9 =	sadd.s32 $0xFFFFFEF7, lr;
	s5 =	simm.s32 $0xFFFFFFFF;
	p2 =	slt.u32 s8, $0xFFFFF086  }
0x1c: {  	p1 =	slt.u32 s9, $0xF7A;
	s5 =	simm.s32 @!p2 $0x0  }
0x1d: {  	s5 =	simm.s32 @p1 $0x1;
	p0 =	seq.s32 s7, s2  }
0x1e: {  	s7 =	smul.u32 @!p0 $0xF7A, s2;
	p2 =	seq.s32 @!p0 s5, $0x0  }
0x1f: {  	s9 =	smul.u32 $0xF7A, s1;
	s8 =	simm.s32 @!p0 $0x1BF5;
	p2 =	por !p2, p0  }
0x20: {  	[sflag:s8] =	ssyncset.s32 @!p0 $0xFFFFF086;
	s6 =	sadd.s32 @!p0 s3, s7;
	s7 =	simm.s32 @!p0 $0x108  }
0x21: {  	s3 =	sadd.s32 s3, s9;
	s6 =	sadd.s32 @!p0 $0x88, s6;
	s7 =	simm.s32 @p2 $0x1082  }
0x22: {  	[simem:s7], [sflag:s8] =	dma.local @!p0 [hbm:s6], $0xF7A  }
0x23: {  	s9 =	sor.u32 $0xD0000000, s2;
	s6 =	simm.s32 $0x108;
	_ =	swait.ge @!p0 [sflag:s8], $0x0  }
0x24: {  	s3 =	sadd.s32 $0x88, s3;
	s6 =	simm.s32 @!p1 $0x1082;
	[sflag:s4] =	ssyncset.s32 $0xFFFFF086  }
0x25: {  	[simem:s6], [sflag:s4] =	dma.local [hbm:s3], $0xF7A  }
0x26: {  	[smem:$0x3F95] =	sst s1;
	(tag) =	ssettag s2;
	_ =	strace s9  }
0x27: {  	s1 =	sld [smem:$0x3FA5]  }
0x28: {  	s2 =	sld [smem:$0x3FA6]  }
0x29: {  	s4 =	sld [smem:$0x3FA8]  }
0x2a: {  	p0 =	seq.s32 s5, $0x0;
	s5 =	sld [smem:$0x3FA9]  }
0x2b: {  	s6 =	sld [smem:$0x3FAA]  }
0x2c: {  	s7 =	sld [smem:$0x3FAB]  }
0x2d: {  	s3 =	simm.s32 $0x108;
	s8 =	sld [smem:$0x3FAC]  }
0x2e: {  	s3 =	simm.s32 @!p0 $0x1082;
	s9 =	sld [smem:$0x3FAD]  }
0x2f: {  	lr =	sadd.s32 s0, s3;
	s0 =	sld [smem:$0x3FA4]  }
0x30: {  	s3 =	sld [smem:$0x3FA7]  }
0x31: {  	[smem:$0x3FB0] =	sst s10  }
0x32: {  	s10 =	sld [smem:$0x3FAE];
	_ =	sdelay $0x3  }
0x33: {  	p0 =	seq.s32 s10, $0x1;
	s10 =	sld [smem:$0x3FB0];
	_ =	sdelay $0x3  }
0x34: {  	[smem:$0x3FB0] =	sst s10  }
0x35: {  	s10 =	sld [smem:$0x3FAF];
	_ =	sdelay $0x3  }
0x36: {  	p1 =	seq.s32 s10, $0x1;
	s10 =	sld [smem:$0x3FB0];
	_ =	sdelay $0x3  }
0x37: {  	[smem:$0x3FB0] =	sst s10  }
0x38: {  	s10 =	sld [smem:$0x3FB1]  }
0x39: {  	_ = 	snop;
	(pc) =	sbr.ind lr, $3  }
0x3a: {  	_ = 	snop  }
0x3b: {  	_ = 	snop  }
0x3c: {  	p2 =	seq.s32 s10, $0x1;
	s10 =	sld [smem:$0x3FB0]  }
0x3d: {  	_ =	shalt  }
0x3e: {  	_ =	shalt  }
0x3f: {  	_ =	shalt  }
0x40: {  	_ =	shalt  }
0x41: {  	_ =	shalt  }
0x42: {  	_ =	shalt  }
0x43: {  	_ =	shalt  }
0x44: {  	_ =	shalt  }
0x45: {  	_ =	shalt  }
0x46: {  	_ =	shalt  }
0x47: {  	_ =	shalt  }
0x48: {  	_ =	shalt  }
0x49: {  	_ =	shalt  }
0x4a: {  	_ =	shalt  }
0x4b: {  	_ =	shalt  }
0x4c: {  	_ =	shalt  }
0x4d: {  	_ =	shalt  }
0x4e: {  	_ =	shalt  }
0x4f: {  	_ =	shalt  }
0x50: {  	_ =	shalt  }
0x51: {  	_ =	shalt  }
0x52: {  	_ =	shalt  }
0x53: {  	_ =	shalt  }
0x54: {  	_ =	shalt  }
0x55: {  	_ =	shalt  }
0x56: {  	_ =	shalt  }
0x57: {  	_ =	shalt  }
0x58: {  	_ =	shalt  }
0x59: {  	_ =	shalt  }
0x5a: {  	_ =	shalt  }
0x5b: {  	_ =	shalt  }
0x5c: {  	_ =	shalt  }
0x5d: {  	_ =	shalt  }
0x5e: {  	_ =	shalt  }
0x5f: {  	_ =	shalt  }
0x60: {  	_ =	shalt  }
0x61: {  	_ =	shalt  }
0x62: {  	_ =	shalt  }
0x63: {  	_ =	shalt  }
0x64: {  	_ =	shalt  }
0x65: {  	_ =	shalt  }
0x66: {  	_ =	shalt  }
0x67: {  	_ =	shalt  }
0x68: {  	_ =	shalt  }
0x69: {  	_ =	shalt  }
0x6a: {  	_ =	shalt  }
0x6b: {  	_ =	shalt  }
0x6c: {  	_ =	shalt  }
0x6d: {  	_ =	shalt  }
0x6e: {  	_ =	shalt  }
0x6f: {  	_ =	shalt  }
0x70: {  	_ =	shalt  }
0x71: {  	_ =	shalt  }
0x72: {  	_ =	shalt  }
0x73: {  	_ =	shalt  }
0x74: {  	_ =	shalt  }
0x75: {  	_ =	shalt  }
0x76: {  	_ =	shalt  }
0x77: {  	_ =	shalt  }
0x78: {  	_ =	shalt  }
0x79: {  	_ =	shalt  }
0x7a: {  	_ =	shalt  }
0x7b: {  	_ =	shalt  }
0x7c: {  	_ =	shalt  }
0x7d: {  	_ =	shalt  }
0x7e: {  	_ =	shalt  }
0x7f: {  	_ =	shalt  }
0x80: {  	_ =	shalt  }
0x81: {  	_ =	shalt  }
0x82: {  	_ =	shalt  }
0x83: {  	_ =	shalt  }
0x84: {  	_ =	shalt  }
0x85: {  	_ =	shalt  }
0x86: {  	_ =	shalt  }
0x87: {  	_ =	shalt  }
.Lfunc_end0:
.L_simem_size_0:
called_computation.2_lowered:
.L_overlay_start_0:
0x88: {  	s2 =	sld [smem:$0x3FD9]  }
0x89: {  	s3 =	sld [smem:$0x3FFE];
	_ =	sdelay $0x1  }
0x8a: {  	s1 =	srdreg.scid  }
0x8b: {  	s0 =	sand.u32 $0x1, s1  }
0x8c: {  	s17 =	sshll.u32 s0, $0xA;
	s2 =	sadd.s32 s3, s2  }
0x8d: {  	s2 =	sadd.s32 s2, s17  }
0x8e: {  	[smem:$0x3FBC] =	sst s2  }
0x8f: {  	_ = 	snop  }
0x90: {  	s2 =	sld [smem:$0x3FC1]  }
0x91: {  	s18 =	sld [smem:$0x3FD0];
	(tm) =	ssettm $0x1  }
0x92: {  	s4 =	sld [smem:$0x3FFB];
	_ =	sdelay $0x3  }
0x93: {  	_ =	strace s4  }
0x94: {  	s4 =	sld [smem:$0x3FFC];
	_ =	sdelay $0x3  }
0x95: {  	_ =	strace s4  }
0x96: {  	s4 =	sld [smem:$0x3FFD];
	_ =	sdelay $0x3  }
0x97: {  	_ =	strace s4  }
0x98: {  	_ =	strace $0x8FFFFFFF  }
0x99: {  	s19 =	sld [smem:$0x3FDB];
	_ =	sdelay $0x1  }
0x9a: {  	s5 =	simm.s32 $_scs_section_size  }
0x9b: {  	s6 =	simm.s32 $_size__tile_overlayer_lowered;
	s7 =	simm.s32 $_tile_overlayer_lowered  }
0x9c: {  	s22 =	simm.s32 $0x1BFF;
	s21 =	sshll.u32 s7, $0x1;
	s4 =	sadd.s32 s5, s19  }
0x9d: {  	s8 =	simm.s32 $0x0;
	s20 =	sshll.u32 s6, $0x1;
	s6 =	sadd.s32 s21, s4  }
0x9e: {  	[timem:s8], [sflag:s22] =	dma.local [hbm:s6], s20  }
0x9f: {  	_ =	swait.ge [sflag:s22], s20  }
0xa0: {  	s5 =	ssub.s32 $0x0, s20;
	[sflag:s22] =	ssyncset.done $0x0  }
0xa1: {  	[sflag:s22] =	ssyncadd.s32 s5;
	_ =	sdelay $0x1  }
0xa2: {  	s23 =	simm.s32 $0x1B8B  }
0xa3: {  	_ =	swait.ge [sflag:s23], $0x1  }
0xa4: {  	[sflag:s23] =	ssyncset.done $0x0  }
0xa5: {  	s25 =	simm.s32 $0x1B8E;
	s24 =	sld [smem:$0x3FFE];
	[sflag:s23] =	ssyncadd.s32 $0xFFFFFFFF  }
0xa6: {  	s26 =	simm.s32 $execute0_lowered;
	[smem:$0x3FD2] =	sst s25  }
0xa7: {  	s6 =	sshll.u32 s26, $0x1;
	_ =	strace $0x8000004C;
	[dreg:$0x1] =	wrdreg $0xFFFFFFFF  }
0xa8: {  	s28 =	simm.s32 $_size_execute0_lowered;
	s4 =	sadd.s32 s4, s6;
	[dreg:$0x0] =	wrdreg $0x0  }
0xa9: {  	s6 =	sshll.u32 s28, $0x1;
	[dreg:$0x2] =	wrdreg s4  }
0xaa: {  	[dreg:$0x3] =	wrdreg s6  }
0xab: {  	[dreg:$0x4] =	wrdreg $0xC0  }
0xac: {  	_ =	task [dreg:s8], $0x5FFFF  }
0xad: {  	[dreg:$0x1] =	wrdreg $0xFFFFFFFF  }
0xae: {  	[dreg:$0x0] =	wrdreg $0x60  }
0xaf: {  	[dreg:$0x2] =	wrdreg s24  }
0xb0: {  	[dreg:$0x3] =	wrdreg s18  }
0xb1: {  	[dreg:$0x4] =	wrdreg s2  }
0xb2: {  	[dreg:$0x5] =	wrdreg $0x55800  }
0xb3: {  	[dreg:$0x6] =	wrdreg $0x195800  }
0xb4: {  	[dreg:$0x7] =	wrdreg $0x9  }
0xb5: {  	_ =	task.clear_ibuf [dreg:s8], $0x8FFFF;
	_ =	strace $0x9000004C  }
0xb6: {  	s29 =	simm.s32 $0x9;
	_ =	strace $0x8000004E  }
0xb7: {  	_ =	swait.ge [sflag:s29], $0x1  }
0xb8: {  	[sflag:s29] =	ssyncadd.s32 $0xFFFFFFFF  }
0xb9: {  	_ =	strace $0x9000004E  }
0xba: {  	_ =	sfence  }
0xbb: {  	s30 =	sld [smem:$0x0];
	_ =	sdelay $0x2  }
0xbc: {  	s31 =	sshll.u32 s1, $0xD;
	s1 =	sshrl.u32 s1, $0x2  }
0xbd: {  	s3 =	sand.u32 $0x4000, s31;
	s1 =	sadd.s32 s1, s30  }
0xbe: {  	s0 =	sor.u32 s3, s0;
	s1 =	sshll.u32 s1, $0x11  }
0xbf: {  	s0 =	sor.u32 s1, s0  }
0xc0: {  	s0 =	sadd.s32 $0x8F2B, s0  }
0xc1: {  	[sflag:s0] =	ssyncadd.remote.s32 $0x1  }
0xc2: {  	_ =	sfence.sel $0xFFFF  }
0xc3: {  	[dreg:$0x0] =	wrdreg $0xFFFFFFFF;
	(pc) =	sbr.abs _section_cstart, $3  }
0xc4: {  	[dreg:$0x1] =	wrdreg $0xFFFFFFFF  }
0xc5: {  	_ =	task.clear_ibuf [dreg:s8], $0x2FFFF;
	_ =	strace $0x9FFFFFFF  }
0xc6: {  	(tm) =	ssettm $0x7FFFFFFF  }
0xc7: {  	_ =	shalt  }
tec
execute0_lowered:
.L_overlay_start_1:
0x0: {  	(tag) =	ssettag $0x1  }
0x1: {  	s0 =	rddreg [dreg:$0x0]  }
0x2: {  	s1 =	rddreg [dreg:$0x1]  }
0x3: {  	s3 =	rddreg [dreg:$0x3]  }
0x4: {  	s2 =	srdreg.scid;
	s21 =	stileid.u32  }
0x5: {  	s4 =	simm.s32 $0x0;
	s2 =	sand.u32 $0x1, s2;
	s5 =	smul.u32 $0x280, s21  }
0x6: {  	[smem:$0x7FF] =	sst s4;
	s13 =	smul.u32 $0x14000, s21;
	s6 =	ssub.s32 $0x2, s2  }
0x7: {  	s7 =	sadd.s32 $0x5D600, s0;
	s31 =	smul.u32 $0x50000, s21;
	s8 =	sshrl.u32 s6, $0x1  }
0x8: {  	s9 =	sshll.u32 s5, $0x7;
	s8 =	ssub.s32 s6, s8;
	s6 =	smul.u32 $0x140000, s2  }
0x9: {  	s10 =	sor.u32 $0x2800, s9;
	s11 =	sadd.s32 $0x5000, s9;
	s12 =	sadd.s32 $0x7800, s9  }
0xa: {  	s15 =	sadd.s32 $0xA000, s9;
	s16 =	sadd.s32 $0xC800, s9;
	s2 =	sshll.u32 s2, $0x4  }
0xb: {  	s22 =	sadd.s32 $0xF000, s9;
	s9 =	sadd.s32 $0x11800, s9;
	s2 =	sor.u32 s21, s2  }
0xc: {  	s29 =	sadd.s32 s10, s3;
	s13 =	sadd.s32 s6, s13;
	s14 =	sadd.s32 s6, s10  }
0xd: {  	s17 =	sadd.s32 s6, s11;
	s18 =	sadd.s32 s6, s12;
	s19 =	sadd.s32 s6, s15  }
0xe: {  	s20 =	sadd.s32 s6, s16;
	s25 =	sadd.s32 s6, s22;
	s26 =	sadd.s32 s6, s9  }
0xf: {  	s21 =	smul.u32 $0x2710, s2;
	s2 =	simm.s32 $0x1;
	s10 =	simm.s32 $0x2900  }
0x10: {  	s13 =	sshrl.u32 s13, $0x3;
	s14 =	sshrl.u32 s14, $0x3;
	s17 =	sshrl.u32 s17, $0x3  }
0x11: {  	s24 =	sshrl.u32 s20, $0x3;
	s30 =	sshrl.u32 s26, $0x3;
	s13 =	sadd.s32 s7, s13  }
0x12: {  	s20 =	sadd.s32 $0xAD600, s0;
	s14 =	sadd.s32 s7, s14;
	[dreg:$0x6] =	wrdreg s13  }
0x13: {  	s26 =	sadd.s32 s16, s3;
	[dreg:$0x7] =	wrdreg s14;
	s13 =	sadd.s32 s7, s17  }
0x14: {  	s14 =	sshrl.u32 s19, $0x3;
	[dreg:$0x8] =	wrdreg s13;
	s13 =	sshrl.u32 s18, $0x3  }
0x15: {  	s23 =	sadd.s32 s7, s14;
	s14 =	rddreg [dreg:$0x4];
	s13 =	sadd.s32 s7, s13  }
0x16: {  	s17 =	sadd.s32 $0xD600, s0;
	[dreg:$0x9] =	wrdreg s13;
	s13 =	sadd.s32 s7, s24  }
0x17: {  	s19 =	sadd.s32 $0x3800, s0;
	[dreg:$0xb] =	wrdreg s13;
	s13 =	sshrl.u32 s25, $0x3  }
0x18: {  	s18 =	sadd.s32 $0x35600, s0;
	[dreg:$0xa] =	wrdreg s23;
	s13 =	sadd.s32 s7, s13  }
0x19: {  	s0 =	simm.s32 $0x100;
	s7 =	sadd.s32 s7, s30;
	[dreg:$0xc] =	wrdreg s13  }
0x1a: {  	v0 =	vlaneseq.u32;
	s23 =	sadd.s32 s11, s3;
	[dreg:$0xd] =	wrdreg s7;
	s13 =	smax.u32 s8, $0x1  }
0x1b: {  	v0 =	vmul.u32 $0x10, v0;
	s11 =	simm.s32 $0x5180;
	_ =	strace $0x8000004D;
	[dreg:$0xe] =	wrdreg s13  }
0x1c: {  	v1 =	vimm.f32 $0.0e+00;
	s24 =	sadd.s32 s12, s3;
	s12 =	simm.s32 $0x5100;
	[dreg:$0xf] =	wrdreg s23  }
0x1d: {  	v2 =	vor.u32 $0x1, v0;
	v3 =	vor.u32 $0x2, v0;
	v4 =	vor.u32 $0x3, v0;
	s25 =	sadd.s32 s15, s3;
	s15 =	simm.s32 $0x0;
	[dreg:$0x10] =	wrdreg s24  }
0x1e: {  	v5 =	vor.u32 $0x4, v0;
	v6 =	vor.u32 $0x5, v0;
	v7 =	vor.u32 $0x6, v0;
	s30 =	sadd.s32 s22, s3;
	s7 =	sshrl.u32 s31, $0x2;
	[dreg:$0x11] =	wrdreg s25  }
0x1f: {  	v8 =	vor.u32 $0x7, v0;
	v9 =	vor.u32 $0x8, v0;
	v10 =	vor.u32 $0x9, v0;
	s31 =	sadd.s32 s9, s3;
	s8 =	simm.s32 $0x80;
	[dreg:$0x12] =	wrdreg s26  }
0x20: {  	v11 =	vor.u32 $0xA, v0;
	v12 =	vor.u32 $0xB, v0;
	v13 =	vor.u32 $0xC, v0;
	s9 =	simm.s32 $0x50;
	s28 =	sadd.s32 s7, s3;
	[dreg:$0x13] =	wrdreg s30  }
0x21: {  	v14 =	vor.u32 $0xD, v0;
	v15 =	vor.u32 $0xE, v0;
	v16 =	vor.u32 $0xF, v0;
	[dreg:$0x14] =	wrdreg s31;
	s13 =	sadd.s32 s5, s14;
	s7 =	simm.s32 $0x5300  }
.LBB2_1:
0x22: {  	s16 =	rddreg [dreg:$0x2];
	s22 =	simm.s32 $0x5280  }
0x23: {  	[tilespmem:s22], [sflag:$0x1] =	stream.linear.gather [hbm4b:s16+s4], $0x80, $0x38;
	[tilespmem:$0x19800] =	vst v63  }
0x24: {  	_ =	swait.ge [sflag:s2], $0x80  }
0x25: {  	[sflag:s2] =	ssyncset.done $0x0  }
0x26: {  	[sflag:s2] =	ssyncadd.s32 $0xFFFFFF80  }
0x27: {  	v17 =	vld [tilespmem:$0x5280]  }
0x28: {  	v18 =	vld [tilespmem:$0x5290]  }
0x29: {  	v19 =	vld [tilespmem:$0x52A0]  }
0x2a: {  	v20 =	vld [tilespmem:$0x52B0]  }
0x2b: {  	v21 =	vld [tilespmem:$0x52C0]  }
0x2c: {  	v22 =	vld [tilespmem:$0x52D0]  }
0x2d: {  	v23 =	vld [tilespmem:$0x52E0]  }
0x2e: {  	s16 =	simm.s32 $0x0;
	s22 =	simm.s32 $0x200;
	v24 =	vld [tilespmem:$0x52F0]  }
.LBB2_2:
0x2f: {  	p0 =	sne.s32 s22, $0x9E00;
	[tilespmem:s16+$0x170] =	vst v1  }
0x30: {  	[tilespmem:s16+$0x100] =	vst v1  }
0x31: {  	[tilespmem:s16+$0x110] =	vst v1  }
.Ltmp0:
0x32: {  	[tilespmem:s16+$0x120] =	vst v1;
	(pc) =	sbr.rel @p0 .LBB2_2-.Ltmp0, $4  }
0x33: {  	[tilespmem:s16+$0x130] =	vst v1  }
0x34: {  	[tilespmem:s16+$0x140] =	vst v1  }
0x35: {  	[tilespmem:s16+$0x150] =	vst v1  }
0x36: {  	[tilespmem:s16+$0x160] =	vst v1;
	s16 =	sshra.s32 s22, $0x2;
	s22 =	sadd.s32 $0x200, s22  }
0x37: {  	[tilespmem:s16+$0x170] =	vst v1  }
0x38: {  	[tilespmem:s16+$0x100] =	vst v1  }
0x39: {  	[tilespmem:s16+$0x110] =	vst v1  }
0x3a: {  	[tilespmem:s16+$0x120] =	vst v1  }
0x3b: {  	[tilespmem:s16+$0x130] =	vst v1  }
0x3c: {  	[tilespmem:s16+$0x140] =	vst v1  }
0x3d: {  	[tilespmem:s16+$0x150] =	vst v1  }
0x3e: {  	[tilespmem:s16+$0x160] =	vst v1  }
0x3f: {  	[tilespmem:$0x5300] =	vst v1  }
0x40: {  	[tilespmem:$0x5310] =	vst v1  }
0x41: {  	[tilespmem:$0x5320] =	vst v1  }
0x42: {  	[tilespmem:$0x5330] =	vst v1  }
0x43: {  	[tilespmem:$0x5340] =	vst v1  }
0x44: {  	[tilespmem:$0x5350] =	vst v1  }
0x45: {  	[tilespmem:$0x5360] =	vst v1  }
0x46: {  	[tilespmem:$0x5370] =	vst v1  }
0x47: {  	[tilespmem:$0x5380] =	vst v1  }
0x48: {  	[tilespmem:$0x5390] =	vst v1  }
0x49: {  	[tilespmem:$0x53A0] =	vst v1  }
0x4a: {  	[tilespmem:$0x53B0] =	vst v1  }
0x4b: {  	[tilespmem:$0x53C0] =	vst v1  }
0x4c: {  	[tilespmem:$0x53D0] =	vst v1  }
0x4d: {  	[tilespmem:$0x53E0] =	vst v1  }
0x4e: {  	[tilespmem:$0x53F0] =	vst v1  }
0x4f: {  	[tilespmem:$0x5400] =	vst v1  }
0x50: {  	[tilespmem:$0x5410] =	vst v1  }
0x51: {  	[tilespmem:$0x5420] =	vst v1  }
0x52: {  	[tilespmem:$0x5430] =	vst v1  }
0x53: {  	[tilespmem:$0x5440] =	vst v1  }
0x54: {  	[tilespmem:$0x5450] =	vst v1  }
0x55: {  	[tilespmem:$0x5460] =	vst v1  }
0x56: {  	[tilespmem:$0x5470] =	vst v1  }
0x57: {  	[tilespmem:$0x5480] =	vst v1  }
0x58: {  	[tilespmem:$0x5490] =	vst v1  }
0x59: {  	[tilespmem:$0x54A0] =	vst v1  }
0x5a: {  	[tilespmem:$0x54B0] =	vst v1  }
0x5b: {  	[tilespmem:$0x54C0] =	vst v1  }
0x5c: {  	[tilespmem:$0x54D0] =	vst v1  }
0x5d: {  	[tilespmem:$0x54E0] =	vst v1  }
0x5e: {  	[tilespmem:$0x54F0] =	vst v1  }
0x5f: {  	[tilespmem:$0x5500] =	vst v1  }
0x60: {  	[tilespmem:$0x5510] =	vst v1  }
0x61: {  	[tilespmem:$0x5520] =	vst v1  }
0x62: {  	[tilespmem:$0x5530] =	vst v1  }
0x63: {  	[tilespmem:$0x5540] =	vst v1  }
0x64: {  	[tilespmem:$0x5550] =	vst v1  }
0x65: {  	[tilespmem:$0x5560] =	vst v1  }
0x66: {  	[tilespmem:$0x5570] =	vst v1  }
0x67: {  	[spmem:s28] =	stream.linear.scatter [tilespmem:s0], [sflag:$0x1], $0x2800, $0x38;
	[tilespmem:$0x19800] =	vst v63  }
0x68: {  	_ =	swait.ge [sflag:s2], $0x2800  }
0x69: {  	[sflag:s2] =	ssyncset.done $0x0  }
0x6a: {  	[sflag:s2] =	ssyncadd.s32 $0xFFFFD800  }
0x6b: {  	[spmem:s29] =	stream.linear.scatter [tilespmem:s0], [sflag:$0x1], $0x2800, $0x38;
	[tilespmem:$0x19800] =	vst v63  }
0x6c: {  	_ =	swait.ge [sflag:s2], $0x2800  }
0x6d: {  	[sflag:s2] =	ssyncset.done $0x0  }
0x6e: {  	s23 =	rddreg [dreg:$0xf];
	[sflag:s2] =	ssyncadd.s32 $0xFFFFD800  }
0x6f: {  	[spmem:s23] =	stream.linear.scatter [tilespmem:s0], [sflag:$0x1], $0x2800, $0x38;
	[tilespmem:$0x19800] =	vst v63  }
0x70: {  	_ =	swait.ge [sflag:s2], $0x2800  }
0x71: {  	[sflag:s2] =	ssyncset.done $0x0  }
0x72: {  	s24 =	rddreg [dreg:$0x10];
	[sflag:s2] =	ssyncadd.s32 $0xFFFFD800  }
0x73: {  	[spmem:s24] =	stream.linear.scatter [tilespmem:s0], [sflag:$0x1], $0x2800, $0x38;
	[tilespmem:$0x19800] =	vst v63  }
0x74: {  	_ =	swait.ge [sflag:s2], $0x2800  }
0x75: {  	[sflag:s2] =	ssyncset.done $0x0  }
0x76: {  	s25 =	rddreg [dreg:$0x11];
	[sflag:s2] =	ssyncadd.s32 $0xFFFFD800  }
0x77: {  	[spmem:s25] =	stream.linear.scatter [tilespmem:s0], [sflag:$0x1], $0x2800, $0x38;
	[tilespmem:$0x19800] =	vst v63  }
0x78: {  	_ =	swait.ge [sflag:s2], $0x2800  }
0x79: {  	[sflag:s2] =	ssyncset.done $0x0  }
0x7a: {  	s26 =	rddreg [dreg:$0x12];
	[sflag:s2] =	ssyncadd.s32 $0xFFFFD800  }
0x7b: {  	[spmem:s26] =	stream.linear.scatter [tilespmem:s0], [sflag:$0x1], $0x2800, $0x38;
	[tilespmem:$0x19800] =	vst v63  }
0x7c: {  	_ =	swait.ge [sflag:s2], $0x2800  }
0x7d: {  	[sflag:s2] =	ssyncset.done $0x0  }
0x7e: {  	s30 =	smov.u32 s28;
	s28 =	rddreg [dreg:$0x13];
	[sflag:s2] =	ssyncadd.s32 $0xFFFFD800  }
0x7f: {  	[spmem:s28] =	stream.linear.scatter [tilespmem:s0], [sflag:$0x1], $0x2800, $0x38;
	[tilespmem:$0x19800] =	vst v63  }
0x80: {  	_ =	swait.ge [sflag:s2], $0x2800  }
0x81: {  	[sflag:s2] =	ssyncset.done $0x0  }
0x82: {  	s31 =	smov.u32 s29;
	s29 =	rddreg [dreg:$0x14];
	[sflag:s2] =	ssyncadd.s32 $0xFFFFD800  }
0x83: {  	[spmem:s29] =	stream.linear.scatter [tilespmem:s0], [sflag:$0x1], $0x2800, $0x38;
	[tilespmem:$0x19800] =	vst v63  }
0x84: {  	_ =	swait.ge [sflag:s2], $0x2800  }
0x85: {  	[sflag:s2] =	ssyncset.done $0x0  }
0x86: {  	[sflag:s2] =	ssyncadd.s32 $0xFFFFD800  }
0x87: {  	[spmem:s13] =	stream.linear.scatter [tilespmem:s7], [sflag:$0x1], $0x280, $0x38;
	[tilespmem:$0x19800] =	vst v63  }
0x88: {  	_ =	swait.ge [sflag:s2], $0x280  }
0x89: {  	[sflag:s2] =	ssyncset.done $0x0  }
0x8a: {  	[sflag:s2] =	ssyncadd.s32 $0xFFFFFD80  }
0x8b: {  	s16 =	simm.s32 $0x0;
	s22 =	simm.s32 $0x0;
	[bflag:$0x0] =	sbarrier.arrive $0xFFFF  }
.LBB2_4:
0x8c: {  	s23 =	smul.u32 $0x50, s22;
	_ =	sdelay $0x1  }
0x8d: {  	s23 =	sadd.s32 s21, s23  }
0x8e: {  	s23 =	sshrl.u32 s23, $0x3  }
0x8f: {  	s24 =	sadd.s32 s19, s23  }
0x90: {  	[tilespmem:s16], [sflag:$0x1] =	stream.linear.gather [hbm4b:s24+s16], $0x50, $0x38;
	[tilespmem:$0x19800] =	vst v63  }
0x91: {  	_ =	swait.ge [sflag:s2], $0x50  }
0x92: {  	[sflag:s2] =	ssyncset.done $0x0  }
0x93: {  	s23 =	sadd.s32 s1, s23;
	[sflag:s2] =	ssyncadd.s32 $0xFFFFFFB0  }
0x94: {  	[tilespmem:s8], [sflag:$0x1] =	stream.linear.gather [hbm4b:s23+s16], $0x50, $0x38;
	[tilespmem:$0x19800] =	vst v63  }
0x95: {  	_ =	swait.ge [sflag:s2], $0x50  }
0x96: {  	[sflag:s2] =	ssyncset.done $0x0  }
0x97: {  	[sflag:s2] =	ssyncadd.s32 $0xFFFFFFB0  }
0x98: {  	[tilespmem:s0], [sflag:$0x1] =	stream.indirect.gather [hbm4b:s17+s9], $0x80, s16, s9, $0xb8;
	[tilespmem:$0x19800] =	vst v63  }
0x99: {  	_ =	swait.ge [sflag:s2], $0x2800  }
0x9a: {  	[sflag:s2] =	ssyncset.done $0x0  }
0x9b: {  	[sflag:s2] =	ssyncadd.s32 $0xFFFFD800  }
0x9c: {  	[tilespmem:s10], [sflag:$0x1] =	stream.indirect.gather [hbm4b:s18+s9], $0x80, s8, s9, $0xb8;
	[tilespmem:$0x19800] =	vst v63  }
0x9d: {  	_ =	swait.ge [sflag:s2], $0x2800  }
0x9e: {  	s25 =	simm.s32 $0x0;
	[sflag:s2] =	ssyncset.done $0x0  }
0x9f: {  	s24 =	simm.s32 $0x2970;
	s23 =	simm.s32 $0x140;
	[sflag:s2] =	ssyncadd.s32 $0xFFFFD800  }
.LBB2_5:
0xa0: {  	v25 =	vmov s24  }
0xa1: {  	v26 =	vmov s23;
	_ =	sdelay $0x2  }
0xa2: {  	s26 =	simm.s32 $0x0  }
0xa3: {  	v27 =	vld.idx.msk [tilespmem:v25+s26+$0xFFFFFF90 ss:$0x1], $0xffff  }
0xa4: {  	v28 =	vld.idx.msk [tilespmem:v26+s26+$0xFFFFFFC0 ss:$0x1], $0xffff  }
0xa5: {  	v29 =	vld.idx.msk [tilespmem:v26+s26+$0xFFFFFFD0 ss:$0x1], $0xffff  }
0xa6: {  	v30 =	vld.idx.msk [tilespmem:v25+s26+$0xFFFFFFA0 ss:$0x1], $0xffff  }
0xa7: {  	v31 =	vld.idx.msk [tilespmem:v26+s26+$0xFFFFFFE0 ss:$0x1], $0xffff  }
0xa8: {  	v32 =	vld.idx.msk [tilespmem:v25+s26+$0xFFFFFFB0 ss:$0x1], $0xffff  }
0xa9: {  	v33 =	vld.idx.msk [tilespmem:v26+s26+$0xFFFFFFF0 ss:$0x1], $0xffff;
	v27 =	vadd.f32 v27, v28  }
0xaa: {  	v28 =	vld.idx.msk [tilespmem:v25+s26+$0xFFFFFFC0 ss:$0x1], $0xffff  }
0xab: {  	v34 =	vld.idx.msk [tilespmem:v26+s26+$0x0 ss:$0x1], $0xffff;
	v29 =	vadd.f32 v30, v29;
	v35 =	vmul.f32 $2.000000030e-01, v27  }
0xac: {  	v51 =	vld.idx.msk [tilespmem:v25+s26+$0xFFFFFFD0 ss:$0x1], $0xffff  }
0xad: {  	v36 =	vld.idx.msk [tilespmem:v26+s26+$0x10 ss:$0x1], $0xffff;
	v31 =	vadd.f32 v32, v31;
	v52 =	vmul.f32 $2.000000030e-01, v29;
	v27 =	vmax.f32 v27, v35  }
0xae: {  	v53 =	vld.idx.msk [tilespmem:v25+s26+$0xFFFFFFE0 ss:$0x1], $0xffff;
	v27 =	vmul.f32 v27, v17  }
0xaf: {  	v37 =	vld.idx.msk [tilespmem:v26+s26+$0x20 ss:$0x1], $0xffff;
	v54 =	vmul.f32 $2.000000030e-01, v31;
	v29 =	vmax.f32 v29, v52;
	v28 =	vadd.f32 v28, v33  }
0xb0: {  	v55 =	vld.idx.msk [tilespmem:v25+s26+$0xFFFFFFF0 ss:$0x1], $0xffff;
	v29 =	vmul.f32 v29, v18;
	v27 =	vadd.f32 $0.0e+00, v27  }
0xb1: {  	v38 =	vld.idx.msk [tilespmem:v26+s26+$0x30 ss:$0x1], $0xffff;
	v30 =	vadd.f32 v51, v34;
	v31 =	vmax.f32 v31, v54;
	v56 =	vmul.f32 $2.000000030e-01, v28  }
0xb2: {  	v57 =	vld.idx.msk [tilespmem:v25+s26+$0x0 ss:$0x1], $0xffff;
	v27 =	vadd.f32 v29, v27;
	v29 =	vmul.f32 v31, v19  }
0xb3: {  	v32 =	vadd.f32 v53, v36;
	v58 =	vmul.f32 $2.000000030e-01, v30;
	v28 =	vmax.f32 v28, v56  }
0xb4: {  	v28 =	vmul.f32 v28, v20;
	v27 =	vadd.f32 v29, v27  }
0xb5: {  	v60 =	vadd.f32 v55, v37;
	v59 =	vmul.f32 $2.000000030e-01, v32;
	v29 =	vmax.f32 v30, v58  }
0xb6: {  	v27 =	vadd.f32 v28, v27;
	v28 =	vmul.f32 v29, v21  }
0xb7: {  	v62 =	vadd.f32 v57, v38;
	v61 =	vmul.f32 $2.000000030e-01, v60;
	v29 =	vmax.f32 v32, v59  }
0xb8: {  	v27 =	vadd.f32 v28, v27;
	v28 =	vmul.f32 v29, v22  }
0xb9: {  	v63 =	vmul.f32 $2.000000030e-01, v62;
	v29 =	vmax.f32 v60, v61  }
0xba: {  	v27 =	vadd.f32 v28, v27;
	v28 =	vmul.f32 v29, v23  }
0xbb: {  	v29 =	vmax.f32 v62, v63  }
0xbc: {  	v27 =	vadd.f32 v28, v27;
	v28 =	vmul.f32 v29, v24;
	_ =	sdelay $0x1  }
0xbd: {  	v27 =	vadd.f32 v28, v27  }
0xbe: {  	s26 =	simm.s32 $0x5180  }
0xbf: {  	s29 =	simm.s32 $0x80;
	[tilespmem:s26+$0x0] =	vst v27  }
0xc0: {  	s28 =	simm.s32 $0x400;
	v27 =	vld.idx.msk [tilespmem:v25+s29+$0xFFFFFF90 ss:$0x1], $0xffff  }
.LBB2_6:
0xc1: {  	p0 =	sne.s32 s28, $0x1E00;
	v28 =	vld.idx.msk [tilespmem:v26+s29+$0xFFFFFFC0 ss:$0x1], $0xffff  }
0xc2: {  	v29 =	vld.idx.msk [tilespmem:v26+s29+$0xFFFFFFD0 ss:$0x1], $0xffff  }
0xc3: {  	v30 =	vld.idx.msk [tilespmem:v25+s29+$0xFFFFFFA0 ss:$0x1], $0xffff  }
0xc4: {  	v31 =	vld.idx.msk [tilespmem:v26+s29+$0xFFFFFFE0 ss:$0x1], $0xffff  }
0xc5: {  	v32 =	vld.idx.msk [tilespmem:v25+s29+$0xFFFFFFB0 ss:$0x1], $0xffff  }
0xc6: {  	v33 =	vld.idx.msk [tilespmem:v26+s29+$0xFFFFFFF0 ss:$0x1], $0xffff  }
0xc7: {  	v27 =	vadd.f32 v27, v28;
	v28 =	vld.idx.msk [tilespmem:v25+s29+$0xFFFFFFC0 ss:$0x1], $0xffff  }
0xc8: {  	v34 =	vld.idx.msk [tilespmem:v26+s29+$0x0 ss:$0x1], $0xffff  }
0xc9: {  	v35 =	vmul.f32 $2.000000030e-01, v27;
	v29 =	vadd.f32 v30, v29;
	v30 =	vld.idx.msk [tilespmem:v25+s29+$0xFFFFFFD0 ss:$0x1], $0xffff  }
0xca: {  	v36 =	vld.idx.msk [tilespmem:v26+s29+$0x10 ss:$0x1], $0xffff  }
0xcb: {  	v27 =	vmax.f32 v27, v35;
	v35 =	vmul.f32 $2.000000030e-01, v29;
	v31 =	vadd.f32 v32, v31;
	v32 =	vld.idx.msk [tilespmem:v25+s29+$0xFFFFFFE0 ss:$0x1], $0xffff  }
0xcc: {  	v27 =	vmul.f32 v27, v17;
	v37 =	vld.idx.msk [tilespmem:v26+s29+$0x20 ss:$0x1], $0xffff  }
0xcd: {  	v29 =	vmax.f32 v29, v35;
	v35 =	vmul.f32 $2.000000030e-01, v31;
	v28 =	vadd.f32 v28, v33;
	v33 =	vld.idx.msk [tilespmem:v25+s29+$0xFFFFFFF0 ss:$0x1], $0xffff  }
0xce: {  	v27 =	vadd.f32 $0.0e+00, v27;
	v29 =	vmul.f32 v29, v18;
	v38 =	vld.idx.msk [tilespmem:v26+s29+$0x30 ss:$0x1], $0xffff  }
0xcf: {  	v31 =	vmax.f32 v31, v35;
	v35 =	vmul.f32 $2.000000030e-01, v28;
	v30 =	vadd.f32 v30, v34;
	v34 =	vld.idx.msk [tilespmem:v25+s29+$0x0 ss:$0x1], $0xffff  }
0xd0: {  	v27 =	vadd.f32 v29, v27;
	v29 =	vmul.f32 v31, v19  }
0xd1: {  	v28 =	vmax.f32 v28, v35;
	v31 =	vmul.f32 $2.000000030e-01, v30;
	v32 =	vadd.f32 v32, v36  }
0xd2: {  	v27 =	vadd.f32 v29, v27;
	v28 =	vmul.f32 v28, v20  }
0xd3: {  	v29 =	vmax.f32 v30, v31;
	v30 =	vmul.f32 $2.000000030e-01, v32;
	v31 =	vadd.f32 v33, v37  }
0xd4: {  	v27 =	vadd.f32 v28, v27;
	v28 =	vmul.f32 v29, v21  }
0xd5: {  	v29 =	vmax.f32 v32, v30;
	v30 =	vmul.f32 $2.000000030e-01, v31;
	v32 =	vadd.f32 v34, v38  }
0xd6: {  	v27 =	vadd.f32 v28, v27;
	v28 =	vmul.f32 v29, v22  }
0xd7: {  	v29 =	vmax.f32 v31, v30;
	v30 =	vmul.f32 $2.000000030e-01, v32  }
0xd8: {  	v27 =	vadd.f32 v28, v27;
	v28 =	vmul.f32 v29, v23  }
0xd9: {  	v29 =	vmax.f32 v32, v30  }
0xda: {  	v27 =	vadd.f32 v28, v27;
	v28 =	vmul.f32 v29, v24  }
.Ltmp1:
0xdb: {  	(pc) =	sbr.rel @p0 .LBB2_6-.Ltmp1, $4  }
0xdc: {  	v27 =	vadd.f32 v28, v27  }
0xdd: {  	s26 =	sadd.s32 $0x10, s26  }
0xde: {  	s29 =	sshra.s32 s28, $0x2;
	[tilespmem:s26+$0x0] =	vst v27  }
0xdf: {  	s28 =	sadd.s32 $0x200, s28;
	v27 =	vld.idx.msk [tilespmem:v25+s29+$0xFFFFFF90 ss:$0x1], $0xffff  }
0xe0: {  	_ =	sdelay $0x3  }
0xe1: {  	v28 =	vld.idx.msk [tilespmem:v26+s29+$0xFFFFFFC0 ss:$0x1], $0xffff  }
0xe2: {  	v29 =	vld.idx.msk [tilespmem:v26+s29+$0xFFFFFFD0 ss:$0x1], $0xffff  }
0xe3: {  	v30 =	vld.idx.msk [tilespmem:v25+s29+$0xFFFFFFA0 ss:$0x1], $0xffff  }
0xe4: {  	v31 =	vld.idx.msk [tilespmem:v26+s29+$0xFFFFFFE0 ss:$0x1], $0xffff  }
0xe5: {  	v32 =	vld.idx.msk [tilespmem:v25+s29+$0xFFFFFFB0 ss:$0x1], $0xffff  }
0xe6: {  	v33 =	vld.idx.msk [tilespmem:v26+s29+$0xFFFFFFF0 ss:$0x1], $0xffff;
	v27 =	vadd.f32 v27, v28  }
0xe7: {  	v42 =	vld.idx.msk [tilespmem:v25+s29+$0xFFFFFFC0 ss:$0x1], $0xffff  }
0xe8: {  	v34 =	vld.idx.msk [tilespmem:v26+s29+$0x0 ss:$0x1], $0xffff;
	v29 =	vadd.f32 v30, v29;
	v35 =	vmul.f32 $2.000000030e-01, v27  }
0xe9: {  	v43 =	vld.idx.msk [tilespmem:v25+s29+$0xFFFFFFD0 ss:$0x1], $0xffff  }
0xea: {  	v36 =	vld.idx.msk [tilespmem:v26+s29+$0x10 ss:$0x1], $0xffff;
	v31 =	vadd.f32 v32, v31;
	v44 =	vmul.f32 $2.000000030e-01, v29;
	v27 =	vmax.f32 v27, v35  }
0xeb: {  	v45 =	vld.idx.msk [tilespmem:v25+s29+$0xFFFFFFE0 ss:$0x1], $0xffff;
	v27 =	vmul.f32 v27, v17  }
0xec: {  	v37 =	vld.idx.msk [tilespmem:v26+s29+$0x20 ss:$0x1], $0xffff;
	v28 =	vadd.f32 v42, v33;
	v46 =	vmul.f32 $2.000000030e-01, v31;
	v29 =	vmax.f32 v29, v44  }
0xed: {  	v47 =	vld.idx.msk [tilespmem:v25+s29+$0xFFFFFFF0 ss:$0x1], $0xffff;
	v29 =	vmul.f32 v29, v18;
	v27 =	vadd.f32 $0.0e+00, v27  }
0xee: {  	v26 =	vld.idx.msk [tilespmem:v26+s29+$0x30 ss:$0x1], $0xffff;
	v30 =	vadd.f32 v43, v34;
	v48 =	vmul.f32 $2.000000030e-01, v28;
	v31 =	vmax.f32 v31, v46  }
0xef: {  	v25 =	vld.idx.msk [tilespmem:v25+s29+$0x0 ss:$0x1], $0xffff;
	v49 =	vmul.f32 v31, v19;
	v27 =	vadd.f32 v29, v27  }
0xf0: {  	v32 =	vadd.f32 v45, v36;
	v50 =	vmul.f32 $2.000000030e-01, v30;
	v28 =	vmax.f32 v28, v48  }
0xf1: {  	v28 =	vmul.f32 v28, v20;
	v27 =	vadd.f32 v49, v27  }
0xf2: {  	v53 =	vadd.f32 v47, v37;
	v52 =	vmul.f32 $2.000000030e-01, v32;
	v51 =	vmax.f32 v30, v50  }
0xf3: {  	v54 =	vmul.f32 v51, v21;
	v27 =	vadd.f32 v28, v27  }
0xf4: {  	v25 =	vadd.f32 v25, v26;
	v56 =	vmul.f32 $2.000000030e-01, v53;
	v55 =	vmax.f32 v32, v52  }
0xf5: {  	v26 =	vadd.f32 v54, v27;
	v27 =	vmul.f32 v55, v22  }
0xf6: {  	v58 =	vmul.f32 $2.000000030e-01, v25;
	v57 =	vmax.f32 v53, v56  }
0xf7: {  	v26 =	vadd.f32 v27, v26;
	v27 =	vmul.f32 v57, v23  }
0xf8: {  	v25 =	vmax.f32 v25, v58  }
0xf9: {  	v25 =	vmul.f32 v25, v24;
	v26 =	vadd.f32 v27, v26;
	_ =	sdelay $0x1  }
0xfa: {  	v25 =	vadd.f32 v25, v26  }
0xfb: {  	s26 =	sadd.s32 $0x10, s26  }
0xfc: {  	[tilespmem:s26+$0x0] =	vst v25  }
0xfd: {  	v25 =	vld.idx.msk [tilespmem:v0+s11+$0x0], $0xffff;
	_ =	sdelay $0x1  }
0xfe: {  	v26 =	vld.idx.msk [tilespmem:v2+s11+$0x0], $0xffff;
	_ =	sdelay $0x1  }
0xff: {  	v27 =	vld.idx.msk [tilespmem:v3+s11+$0x0], $0xffff  }
0x100: {  	v25 =	vadd.f32 $0.0e+00, v25  }
0x101: {  	v59 =	vld.idx.msk [tilespmem:v4+s11+$0x0], $0xffff  }
0x102: {  	v25 =	vadd.f32 v26, v25  }
0x103: {  	v26 =	vld.idx.msk [tilespmem:v5+s11+$0x0], $0xffff  }
0x104: {  	v25 =	vadd.f32 v27, v25  }
0x105: {  	v27 =	vld.idx.msk [tilespmem:v6+s11+$0x0], $0xffff  }
0x106: {  	v25 =	vadd.f32 v59, v25  }
0x107: {  	v60 =	vld.idx.msk [tilespmem:v7+s11+$0x0], $0xffff  }
0x108: {  	v25 =	vadd.f32 v26, v25  }
0x109: {  	v26 =	vld.idx.msk [tilespmem:v8+s11+$0x0], $0xffff  }
0x10a: {  	v25 =	vadd.f32 v27, v25  }
0x10b: {  	v27 =	vld.idx.msk [tilespmem:v9+s11+$0x0], $0xffff  }
0x10c: {  	v25 =	vadd.f32 v60, v25  }
0x10d: {  	v61 =	vld.idx.msk [tilespmem:v10+s11+$0x0], $0xffff  }
0x10e: {  	v25 =	vadd.f32 v26, v25  }
0x10f: {  	v26 =	vld.idx.msk [tilespmem:v11+s11+$0x0], $0xffff  }
0x110: {  	v25 =	vadd.f32 v27, v25  }
0x111: {  	v27 =	vld.idx.msk [tilespmem:v12+s11+$0x0], $0xffff  }
0x112: {  	v25 =	vadd.f32 v61, v25  }
0x113: {  	v62 =	vld.idx.msk [tilespmem:v13+s11+$0x0], $0xffff  }
0x114: {  	v25 =	vadd.f32 v26, v25  }
0x115: {  	v26 =	vld.idx.msk [tilespmem:v14+s11+$0x0], $0xffff  }
0x116: {  	v25 =	vadd.f32 v27, v25  }
0x117: {  	v27 =	vld.idx.msk [tilespmem:v15+s11+$0x0], $0xffff  }
0x118: {  	v25 =	vadd.f32 v62, v25  }
0x119: {  	v63 =	vld.idx.msk [tilespmem:v16+s11+$0x0], $0xffff  }
0x11a: {  	v25 =	vadd.f32 v26, v25;
	_ =	sdelay $0x1  }
0x11b: {  	v25 =	vadd.f32 v27, v25;
	_ =	sdelay $0x1  }
0x11c: {  	v25 =	vadd.f32 v63, v25;
	_ =	sdelay $0x1  }
0x11d: {  	v25 =	vmul.f32 $1.442695020e+00, v25;
	_ =	sdelay $0x1  }
0x11e: {  	(erf) = vpow2.f32 v25;
	_ =	sdelay $0x3  }
0x11f: {  	s29 =	sshll.u32 s25, $0x4;
	s25 =	sadd.s32 $0x1, s25  }
0x120: {  	p0 =	sne.s32 s25, $0x5  }
.Ltmp2:
0x121: {  	_ = 	snop;
	(pc) =	sbr.rel @p0 .LBB2_5-.Ltmp2, $3  }
0x122: {  	_ =	sdelay $0x1  }
0x123: {  	s26 =	sand.u32 $0x3FFFFFF0, s29;
	v25 =	vpop (erf)  }
0x124: {  	s23 =	sadd.s32 $0x800, s23;
	s24 =	sadd.s32 $0x800, s24;
	[tilespmem:s26+$0x5100] =	vst v25  }
0x125: {  	[spmem:s14] =	stream.indirect.scatter.add.f32 [tilespmem:s12], [sflag:$0x1], $0x1, s8, s9, $0xb8;
	[tilespmem:$0x19800] =	vst v63  }
0x126: {  	s23 =	simm.s32 $0x0;
	_ =	swait.ge [sflag:s2], $0x50  }
0x127: {  	v25 =	vmov s23;
	[sflag:s2] =	ssyncset.done $0x0  }
0x128: {  	s23 =	simm.s32 $0x140;
	[sflag:s2] =	ssyncadd.s32 $0xFFFFFFB0  }
0x129: {  	v29 =	vld [tilespmem:s23+$0x30]  }
0x12a: {  	v32 =	vld [tilespmem:s23+$0x10]  }
0x12b: {  	v30 =	vld [tilespmem:s23+$0xFFFFFFC0]  }
0x12c: {  	v26 =	vld.idx.msk [tilespmem:v25+s12+$0x0], $0xffff  }
0x12d: {  	v34 =	vld [tilespmem:s23+$0xFFFFFFE0]  }
0x12e: {  	v27 =	vld [tilespmem:s23+$0x20]  }
0x12f: {  	v28 =	vld [tilespmem:s23+$0xFFFFFFD0]  }
0x130: {  	v25 =	vld [tilespmem:s23+$0xFFFFFFF0]  }
0x131: {  	v33 =	vmul.f32 v29, v26;
	v29 =	vld [tilespmem:s23+$0x0]  }
0x132: {  	v31 =	vmul.f32 v30, v26  }
0x133: {  	s24 =	simm.s32 $0x1;
	s25 =	simm.s32 $0x140;
	v30 =	vmul.f32 v34, v26;
	v32 =	vmul.f32 v32, v26  }
.LBB2_9:
0x134: {  	p0 =	sne.s32 s24, $0x4F  }
0x135: {  	v28 =	vmul.f32 v28, v26;
	v27 =	vmul.f32 v27, v26;
	[tilespmem:s23+$0x30] =	vst v33;
	s25 =	sadd.s32 $0x80, s25;
	s26 =	smov.u32 s24;
	s24 =	sadd.s32 $0x1, s24  }
0x136: {  	[tilespmem:s23+$0xFFFFFFC0] =	vst v31;
	v31 =	vmul.f32 v25, v26;
	v26 =	vmul.f32 v29, v26  }
0x137: {  	[tilespmem:s23+$0x10] =	vst v32  }
0x138: {  	v29 =	vmov s26;
	[tilespmem:s23+$0xFFFFFFE0] =	vst v30  }
0x139: {  	v25 =	vld [tilespmem:s25+$0xFFFFFFF0];
	[tilespmem:s23+$0xFFFFFFF0] =	vst v31  }
0x13a: {  	v30 =	vld [tilespmem:s25+$0x30];
	[tilespmem:s23+$0x0] =	vst v26  }
0x13b: {  	v32 =	vld [tilespmem:s25+$0x10];
	[tilespmem:s23+$0x20] =	vst v27  }
0x13c: {  	v31 =	vld [tilespmem:s25+$0xFFFFFFC0];
	[tilespmem:s23+$0xFFFFFFD0] =	vst v28;
	s23 =	smov.u32 s25  }
0x13d: {  	v26 =	vld.idx.msk [tilespmem:v29+s12+$0x0], $0xffff  }
0x13e: {  	v34 =	vld [tilespmem:s25+$0xFFFFFFE0]  }
0x13f: {  	v27 =	vld [tilespmem:s25+$0x20]  }
.Ltmp3:
0x140: {  	v28 =	vld [tilespmem:s25+$0xFFFFFFD0];
	(pc) =	sbr.rel @p0 .LBB2_9-.Ltmp3, $3  }
0x141: {  	v29 =	vld [tilespmem:s25+$0x0];
	_ =	sdelay $0x1  }
0x142: {  	v31 =	vmul.f32 v31, v26;
	v33 =	vmul.f32 v30, v26  }
0x143: {  	v32 =	vmul.f32 v32, v26;
	v30 =	vmul.f32 v34, v26  }
0x144: {  	[tilespmem:s23+$0x30] =	vst v33  }
0x145: {  	[tilespmem:s23+$0xFFFFFFC0] =	vst v31  }
0x146: {  	v25 =	vmul.f32 v25, v26;
	[tilespmem:s23+$0x10] =	vst v32  }
0x147: {  	v27 =	vmul.f32 v27, v26;
	[tilespmem:s23+$0xFFFFFFE0] =	vst v30  }
0x148: {  	v29 =	vmul.f32 v29, v26;
	[tilespmem:s23+$0xFFFFFFF0] =	vst v25  }
0x149: {  	s22 =	sadd.s32 $0x1, s22;
	v25 =	vmul.f32 v28, v26;
	[tilespmem:s23+$0x20] =	vst v27  }
0x14a: {  	p0 =	sne.s32 s22, $0x7D;
	[tilespmem:s23+$0x0] =	vst v29  }
.Ltmp4:
0x14b: {  	[tilespmem:s23+$0xFFFFFFD0] =	vst v25;
	(pc) =	sbr.rel @p0 .LBB2_4-.Ltmp4, $4  }
0x14c: {  	[spmem:s3] =	stream.indirect.scatter.add.f32 [tilespmem:s0], [sflag:$0x1], $0x80, s8, s9, $0xb8;
	[tilespmem:$0x19800] =	vst v63  }
0x14d: {  	_ =	swait.ge [sflag:s2], $0x2800  }
0x14e: {  	[sflag:s2] =	ssyncset.done $0x0  }
0x14f: {  	[sflag:s2] =	ssyncadd.s32 $0xFFFFD800  }
0x150: {  	[bflag:$0x0] =	sbarrier.arrive $0xFFFF  }
0x151: {  	[tilespmem:s0], [sflag:$0x1] =	stream.linear.gather [spmem:s30], $0x2800, $0x38;
	[tilespmem:$0x19800] =	vst v63  }
0x152: {  	_ =	swait.ge [sflag:s2], $0x2800  }
0x153: {  	[sflag:s2] =	ssyncset.done $0x0  }
0x154: {  	s16 =	simm.s32 $0x0;
	s22 =	rddreg [dreg:$0x6];
	[sflag:s2] =	ssyncadd.s32 $0xFFFFD800  }
0x155: {  	[hbm4b:s22+s16] =	stream.linear.scatter [tilespmem:s0], [sflag:$0x1], $0x2800, $0x38;
	[tilespmem:$0x19800] =	vst v63  }
0x156: {  	_ =	swait.ge [sflag:s2], $0x2800  }
0x157: {  	[sflag:s2] =	ssyncset.done $0x0  }
0x158: {  	[sflag:s2] =	ssyncadd.s32 $0xFFFFD800  }
0x159: {  	[tilespmem:s0], [sflag:$0x1] =	stream.linear.gather [spmem:s31], $0x2800, $0x38;
	[tilespmem:$0x19800] =	vst v63  }
0x15a: {  	_ =	swait.ge [sflag:s2], $0x2800  }
0x15b: {  	[sflag:s2] =	ssyncset.done $0x0  }
0x15c: {  	s29 =	smov.u32 s31;
	s31 =	rddreg [dreg:$0x7];
	[sflag:s2] =	ssyncadd.s32 $0xFFFFD800  }
0x15d: {  	[hbm4b:s31+s16] =	stream.linear.scatter [tilespmem:s0], [sflag:$0x1], $0x2800, $0x38;
	[tilespmem:$0x19800] =	vst v63  }
0x15e: {  	_ =	swait.ge [sflag:s2], $0x2800  }
0x15f: {  	[sflag:s2] =	ssyncset.done $0x0  }
0x160: {  	s23 =	rddreg [dreg:$0xf];
	[sflag:s2] =	ssyncadd.s32 $0xFFFFD800  }
0x161: {  	[tilespmem:s0], [sflag:$0x1] =	stream.linear.gather [spmem:s23], $0x2800, $0x38;
	[tilespmem:$0x19800] =	vst v63  }
0x162: {  	_ =	swait.ge [sflag:s2], $0x2800  }
0x163: {  	[sflag:s2] =	ssyncset.done $0x0  }
0x164: {  	s24 =	rddreg [dreg:$0x8];
	[sflag:s2] =	ssyncadd.s32 $0xFFFFD800  }
0x165: {  	[hbm4b:s24+s16] =	stream.linear.scatter [tilespmem:s0], [sflag:$0x1], $0x2800, $0x38;
	[tilespmem:$0x19800] =	vst v63  }
0x166: {  	_ =	swait.ge [sflag:s2], $0x2800  }
0x167: {  	[sflag:s2] =	ssyncset.done $0x0  }
0x168: {  	s25 =	rddreg [dreg:$0x10];
	[sflag:s2] =	ssyncadd.s32 $0xFFFFD800  }
0x169: {  	[tilespmem:s0], [sflag:$0x1] =	stream.linear.gather [spmem:s25], $0x2800, $0x38;
	[tilespmem:$0x19800] =	vst v63  }
0x16a: {  	_ =	swait.ge [sflag:s2], $0x2800  }
0x16b: {  	[sflag:s2] =	ssyncset.done $0x0  }
0x16c: {  	s26 =	rddreg [dreg:$0x9];
	[sflag:s2] =	ssyncadd.s32 $0xFFFFD800  }
0x16d: {  	[hbm4b:s26+s16] =	stream.linear.scatter [tilespmem:s0], [sflag:$0x1], $0x2800, $0x38;
	[tilespmem:$0x19800] =	vst v63  }
0x16e: {  	_ =	swait.ge [sflag:s2], $0x2800  }
0x16f: {  	[sflag:s2] =	ssyncset.done $0x0  }
0x170: {  	s28 =	smov.u32 s30;
	s30 =	rddreg [dreg:$0x11];
	[sflag:s2] =	ssyncadd.s32 $0xFFFFD800  }
0x171: {  	[tilespmem:s0], [sflag:$0x1] =	stream.linear.gather [spmem:s30], $0x2800, $0x38;
	[tilespmem:$0x19800] =	vst v63  }
0x172: {  	_ =	swait.ge [sflag:s2], $0x2800  }
0x173: {  	[sflag:s2] =	ssyncset.done $0x0  }
0x174: {  	s31 =	rddreg [dreg:$0xa];
	[sflag:s2] =	ssyncadd.s32 $0xFFFFD800  }
0x175: {  	[hbm4b:s31+s16] =	stream.linear.scatter [tilespmem:s0], [sflag:$0x1], $0x2800, $0x38;
	[tilespmem:$0x19800] =	vst v63  }
0x176: {  	_ =	swait.ge [sflag:s2], $0x2800  }
0x177: {  	[sflag:s2] =	ssyncset.done $0x0  }
0x178: {  	s23 =	rddreg [dreg:$0x12];
	[sflag:s2] =	ssyncadd.s32 $0xFFFFD800  }
0x179: {  	[tilespmem:s0], [sflag:$0x1] =	stream.linear.gather [spmem:s23], $0x2800, $0x38;
	[tilespmem:$0x19800] =	vst v63  }
0x17a: {  	_ =	swait.ge [sflag:s2], $0x2800  }
0x17b: {  	[sflag:s2] =	ssyncset.done $0x0  }
0x17c: {  	s24 =	rddreg [dreg:$0xb];
	[sflag:s2] =	ssyncadd.s32 $0xFFFFD800  }
0x17d: {  	[hbm4b:s24+s16] =	stream.linear.scatter [tilespmem:s0], [sflag:$0x1], $0x2800, $0x38;
	[tilespmem:$0x19800] =	vst v63  }
0x17e: {  	_ =	swait.ge [sflag:s2], $0x2800  }
0x17f: {  	[sflag:s2] =	ssyncset.done $0x0  }
0x180: {  	s25 =	rddreg [dreg:$0x13];
	[sflag:s2] =	ssyncadd.s32 $0xFFFFD800  }
0x181: {  	[tilespmem:s0], [sflag:$0x1] =	stream.linear.gather [spmem:s25], $0x2800, $0x38;
	[tilespmem:$0x19800] =	vst v63  }
0x182: {  	_ =	swait.ge [sflag:s2], $0x2800  }
0x183: {  	[sflag:s2] =	ssyncset.done $0x0  }
0x184: {  	s26 =	rddreg [dreg:$0xc];
	[sflag:s2] =	ssyncadd.s32 $0xFFFFD800  }
0x185: {  	[hbm4b:s26+s16] =	stream.linear.scatter [tilespmem:s0], [sflag:$0x1], $0x2800, $0x38;
	[tilespmem:$0x19800] =	vst v63  }
0x186: {  	_ =	swait.ge [sflag:s2], $0x2800  }
0x187: {  	[sflag:s2] =	ssyncset.done $0x0  }
0x188: {  	s30 =	rddreg [dreg:$0x14];
	[sflag:s2] =	ssyncadd.s32 $0xFFFFD800  }
0x189: {  	[tilespmem:s0], [sflag:$0x1] =	stream.linear.gather [spmem:s30], $0x2800, $0x38;
	[tilespmem:$0x19800] =	vst v63  }
0x18a: {  	_ =	swait.ge [sflag:s2], $0x2800  }
0x18b: {  	[sflag:s2] =	ssyncset.done $0x0  }
0x18c: {  	s31 =	rddreg [dreg:$0xd];
	[sflag:s2] =	ssyncadd.s32 $0xFFFFD800  }
0x18d: {  	[hbm4b:s31+s16] =	stream.linear.scatter [tilespmem:s0], [sflag:$0x1], $0x2800, $0x38;
	[tilespmem:$0x19800] =	vst v63  }
0x18e: {  	_ =	swait.ge [sflag:s2], $0x2800  }
0x18f: {  	[sflag:s2] =	ssyncset.done $0x0  }
0x190: {  	[sflag:s2] =	ssyncadd.s32 $0xFFFFD800  }
0x191: {  	[tilespmem:s7], [sflag:$0x1] =	stream.linear.gather [spmem:s13], $0x280, $0x38;
	[tilespmem:$0x19800] =	vst v63  }
0x192: {  	_ =	swait.ge [sflag:s2], $0x280  }
0x193: {  	[sflag:s2] =	ssyncset.done $0x0  }
0x194: {  	s22 =	simm.s32 $0x0;
	[sflag:s2] =	ssyncadd.s32 $0xFFFFFD80  }
.LBB2_12:
0x195: {  	s23 =	sadd.s32 $0x0, s16  }
0x196: {  	v17 =	vmov s23;
	_ =	sdelay $0x4  }
0x197: {  	v17 =	vld.idx.msk [tilespmem:v17+s7+$0x0], $0xffff;
	_ =	sdelay $0x3  }
0x198: {  	s24 =	simm.s32 $0x140  }
0x199: {  	[tilespmem:s24+$0xFFFFFFC0] =	vst v17  }
0x19a: {  	[tilespmem:s24+$0xFFFFFFD0] =	vst v17  }
0x19b: {  	s26 =	sadd.s32 $0x1, s16;
	s25 =	simm.s32 $0x2;
	s23 =	smul.u32 $0x50, s22;
	[tilespmem:s24+$0xFFFFFFE0] =	vst v17  }
.LBB2_13:
0x19c: {  	p0 =	sne.s32 s25, $0x4F;
	v18 =	vmov s26;
	[tilespmem:s24+$0xFFFFFFF0] =	vst v17  }
0x19d: {  	[tilespmem:s24+$0x0] =	vst v17  }
0x19e: {  	[tilespmem:s24+$0x10] =	vst v17  }
0x19f: {  	[tilespmem:s24+$0x20] =	vst v17  }
0x1a0: {  	[tilespmem:s24+$0x30] =	vst v17  }
0x1a1: {  	v17 =	vld.idx.msk [tilespmem:v18+s7+$0x0], $0xffff;
	_ =	sdelay $0x3  }
.Ltmp5:
0x1a2: {  	(pc) =	sbr.rel @p0 .LBB2_13-.Ltmp5, $4  }
0x1a3: {  	s24 =	sadd.s32 $0x80, s24  }
0x1a4: {  	[tilespmem:s24+$0xFFFFFFC0] =	vst v17  }
0x1a5: {  	[tilespmem:s24+$0xFFFFFFD0] =	vst v17  }
0x1a6: {  	s26 =	sadd.s32 s25, s16;
	s25 =	sadd.s32 $0x1, s25;
	[tilespmem:s24+$0xFFFFFFE0] =	vst v17  }
0x1a7: {  	v18 =	vmov s26;
	[tilespmem:s24+$0xFFFFFFF0] =	vst v17  }
0x1a8: {  	[tilespmem:s24+$0x0] =	vst v17  }
0x1a9: {  	[tilespmem:s24+$0x10] =	vst v17  }
0x1aa: {  	[tilespmem:s24+$0x20] =	vst v17  }
0x1ab: {  	[tilespmem:s24+$0x30] =	vst v17  }
0x1ac: {  	v17 =	vld.idx.msk [tilespmem:v18+s7+$0x0], $0xffff;
	_ =	sdelay $0x3  }
0x1ad: {  	s31 =	sadd.s32 $0x80, s24  }
0x1ae: {  	[tilespmem:s31+$0xFFFFFFC0] =	vst v17  }
0x1af: {  	[tilespmem:s31+$0xFFFFFFD0] =	vst v17  }
0x1b0: {  	[tilespmem:s31+$0xFFFFFFE0] =	vst v17  }
0x1b1: {  	s23 =	sadd.s32 s5, s23;
	[tilespmem:s31+$0xFFFFFFF0] =	vst v17  }
0x1b2: {  	s23 =	sshll.u32 s23, $0x7;
	[tilespmem:s31+$0x0] =	vst v17  }
0x1b3: {  	s22 =	sadd.s32 $0x1, s22;
	s23 =	sadd.s32 s6, s23;
	[tilespmem:s31+$0x10] =	vst v17  }
0x1b4: {  	p0 =	sne.s32 s22, $0x8;
	s23 =	sshrl.u32 s23, $0x3;
	[tilespmem:s31+$0x20] =	vst v17  }
.Ltmp6:
0x1b5: {  	s23 =	sadd.s32 s20, s23;
	[tilespmem:s31+$0x30] =	vst v17;
	(pc) =	sbr.rel @p0 .LBB2_12-.Ltmp6, $4  }
0x1b6: {  	[hbm4b:s23+s4] =	stream.linear.scatter [tilespmem:s0], [sflag:$0x1], $0x2800, $0x38;
	[tilespmem:$0x19800] =	vst v63  }
0x1b7: {  	_ =	swait.ge [sflag:s2], $0x2800  }
0x1b8: {  	[sflag:s2] =	ssyncset.done $0x0  }
0x1b9: {  	s16 =	sadd.s32 $0x50, s16;
	[sflag:s2] =	ssyncadd.s32 $0xFFFFD800  }
0x1ba: {  	s15 =	sadd.s32 $0x1, s15;
	s16 =	rddreg [dreg:$0xe]  }
0x1bb: {  	p0 =	sne.s32 s15, s16  }
.Ltmp7:
0x1bc: {  	_ = 	snop;
	(pc) =	sbr.rel @p0 .LBB2_1-.Ltmp7, $1  }
0x1bd: {  	_ =	sdelay $0x3  }
0x1be: {  	_ =	sfence.sel $0x180000  }
0x1bf: {  	[bflag:$0x0] =	sbarrier.arrive $0xFFFF  }
0x1c0: {  	_ =	strace $0x9000004D  }
0x1c1: {  	s0 =	stileid.u32;
	[bflag:$0x2] =	sbarrier.arrive $0xFFFF  }
0x1c2: {  	p0 =	sne.s32 s0, $0x0;
	s0 =	rddreg [dreg:$0x5]  }
0x1c3: {  	s0 =	sadd.s32 @!p0 $0x100000, s0  }
0x1c4: {  	[sflag:s0] =	ssyncadd.tile.s32 @!p0 $0x1;
	_ =	shalt  }
.Lfunc_end2:
_tile_overlayer_lowered:
.L_overlay_start_2:
0x1c5: {  	(tag) =	ssettag $0x2  }
0x1c6: {  	s0 =	rddreg [dreg:$0x0];
	s2 =	stileid.u32  }
0x1c7: {  	s1 =	rddreg [dreg:$0x1];
	p0 =	sne.s32 s2, $0x0  }
0x1c8: {  	s3 =	rddreg [dreg:$0x2];
	[bflag:$0x3] =	sbarrier.arrive $0xFFFF;
	s2 =	simm.s32 @!p0 $0x1C01  }
0x1c9: {  	[timem:s3], [sflag:s2] =	dma.local @!p0 [hbm:s0], s1  }
0x1ca: {  	s0 =	simm.s32 @!p0 $0x1  }
0x1cb: {  	_ =	swait.ge @!p0 [sflag:s0], s1  }
0x1cc: {  	s1 =	ssub.s32 @!p0 $0x0, s1;
	[sflag:s0] =	ssyncset.done @!p0 $0x0  }
0x1cd: {  	[sflag:s0] =	ssyncadd.s32 @!p0 s1  }
0x1ce: {  	[bflag:$0x3] =	sbarrier.arrive $0xFFFF  }
0x1cf: {  	_ =	shalt  }

// kernel: kernel.8.cloned.1.call-start
scs
__scs_entry_jumppad:
0x0: {  	(pc) =	sbr.rel $0x88, $3  }
0x1: {  	(tag) =	ssettag $0x0;
	lr =	simm.s32 $0x1  }
0x2: {  	[smem:$0x3F95] =	sst lr;
	_ =	strace $0xD0000000  }
0x3: {  	_ = 	snop  }
0x4: {  	_ = 	snop  }
0x5: {  	_ = 	snop  }
0x6: {  	_ = 	snop  }
0x7: {  	_ = 	snop  }
__scs_overlays_trampoline_lowered:
0x8: {  	[smem:$0x3FA4] =	sst s0  }
0x9: {  	[smem:$0x3FA5] =	sst s1  }
0xa: {  	[smem:$0x3FA6] =	sst s2  }
0xb: {  	[smem:$0x3FA7] =	sst s3  }
0xc: {  	[smem:$0x3FA8] =	sst s4  }
0xd: {  	[smem:$0x3FA9] =	sst s5  }
0xe: {  	[smem:$0x3FAA] =	sst s6  }
0xf: {  	[smem:$0x3FAB] =	sst s7  }
0x10: {  	[smem:$0x3FAC] =	sst s8  }
0x11: {  	[smem:$0x3FAD] =	sst s9;
	s0 =	simm.s32 @!p0 $0x0  }
0x12: {  	s1 =	sld [smem:$0x3F93];
	s0 =	simm.s32 @p0 $0x1  }
0x13: {  	[smem:$0x3FAE] =	sst s0;
	s0 =	simm.s32 @!p1 $0x0  }
0x14: {  	s2 =	sld [smem:$0x3F92];
	s0 =	simm.s32 @p1 $0x1  }
0x15: {  	[smem:$0x3FAF] =	sst s0;
	s0 =	simm.s32 @!p2 $0x0  }
0x16: {  	s3 =	sld [smem:$0x3FDB];
	s0 =	simm.s32 @p2 $0x1  }
0x17: {  	s4 =	simm.s32 $0x1BF5;
	[smem:$0x3FB1] =	sst s0  }
0x18: {  	s0 =	sld [smem:$0x3F94];
	_ =	swait.ge [sflag:s4], $0x0  }
0x19: {  	s7 =	sld [smem:$0x3F95]  }
0x1a: {  	s8 =	sadd.s32 $0xFFFFE003, lr  }
0x1b: {  	s9 =	sadd.s32 $0xFFFFFEF7, lr;
	s5 =	simm.s32 $0xFFFFFFFF;
	p2 =	slt.u32 s8, $0xFFFFF086  }
0x1c: {  	p1 =	slt.u32 s9, $0xF7A;
	s5 =	simm.s32 @!p2 $0x0  }
0x1d: {  	s5 =	simm.s32 @p1 $0x1;
	p0 =	seq.s32 s7, s2  }
0x1e: {  	s7 =	smul.u32 @!p0 $0xF7A, s2;
	p2 =	seq.s32 @!p0 s5, $0x0  }
0x1f: {  	s9 =	smul.u32 $0xF7A, s1;
	s8 =	simm.s32 @!p0 $0x1BF5;
	p2 =	por !p2, p0  }
0x20: {  	[sflag:s8] =	ssyncset.s32 @!p0 $0xFFFFF086;
	s6 =	sadd.s32 @!p0 s3, s7;
	s7 =	simm.s32 @!p0 $0x108  }
0x21: {  	s3 =	sadd.s32 s3, s9;
	s6 =	sadd.s32 @!p0 $0x88, s6;
	s7 =	simm.s32 @p2 $0x1082  }
0x22: {  	[simem:s7], [sflag:s8] =	dma.local @!p0 [hbm:s6], $0xF7A  }
0x23: {  	s9 =	sor.u32 $0xD0000000, s2;
	s6 =	simm.s32 $0x108;
	_ =	swait.ge @!p0 [sflag:s8], $0x0  }
0x24: {  	s3 =	sadd.s32 $0x88, s3;
	s6 =	simm.s32 @!p1 $0x1082;
	[sflag:s4] =	ssyncset.s32 $0xFFFFF086  }
0x25: {  	[simem:s6], [sflag:s4] =	dma.local [hbm:s3], $0xF7A  }
0x26: {  	[smem:$0x3F95] =	sst s1;
	(tag) =	ssettag s2;
	_ =	strace s9  }
0x27: {  	s1 =	sld [smem:$0x3FA5]  }
0x28: {  	s2 =	sld [smem:$0x3FA6]  }
0x29: {  	s4 =	sld [smem:$0x3FA8]  }
0x2a: {  	p0 =	seq.s32 s5, $0x0;
	s5 =	sld [smem:$0x3FA9]  }
0x2b: {  	s6 =	sld [smem:$0x3FAA]  }
0x2c: {  	s7 =	sld [smem:$0x3FAB]  }
0x2d: {  	s3 =	simm.s32 $0x108;
	s8 =	sld [smem:$0x3FAC]  }
0x2e: {  	s3 =	simm.s32 @!p0 $0x1082;
	s9 =	sld [smem:$0x3FAD]  }
0x2f: {  	lr =	sadd.s32 s0, s3;
	s0 =	sld [smem:$0x3FA4]  }
0x30: {  	s3 =	sld [smem:$0x3FA7]  }
0x31: {  	[smem:$0x3FB0] =	sst s10  }
0x32: {  	s10 =	sld [smem:$0x3FAE];
	_ =	sdelay $0x3  }
0x33: {  	p0 =	seq.s32 s10, $0x1;
	s10 =	sld [smem:$0x3FB0];
	_ =	sdelay $0x3  }
0x34: {  	[smem:$0x3FB0] =	sst s10  }
0x35: {  	s10 =	sld [smem:$0x3FAF];
	_ =	sdelay $0x3  }
0x36: {  	p1 =	seq.s32 s10, $0x1;
	s10 =	sld [smem:$0x3FB0];
	_ =	sdelay $0x3  }
0x37: {  	[smem:$0x3FB0] =	sst s10  }
0x38: {  	s10 =	sld [smem:$0x3FB1]  }
0x39: {  	_ = 	snop;
	(pc) =	sbr.ind lr, $3  }
0x3a: {  	_ = 	snop  }
0x3b: {  	_ = 	snop  }
0x3c: {  	p2 =	seq.s32 s10, $0x1;
	s10 =	sld [smem:$0x3FB0]  }
0x3d: {  	_ =	shalt  }
0x3e: {  	_ =	shalt  }
0x3f: {  	_ =	shalt  }
0x40: {  	_ =	shalt  }
0x41: {  	_ =	shalt  }
0x42: {  	_ =	shalt  }
0x43: {  	_ =	shalt  }
0x44: {  	_ =	shalt  }
0x45: {  	_ =	shalt  }
0x46: {  	_ =	shalt  }
0x47: {  	_ =	shalt  }
0x48: {  	_ =	shalt  }
0x49: {  	_ =	shalt  }
0x4a: {  	_ =	shalt  }
0x4b: {  	_ =	shalt  }
0x4c: {  	_ =	shalt  }
0x4d: {  	_ =	shalt  }
0x4e: {  	_ =	shalt  }
0x4f: {  	_ =	shalt  }
0x50: {  	_ =	shalt  }
0x51: {  	_ =	shalt  }
0x52: {  	_ =	shalt  }
0x53: {  	_ =	shalt  }
0x54: {  	_ =	shalt  }
0x55: {  	_ =	shalt  }
0x56: {  	_ =	shalt  }
0x57: {  	_ =	shalt  }
0x58: {  	_ =	shalt  }
0x59: {  	_ =	shalt  }
0x5a: {  	_ =	shalt  }
0x5b: {  	_ =	shalt  }
0x5c: {  	_ =	shalt  }
0x5d: {  	_ =	shalt  }
0x5e: {  	_ =	shalt  }
0x5f: {  	_ =	shalt  }
0x60: {  	_ =	shalt  }
0x61: {  	_ =	shalt  }
0x62: {  	_ =	shalt  }
0x63: {  	_ =	shalt  }
0x64: {  	_ =	shalt  }
0x65: {  	_ =	shalt  }
0x66: {  	_ =	shalt  }
0x67: {  	_ =	shalt  }
0x68: {  	_ =	shalt  }
0x69: {  	_ =	shalt  }
0x6a: {  	_ =	shalt  }
0x6b: {  	_ =	shalt  }
0x6c: {  	_ =	shalt  }
0x6d: {  	_ =	shalt  }
0x6e: {  	_ =	shalt  }
0x6f: {  	_ =	shalt  }
0x70: {  	_ =	shalt  }
0x71: {  	_ =	shalt  }
0x72: {  	_ =	shalt  }
0x73: {  	_ =	shalt  }
0x74: {  	_ =	shalt  }
0x75: {  	_ =	shalt  }
0x76: {  	_ =	shalt  }
0x77: {  	_ =	shalt  }
0x78: {  	_ =	shalt  }
0x79: {  	_ =	shalt  }
0x7a: {  	_ =	shalt  }
0x7b: {  	_ =	shalt  }
0x7c: {  	_ =	shalt  }
0x7d: {  	_ =	shalt  }
0x7e: {  	_ =	shalt  }
0x7f: {  	_ =	shalt  }
0x80: {  	_ =	shalt  }
0x81: {  	_ =	shalt  }
0x82: {  	_ =	shalt  }
0x83: {  	_ =	shalt  }
0x84: {  	_ =	shalt  }
0x85: {  	_ =	shalt  }
0x86: {  	_ =	shalt  }
0x87: {  	_ =	shalt  }
.Lfunc_end0:
.L_simem_size_0:
called_computation_lowered:
.L_overlay_start_0:
0x88: {  	s2 =	sld [smem:$0x3FD9]  }
0x89: {  	s3 =	sld [smem:$0x3FFE];
	_ =	sdelay $0x1  }
0x8a: {  	s1 =	srdreg.scid  }
0x8b: {  	s0 =	sand.u32 $0x1, s1  }
0x8c: {  	s17 =	sshll.u32 s0, $0xA;
	s2 =	sadd.s32 s3, s2  }
0x8d: {  	s2 =	sadd.s32 s2, s17  }
0x8e: {  	[smem:$0x3FBC] =	sst s2  }
0x8f: {  	_ = 	snop  }
0x90: {  	s2 =	sld [smem:$0x3FC5]  }
0x91: {  	s18 =	sld [smem:$0x3FD0];
	(tm) =	ssettm $0x1  }
0x92: {  	s4 =	sld [smem:$0x3FFB];
	_ =	sdelay $0x3  }
0x93: {  	_ =	strace s4  }
0x94: {  	s4 =	sld [smem:$0x3FFC];
	_ =	sdelay $0x3  }
0x95: {  	_ =	strace s4  }
0x96: {  	s4 =	sld [smem:$0x3FFD];
	_ =	sdelay $0x3  }
0x97: {  	_ =	strace s4  }
0x98: {  	_ =	strace $0x8FFFFFFF  }
0x99: {  	s19 =	sld [smem:$0x3FDB];
	_ =	sdelay $0x1  }
0x9a: {  	s5 =	simm.s32 $_scs_section_size  }
0x9b: {  	s6 =	simm.s32 $_size__tile_overlayer_lowered;
	s7 =	simm.s32 $_tile_overlayer_lowered  }
0x9c: {  	s22 =	simm.s32 $0x1BFF;
	s21 =	sshll.u32 s7, $0x1;
	s4 =	sadd.s32 s5, s19  }
0x9d: {  	s8 =	simm.s32 $0x0;
	s20 =	sshll.u32 s6, $0x1;
	s6 =	sadd.s32 s21, s4  }
0x9e: {  	[timem:s8], [sflag:s22] =	dma.local [hbm:s6], s20  }
0x9f: {  	_ =	swait.ge [sflag:s22], s20  }
0xa0: {  	s5 =	ssub.s32 $0x0, s20;
	[sflag:s22] =	ssyncset.done $0x0  }
0xa1: {  	[sflag:s22] =	ssyncadd.s32 s5;
	_ =	sdelay $0x1  }
0xa2: {  	s23 =	simm.s32 $0x1B8B  }
0xa3: {  	_ =	swait.ge [sflag:s23], $0x1  }
0xa4: {  	[sflag:s23] =	ssyncset.done $0x0  }
0xa5: {  	s25 =	simm.s32 $0x1B8E;
	s24 =	sld [smem:$0x3FFE];
	[sflag:s23] =	ssyncadd.s32 $0xFFFFFFFF  }
0xa6: {  	s26 =	simm.s32 $execute0_lowered;
	[smem:$0x3FD2] =	sst s25  }
0xa7: {  	s6 =	sshll.u32 s26, $0x1;
	_ =	strace $0x80000046;
	[dreg:$0x1] =	wrdreg $0xFFFFFFFF  }
0xa8: {  	s28 =	simm.s32 $_size_execute0_lowered;
	s4 =	sadd.s32 s4, s6;
	[dreg:$0x0] =	wrdreg $0x0  }
0xa9: {  	s6 =	sshll.u32 s28, $0x1;
	[dreg:$0x2] =	wrdreg s4  }
0xaa: {  	[dreg:$0x3] =	wrdreg s6  }
0xab: {  	[dreg:$0x4] =	wrdreg $0xC0  }
0xac: {  	_ =	task [dreg:s8], $0x5FFFF  }
0xad: {  	[dreg:$0x1] =	wrdreg $0xFFFFFFFF  }
0xae: {  	[dreg:$0x0] =	wrdreg $0x60  }
0xaf: {  	[dreg:$0x2] =	wrdreg s24  }
0xb0: {  	[dreg:$0x3] =	wrdreg s18  }
0xb1: {  	[dreg:$0x4] =	wrdreg s2  }
0xb2: {  	[dreg:$0x5] =	wrdreg $0xA6000  }
0xb3: {  	[dreg:$0x6] =	wrdreg $0x1E6000  }
0xb4: {  	[dreg:$0x7] =	wrdreg $0x9  }
0xb5: {  	_ =	task.clear_ibuf [dreg:s8], $0x8FFFF;
	_ =	strace $0x90000046  }
0xb6: {  	s29 =	simm.s32 $0x9;
	_ =	strace $0x80000048  }
0xb7: {  	_ =	swait.ge [sflag:s29], $0x1  }
0xb8: {  	[sflag:s29] =	ssyncadd.s32 $0xFFFFFFFF  }
0xb9: {  	_ =	strace $0x90000048  }
0xba: {  	_ =	sfence  }
0xbb: {  	s30 =	sld [smem:$0x0];
	_ =	sdelay $0x2  }
0xbc: {  	s31 =	sshll.u32 s1, $0xD;
	s1 =	sshrl.u32 s1, $0x2  }
0xbd: {  	s3 =	sand.u32 $0x4000, s31;
	s1 =	sadd.s32 s1, s30  }
0xbe: {  	s0 =	sor.u32 s3, s0;
	s1 =	sshll.u32 s1, $0x11  }
0xbf: {  	s0 =	sor.u32 s1, s0  }
0xc0: {  	s0 =	sadd.s32 $0x8F2B, s0  }
0xc1: {  	[sflag:s0] =	ssyncadd.remote.s32 $0x1  }
0xc2: {  	_ =	sfence.sel $0xFFFF  }
0xc3: {  	[dreg:$0x0] =	wrdreg $0xFFFFFFFF;
	(pc) =	sbr.abs _section_cstart, $3  }
0xc4: {  	[dreg:$0x1] =	wrdreg $0xFFFFFFFF  }
0xc5: {  	_ =	task.clear_ibuf [dreg:s8], $0x2FFFF;
	_ =	strace $0x9FFFFFFF  }
0xc6: {  	(tm) =	ssettm $0x7FFFFFFF  }
0xc7: {  	_ =	shalt  }
tec
execute0_lowered:
.L_overlay_start_1:
0x0: {  	(tag) =	ssettag $0x1  }
0x1: {  	s0 =	rddreg [dreg:$0x0]  }
0x2: {  	s16 =	rddreg [dreg:$0x3];
	s1 =	srdreg.scid  }
0x3: {  	s24 =	rddreg [dreg:$0x4];
	s15 =	stileid.u32;
	s25 =	simm.s32 $0x0  }
0x4: {  	s1 =	sand.u32 $0x1, s1;
	s6 =	smul.u32 $0x280, s15;
	[smem:$0x7FF] =	sst s25  }
0x5: {  	s3 =	sadd.s32 $0xB3A00, s0;
	s8 =	smul.u32 $0x14000, s15;
	s2 =	ssub.s32 $0x2, s1  }
0x6: {  	s7 =	smul.u32 $0x140000, s1;
	s1 =	sshll.u32 s1, $0x4;
	s4 =	sshrl.u32 s2, $0x1  }
0x7: {  	s18 =	sshll.u32 s6, $0x7;
	s1 =	sor.u32 s15, s1;
	s24 =	sadd.s32 s6, s24  }
0x8: {  	s2 =	ssub.s32 s2, s4;
	s5 =	sor.u32 $0x2800, s18;
	s9 =	sadd.s32 $0x5000, s18  }
0x9: {  	s10 =	sadd.s32 $0x7800, s18;
	s11 =	sadd.s32 $0xA000, s18;
	s12 =	sadd.s32 $0xC800, s18  }
0xa: {  	s13 =	sadd.s32 $0xF000, s18;
	s8 =	sadd.s32 s7, s8;
	s4 =	sadd.s32 $0x11800, s18  }
0xb: {  	s8 =	sshrl.u32 s8, $0x3;
	s14 =	sadd.s32 s7, s5;
	s20 =	sadd.s32 s7, s9  }
0xc: {  	s22 =	sadd.s32 s7, s10;
	s26 =	sadd.s32 s7, s11;
	s18 =	sadd.s32 s7, s12  }
0xd: {  	s28 =	sadd.s32 s5, s16;
	s29 =	sadd.s32 s9, s16;
	s30 =	sadd.s32 s10, s16  }
0xe: {  	s31 =	sadd.s32 s11, s16;
	s9 =	simm.s32 $0x100;
	s8 =	sadd.s32 s3, s8  }
0xf: {  	s19 =	sshrl.u32 s14, $0x3;
	s21 =	sshrl.u32 s20, $0x3;
	s23 =	sshrl.u32 s22, $0x3  }
0x10: {  	s17 =	sshrl.u32 s26, $0x3;
	[dreg:$0x6] =	wrdreg s8;
	s8 =	sadd.s32 s3, s19  }
0x11: {  	s20 =	sadd.s32 s7, s13;
	[dreg:$0x7] =	wrdreg s8;
	s8 =	sadd.s32 s3, s21  }
0x12: {  	s22 =	sadd.s32 s7, s4;
	[dreg:$0x8] =	wrdreg s8;
	s8 =	sadd.s32 s3, s23  }
0x13: {  	s19 =	sshrl.u32 s18, $0x3;
	[dreg:$0x9] =	wrdreg s8;
	s8 =	sadd.s32 s3, s17  }
0x14: {  	s21 =	sshrl.u32 s20, $0x3;
	[dreg:$0xa] =	wrdreg s8;
	s8 =	sadd.s32 s3, s19  }
0x15: {  	s23 =	sshrl.u32 s22, $0x3;
	[dreg:$0xb] =	wrdreg s8;
	s8 =	sadd.s32 s3, s21  }
0x16: {  	s10 =	simm.s32 $0xA380;
	s3 =	sadd.s32 s3, s23;
	[dreg:$0xc] =	wrdreg s8  }
0x17: {  	s11 =	simm.s32 $0x80;
	[dreg:$0xd] =	wrdreg s3;
	s8 =	smax.u32 s2, $0x1  }
0x18: {  	s14 =	sadd.s32 s12, s16;
	_ =	strace $0x80000047;
	[dreg:$0xe] =	wrdreg s8  }
0x19: {  	s26 =	smul.u32 $0x50000, s15;
	s15 =	sadd.s32 s13, s16;
	[dreg:$0x14] =	wrdreg s14  }
0x1a: {  	v0 =	vimm.f32 $0.0e+00;
	v4 =	vlaneseq.u32;
	s12 =	simm.s32 $0x50;
	s13 =	simm.s32 $0x9900;
	[dreg:$0x15] =	wrdreg s15  }
0x1b: {  	vm0 =	vmmov $0xffff;
	v3 =	vshrl.u32 v4, $0x3;
	v2 =	vmul.u32 $0x10, v4;
	s18 =	sadd.s32 $0x5B800, s0;
	s20 =	sadd.s32 $0x3800, s0;
	[dreg:$0x10] =	wrdreg s28  }
0x1c: {  	v1 =	vand.u32 $0x7, v4;
	v4 =	vor.u32 $0x8, v4;
	v3 =	vmul.u32 $0x8, v3;
	s22 =	sadd.s32 $0x103A00, s0;
	s17 =	sadd.s32 $0x82A00, s0;
	[dreg:$0x11] =	wrdreg s29  }
0x1d: {  	v5 =	vor.u32 $0x1, v2;
	v6 =	vor.u32 $0x2, v2;
	v7 =	vor.u32 $0x3, v2;
	s19 =	sadd.s32 $0xD600, s0;
	s21 =	sadd.s32 $0xA9C00, s0;
	[dreg:$0x12] =	wrdreg s30  }
0x1e: {  	v8 =	vor.u32 $0x4, v2;
	v9 =	vor.u32 $0x5, v2;
	v10 =	vor.u32 $0x6, v2;
	s23 =	smul.u32 $0x2710, s1;
	s3 =	sshrl.u32 s26, $0x2;
	[dreg:$0x13] =	wrdreg s31  }
0x1f: {  	v11 =	vor.u32 $0x7, v2;
	v12 =	vor.u32 $0x8, v2;
	v13 =	vor.u32 $0x9, v2;
	s1 =	simm.s32 $0xA180;
	s26 =	sadd.s32 s3, s16;
	[dreg:$0x17] =	wrdreg s24  }
0x20: {  	v14 =	vor.u32 $0xA, v2;
	v15 =	vor.u32 $0xB, v2;
	v16 =	vor.u32 $0xC, v2;
	s2 =	simm.s32 $0xA100;
	s16 =	sadd.s32 s4, s16;
	[dreg:$0xf] =	wrdreg s26  }
0x21: {  	v17 =	vor.u32 $0xD, v2;
	v18 =	vor.u32 $0xE, v2;
	v19 =	vor.u32 $0xF, v2;
	s8 =	simm.s32 $0x1;
	s3 =	simm.s32 $0x0;
	[dreg:$0x16] =	wrdreg s16  }
.LBB2_1:
0x22: {  	[dreg:$0x18] =	wrdreg s3  }
0x23: {  	s0 =	rddreg [dreg:$0x2];
	s15 =	simm.s32 $0xA280  }
0x24: {  	[tilespmem:s15], [sflag:$0x1] =	stream.linear.gather [hbm4b:s0+s25], $0x100, $0x38;
	[tilespmem:$0x1E880] =	vst v63  }
0x25: {  	_ =	swait.ge [sflag:s8], $0x100  }
0x26: {  	[sflag:s8] =	ssyncset.done $0x0  }
0x27: {  	[sflag:s8] =	ssyncadd.s32 $0xFFFFFF00  }
0x28: {  	v20 =	vld [tilespmem:$0xA280]  }
0x29: {  	v21 =	vld [tilespmem:$0xA290]  }
0x2a: {  	v22 =	vld [tilespmem:$0xA2A0]  }
0x2b: {  	v23 =	vld [tilespmem:$0xA2B0]  }
0x2c: {  	v24 =	vld [tilespmem:$0xA2C0]  }
0x2d: {  	v25 =	vld [tilespmem:$0xA2D0]  }
0x2e: {  	v26 =	vld [tilespmem:$0xA2E0]  }
0x2f: {  	v27 =	vld [tilespmem:$0xA2F0]  }
0x30: {  	v28 =	vld [tilespmem:$0xA300]  }
0x31: {  	v29 =	vld [tilespmem:$0xA310]  }
0x32: {  	v30 =	vld [tilespmem:$0xA320]  }
0x33: {  	v31 =	vld [tilespmem:$0xA330]  }
0x34: {  	v32 =	vld [tilespmem:$0xA340]  }
0x35: {  	v33 =	vld [tilespmem:$0xA350]  }
0x36: {  	v34 =	vld [tilespmem:$0xA360]  }
0x37: {  	s3 =	simm.s32 $0x200;
	s0 =	simm.s32 $0x0;
	v35 =	vld [tilespmem:$0xA370]  }
.LBB2_2:
0x38: {  	p0 =	sne.s32 s3, $0x9E00;
	[tilespmem:s0+$0x170] =	vst v0  }
0x39: {  	[tilespmem:s0+$0x100] =	vst v0  }
0x3a: {  	[tilespmem:s0+$0x110] =	vst v0  }
.Ltmp0:
0x3b: {  	[tilespmem:s0+$0x120] =	vst v0;
	(pc) =	sbr.rel @p0 .LBB2_2-.Ltmp0, $4  }
0x3c: {  	[tilespmem:s0+$0x130] =	vst v0  }
0x3d: {  	[tilespmem:s0+$0x140] =	vst v0  }
0x3e: {  	[tilespmem:s0+$0x150] =	vst v0  }
0x3f: {  	[tilespmem:s0+$0x160] =	vst v0;
	s0 =	sshra.s32 s3, $0x2;
	s3 =	sadd.s32 $0x200, s3  }
0x40: {  	[tilespmem:s0+$0x170] =	vst v0  }
0x41: {  	[tilespmem:s0+$0x100] =	vst v0  }
0x42: {  	[tilespmem:s0+$0x110] =	vst v0  }
0x43: {  	[tilespmem:s0+$0x120] =	vst v0  }
0x44: {  	[tilespmem:s0+$0x130] =	vst v0  }
0x45: {  	[tilespmem:s0+$0x140] =	vst v0  }
0x46: {  	[tilespmem:s0+$0x150] =	vst v0  }
0x47: {  	[tilespmem:s0+$0x160] =	vst v0  }
0x48: {  	[tilespmem:$0xA380] =	vst v0  }
0x49: {  	[tilespmem:$0xA390] =	vst v0  }
0x4a: {  	[tilespmem:$0xA3A0] =	vst v0  }
0x4b: {  	[tilespmem:$0xA3B0] =	vst v0  }
0x4c: {  	[tilespmem:$0xA3C0] =	vst v0  }
0x4d: {  	[tilespmem:$0xA3D0] =	vst v0  }
0x4e: {  	[tilespmem:$0xA3E0] =	vst v0  }
0x4f: {  	[tilespmem:$0xA3F0] =	vst v0  }
0x50: {  	[tilespmem:$0xA400] =	vst v0  }
0x51: {  	[tilespmem:$0xA410] =	vst v0  }
0x52: {  	[tilespmem:$0xA420] =	vst v0  }
0x53: {  	[tilespmem:$0xA430] =	vst v0  }
0x54: {  	[tilespmem:$0xA440] =	vst v0  }
0x55: {  	[tilespmem:$0xA450] =	vst v0  }
0x56: {  	[tilespmem:$0xA460] =	vst v0  }
0x57: {  	[tilespmem:$0xA470] =	vst v0  }
0x58: {  	[tilespmem:$0xA480] =	vst v0  }
0x59: {  	[tilespmem:$0xA490] =	vst v0  }
0x5a: {  	[tilespmem:$0xA4A0] =	vst v0  }
0x5b: {  	[tilespmem:$0xA4B0] =	vst v0  }
0x5c: {  	[tilespmem:$0xA4C0] =	vst v0  }
0x5d: {  	[tilespmem:$0xA4D0] =	vst v0  }
0x5e: {  	[tilespmem:$0xA4E0] =	vst v0  }
0x5f: {  	[tilespmem:$0xA4F0] =	vst v0  }
0x60: {  	[tilespmem:$0xA500] =	vst v0  }
0x61: {  	[tilespmem:$0xA510] =	vst v0  }
0x62: {  	[tilespmem:$0xA520] =	vst v0  }
0x63: {  	[tilespmem:$0xA530] =	vst v0  }
0x64: {  	[tilespmem:$0xA540] =	vst v0  }
0x65: {  	[tilespmem:$0xA550] =	vst v0  }
0x66: {  	[tilespmem:$0xA560] =	vst v0  }
0x67: {  	[tilespmem:$0xA570] =	vst v0  }
0x68: {  	[tilespmem:$0xA580] =	vst v0  }
0x69: {  	[tilespmem:$0xA590] =	vst v0  }
0x6a: {  	[tilespmem:$0xA5A0] =	vst v0  }
0x6b: {  	[tilespmem:$0xA5B0] =	vst v0  }
0x6c: {  	[tilespmem:$0xA5C0] =	vst v0  }
0x6d: {  	[tilespmem:$0xA5D0] =	vst v0  }
0x6e: {  	[tilespmem:$0xA5E0] =	vst v0  }
0x6f: {  	[tilespmem:$0xA5F0] =	vst v0  }
0x70: {  	[spmem:s26] =	stream.linear.scatter [tilespmem:s9], [sflag:$0x1], $0x2800, $0x38;
	[tilespmem:$0x1E880] =	vst v63  }
0x71: {  	_ =	swait.ge [sflag:s8], $0x2800  }
0x72: {  	[sflag:s8] =	ssyncset.done $0x0  }
0x73: {  	[sflag:s8] =	ssyncadd.s32 $0xFFFFD800  }
0x74: {  	[spmem:s28] =	stream.linear.scatter [tilespmem:s9], [sflag:$0x1], $0x2800, $0x38;
	[tilespmem:$0x1E880] =	vst v63  }
0x75: {  	_ =	swait.ge [sflag:s8], $0x2800  }
0x76: {  	[sflag:s8] =	ssyncset.done $0x0  }
0x77: {  	[sflag:s8] =	ssyncadd.s32 $0xFFFFD800  }
0x78: {  	[spmem:s29] =	stream.linear.scatter [tilespmem:s9], [sflag:$0x1], $0x2800, $0x38;
	[tilespmem:$0x1E880] =	vst v63  }
0x79: {  	_ =	swait.ge [sflag:s8], $0x2800  }
0x7a: {  	[sflag:s8] =	ssyncset.done $0x0  }
0x7b: {  	[sflag:s8] =	ssyncadd.s32 $0xFFFFD800  }
0x7c: {  	[spmem:s30] =	stream.linear.scatter [tilespmem:s9], [sflag:$0x1], $0x2800, $0x38;
	[tilespmem:$0x1E880] =	vst v63  }
0x7d: {  	_ =	swait.ge [sflag:s8], $0x2800  }
0x7e: {  	[sflag:s8] =	ssyncset.done $0x0  }
0x7f: {  	[sflag:s8] =	ssyncadd.s32 $0xFFFFD800  }
0x80: {  	[spmem:s31] =	stream.linear.scatter [tilespmem:s9], [sflag:$0x1], $0x2800, $0x38;
	[tilespmem:$0x1E880] =	vst v63  }
0x81: {  	_ =	swait.ge [sflag:s8], $0x2800  }
0x82: {  	[sflag:s8] =	ssyncset.done $0x0  }
0x83: {  	s30 =	rddreg [dreg:$0x14];
	[sflag:s8] =	ssyncadd.s32 $0xFFFFD800  }
0x84: {  	[spmem:s30] =	stream.linear.scatter [tilespmem:s9], [sflag:$0x1], $0x2800, $0x38;
	[tilespmem:$0x1E880] =	vst v63  }
0x85: {  	_ =	swait.ge [sflag:s8], $0x2800  }
0x86: {  	[sflag:s8] =	ssyncset.done $0x0  }
0x87: {  	s31 =	rddreg [dreg:$0x15];
	[sflag:s8] =	ssyncadd.s32 $0xFFFFD800  }
0x88: {  	[spmem:s31] =	stream.linear.scatter [tilespmem:s9], [sflag:$0x1], $0x2800, $0x38;
	[tilespmem:$0x1E880] =	vst v63  }
0x89: {  	_ =	swait.ge [sflag:s8], $0x2800  }
0x8a: {  	[sflag:s8] =	ssyncset.done $0x0  }
0x8b: {  	[sflag:s8] =	ssyncadd.s32 $0xFFFFD800  }
0x8c: {  	[spmem:s16] =	stream.linear.scatter [tilespmem:s9], [sflag:$0x1], $0x2800, $0x38;
	[tilespmem:$0x1E880] =	vst v63  }
0x8d: {  	_ =	swait.ge [sflag:s8], $0x2800  }
0x8e: {  	[sflag:s8] =	ssyncset.done $0x0  }
0x8f: {  	[sflag:s8] =	ssyncadd.s32 $0xFFFFD800  }
0x90: {  	[spmem:s24] =	stream.linear.scatter [tilespmem:s10], [sflag:$0x1], $0x280, $0x38;
	[tilespmem:$0x1E880] =	vst v63  }
0x91: {  	_ =	swait.ge [sflag:s8], $0x280  }
0x92: {  	[sflag:s8] =	ssyncset.done $0x0  }
0x93: {  	[sflag:s8] =	ssyncadd.s32 $0xFFFFFD80  }
0x94: {  	s0 =	simm.s32 $0x0;
	s4 =	simm.s32 $0x0;
	[bflag:$0x0] =	sbarrier.arrive $0xFFFF  }
.LBB2_4:
0x95: {  	s3 =	smul.u32 $0x50, s4;
	_ =	sdelay $0x1  }
0x96: {  	s3 =	sadd.s32 s23, s3  }
0x97: {  	s3 =	sshrl.u32 s3, $0x3  }
0x98: {  	s5 =	sadd.s32 s20, s3  }
0x99: {  	[tilespmem:s0], [sflag:$0x1] =	stream.linear.gather [hbm4b:s5+s0], $0x50, $0x38;
	[tilespmem:$0x1E880] =	vst v63  }
0x9a: {  	_ =	swait.ge [sflag:s8], $0x50  }
0x9b: {  	[sflag:s8] =	ssyncset.done $0x0  }
0x9c: {  	[sflag:s8] =	ssyncadd.s32 $0xFFFFFFB0  }
0x9d: {  	s30 =	rddreg [dreg:$0x1]  }
0x9e: {  	s5 =	sadd.s32 s30, s3  }
0x9f: {  	[tilespmem:s11], [sflag:$0x1] =	stream.linear.gather [hbm4b:s5+s0], $0x50, $0x38;
	[tilespmem:$0x1E880] =	vst v63  }
0xa0: {  	_ =	swait.ge [sflag:s8], $0x50  }
0xa1: {  	[sflag:s8] =	ssyncset.done $0x0  }
0xa2: {  	[sflag:s8] =	ssyncadd.s32 $0xFFFFFFB0  }
0xa3: {  	[tilespmem:s9], [sflag:$0x1] =	stream.indirect.gather [hbm4b:s17+s12], $0x80, s0, s12, $0xb8;
	[tilespmem:$0x1E880] =	vst v63  }
0xa4: {  	_ =	swait.ge [sflag:s8], $0x2800  }
0xa5: {  	[sflag:s8] =	ssyncset.done $0x0  }
0xa6: {  	s31 =	simm.s32 $0x2900;
	[sflag:s8] =	ssyncadd.s32 $0xFFFFD800  }
0xa7: {  	[tilespmem:s31], [sflag:$0x1] =	stream.indirect.gather [hbm4b:s18+s12], $0x80, s0, s12, $0xb8;
	[tilespmem:$0x1E880] =	vst v63  }
0xa8: {  	_ =	swait.ge [sflag:s8], $0x2800  }
0xa9: {  	[sflag:s8] =	ssyncset.done $0x0  }
0xaa: {  	[sflag:s8] =	ssyncadd.s32 $0xFFFFD800  }
0xab: {  	v36 =	vld [tilespmem:$0x80];
	_ =	sdelay $0x4  }
0xac: {  	v37 =	vshll.u32 v36, $0x1  }
0xad: {  	v36 =	vand.u32 $0x7, v36;
	v37 =	vand.u32 $0xFFFFFFF0, v37  }
0xae: {  	v36 =	vor.u32 v36, v37  }
0xaf: {  	v37 =	vperm.xlane v36, v1;
	_ =	sdelay $0x1  }
0xb0: {  	v36 =	vperm.xlane v36, v4;
	v37 =	vadd.s32 v3, v37;
	_ =	sdelay $0x1  }
0xb1: {  	v36 =	vadd.s32 v3, v36;
	_ =	sdelay $0x1  }
0xb2: {  	s14 =	simm.s32 $0x5100  }
0xb3: {  	[tilespmem:s14], [sflag:$0x1] =	stream.indirect_vreg.gather [hbm4b:s19+s0], $0x80, v37, vm0, $0xb8;
	[tilespmem:$0x1E880] =	vst v63  }
0xb4: {  	s15 =	simm.s32 $0x5900  }
0xb5: {  	[tilespmem:s15], [sflag:$0x1] =	stream.indirect_vreg.gather [hbm4b:s19+s0], $0x80, v36, vm0, $0xb8;
	[tilespmem:$0x1E880] =	vst v63  }
0xb6: {  	v36 =	vld [tilespmem:$0x90];
	_ =	sdelay $0x4  }
0xb7: {  	v60 =	vshll.u32 v36, $0x1  }
0xb8: {  	v36 =	vand.u32 $0x7, v36;
	v37 =	vand.u32 $0xFFFFFFF0, v60  }
0xb9: {  	v36 =	vor.u32 v36, v37  }
0xba: {  	v37 =	vperm.xlane v36, v1;
	_ =	sdelay $0x1  }
0xbb: {  	v36 =	vperm.xlane v36, v4;
	v37 =	vadd.s32 v3, v37;
	_ =	sdelay $0x1  }
0xbc: {  	v36 =	vadd.s32 v3, v36;
	_ =	sdelay $0x1  }
0xbd: {  	s16 =	simm.s32 $0x6100  }
0xbe: {  	[tilespmem:s16], [sflag:$0x1] =	stream.indirect_vreg.gather [hbm4b:s19+s0], $0x80, v37, vm0, $0xb8;
	[tilespmem:$0x1E880] =	vst v63  }
0xbf: {  	s24 =	simm.s32 $0x6900  }
0xc0: {  	[tilespmem:s24], [sflag:$0x1] =	stream.indirect_vreg.gather [hbm4b:s19+s0], $0x80, v36, vm0, $0xb8;
	[tilespmem:$0x1E880] =	vst v63  }
0xc1: {  	v36 =	vld [tilespmem:$0xA0];
	_ =	sdelay $0x4  }
0xc2: {  	v61 =	vshll.u32 v36, $0x1  }
0xc3: {  	v36 =	vand.u32 $0x7, v36;
	v37 =	vand.u32 $0xFFFFFFF0, v61  }
0xc4: {  	v36 =	vor.u32 v36, v37  }
0xc5: {  	v37 =	vperm.xlane v36, v1;
	_ =	sdelay $0x1  }
0xc6: {  	v36 =	vperm.xlane v36, v4;
	v37 =	vadd.s32 v3, v37;
	_ =	sdelay $0x1  }
0xc7: {  	v36 =	vadd.s32 v3, v36;
	_ =	sdelay $0x1  }
0xc8: {  	s25 =	simm.s32 $0x7100  }
0xc9: {  	[tilespmem:s25], [sflag:$0x1] =	stream.indirect_vreg.gather [hbm4b:s19+s0], $0x80, v37, vm0, $0xb8;
	[tilespmem:$0x1E880] =	vst v63  }
0xca: {  	s26 =	simm.s32 $0x7900  }
0xcb: {  	[tilespmem:s26], [sflag:$0x1] =	stream.indirect_vreg.gather [hbm4b:s19+s0], $0x80, v36, vm0, $0xb8;
	[tilespmem:$0x1E880] =	vst v63  }
0xcc: {  	v36 =	vld [tilespmem:$0xB0];
	_ =	sdelay $0x4  }
0xcd: {  	v62 =	vshll.u32 v36, $0x1  }
0xce: {  	v36 =	vand.u32 $0x7, v36;
	v37 =	vand.u32 $0xFFFFFFF0, v62  }
0xcf: {  	v36 =	vor.u32 v36, v37  }
0xd0: {  	v37 =	vperm.xlane v36, v1;
	_ =	sdelay $0x1  }
0xd1: {  	v36 =	vperm.xlane v36, v4;
	v37 =	vadd.s32 v3, v37;
	_ =	sdelay $0x1  }
0xd2: {  	v36 =	vadd.s32 v3, v36;
	_ =	sdelay $0x1  }
0xd3: {  	s28 =	simm.s32 $0x8100  }
0xd4: {  	[tilespmem:s28], [sflag:$0x1] =	stream.indirect_vreg.gather [hbm4b:s19+s0], $0x80, v37, vm0, $0xb8;
	[tilespmem:$0x1E880] =	vst v63  }
0xd5: {  	s30 =	simm.s32 $0x8900  }
0xd6: {  	[tilespmem:s30], [sflag:$0x1] =	stream.indirect_vreg.gather [hbm4b:s19+s0], $0x80, v36, vm0, $0xb8;
	[tilespmem:$0x1E880] =	vst v63  }
0xd7: {  	v36 =	vld [tilespmem:$0xC0];
	_ =	sdelay $0x4  }
0xd8: {  	v63 =	vshll.u32 v36, $0x1  }
0xd9: {  	v36 =	vand.u32 $0x7, v36;
	v37 =	vand.u32 $0xFFFFFFF0, v63  }
0xda: {  	v36 =	vor.u32 v36, v37  }
0xdb: {  	v37 =	vperm.xlane v36, v1;
	_ =	sdelay $0x1  }
0xdc: {  	v36 =	vperm.xlane v36, v4;
	v37 =	vadd.s32 v3, v37;
	_ =	sdelay $0x1  }
0xdd: {  	v36 =	vadd.s32 v3, v36;
	_ =	sdelay $0x1  }
0xde: {  	s31 =	simm.s32 $0x9100  }
0xdf: {  	[tilespmem:s31], [sflag:$0x1] =	stream.indirect_vreg.gather [hbm4b:s19+s0], $0x80, v37, vm0, $0xb8;
	[tilespmem:$0x1E880] =	vst v63  }
0xe0: {  	_ = 	snop  }
0xe1: {  	[tilespmem:s13], [sflag:$0x1] =	stream.indirect_vreg.gather [hbm4b:s19+s0], $0x80, v36, vm0, $0xb8;
	[tilespmem:$0x1E880] =	vst v63  }
0xe2: {  	_ =	swait.ge [sflag:s8], $0x5000  }
0xe3: {  	s29 =	simm.s32 $0x140;
	s15 =	simm.s32 $0x0;
	[sflag:s8] =	ssyncset.done $0x0  }
0xe4: {  	s16 =	simm.s32 $0x0;
	s26 =	simm.s32 $0x2940;
	[sflag:s8] =	ssyncadd.s32 $0xFFFFB000  }
.LBB2_5:
0xe5: {  	s5 =	simm.s32 $0x0  }
0xe6: {  	s14 =	sand.u32 $0x7800, s15;
	s5 =	sand.u32 $0x380, s5  }
0xe7: {  	v37 =	vld [tilespmem:s29+$0xFFFFFFC0];
	s5 =	sor.u32 s5, s14  }
0xe8: {  	v36 =	vld [tilespmem:s5+$0x5100]  }
0xe9: {  	v38 =	vld [tilespmem:s29+$0xFFFFFFD0]  }
0xea: {  	v39 =	vld [tilespmem:s5+$0x5110]  }
0xeb: {  	v40 =	vld [tilespmem:s29+$0xFFFFFFE0]  }
0xec: {  	v41 =	vld [tilespmem:s5+$0x5120]  }
0xed: {  	v60 =	vld [tilespmem:s29+$0xFFFFFFF0];
	v36 =	vadd.f32 v36, v37  }
0xee: {  	v42 =	vld [tilespmem:s5+$0x5130]  }
0xef: {  	v61 =	vld [tilespmem:s29+$0x0];
	v38 =	vadd.f32 v39, v38;
	v43 =	vmul.f32 $2.000000030e-01, v36  }
0xf0: {  	v44 =	vld [tilespmem:s5+$0x5140]  }
0xf1: {  	v63 =	vld [tilespmem:s29+$0x10];
	v40 =	vadd.f32 v41, v40;
	v62 =	vmul.f32 $2.000000030e-01, v38;
	v36 =	vmax.f32 v36, v43  }
0xf2: {  	v45 =	vld [tilespmem:s5+$0x5150];
	v36 =	vmul.f32 v36, v20  }
0xf3: {  	v49 =	vld [tilespmem:s29+$0x20];
	v37 =	vadd.f32 v42, v60;
	v48 =	vmul.f32 $2.000000030e-01, v40;
	v38 =	vmax.f32 v38, v62  }
0xf4: {  	v46 =	vld [tilespmem:s5+$0x5160];
	v38 =	vmul.f32 v38, v21;
	v36 =	vadd.f32 $0.0e+00, v36  }
0xf5: {  	v51 =	vld [tilespmem:s29+$0x30];
	v39 =	vadd.f32 v44, v61;
	v50 =	vmul.f32 $2.000000030e-01, v37;
	v40 =	vmax.f32 v40, v48  }
0xf6: {  	v53 =	vld [tilespmem:s5+$0x5170];
	v52 =	vmul.f32 v40, v22;
	v36 =	vadd.f32 v38, v36  }
0xf7: {  	v55 =	vld [tilespmem:s26+$0xFFFFFFC0];
	v41 =	vadd.f32 v45, v63;
	v54 =	vmul.f32 $2.000000030e-01, v39;
	v37 =	vmax.f32 v37, v50  }
0xf8: {  	v56 =	vld [tilespmem:s5+$0x5500];
	v37 =	vmul.f32 v37, v23;
	v36 =	vadd.f32 v52, v36  }
0xf9: {  	v58 =	vld [tilespmem:s26+$0xFFFFFFD0];
	v42 =	vadd.f32 v46, v49;
	v57 =	vmul.f32 $2.000000030e-01, v41;
	v39 =	vmax.f32 v39, v54  }
0xfa: {  	v60 =	vld [tilespmem:s5+$0x5510];
	v59 =	vmul.f32 v39, v24;
	v36 =	vadd.f32 v37, v36  }
0xfb: {  	v61 =	vmul.f32 $2.000000030e-01, v42;
	v41 =	vmax.f32 v41, v57;
	v62 =	vld [tilespmem:s26+$0xFFFFFFE0];
	v40 =	vadd.f32 v53, v51  }
0xfc: {  	v48 =	vld [tilespmem:s5+$0x5520];
	v63 =	vmul.f32 v41, v25;
	v36 =	vadd.f32 v59, v36  }
0xfd: {  	v42 =	vmax.f32 v42, v61;
	v50 =	vld [tilespmem:s26+$0xFFFFFFF0];
	v49 =	vmul.f32 $2.000000030e-01, v40;
	v38 =	vadd.f32 v56, v55  }
0xfe: {  	v51 =	vmul.f32 v42, v26;
	v52 =	vld [tilespmem:s5+$0x5530];
	v36 =	vadd.f32 v63, v36  }
0xff: {  	v54 =	vld [tilespmem:s26+$0x0];
	v39 =	vadd.f32 v60, v58;
	v40 =	vmax.f32 v40, v49;
	v53 =	vmul.f32 $2.000000030e-01, v38  }
0x100: {  	v56 =	vld [tilespmem:s5+$0x5540];
	v55 =	vmul.f32 v40, v27;
	v36 =	vadd.f32 v51, v36  }
0x101: {  	v58 =	vld [tilespmem:s26+$0x10];
	v57 =	vmul.f32 $2.000000030e-01, v39;
	v41 =	vadd.f32 v48, v62;
	v38 =	vmax.f32 v38, v53  }
0x102: {  	v60 =	vld [tilespmem:s5+$0x5550];
	v59 =	vmul.f32 v38, v28;
	v36 =	vadd.f32 v55, v36  }
0x103: {  	v39 =	vmax.f32 v39, v57;
	v62 =	vld [tilespmem:s26+$0x20];
	v61 =	vmul.f32 $2.000000030e-01, v41;
	v42 =	vadd.f32 v52, v50  }
0x104: {  	v48 =	vld [tilespmem:s5+$0x5560];
	v63 =	vmul.f32 v39, v29;
	v36 =	vadd.f32 v59, v36  }
0x105: {  	v41 =	vmax.f32 v41, v61;
	v40 =	vadd.f32 v56, v54;
	v50 =	vld [tilespmem:s26+$0x30];
	v49 =	vmul.f32 $2.000000030e-01, v42  }
0x106: {  	v52 =	vld [tilespmem:s5+$0x5570];
	v51 =	vmul.f32 v41, v30;
	v36 =	vadd.f32 v63, v36  }
0x107: {  	v38 =	vadd.f32 v60, v58;
	v53 =	vmul.f32 $2.000000030e-01, v40;
	v42 =	vmax.f32 v42, v49  }
0x108: {  	v54 =	vmul.f32 v42, v31;
	v36 =	vadd.f32 v51, v36  }
0x109: {  	v39 =	vadd.f32 v48, v62;
	v40 =	vmax.f32 v40, v53;
	v55 =	vmul.f32 $2.000000030e-01, v38  }
0x10a: {  	v56 =	vmul.f32 v40, v32;
	v36 =	vadd.f32 v54, v36  }
0x10b: {  	v57 =	vmul.f32 $2.000000030e-01, v39;
	v41 =	vadd.f32 v52, v50;
	v38 =	vmax.f32 v38, v55  }
0x10c: {  	v58 =	vmul.f32 v38, v33;
	v36 =	vadd.f32 v56, v36  }
0x10d: {  	v59 =	vmax.f32 v39, v57;
	v60 =	vmul.f32 $2.000000030e-01, v41  }
0x10e: {  	v61 =	vmul.f32 v59, v34;
	v36 =	vadd.f32 v58, v36  }
0x10f: {  	v62 =	vmax.f32 v41, v60  }
0x110: {  	v63 =	vmul.f32 v62, v35;
	v36 =	vadd.f32 v61, v36;
	_ =	sdelay $0x1  }
0x111: {  	s25 =	simm.s32 $0x80;
	s28 =	sadd.s32 $0x100, s15;
	s24 =	simm.s32 $0xA180;
	v36 =	vadd.f32 v63, v36  }
0x112: {  	s30 =	simm.s32 $0x100;
	s31 =	sand.u32 $0x7800, s28;
	s5 =	sand.u32 $0x380, s25  }
0x113: {  	s14 =	smov.u32 s26;
	s25 =	sor.u32 s5, s31;
	s5 =	smov.u32 s29;
	[tilespmem:s24+$0x0] =	vst v36  }
.LBB2_6:
0x114: {  	p0 =	sne.s32 s30, $0x780;
	v36 =	vld [tilespmem:s25+$0x5100];
	s5 =	sadd.s32 $0x80, s5  }
0x115: {  	v37 =	vld [tilespmem:s5+$0xFFFFFFC0]  }
0x116: {  	v38 =	vld [tilespmem:s5+$0xFFFFFFD0]  }
0x117: {  	v39 =	vld [tilespmem:s25+$0x5110]  }
0x118: {  	v40 =	vld [tilespmem:s5+$0xFFFFFFE0]  }
0x119: {  	v41 =	vld [tilespmem:s25+$0x5120]  }
0x11a: {  	v36 =	vadd.f32 v36, v37;
	v37 =	vld [tilespmem:s5+$0xFFFFFFF0]  }
0x11b: {  	v42 =	vld [tilespmem:s25+$0x5130]  }
0x11c: {  	v43 =	vmul.f32 $2.000000030e-01, v36;
	v38 =	vadd.f32 v39, v38;
	v39 =	vld [tilespmem:s5+$0x0]  }
0x11d: {  	v44 =	vld [tilespmem:s25+$0x5140]  }
0x11e: {  	v36 =	vmax.f32 v36, v43;
	v43 =	vmul.f32 $2.000000030e-01, v38;
	v40 =	vadd.f32 v41, v40;
	v41 =	vld [tilespmem:s5+$0x10]  }
0x11f: {  	v36 =	vmul.f32 v36, v20;
	v45 =	vld [tilespmem:s25+$0x5150]  }
0x120: {  	v38 =	vmax.f32 v38, v43;
	v43 =	vmul.f32 $2.000000030e-01, v40;
	v37 =	vadd.f32 v42, v37;
	v42 =	vld [tilespmem:s5+$0x20]  }
0x121: {  	v36 =	vadd.f32 $0.0e+00, v36;
	v38 =	vmul.f32 v38, v21;
	v46 =	vld [tilespmem:s25+$0x5160]  }
0x122: {  	v40 =	vmax.f32 v40, v43;
	v43 =	vmul.f32 $2.000000030e-01, v37;
	v39 =	vadd.f32 v44, v39;
	v44 =	vld [tilespmem:s5+$0x30]  }
0x123: {  	s14 =	sadd.s32 $0x80, s14;
	v36 =	vadd.f32 v38, v36;
	v38 =	vmul.f32 v40, v22;
	v40 =	vld [tilespmem:s25+$0x5170]  }
0x124: {  	v37 =	vmax.f32 v37, v43;
	v43 =	vmul.f32 $2.000000030e-01, v39;
	v41 =	vadd.f32 v45, v41;
	v45 =	vld [tilespmem:s14+$0xFFFFFFC0]  }
0x125: {  	v36 =	vadd.f32 v38, v36;
	v37 =	vmul.f32 v37, v23;
	v38 =	vld [tilespmem:s25+$0x5500]  }
0x126: {  	v39 =	vmax.f32 v39, v43;
	v43 =	vmul.f32 $2.000000030e-01, v41;
	v42 =	vadd.f32 v46, v42;
	v46 =	vld [tilespmem:s14+$0xFFFFFFD0]  }
0x127: {  	v36 =	vadd.f32 v37, v36;
	v37 =	vmul.f32 v39, v24;
	v39 =	vld [tilespmem:s25+$0x5510]  }
0x128: {  	v41 =	vmax.f32 v41, v43;
	v43 =	vmul.f32 $2.000000030e-01, v42;
	v40 =	vadd.f32 v40, v44;
	v44 =	vld [tilespmem:s14+$0xFFFFFFE0]  }
0x129: {  	v36 =	vadd.f32 v37, v36;
	v37 =	vmul.f32 v41, v25;
	v41 =	vld [tilespmem:s25+$0x5520]  }
0x12a: {  	v42 =	vmax.f32 v42, v43;
	v43 =	vmul.f32 $2.000000030e-01, v40;
	v38 =	vadd.f32 v38, v45;
	v45 =	vld [tilespmem:s14+$0xFFFFFFF0]  }
0x12b: {  	v36 =	vadd.f32 v37, v36;
	v37 =	vmul.f32 v42, v26;
	v42 =	vld [tilespmem:s25+$0x5530]  }
0x12c: {  	v40 =	vmax.f32 v40, v43;
	v43 =	vmul.f32 $2.000000030e-01, v38;
	v39 =	vadd.f32 v39, v46;
	v46 =	vld [tilespmem:s14+$0x0]  }
0x12d: {  	v36 =	vadd.f32 v37, v36;
	v37 =	vmul.f32 v40, v27;
	v40 =	vld [tilespmem:s25+$0x5540]  }
0x12e: {  	v38 =	vmax.f32 v38, v43;
	v43 =	vmul.f32 $2.000000030e-01, v39;
	v41 =	vadd.f32 v41, v44;
	v44 =	vld [tilespmem:s14+$0x10]  }
0x12f: {  	v36 =	vadd.f32 v37, v36;
	v37 =	vmul.f32 v38, v28;
	v38 =	vld [tilespmem:s25+$0x5550]  }
0x130: {  	v39 =	vmax.f32 v39, v43;
	v43 =	vmul.f32 $2.000000030e-01, v41;
	v42 =	vadd.f32 v42, v45;
	v45 =	vld [tilespmem:s14+$0x20]  }
0x131: {  	v36 =	vadd.f32 v37, v36;
	v37 =	vmul.f32 v39, v29;
	v39 =	vld [tilespmem:s25+$0x5560]  }
0x132: {  	v41 =	vmax.f32 v41, v43;
	v43 =	vmul.f32 $2.000000030e-01, v42;
	v40 =	vadd.f32 v40, v46;
	v46 =	vld [tilespmem:s14+$0x30]  }
0x133: {  	v36 =	vadd.f32 v37, v36;
	v37 =	vmul.f32 v41, v30;
	v41 =	vld [tilespmem:s25+$0x5570]  }
0x134: {  	v42 =	vmax.f32 v42, v43;
	v43 =	vmul.f32 $2.000000030e-01, v40;
	v38 =	vadd.f32 v38, v44  }
0x135: {  	v36 =	vadd.f32 v37, v36;
	v37 =	vmul.f32 v42, v31  }
0x136: {  	v40 =	vmax.f32 v40, v43;
	v42 =	vmul.f32 $2.000000030e-01, v38;
	v39 =	vadd.f32 v39, v45  }
0x137: {  	v36 =	vadd.f32 v37, v36;
	v37 =	vmul.f32 v40, v32  }
0x138: {  	v38 =	vmax.f32 v38, v42;
	v40 =	vmul.f32 $2.000000030e-01, v39;
	v41 =	vadd.f32 v41, v46  }
0x139: {  	v36 =	vadd.f32 v37, v36;
	v37 =	vmul.f32 v38, v33  }
0x13a: {  	v38 =	vmax.f32 v39, v40;
	v39 =	vmul.f32 $2.000000030e-01, v41  }
0x13b: {  	v36 =	vadd.f32 v37, v36;
	v37 =	vmul.f32 v38, v34  }
0x13c: {  	v38 =	vmax.f32 v41, v39  }
.Ltmp1:
0x13d: {  	v36 =	vadd.f32 v37, v36;
	v37 =	vmul.f32 v38, v35;
	(pc) =	sbr.rel @p0 .LBB2_6-.Ltmp1, $4  }
0x13e: {  	_ = 	snop  }
0x13f: {  	s28 =	sadd.s32 $0x100, s28;
	v36 =	vadd.f32 v37, v36  }
0x140: {  	s31 =	sand.u32 $0x380, s30;
	s24 =	sadd.s32 $0x10, s24;
	s25 =	sand.u32 $0x7800, s28  }
0x141: {  	s30 =	sadd.s32 $0x80, s30;
	s25 =	sor.u32 s31, s25;
	[tilespmem:s24+$0x0] =	vst v36  }
0x142: {  	v36 =	vld [tilespmem:s25+$0x5100];
	s5 =	sadd.s32 $0x80, s5  }
0x143: {  	v37 =	vld [tilespmem:s5+$0xFFFFFFC0]  }
0x144: {  	v39 =	vld [tilespmem:s25+$0x5110]  }
0x145: {  	v38 =	vld [tilespmem:s5+$0xFFFFFFD0]  }
0x146: {  	v41 =	vld [tilespmem:s25+$0x5120]  }
0x147: {  	v40 =	vld [tilespmem:s5+$0xFFFFFFE0]  }
0x148: {  	v42 =	vld [tilespmem:s25+$0x5130];
	v36 =	vadd.f32 v36, v37  }
0x149: {  	v50 =	vld [tilespmem:s5+$0xFFFFFFF0]  }
0x14a: {  	v44 =	vld [tilespmem:s25+$0x5140];
	v38 =	vadd.f32 v39, v38;
	v43 =	vmul.f32 $2.000000030e-01, v36  }
0x14b: {  	v51 =	vld [tilespmem:s5+$0x0]  }
0x14c: {  	v45 =	vld [tilespmem:s25+$0x5150];
	v40 =	vadd.f32 v41, v40;
	v52 =	vmul.f32 $2.000000030e-01, v38;
	v36 =	vmax.f32 v36, v43  }
0x14d: {  	v53 =	vld [tilespmem:s5+$0x10];
	v36 =	vmul.f32 v36, v20  }
0x14e: {  	v46 =	vld [tilespmem:s25+$0x5160];
	v37 =	vadd.f32 v42, v50;
	v54 =	vmul.f32 $2.000000030e-01, v40;
	v38 =	vmax.f32 v38, v52  }
0x14f: {  	v55 =	vld [tilespmem:s5+$0x20];
	v38 =	vmul.f32 v38, v21;
	v36 =	vadd.f32 $0.0e+00, v36  }
0x150: {  	v59 =	vld [tilespmem:s25+$0x5170];
	v39 =	vadd.f32 v44, v51;
	v56 =	vmul.f32 $2.000000030e-01, v37;
	v40 =	vmax.f32 v40, v54  }
0x151: {  	v57 =	vld [tilespmem:s5+$0x30];
	v58 =	vmul.f32 v40, v22;
	v36 =	vadd.f32 v38, v36  }
0x152: {  	s28 =	sadd.s32 $0x80, s14;
	v62 =	vld [tilespmem:s25+$0x5500];
	v41 =	vadd.f32 v45, v53;
	v60 =	vmul.f32 $2.000000030e-01, v39;
	v37 =	vmax.f32 v37, v56  }
0x153: {  	v61 =	vld [tilespmem:s28+$0xFFFFFFC0];
	v37 =	vmul.f32 v37, v23;
	v36 =	vadd.f32 v58, v36  }
0x154: {  	v48 =	vld [tilespmem:s28+$0xFFFFFFD0];
	v42 =	vadd.f32 v46, v55;
	v63 =	vmul.f32 $2.000000030e-01, v41;
	v39 =	vmax.f32 v39, v60  }
0x155: {  	v50 =	vld [tilespmem:s25+$0x5510];
	v49 =	vmul.f32 v39, v24;
	v36 =	vadd.f32 v37, v36  }
0x156: {  	v51 =	vmul.f32 $2.000000030e-01, v42;
	v41 =	vmax.f32 v41, v63;
	v52 =	vld [tilespmem:s28+$0xFFFFFFE0];
	v40 =	vadd.f32 v59, v57  }
0x157: {  	v54 =	vld [tilespmem:s25+$0x5520];
	v53 =	vmul.f32 v41, v25;
	v36 =	vadd.f32 v49, v36  }
0x158: {  	v42 =	vmax.f32 v42, v51;
	v56 =	vld [tilespmem:s28+$0xFFFFFFF0];
	v55 =	vmul.f32 $2.000000030e-01, v40;
	v38 =	vadd.f32 v62, v61  }
0x159: {  	v57 =	vmul.f32 v42, v26;
	v58 =	vld [tilespmem:s25+$0x5530];
	v36 =	vadd.f32 v53, v36  }
0x15a: {  	v60 =	vld [tilespmem:s28+$0x0];
	v39 =	vadd.f32 v50, v48;
	v40 =	vmax.f32 v40, v55;
	v59 =	vmul.f32 $2.000000030e-01, v38  }
0x15b: {  	v62 =	vld [tilespmem:s25+$0x5540];
	v61 =	vmul.f32 v40, v27;
	v36 =	vadd.f32 v57, v36  }
0x15c: {  	v48 =	vld [tilespmem:s28+$0x10];
	v63 =	vmul.f32 $2.000000030e-01, v39;
	v41 =	vadd.f32 v54, v52;
	v38 =	vmax.f32 v38, v59  }
0x15d: {  	v50 =	vld [tilespmem:s25+$0x5550];
	v49 =	vmul.f32 v38, v28;
	v36 =	vadd.f32 v61, v36  }
0x15e: {  	v39 =	vmax.f32 v39, v63;
	v52 =	vld [tilespmem:s28+$0x20];
	v51 =	vmul.f32 $2.000000030e-01, v41;
	v42 =	vadd.f32 v58, v56  }
0x15f: {  	v54 =	vld [tilespmem:s25+$0x5560];
	v53 =	vmul.f32 v39, v29;
	v36 =	vadd.f32 v49, v36  }
0x160: {  	v41 =	vmax.f32 v41, v51;
	v40 =	vadd.f32 v62, v60;
	v56 =	vld [tilespmem:s28+$0x30];
	v55 =	vmul.f32 $2.000000030e-01, v42  }
0x161: {  	v58 =	vld [tilespmem:s25+$0x5570];
	v57 =	vmul.f32 v41, v30;
	v36 =	vadd.f32 v53, v36  }
0x162: {  	v38 =	vadd.f32 v50, v48;
	v59 =	vmul.f32 $2.000000030e-01, v40;
	v42 =	vmax.f32 v42, v55  }
0x163: {  	v60 =	vmul.f32 v42, v31;
	v36 =	vadd.f32 v57, v36  }
0x164: {  	v39 =	vadd.f32 v54, v52;
	v40 =	vmax.f32 v40, v59;
	v61 =	vmul.f32 $2.000000030e-01, v38  }
0x165: {  	v62 =	vmul.f32 v40, v32;
	v36 =	vadd.f32 v60, v36  }
0x166: {  	v63 =	vmul.f32 $2.000000030e-01, v39;
	v41 =	vadd.f32 v58, v56;
	v38 =	vmax.f32 v38, v61  }
0x167: {  	v43 =	vmul.f32 v38, v33;
	v36 =	vadd.f32 v62, v36  }
0x168: {  	v44 =	vmax.f32 v39, v63;
	v45 =	vmul.f32 $2.000000030e-01, v41  }
0x169: {  	v46 =	vmul.f32 v44, v34;
	v36 =	vadd.f32 v43, v36  }
0x16a: {  	v47 =	vmax.f32 v41, v45  }
0x16b: {  	v48 =	vmul.f32 v47, v35;
	v36 =	vadd.f32 v46, v36;
	_ =	sdelay $0x1  }
0x16c: {  	v36 =	vadd.f32 v48, v36  }
0x16d: {  	s30 =	sadd.s32 $0x10, s24  }
0x16e: {  	[tilespmem:s30+$0x0] =	vst v36  }
0x16f: {  	v36 =	vld.idx.msk [tilespmem:v2+s1+$0x0], $0xffff;
	_ =	sdelay $0x1  }
0x170: {  	v49 =	vld.idx.msk [tilespmem:v5+s1+$0x0], $0xffff;
	_ =	sdelay $0x1  }
0x171: {  	v50 =	vld.idx.msk [tilespmem:v6+s1+$0x0], $0xffff  }
0x172: {  	v36 =	vadd.f32 $0.0e+00, v36  }
0x173: {  	v51 =	vld.idx.msk [tilespmem:v7+s1+$0x0], $0xffff  }
0x174: {  	v36 =	vadd.f32 v49, v36  }
0x175: {  	v52 =	vld.idx.msk [tilespmem:v8+s1+$0x0], $0xffff  }
0x176: {  	v36 =	vadd.f32 v50, v36  }
0x177: {  	v53 =	vld.idx.msk [tilespmem:v9+s1+$0x0], $0xffff  }
0x178: {  	v36 =	vadd.f32 v51, v36  }
0x179: {  	v54 =	vld.idx.msk [tilespmem:v10+s1+$0x0], $0xffff  }
0x17a: {  	v36 =	vadd.f32 v52, v36  }
0x17b: {  	v55 =	vld.idx.msk [tilespmem:v11+s1+$0x0], $0xffff  }
0x17c: {  	v36 =	vadd.f32 v53, v36  }
0x17d: {  	v56 =	vld.idx.msk [tilespmem:v12+s1+$0x0], $0xffff  }
0x17e: {  	v36 =	vadd.f32 v54, v36  }
0x17f: {  	v57 =	vld.idx.msk [tilespmem:v13+s1+$0x0], $0xffff  }
0x180: {  	v36 =	vadd.f32 v55, v36  }
0x181: {  	v58 =	vld.idx.msk [tilespmem:v14+s1+$0x0], $0xffff  }
0x182: {  	v36 =	vadd.f32 v56, v36  }
0x183: {  	v59 =	vld.idx.msk [tilespmem:v15+s1+$0x0], $0xffff  }
0x184: {  	v36 =	vadd.f32 v57, v36  }
0x185: {  	v60 =	vld.idx.msk [tilespmem:v16+s1+$0x0], $0xffff  }
0x186: {  	v36 =	vadd.f32 v58, v36  }
0x187: {  	v61 =	vld.idx.msk [tilespmem:v17+s1+$0x0], $0xffff  }
0x188: {  	v36 =	vadd.f32 v59, v36  }
0x189: {  	v62 =	vld.idx.msk [tilespmem:v18+s1+$0x0], $0xffff  }
0x18a: {  	v36 =	vadd.f32 v60, v36  }
0x18b: {  	v63 =	vld.idx.msk [tilespmem:v19+s1+$0x0], $0xffff  }
0x18c: {  	v36 =	vadd.f32 v61, v36;
	_ =	sdelay $0x1  }
0x18d: {  	v36 =	vadd.f32 v62, v36;
	_ =	sdelay $0x1  }
0x18e: {  	v36 =	vadd.f32 v63, v36;
	_ =	sdelay $0x1  }
0x18f: {  	v36 =	vmul.f32 $1.442695020e+00, v36;
	_ =	sdelay $0x1  }
0x190: {  	(erf) = vpow2.f32 v36;
	_ =	sdelay $0x3  }
0x191: {  	s31 =	sshll.u32 s16, $0x4;
	s16 =	sadd.s32 $0x1, s16  }
0x192: {  	p0 =	sne.s32 s16, $0x5  }
.Ltmp2:
0x193: {  	_ = 	snop;
	(pc) =	sbr.rel @p0 .LBB2_5-.Ltmp2, $3  }
0x194: {  	_ =	sdelay $0x1  }
0x195: {  	s5 =	sand.u32 $0x3FFFFFF0, s31;
	v36 =	vpop (erf)  }
0x196: {  	s15 =	sadd.s32 $0x1000, s15;
	s29 =	sadd.s32 $0x800, s29;
	s26 =	sadd.s32 $0x800, s26;
	[tilespmem:s5+$0xA100] =	vst v36  }
0x197: {  	s3 =	sadd.s32 s21, s3;
	s5 =	simm.s32 $0x0  }
0x198: {  	[hbm4b:s3+s5] =	stream.linear.scatter [tilespmem:s2], [sflag:$0x1], $0x50, $0x38;
	[tilespmem:$0x1E880] =	vst v63  }
0x199: {  	_ =	swait.ge [sflag:s8], $0x50  }
0x19a: {  	[sflag:s8] =	ssyncset.done $0x0  }
0x19b: {  	[sflag:s8] =	ssyncadd.s32 $0xFFFFFFB0  }
0x19c: {  	s31 =	rddreg [dreg:$0x4]  }
0x19d: {  	[spmem:s31] =	stream.indirect.scatter.add.f32 [tilespmem:s2], [sflag:$0x1], $0x1, s11, s12, $0xb8;
	[tilespmem:$0x1E880] =	vst v63  }
0x19e: {  	_ =	swait.ge [sflag:s8], $0x50  }
0x19f: {  	v36 =	vmov s5;
	[sflag:s8] =	ssyncset.done $0x0  }
0x1a0: {  	s3 =	simm.s32 $0x140;
	[sflag:s8] =	ssyncadd.s32 $0xFFFFFFB0  }
0x1a1: {  	v40 =	vld [tilespmem:s3+$0x30]  }
0x1a2: {  	v43 =	vld [tilespmem:s3+$0x10]  }
0x1a3: {  	v41 =	vld [tilespmem:s3+$0xFFFFFFC0]  }
0x1a4: {  	v37 =	vld.idx.msk [tilespmem:v36+s2+$0x0], $0xffff  }
0x1a5: {  	v45 =	vld [tilespmem:s3+$0xFFFFFFE0]  }
0x1a6: {  	v36 =	vld [tilespmem:s3+$0xFFFFFFF0]  }
0x1a7: {  	v38 =	vld [tilespmem:s3+$0x20]  }
0x1a8: {  	v39 =	vld [tilespmem:s3+$0xFFFFFFD0]  }
0x1a9: {  	v44 =	vmul.f32 v40, v37;
	v40 =	vld [tilespmem:s3+$0x0]  }
0x1aa: {  	v42 =	vmul.f32 v41, v37  }
0x1ab: {  	s14 =	simm.s32 $0x140;
	s5 =	simm.s32 $0x1;
	v41 =	vmul.f32 v45, v37;
	v43 =	vmul.f32 v43, v37  }
.LBB2_9:
0x1ac: {  	p0 =	sne.s32 s5, $0x4F  }
0x1ad: {  	v39 =	vmul.f32 v39, v37;
	v38 =	vmul.f32 v38, v37;
	[tilespmem:s3+$0x30] =	vst v44;
	s14 =	sadd.s32 $0x80, s14;
	s15 =	smov.u32 s5;
	s5 =	sadd.s32 $0x1, s5  }
0x1ae: {  	[tilespmem:s3+$0xFFFFFFC0] =	vst v42;
	v42 =	vmul.f32 v36, v37;
	v37 =	vmul.f32 v40, v37  }
0x1af: {  	[tilespmem:s3+$0x10] =	vst v43  }
0x1b0: {  	v40 =	vmov s15;
	[tilespmem:s3+$0xFFFFFFE0] =	vst v41  }
0x1b1: {  	v36 =	vld [tilespmem:s14+$0xFFFFFFF0];
	[tilespmem:s3+$0xFFFFFFF0] =	vst v42  }
0x1b2: {  	v41 =	vld [tilespmem:s14+$0x30];
	[tilespmem:s3+$0x0] =	vst v37  }
0x1b3: {  	v43 =	vld [tilespmem:s14+$0x10];
	[tilespmem:s3+$0x20] =	vst v38  }
0x1b4: {  	v42 =	vld [tilespmem:s14+$0xFFFFFFC0];
	[tilespmem:s3+$0xFFFFFFD0] =	vst v39;
	s3 =	smov.u32 s14  }
0x1b5: {  	v37 =	vld.idx.msk [tilespmem:v40+s2+$0x0], $0xffff  }
0x1b6: {  	v45 =	vld [tilespmem:s14+$0xFFFFFFE0]  }
0x1b7: {  	v38 =	vld [tilespmem:s14+$0x20]  }
.Ltmp3:
0x1b8: {  	v39 =	vld [tilespmem:s14+$0xFFFFFFD0];
	(pc) =	sbr.rel @p0 .LBB2_9-.Ltmp3, $3  }
0x1b9: {  	v40 =	vld [tilespmem:s14+$0x0];
	_ =	sdelay $0x1  }
0x1ba: {  	v42 =	vmul.f32 v42, v37;
	v44 =	vmul.f32 v41, v37  }
0x1bb: {  	v43 =	vmul.f32 v43, v37;
	v41 =	vmul.f32 v45, v37  }
0x1bc: {  	[tilespmem:s3+$0x30] =	vst v44  }
0x1bd: {  	[tilespmem:s3+$0xFFFFFFC0] =	vst v42  }
0x1be: {  	v36 =	vmul.f32 v36, v37;
	[tilespmem:s3+$0x10] =	vst v43  }
0x1bf: {  	v38 =	vmul.f32 v38, v37;
	[tilespmem:s3+$0xFFFFFFE0] =	vst v41  }
0x1c0: {  	v63 =	vmul.f32 v39, v37;
	[tilespmem:s3+$0xFFFFFFF0] =	vst v36  }
0x1c1: {  	s4 =	sadd.s32 $0x1, s4;
	v40 =	vmul.f32 v40, v37;
	[tilespmem:s3+$0x20] =	vst v38  }
0x1c2: {  	p0 =	sne.s32 s4, $0x7D;
	[tilespmem:s3+$0xFFFFFFD0] =	vst v63  }
.Ltmp4:
0x1c3: {  	s31 =	rddreg [dreg:$0x3];
	[tilespmem:s3+$0x0] =	vst v40;
	(pc) =	sbr.rel @p0 .LBB2_4-.Ltmp4, $4  }
0x1c4: {  	[spmem:s31] =	stream.indirect.scatter.add.f32 [tilespmem:s9], [sflag:$0x1], $0x80, s11, s12, $0xb8;
	[tilespmem:$0x1E880] =	vst v63  }
0x1c5: {  	_ =	swait.ge [sflag:s8], $0x2800  }
0x1c6: {  	[sflag:s8] =	ssyncset.done $0x0  }
0x1c7: {  	[sflag:s8] =	ssyncadd.s32 $0xFFFFD800  }
0x1c8: {  	[bflag:$0x0] =	sbarrier.arrive $0xFFFF  }
0x1c9: {  	s26 =	rddreg [dreg:$0xf]  }
0x1ca: {  	[tilespmem:s9], [sflag:$0x1] =	stream.linear.gather [spmem:s26], $0x2800, $0x38;
	[tilespmem:$0x1E880] =	vst v63  }
0x1cb: {  	_ =	swait.ge [sflag:s8], $0x2800  }
0x1cc: {  	[sflag:s8] =	ssyncset.done $0x0  }
0x1cd: {  	s0 =	simm.s32 $0x0;
	s3 =	rddreg [dreg:$0x6];
	[sflag:s8] =	ssyncadd.s32 $0xFFFFD800  }
0x1ce: {  	[hbm4b:s3+s0] =	stream.linear.scatter [tilespmem:s9], [sflag:$0x1], $0x2800, $0x38;
	[tilespmem:$0x1E880] =	vst v63  }
0x1cf: {  	_ =	swait.ge [sflag:s8], $0x2800  }
0x1d0: {  	[sflag:s8] =	ssyncset.done $0x0  }
0x1d1: {  	s28 =	rddreg [dreg:$0x10];
	[sflag:s8] =	ssyncadd.s32 $0xFFFFD800  }
0x1d2: {  	[tilespmem:s9], [sflag:$0x1] =	stream.linear.gather [spmem:s28], $0x2800, $0x38;
	[tilespmem:$0x1E880] =	vst v63  }
0x1d3: {  	_ =	swait.ge [sflag:s8], $0x2800  }
0x1d4: {  	[sflag:s8] =	ssyncset.done $0x0  }
0x1d5: {  	s24 =	rddreg [dreg:$0x7];
	[sflag:s8] =	ssyncadd.s32 $0xFFFFD800  }
0x1d6: {  	[hbm4b:s24+s0] =	stream.linear.scatter [tilespmem:s9], [sflag:$0x1], $0x2800, $0x38;
	[tilespmem:$0x1E880] =	vst v63  }
0x1d7: {  	_ =	swait.ge [sflag:s8], $0x2800  }
0x1d8: {  	[sflag:s8] =	ssyncset.done $0x0  }
0x1d9: {  	s29 =	rddreg [dreg:$0x11];
	[sflag:s8] =	ssyncadd.s32 $0xFFFFD800  }
0x1da: {  	[tilespmem:s9], [sflag:$0x1] =	stream.linear.gather [spmem:s29], $0x2800, $0x38;
	[tilespmem:$0x1E880] =	vst v63  }
0x1db: {  	_ =	swait.ge [sflag:s8], $0x2800  }
0x1dc: {  	[sflag:s8] =	ssyncset.done $0x0  }
0x1dd: {  	s25 =	rddreg [dreg:$0x8];
	[sflag:s8] =	ssyncadd.s32 $0xFFFFD800  }
0x1de: {  	[hbm4b:s25+s0] =	stream.linear.scatter [tilespmem:s9], [sflag:$0x1], $0x2800, $0x38;
	[tilespmem:$0x1E880] =	vst v63  }
0x1df: {  	_ =	swait.ge [sflag:s8], $0x2800  }
0x1e0: {  	[sflag:s8] =	ssyncset.done $0x0  }
0x1e1: {  	s30 =	rddreg [dreg:$0x12];
	[sflag:s8] =	ssyncadd.s32 $0xFFFFD800  }
0x1e2: {  	[tilespmem:s9], [sflag:$0x1] =	stream.linear.gather [spmem:s30], $0x2800, $0x38;
	[tilespmem:$0x1E880] =	vst v63  }
0x1e3: {  	_ =	swait.ge [sflag:s8], $0x2800  }
0x1e4: {  	[sflag:s8] =	ssyncset.done $0x0  }
0x1e5: {  	s4 =	rddreg [dreg:$0x9];
	[sflag:s8] =	ssyncadd.s32 $0xFFFFD800  }
0x1e6: {  	[hbm4b:s4+s0] =	stream.linear.scatter [tilespmem:s9], [sflag:$0x1], $0x2800, $0x38;
	[tilespmem:$0x1E880] =	vst v63  }
0x1e7: {  	_ =	swait.ge [sflag:s8], $0x2800  }
0x1e8: {  	[sflag:s8] =	ssyncset.done $0x0  }
0x1e9: {  	s31 =	rddreg [dreg:$0x13];
	[sflag:s8] =	ssyncadd.s32 $0xFFFFD800  }
0x1ea: {  	[tilespmem:s9], [sflag:$0x1] =	stream.linear.gather [spmem:s31], $0x2800, $0x38;
	[tilespmem:$0x1E880] =	vst v63  }
0x1eb: {  	_ =	swait.ge [sflag:s8], $0x2800  }
0x1ec: {  	[sflag:s8] =	ssyncset.done $0x0  }
0x1ed: {  	s5 =	rddreg [dreg:$0xa];
	[sflag:s8] =	ssyncadd.s32 $0xFFFFD800  }
0x1ee: {  	[hbm4b:s5+s0] =	stream.linear.scatter [tilespmem:s9], [sflag:$0x1], $0x2800, $0x38;
	[tilespmem:$0x1E880] =	vst v63  }
0x1ef: {  	_ =	swait.ge [sflag:s8], $0x2800  }
0x1f0: {  	[sflag:s8] =	ssyncset.done $0x0  }
0x1f1: {  	s14 =	rddreg [dreg:$0x14];
	[sflag:s8] =	ssyncadd.s32 $0xFFFFD800  }
0x1f2: {  	[tilespmem:s9], [sflag:$0x1] =	stream.linear.gather [spmem:s14], $0x2800, $0x38;
	[tilespmem:$0x1E880] =	vst v63  }
0x1f3: {  	_ =	swait.ge [sflag:s8], $0x2800  }
0x1f4: {  	[sflag:s8] =	ssyncset.done $0x0  }
0x1f5: {  	s15 =	rddreg [dreg:$0xb];
	[sflag:s8] =	ssyncadd.s32 $0xFFFFD800  }
0x1f6: {  	[hbm4b:s15+s0] =	stream.linear.scatter [tilespmem:s9], [sflag:$0x1], $0x2800, $0x38;
	[tilespmem:$0x1E880] =	vst v63  }
0x1f7: {  	_ =	swait.ge [sflag:s8], $0x2800  }
0x1f8: {  	[sflag:s8] =	ssyncset.done $0x0  }
0x1f9: {  	s16 =	rddreg [dreg:$0x15];
	[sflag:s8] =	ssyncadd.s32 $0xFFFFD800  }
0x1fa: {  	[tilespmem:s9], [sflag:$0x1] =	stream.linear.gather [spmem:s16], $0x2800, $0x38;
	[tilespmem:$0x1E880] =	vst v63  }
0x1fb: {  	_ =	swait.ge [sflag:s8], $0x2800  }
0x1fc: {  	[sflag:s8] =	ssyncset.done $0x0  }
0x1fd: {  	s24 =	rddreg [dreg:$0xc];
	[sflag:s8] =	ssyncadd.s32 $0xFFFFD800  }
0x1fe: {  	[hbm4b:s24+s0] =	stream.linear.scatter [tilespmem:s9], [sflag:$0x1], $0x2800, $0x38;
	[tilespmem:$0x1E880] =	vst v63  }
0x1ff: {  	_ =	swait.ge [sflag:s8], $0x2800  }
0x200: {  	[sflag:s8] =	ssyncset.done $0x0  }
0x201: {  	s16 =	rddreg [dreg:$0x16];
	[sflag:s8] =	ssyncadd.s32 $0xFFFFD800  }
0x202: {  	[tilespmem:s9], [sflag:$0x1] =	stream.linear.gather [spmem:s16], $0x2800, $0x38;
	[tilespmem:$0x1E880] =	vst v63  }
0x203: {  	_ =	swait.ge [sflag:s8], $0x2800  }
0x204: {  	[sflag:s8] =	ssyncset.done $0x0  }
0x205: {  	s25 =	rddreg [dreg:$0xd];
	[sflag:s8] =	ssyncadd.s32 $0xFFFFD800  }
0x206: {  	[hbm4b:s25+s0] =	stream.linear.scatter [tilespmem:s9], [sflag:$0x1], $0x2800, $0x38;
	[tilespmem:$0x1E880] =	vst v63  }
0x207: {  	_ =	swait.ge [sflag:s8], $0x2800  }
0x208: {  	[sflag:s8] =	ssyncset.done $0x0  }
0x209: {  	s24 =	rddreg [dreg:$0x17];
	[sflag:s8] =	ssyncadd.s32 $0xFFFFD800  }
0x20a: {  	[tilespmem:s10], [sflag:$0x1] =	stream.linear.gather [spmem:s24], $0x280, $0x38;
	[tilespmem:$0x1E880] =	vst v63  }
0x20b: {  	_ =	swait.ge [sflag:s8], $0x280  }
0x20c: {  	[sflag:s8] =	ssyncset.done $0x0  }
0x20d: {  	s3 =	simm.s32 $0x0;
	s25 =	simm.s32 $0x0;
	[sflag:s8] =	ssyncadd.s32 $0xFFFFFD80  }
.LBB2_12:
0x20e: {  	s4 =	sadd.s32 $0x0, s0  }
0x20f: {  	v20 =	vmov s4;
	_ =	sdelay $0x4  }
0x210: {  	v20 =	vld.idx.msk [tilespmem:v20+s10+$0x0], $0xffff;
	_ =	sdelay $0x3  }
0x211: {  	s5 =	simm.s32 $0x140  }
0x212: {  	[tilespmem:s5+$0xFFFFFFC0] =	vst v20  }
0x213: {  	[tilespmem:s5+$0xFFFFFFD0] =	vst v20  }
0x214: {  	s15 =	sadd.s32 $0x1, s0;
	s14 =	simm.s32 $0x2;
	s4 =	smul.u32 $0x50, s3;
	[tilespmem:s5+$0xFFFFFFE0] =	vst v20  }
.LBB2_13:
0x215: {  	p0 =	sne.s32 s14, $0x4F;
	v21 =	vmov s15;
	[tilespmem:s5+$0xFFFFFFF0] =	vst v20  }
0x216: {  	[tilespmem:s5+$0x0] =	vst v20  }
0x217: {  	[tilespmem:s5+$0x10] =	vst v20  }
0x218: {  	[tilespmem:s5+$0x20] =	vst v20  }
0x219: {  	[tilespmem:s5+$0x30] =	vst v20  }
0x21a: {  	v20 =	vld.idx.msk [tilespmem:v21+s10+$0x0], $0xffff;
	_ =	sdelay $0x3  }
.Ltmp5:
0x21b: {  	(pc) =	sbr.rel @p0 .LBB2_13-.Ltmp5, $4  }
0x21c: {  	s5 =	sadd.s32 $0x80, s5  }
0x21d: {  	[tilespmem:s5+$0xFFFFFFC0] =	vst v20  }
0x21e: {  	[tilespmem:s5+$0xFFFFFFD0] =	vst v20  }
0x21f: {  	s15 =	sadd.s32 s14, s0;
	s14 =	sadd.s32 $0x1, s14;
	[tilespmem:s5+$0xFFFFFFE0] =	vst v20  }
0x220: {  	v21 =	vmov s15;
	[tilespmem:s5+$0xFFFFFFF0] =	vst v20  }
0x221: {  	[tilespmem:s5+$0x0] =	vst v20  }
0x222: {  	[tilespmem:s5+$0x10] =	vst v20  }
0x223: {  	[tilespmem:s5+$0x20] =	vst v20  }
0x224: {  	[tilespmem:s5+$0x30] =	vst v20  }
0x225: {  	v20 =	vld.idx.msk [tilespmem:v21+s10+$0x0], $0xffff;
	_ =	sdelay $0x3  }
0x226: {  	s15 =	sadd.s32 $0x80, s5  }
0x227: {  	[tilespmem:s15+$0xFFFFFFC0] =	vst v20  }
0x228: {  	[tilespmem:s15+$0xFFFFFFD0] =	vst v20  }
0x229: {  	[tilespmem:s15+$0xFFFFFFE0] =	vst v20  }
0x22a: {  	s4 =	sadd.s32 s6, s4;
	[tilespmem:s15+$0xFFFFFFF0] =	vst v20  }
0x22b: {  	s4 =	sshll.u32 s4, $0x7;
	[tilespmem:s15+$0x0] =	vst v20  }
0x22c: {  	s3 =	sadd.s32 $0x1, s3;
	s4 =	sadd.s32 s7, s4;
	[tilespmem:s15+$0x10] =	vst v20  }
0x22d: {  	p0 =	sne.s32 s3, $0x8;
	s4 =	sshrl.u32 s4, $0x3;
	[tilespmem:s15+$0x20] =	vst v20  }
.Ltmp6:
0x22e: {  	s4 =	sadd.s32 s22, s4;
	[tilespmem:s15+$0x30] =	vst v20;
	(pc) =	sbr.rel @p0 .LBB2_12-.Ltmp6, $4  }
0x22f: {  	[hbm4b:s4+s25] =	stream.linear.scatter [tilespmem:s9], [sflag:$0x1], $0x2800, $0x38;
	[tilespmem:$0x1E880] =	vst v63  }
0x230: {  	_ =	swait.ge [sflag:s8], $0x2800  }
0x231: {  	[sflag:s8] =	ssyncset.done $0x0  }
0x232: {  	s0 =	sadd.s32 $0x50, s0;
	[sflag:s8] =	ssyncadd.s32 $0xFFFFD800  }
0x233: {  	s3 =	rddreg [dreg:$0x18]  }
0x234: {  	s0 =	rddreg [dreg:$0xe];
	s3 =	sadd.s32 $0x1, s3  }
0x235: {  	p0 =	sne.s32 s3, s0  }
.Ltmp7:
0x236: {  	_ = 	snop;
	(pc) =	sbr.rel @p0 .LBB2_1-.Ltmp7, $1  }
0x237: {  	_ =	sdelay $0x3  }
0x238: {  	_ =	sfence.sel $0x180000  }
0x239: {  	[bflag:$0x0] =	sbarrier.arrive $0xFFFF  }
0x23a: {  	_ =	strace $0x90000047  }
0x23b: {  	s0 =	stileid.u32;
	[bflag:$0x2] =	sbarrier.arrive $0xFFFF  }
0x23c: {  	p0 =	sne.s32 s0, $0x0;
	s0 =	rddreg [dreg:$0x5]  }
0x23d: {  	s0 =	sadd.s32 @!p0 $0x100000, s0  }
0x23e: {  	[sflag:s0] =	ssyncadd.tile.s32 @!p0 $0x1;
	_ =	shalt  }
.Lfunc_end2:
_tile_overlayer_lowered:
.L_overlay_start_2:
0x23f: {  	(tag) =	ssettag $0x2  }
0x240: {  	s0 =	rddreg [dreg:$0x0];
	s2 =	stileid.u32  }
0x241: {  	s1 =	rddreg [dreg:$0x1];
	p0 =	sne.s32 s2, $0x0  }
0x242: {  	s3 =	rddreg [dreg:$0x2];
	[bflag:$0x3] =	sbarrier.arrive $0xFFFF;
	s2 =	simm.s32 @!p0 $0x1C01  }
0x243: {  	[timem:s3], [sflag:s2] =	dma.local @!p0 [hbm:s0], s1  }
0x244: {  	s0 =	simm.s32 @!p0 $0x1  }
0x245: {  	_ =	swait.ge @!p0 [sflag:s0], s1  }
0x246: {  	s1 =	ssub.s32 @!p0 $0x0, s1;
	[sflag:s0] =	ssyncset.done @!p0 $0x0  }
0x247: {  	[sflag:s0] =	ssyncadd.s32 @!p0 s1  }
0x248: {  	[bflag:$0x3] =	sbarrier.arrive $0xFFFF  }
0x249: {  	_ =	shalt  }

</sc_bundles>
